<compile_context>
chip_gen: v7x
topology: tpu7x:2x2x1
jax: 0.10.2.dev20260603
libtpu: 0.0.44.dev20260713+nightly
codegen_flags: <defaults>
</compile_context>

<pallas_src>
import functools
import math

import jax
import jax.numpy as jnp
from jax import lax
from jax.experimental import pallas as pl
from jax.experimental.pallas import tpu as pltpu
from jax.experimental.pallas import tpu_sc as plsc

CK = 64
CV = 128
HW = 900
M = 36000
TOPK = 50

NPAD = 36096
G = 141
H2 = 9
GMW = 256
MROWS = 904
NEG = -1e30

NC, NS, LANES = 2, 16, 16
NW = NC * NS
COLS_PER_W = 29

NTILE = 256


def _tc_body(q_ref, k_ref, v_ref, at_ref, mvt_ref, gm_ref, gms):
    at = lax.dot_general(
        q_ref[...], k_ref[...], (((1,), (0,)), ((), ())),
        preferred_element_type=jnp.float32)
    i = pl.program_id(0)
    lim = jnp.minimum(NTILE, M - i * NTILE)
    lanes = lax.broadcasted_iota(jnp.int32, (MROWS, NTILE), 1)
    at = jnp.where(lanes < lim, at, NEG)
    at_ref[...] = at
    mvt_ref[...] = v_ref[...].T
    gmcol = jnp.max(at, axis=1, keepdims=True)
    slot = lax.broadcasted_iota(jnp.int32, (MROWS, GMW), 1)
    acc = jnp.where(slot == i, jnp.broadcast_to(gmcol, (MROWS, GMW)),
                    jnp.full((MROWS, GMW), NEG, jnp.float32))

    @pl.when(i == 0)
    def _():
        gms[...] = acc

    @pl.when(i > 0)
    def _():
        gms[...] = jnp.maximum(gms[...], acc)

    @pl.when(i == NPAD // NTILE - 1)
    def _():
        gm_ref[...] = gms[...]


_tc_call = pl.pallas_call(
    _tc_body,
    grid=(NPAD // NTILE,),
    in_specs=[
        pl.BlockSpec((MROWS, CK), lambda i: (0, 0)),
        pl.BlockSpec((CK, NTILE), lambda i: (0, i)),
        pl.BlockSpec((CV, NTILE), lambda i: (0, i)),
    ],
    out_specs=[
        pl.BlockSpec((MROWS, NTILE), lambda i: (i, 0)),
        pl.BlockSpec((NTILE, CV), lambda i: (i, 0)),
        pl.BlockSpec((MROWS, GMW), lambda i: (0, 0)),
    ],
    out_shape=[
        jax.ShapeDtypeStruct((G * MROWS, NTILE), jnp.float32),
        jax.ShapeDtypeStruct((NPAD, CV), jnp.float32),
        jax.ShapeDtypeStruct((MROWS, GMW), jnp.float32),
    ],
    scratch_shapes=[pltpu.VMEM((MROWS, GMW), jnp.float32)],
)


def _sc_body(at2_hbm, mvt_hbm, gm_hbm, out_hbm, cidb, gmball, gidb, gidl,
             smx, grp, tv, ti, rows, orow, sem, gsem):
    wid = lax.axis_index("s") * NC + lax.axis_index("c")
    iota = lax.iota(jnp.int32, LANES)
    lane0 = iota == 0
    neg = jnp.full((LANES,), NEG, jnp.float32)

    for c in range(2):
        cidb[pl.ds(c * LANES, LANES)] = jnp.minimum(
            (iota + c * LANES) * NW + wid, HW - 1)
    pltpu.async_copy(gm_hbm.at[cidb], gmball, sem).wait()

    def do_col(i, col, valid):

        for c in range(4):
            smx[pl.ds(c * LANES, LANES)] = neg
            tv[pl.ds(c * LANES, LANES)] = neg
            ti[pl.ds(c * LANES, LANES)] = jnp.zeros((LANES,), jnp.int32)
            gidb[pl.ds(c * LANES, LANES)] = lax.broadcast(col, (LANES,))
            gidl[pl.ds(c * LANES, LANES)] = jnp.zeros((LANES,), jnp.int32)

        def pick_groups(t, gs):
            glob = gs[0]
            for h in range(1, H2):
                glob = jnp.maximum(glob, gs[h])
            m = jnp.max(glob, axis=0)
            mvec = lax.broadcast(m, (LANES,))
            genc = jnp.full((LANES,), 9999, jnp.int32)
            for h in range(H2):
                genc = jnp.where(gs[h] == mvec,
                                 jnp.minimum(genc, iota + h * LANES), genc)
            gstar = jnp.min(genc, axis=0)
            tvec = lax.broadcast(t, (LANES,))
            plsc.store_scatter(smx, [tvec], mvec, mask=lane0)
            plsc.store_scatter(
                gidb, [tvec], lax.broadcast(gstar * MROWS + col, (LANES,)),
                mask=lane0)
            plsc.store_scatter(
                gidl, [tvec], lax.broadcast(gstar, (LANES,)), mask=lane0)
            gsv = lax.broadcast(gstar, (LANES,))
            return tuple(
                jnp.where(iota + h * LANES == gsv, NEG, gs[h])
                for h in range(H2))

        lax.fori_loop(
            0, TOPK, pick_groups,
            tuple(gmball[i, pl.ds(h * LANES, LANES)] for h in range(H2)))

        pltpu.async_copy(at2_hbm.at[gidb], grp, gsem).wait()

        def extract(t, ss):
            glob = jnp.maximum(jnp.maximum(ss[0], ss[1]),
                               jnp.maximum(ss[2], ss[3]))
            m = jnp.max(glob, axis=0)
            mvec = lax.broadcast(m, (LANES,))
            senc = jnp.full((LANES,), 999, jnp.int32)
            for c in range(4):
                senc = jnp.where(ss[c] == mvec,
                                 jnp.minimum(senc, iota + c * LANES), senc)
            sstar = jnp.min(senc, axis=0)
            base = sstar * 256

            kmin = jnp.full((LANES,), 999, jnp.int32)
            for k in range(16):
                hit = grp[sstar, pl.ds(k * LANES, LANES)] == mvec
                kmin = jnp.where(hit, jnp.minimum(kmin, k), kmin)
            off = jnp.min(kmin * LANES + iota, axis=0)
            kstar = lax.shift_right_logical(off, 4)
            lstar = lax.bitwise_and(off, 15)

            tvec = lax.broadcast(t, (LANES,))
            plsc.store_scatter(tv, [tvec], mvec, mask=lane0)
            plsc.store_scatter(
                ti, [tvec], lax.broadcast(base + off, (LANES,)), mask=lane0)

            v = grp[sstar, pl.ds(kstar * LANES, LANES)]
            grp[sstar, pl.ds(kstar * LANES, LANES)] = (
                jnp.where(iota == lax.broadcast(lstar, (LANES,)), NEG, v))
            mx = grp[sstar, pl.ds(0, LANES)]
            for k in range(1, 16):
                mx = jnp.maximum(mx, grp[sstar, pl.ds(k * LANES, LANES)])
            nmx = lax.broadcast(jnp.max(mx, axis=0), (LANES,))
            ssv = lax.broadcast(sstar, (LANES,))
            return tuple(
                jnp.where(iota + c * LANES == ssv, nmx, ss[c])
                for c in range(4))

        lax.fori_loop(
            0, TOPK, extract,
            tuple(smx[pl.ds(c * LANES, LANES)] for c in range(4)))

        for c in range(4):
            sv = ti[pl.ds(c * LANES, LANES)]
            slot = lax.shift_right_logical(sv, 8)
            off = lax.bitwise_and(sv, 255)
            gg = plsc.load_gather(gidl, [slot])
            ti[pl.ds(c * LANES, LANES)] = gg * 256 + off

        v0 = lax.broadcast(tv[pl.ds(0, LANES)][0], (LANES,))
        wvecs = []
        zacc = jnp.zeros((LANES,), jnp.float32)
        for c in range(4):
            e = jnp.exp(tv[pl.ds(c * LANES, LANES)] - v0)
            wvecs.append(e)
            zacc = zacc + e
        zvec = lax.broadcast(jnp.sum(zacc, axis=0), (LANES,))
        wvecs = [w / zvec for w in wvecs]

        pltpu.async_copy(mvt_hbm.at[ti], rows, sem).wait()

        accs = [jnp.zeros((LANES,), jnp.float32) for _ in range(CV // LANES)]
        for k in range(TOPK):
            w = lax.broadcast(wvecs[k // LANES][k % LANES], (LANES,))
            for c in range(CV // LANES):
                accs[c] = accs[c] + w * rows[k, pl.ds(c * LANES, LANES)]
        for c in range(CV // LANES):
            orow[0, pl.ds(c * LANES, LANES)] = accs[c]

        @pl.when(valid)
        def _():
            pltpu.sync_copy(orow, out_hbm.at[pl.ds(col, 1)])

    def col_body(i, _):
        col = i * NW + wid
        do_col(i, jnp.minimum(col, HW - 1), col < HW)
        return 0

    lax.fori_loop(0, COLS_PER_W, col_body, 0)


@functools.cache
def _get_sc_call():
    return pl.kernel(
        _sc_body,
        out_type=jax.ShapeDtypeStruct((HW, CV), jnp.float32),
        mesh=plsc.VectorSubcoreMesh(
            core_axis_name="c", subcore_axis_name="s",
            num_cores=NC, num_subcores=NS),
        compiler_params=pltpu.CompilerParams(needs_layout_passes=False),
        scratch_types=[
            pltpu.VMEM((2 * LANES,), jnp.int32),
            pltpu.VMEM((2 * LANES, GMW), jnp.float32),
            pltpu.VMEM((64,), jnp.int32),
            pltpu.VMEM((64,), jnp.int32),
            pltpu.VMEM((64,), jnp.float32),
            pltpu.VMEM((64, NTILE), jnp.float32),
            pltpu.VMEM((64,), jnp.float32),
            pltpu.VMEM((64,), jnp.int32),
            pltpu.VMEM((64, CV), jnp.float32),
            pltpu.VMEM((1, CV), jnp.float32),
            pltpu.SemaphoreType.DMA,
            pltpu.SemaphoreType.DMA,
        ],
    )


def kernel(mk, mv, qk):
    mk_f = mk.reshape(CK, M)
    mv_f = mv.reshape(CV, M)
    qiT = jnp.swapaxes(qk.reshape(CK, HW), 0, 1) / math.sqrt(CK)
    qiT_p = jnp.pad(qiT, ((0, MROWS - HW), (0, 0)))
    at2, mvt, gm = _tc_call(qiT_p, mk_f, mv_f)
    out = _get_sc_call()(at2, mvt, gm)
    return jnp.swapaxes(out, 0, 1).reshape(1, CV, 30, 30)

# --- scband reference (transcript-rebuilt; emitter-appended) ---
"""Pipeline reference for scband-eval-memory-reader-32770600468514 (READ-ONLY COPY).

The authoritative reference and input builder live on the scoring server;
editing this copy changes nothing except your own understanding.
"""

import math
import jax, jax.numpy as jnp
import numpy as np

TOP_K = 50


def setup_inputs(seed: int = 0) -> dict:
    key = jax.random.key(seed)
    k1, k2, k3 = jax.random.split(key, 3)
    mk = jax.random.normal(k1, (1, 64, 40, 30, 30), dtype=jnp.float32)
    mv = jax.random.normal(k2, (1, 128, 40, 30, 30), dtype=jnp.float32)
    qk = jax.random.normal(k3, (1, 64, 30, 30), dtype=jnp.float32)
    return {"mk": mk, "mv": mv, "qk": qk}


def _softmax_w_top(x, top):
    # x: [B, M, N]; torch code does topk over dim=1 (M = T*H*W),
    # exp(values - values[:, 0]) (subtract per-column max, topk is sorted desc),
    # normalize, then scatter back into a zeroed tensor along dim 1.
    xt = jnp.swapaxes(x, 1, 2)  # [B, N, M]
    values, indices = jax.lax.top_k(xt, top)  # [B, N, top], sorted descending
    x_exp = jnp.exp(values - values[..., 0:1])
    x_exp = x_exp / jnp.sum(x_exp, axis=-1, keepdims=True)
    B, N, M = xt.shape
    b_idx = jnp.arange(B)[:, None, None]
    n_idx = jnp.arange(N)[None, :, None]
    out = jnp.zeros_like(xt).at[b_idx, n_idx, indices].set(x_exp)
    return jnp.swapaxes(out, 1, 2)  # [B, M, N]


def reference(mk, mv, qk):
    B, CK, T, H, W = mk.shape
    CV = mv.shape[1]
    mi = jnp.swapaxes(mk.reshape(B, CK, T * H * W), 1, 2)  # [B, THW, CK]
    qi = jnp.broadcast_to(qk.reshape(1, CK, H * W), (B, CK, H * W)) / math.sqrt(CK)
    affinity = jnp.matmul(mi, qi)  # [B, THW, HW]
    affinity = _softmax_w_top(affinity, TOP_K)
    mo = mv.reshape(B, CV, T * H * W)
    mem = jnp.matmul(mo, affinity)  # [B, CV, HW]
    return mem.reshape(B, CV, H, W)

if __name__ == "__main__":
    import jax
    _d = setup_inputs()
    print(jax.jit(kernel)(*tuple(_d.values())))

</pallas_src>

<mosaic_0001>
#map = affine_map<(d0, d1) -> (0, 0)>
module attributes {stable_mosaic.version = 14 : i64} {
  func.func @_sc_body(%arg0: i32, %arg1: i32, %arg2: memref<127464x256xf32, #tpu.memory_space<hbm>>, %arg3: memref<36096x128xf32, #tpu.memory_space<hbm>>, %arg4: memref<904x256xf32, #tpu.memory_space<hbm>>, %arg5: memref<900x128xf32, #tpu.memory_space<hbm>>, %arg6: memref<32xi32, #tpu.memory_space<vmem>>, %arg7: memref<32x256xf32, #tpu.memory_space<vmem>>, %arg8: memref<64xi32, #tpu.memory_space<vmem>>, %arg9: memref<64xi32, #tpu.memory_space<vmem>>, %arg10: memref<64xf32, #tpu.memory_space<vmem>>, %arg11: memref<64x256xf32, #tpu.memory_space<vmem>>, %arg12: memref<64xf32, #tpu.memory_space<vmem>>, %arg13: memref<64xi32, #tpu.memory_space<vmem>>, %arg14: memref<64x128xf32, #tpu.memory_space<vmem>>, %arg15: memref<1x128xf32, #tpu.memory_space<vmem>>, %arg16: memref<!tpu.dma_semaphore, #tpu.memory_space<semaphore_mem>>, %arg17: memref<!tpu.dma_semaphore, #tpu.memory_space<semaphore_mem>>) attributes {dimension_semantics = [#tpu.dimension_semantics<core_parallel>, #tpu.dimension_semantics<subcore_parallel>], iteration_bounds = array<i64: 2, 16>, scalar_prefetch = 0 : i64, scratch_operands = 12 : i64, tpu.core_type = #tpu.core_type<sc_vector_subcore>, window_params = [{transform_indices = #map}, {transform_indices = #map}, {transform_indices = #map}, {transform_indices = #map}]} {
    %mul3A = arith.constant 2 : i32
    %mul3A_0 = arith.muli %arg1, %mul3A : i32
    %add3A = arith.addi %mul3A_0, %arg0 : i32
    %iota3A = tpu.iota {dimensions = array<i32: 0>} : vector<16xi32>
    %eq3A = arith.constant 0 : i32
    %eq3A_1 = vector.broadcast %eq3A : i32 to vector<16xi32>
    %eq3A_2 = arith.cmpi eq, %iota3A, %eq3A_1 : vector<16xi32>
    %broadcast_in_dim3A = arith.constant -1.000000e+30 : f32
    %broadcast_in_dim3A_3 = vector.broadcast %broadcast_in_dim3A : f32 to vector<16xf32>
    %add3A_4 = arith.constant 0 : i32
    %add3A_5 = vector.broadcast %add3A_4 : i32 to vector<16xi32>
    %add3A_6 = arith.addi %iota3A, %add3A_5 : vector<16xi32>
    %mul3A_7 = arith.constant 32 : i32
    %mul3A_8 = vector.broadcast %mul3A_7 : i32 to vector<16xi32>
    %mul3A_9 = arith.muli %add3A_6, %mul3A_8 : vector<16xi32>
    %add3A_10 = vector.broadcast %add3A : i32 to vector<16xi32>
    %add3A_11 = arith.addi %mul3A_9, %add3A_10 : vector<16xi32>
    %min3A = arith.constant 899 : i32
    %min3A_12 = vector.broadcast %min3A : i32 to vector<16xi32>
    %min3A_13 = arith.minsi %add3A_11, %min3A_12 : vector<16xi32>
    %swap3A = arith.constant 0 : index
    %swap3A_14 = tpu.vector_load %arg6[%swap3A] {strides = array<i32>} : memref<32xi32, #tpu.memory_space<vmem>>, vector<16xi32>,
    tpu.vector_store %arg6[%swap3A], %min3A_13 {strides = array<i32>} : memref<32xi32, #tpu.memory_space<vmem>>, vector<16xi32>,
    %add3A_15 = arith.constant 16 : i32
    %add3A_16 = vector.broadcast %add3A_15 : i32 to vector<16xi32>
    %add3A_17 = arith.addi %iota3A, %add3A_16 : vector<16xi32>
    %mul3A_18 = arith.constant 32 : i32
    %mul3A_19 = vector.broadcast %mul3A_18 : i32 to vector<16xi32>
    %mul3A_20 = arith.muli %add3A_17, %mul3A_19 : vector<16xi32>
    %add3A_21 = vector.broadcast %add3A : i32 to vector<16xi32>
    %add3A_22 = arith.addi %mul3A_20, %add3A_21 : vector<16xi32>
    %min3A_23 = arith.constant 899 : i32
    %min3A_24 = vector.broadcast %min3A_23 : i32 to vector<16xi32>
    %min3A_25 = arith.minsi %add3A_22, %min3A_24 : vector<16xi32>
    %swap3A_26 = arith.constant 16 : index
    %swap3A_27 = tpu.vector_load %arg6[%swap3A_26] {strides = array<i32>} : memref<32xi32, #tpu.memory_space<vmem>>, vector<16xi32>,
    tpu.vector_store %arg6[%swap3A_26], %min3A_25 {strides = array<i32>} : memref<32xi32, #tpu.memory_space<vmem>>, vector<16xi32>,
    %dma_start3A = arith.constant 0 : i32
    %dma_start3A_28 = arith.constant 0 : i32
    %dma_start3A_29 = tpu.memref_slice %arg4[%dma_start3A, %dma_start3A_28] : memref<904x256xf32, #tpu.memory_space<hbm>> -> memref<904x256xf32, #tpu.memory_space<hbm>>
    tpu.enqueue_indirect_dma source(%dma_start3A_29 : memref<904x256xf32, #tpu.memory_space<hbm>>) target(%arg7 : memref<32x256xf32, #tpu.memory_space<vmem>>) offsets(%arg6 : memref<32xi32, #tpu.memory_space<vmem>>) semaphore(%arg16 : memref<!tpu.dma_semaphore, #tpu.memory_space<semaphore_mem>>)
    %dma_wait3A = arith.constant 0 : i32
    %dma_wait3A_30 = arith.constant 0 : i32
    %dma_wait3A_31 = tpu.memref_slice %arg4[%dma_wait3A, %dma_wait3A_30] : memref<904x256xf32, #tpu.memory_space<hbm>> -> memref<904x256xf32, #tpu.memory_space<hbm>>
    tpu.wait_indirect_dma semaphore(%arg16 : memref<!tpu.dma_semaphore, #tpu.memory_space<semaphore_mem>>) src(%dma_wait3A_31 : memref<904x256xf32, #tpu.memory_space<hbm>>) dst(%arg7 : memref<32x256xf32, #tpu.memory_space<vmem>>)
    %scan3A = arith.constant 0 : i32
    %scan3A_32 = arith.constant 0 : i32
    %scan3A_33 = arith.constant 29 : i32
    %scan3A_34 = arith.addi %scan3A_32, %scan3A_33 : i32
    %scan3A_35 = arith.constant 1 : i32
    %scan3A_36 = scf.for %scan3A_38 = %scan3A_32 to %scan3A_34 step %scan3A_35 iter_args(%scan3A_39 = %scan3A) -> (i32)  : i32 {
      %mul3A_40 = arith.constant 32 : i32
      %mul3A_41 = arith.muli %scan3A_38, %mul3A_40 : i32
      %add3A_42 = arith.addi %mul3A_41, %add3A : i32
      %min3A_43 = arith.constant 899 : i32
      %min3A_44 = arith.minsi %add3A_42, %min3A_43 : i32
      %lt3A = arith.constant 900 : i32
      %lt3A_45 = arith.cmpi slt, %add3A_42, %lt3A : i32
      %swap3A_46 = arith.constant 0 : index
      %swap3A_47 = tpu.vector_load %arg10[%swap3A_46] {strides = array<i32>} : memref<64xf32, #tpu.memory_space<vmem>>, vector<16xf32>,
      tpu.vector_store %arg10[%swap3A_46], %broadcast_in_dim3A_3 {strides = array<i32>} : memref<64xf32, #tpu.memory_space<vmem>>, vector<16xf32>,
      %swap3A_48 = arith.constant 0 : index
      %swap3A_49 = tpu.vector_load %arg12[%swap3A_48] {strides = array<i32>} : memref<64xf32, #tpu.memory_space<vmem>>, vector<16xf32>,
      tpu.vector_store %arg12[%swap3A_48], %broadcast_in_dim3A_3 {strides = array<i32>} : memref<64xf32, #tpu.memory_space<vmem>>, vector<16xf32>,
      %broadcast_in_dim3A_50 = arith.constant 0 : i32
      %broadcast_in_dim3A_51 = vector.broadcast %broadcast_in_dim3A_50 : i32 to vector<16xi32>
      %swap3A_52 = arith.constant 0 : index
      %swap3A_53 = tpu.vector_load %arg13[%swap3A_52] {strides = array<i32>} : memref<64xi32, #tpu.memory_space<vmem>>, vector<16xi32>,
      tpu.vector_store %arg13[%swap3A_52], %broadcast_in_dim3A_51 {strides = array<i32>} : memref<64xi32, #tpu.memory_space<vmem>>, vector<16xi32>,
      %broadcast_in_dim3A_54 = vector.broadcast %min3A_44 : i32 to vector<16xi32>
      %swap3A_55 = arith.constant 0 : index
      %swap3A_56 = tpu.vector_load %arg8[%swap3A_55] {strides = array<i32>} : memref<64xi32, #tpu.memory_space<vmem>>, vector<16xi32>,
      tpu.vector_store %arg8[%swap3A_55], %broadcast_in_dim3A_54 {strides = array<i32>} : memref<64xi32, #tpu.memory_space<vmem>>, vector<16xi32>,
      %broadcast_in_dim3A_57 = arith.constant 0 : i32
      %broadcast_in_dim3A_58 = vector.broadcast %broadcast_in_dim3A_57 : i32 to vector<16xi32>
      %swap3A_59 = arith.constant 0 : index
      %swap3A_60 = tpu.vector_load %arg9[%swap3A_59] {strides = array<i32>} : memref<64xi32, #tpu.memory_space<vmem>>, vector<16xi32>,
      tpu.vector_store %arg9[%swap3A_59], %broadcast_in_dim3A_58 {strides = array<i32>} : memref<64xi32, #tpu.memory_space<vmem>>, vector<16xi32>,
      %swap3A_61 = arith.constant 16 : index
      %swap3A_62 = tpu.vector_load %arg10[%swap3A_61] {strides = array<i32>} : memref<64xf32, #tpu.memory_space<vmem>>, vector<16xf32>,
      tpu.vector_store %arg10[%swap3A_61], %broadcast_in_dim3A_3 {strides = array<i32>} : memref<64xf32, #tpu.memory_space<vmem>>, vector<16xf32>,
      %swap3A_63 = arith.constant 16 : index
      %swap3A_64 = tpu.vector_load %arg12[%swap3A_63] {strides = array<i32>} : memref<64xf32, #tpu.memory_space<vmem>>, vector<16xf32>,
      tpu.vector_store %arg12[%swap3A_63], %broadcast_in_dim3A_3 {strides = array<i32>} : memref<64xf32, #tpu.memory_space<vmem>>, vector<16xf32>,
      %broadcast_in_dim3A_65 = arith.constant 0 : i32
      %broadcast_in_dim3A_66 = vector.broadcast %broadcast_in_dim3A_65 : i32 to vector<16xi32>
      %swap3A_67 = arith.constant 16 : index
      %swap3A_68 = tpu.vector_load %arg13[%swap3A_67] {strides = array<i32>} : memref<64xi32, #tpu.memory_space<vmem>>, vector<16xi32>,
      tpu.vector_store %arg13[%swap3A_67], %broadcast_in_dim3A_66 {strides = array<i32>} : memref<64xi32, #tpu.memory_space<vmem>>, vector<16xi32>,
      %broadcast_in_dim3A_69 = vector.broadcast %min3A_44 : i32 to vector<16xi32>
      %swap3A_70 = arith.constant 16 : index
      %swap3A_71 = tpu.vector_load %arg8[%swap3A_70] {strides = array<i32>} : memref<64xi32, #tpu.memory_space<vmem>>, vector<16xi32>,
      tpu.vector_store %arg8[%swap3A_70], %broadcast_in_dim3A_69 {strides = array<i32>} : memref<64xi32, #tpu.memory_space<vmem>>, vector<16xi32>,
      %broadcast_in_dim3A_72 = arith.constant 0 : i32
      %broadcast_in_dim3A_73 = vector.broadcast %broadcast_in_dim3A_72 : i32 to vector<16xi32>
      %swap3A_74 = arith.constant 16 : index
      %swap3A_75 = tpu.vector_load %arg9[%swap3A_74] {strides = array<i32>} : memref<64xi32, #tpu.memory_space<vmem>>, vector<16xi32>,
      tpu.vector_store %arg9[%swap3A_74], %broadcast_in_dim3A_73 {strides = array<i32>} : memref<64xi32, #tpu.memory_space<vmem>>, vector<16xi32>,
      %swap3A_76 = arith.constant 32 : index
      %swap3A_77 = tpu.vector_load %arg10[%swap3A_76] {strides = array<i32>} : memref<64xf32, #tpu.memory_space<vmem>>, vector<16xf32>,
      tpu.vector_store %arg10[%swap3A_76], %broadcast_in_dim3A_3 {strides = array<i32>} : memref<64xf32, #tpu.memory_space<vmem>>, vector<16xf32>,
      %swap3A_78 = arith.constant 32 : index
      %swap3A_79 = tpu.vector_load %arg12[%swap3A_78] {strides = array<i32>} : memref<64xf32, #tpu.memory_space<vmem>>, vector<16xf32>,
      tpu.vector_store %arg12[%swap3A_78], %broadcast_in_dim3A_3 {strides = array<i32>} : memref<64xf32, #tpu.memory_space<vmem>>, vector<16xf32>,
      %broadcast_in_dim3A_80 = arith.constant 0 : i32
      %broadcast_in_dim3A_81 = vector.broadcast %broadcast_in_dim3A_80 : i32 to vector<16xi32>
      %swap3A_82 = arith.constant 32 : index
      %swap3A_83 = tpu.vector_load %arg13[%swap3A_82] {strides = array<i32>} : memref<64xi32, #tpu.memory_space<vmem>>, vector<16xi32>,
      tpu.vector_store %arg13[%swap3A_82], %broadcast_in_dim3A_81 {strides = array<i32>} : memref<64xi32, #tpu.memory_space<vmem>>, vector<16xi32>,
      %broadcast_in_dim3A_84 = vector.broadcast %min3A_44 : i32 to vector<16xi32>
      %swap3A_85 = arith.constant 32 : index
      %swap3A_86 = tpu.vector_load %arg8[%swap3A_85] {strides = array<i32>} : memref<64xi32, #tpu.memory_space<vmem>>, vector<16xi32>,
      tpu.vector_store %arg8[%swap3A_85], %broadcast_in_dim3A_84 {strides = array<i32>} : memref<64xi32, #tpu.memory_space<vmem>>, vector<16xi32>,
      %broadcast_in_dim3A_87 = arith.constant 0 : i32
      %broadcast_in_dim3A_88 = vector.broadcast %broadcast_in_dim3A_87 : i32 to vector<16xi32>
      %swap3A_89 = arith.constant 32 : index
      %swap3A_90 = tpu.vector_load %arg9[%swap3A_89] {strides = array<i32>} : memref<64xi32, #tpu.memory_space<vmem>>, vector<16xi32>,
      tpu.vector_store %arg9[%swap3A_89], %broadcast_in_dim3A_88 {strides = array<i32>} : memref<64xi32, #tpu.memory_space<vmem>>, vector<16xi32>,
      %swap3A_91 = arith.constant 48 : index
      %swap3A_92 = tpu.vector_load %arg10[%swap3A_91] {strides = array<i32>} : memref<64xf32, #tpu.memory_space<vmem>>, vector<16xf32>,
      tpu.vector_store %arg10[%swap3A_91], %broadcast_in_dim3A_3 {strides = array<i32>} : memref<64xf32, #tpu.memory_space<vmem>>, vector<16xf32>,
      %swap3A_93 = arith.constant 48 : index
      %swap3A_94 = tpu.vector_load %arg12[%swap3A_93] {strides = array<i32>} : memref<64xf32, #tpu.memory_space<vmem>>, vector<16xf32>,
      tpu.vector_store %arg12[%swap3A_93], %broadcast_in_dim3A_3 {strides = array<i32>} : memref<64xf32, #tpu.memory_space<vmem>>, vector<16xf32>,
      %broadcast_in_dim3A_95 = arith.constant 0 : i32
      %broadcast_in_dim3A_96 = vector.broadcast %broadcast_in_dim3A_95 : i32 to vector<16xi32>
      %swap3A_97 = arith.constant 48 : index
      %swap3A_98 = tpu.vector_load %arg13[%swap3A_97] {strides = array<i32>} : memref<64xi32, #tpu.memory_space<vmem>>, vector<16xi32>,
      tpu.vector_store %arg13[%swap3A_97], %broadcast_in_dim3A_96 {strides = array<i32>} : memref<64xi32, #tpu.memory_space<vmem>>, vector<16xi32>,
      %broadcast_in_dim3A_99 = vector.broadcast %min3A_44 : i32 to vector<16xi32>
      %swap3A_100 = arith.constant 48 : index
      %swap3A_101 = tpu.vector_load %arg8[%swap3A_100] {strides = array<i32>} : memref<64xi32, #tpu.memory_space<vmem>>, vector<16xi32>,
      tpu.vector_store %arg8[%swap3A_100], %broadcast_in_dim3A_99 {strides = array<i32>} : memref<64xi32, #tpu.memory_space<vmem>>, vector<16xi32>,
      %broadcast_in_dim3A_102 = arith.constant 0 : i32
      %broadcast_in_dim3A_103 = vector.broadcast %broadcast_in_dim3A_102 : i32 to vector<16xi32>
      %swap3A_104 = arith.constant 48 : index
      %swap3A_105 = tpu.vector_load %arg9[%swap3A_104] {strides = array<i32>} : memref<64xi32, #tpu.memory_space<vmem>>, vector<16xi32>,
      tpu.vector_store %arg9[%swap3A_104], %broadcast_in_dim3A_103 {strides = array<i32>} : memref<64xi32, #tpu.memory_space<vmem>>, vector<16xi32>,
      %get3A = arith.index_cast %scan3A_38 : i32 to index
      %get3A_106 = arith.constant 0 : index
      %get3A_107 = tpu.vector_load %arg7[%get3A, %get3A_106] {strides = array<i32>} : memref<32x256xf32, #tpu.memory_space<vmem>>, vector<16xf32>,
      %get3A_108 = arith.index_cast %scan3A_38 : i32 to index
      %get3A_109 = arith.constant 16 : index
      %get3A_110 = tpu.vector_load %arg7[%get3A_108, %get3A_109] {strides = array<i32>} : memref<32x256xf32, #tpu.memory_space<vmem>>, vector<16xf32>,
      %get3A_111 = arith.index_cast %scan3A_38 : i32 to index
      %get3A_112 = arith.constant 32 : index
      %get3A_113 = tpu.vector_load %arg7[%get3A_111, %get3A_112] {strides = array<i32>} : memref<32x256xf32, #tpu.memory_space<vmem>>, vector<16xf32>,
      %get3A_114 = arith.index_cast %scan3A_38 : i32 to index
      %get3A_115 = arith.constant 48 : index
      %get3A_116 = tpu.vector_load %arg7[%get3A_114, %get3A_115] {strides = array<i32>} : memref<32x256xf32, #tpu.memory_space<vmem>>, vector<16xf32>,
      %get3A_117 = arith.index_cast %scan3A_38 : i32 to index
      %get3A_118 = arith.constant 64 : index
      %get3A_119 = tpu.vector_load %arg7[%get3A_117, %get3A_118] {strides = array<i32>} : memref<32x256xf32, #tpu.memory_space<vmem>>, vector<16xf32>,
      %get3A_120 = arith.index_cast %scan3A_38 : i32 to index
      %get3A_121 = arith.constant 80 : index
      %get3A_122 = tpu.vector_load %arg7[%get3A_120, %get3A_121] {strides = array<i32>} : memref<32x256xf32, #tpu.memory_space<vmem>>, vector<16xf32>,
      %get3A_123 = arith.index_cast %scan3A_38 : i32 to index
      %get3A_124 = arith.constant 96 : index
      %get3A_125 = tpu.vector_load %arg7[%get3A_123, %get3A_124] {strides = array<i32>} : memref<32x256xf32, #tpu.memory_space<vmem>>, vector<16xf32>,
      %get3A_126 = arith.index_cast %scan3A_38 : i32 to index
      %get3A_127 = arith.constant 112 : index
      %get3A_128 = tpu.vector_load %arg7[%get3A_126, %get3A_127] {strides = array<i32>} : memref<32x256xf32, #tpu.memory_space<vmem>>, vector<16xf32>,
      %get3A_129 = arith.index_cast %scan3A_38 : i32 to index
      %get3A_130 = arith.constant 128 : index
      %get3A_131 = tpu.vector_load %arg7[%get3A_129, %get3A_130] {strides = array<i32>} : memref<32x256xf32, #tpu.memory_space<vmem>>, vector<16xf32>,
      %scan3A_132 = arith.constant 0 : i32
      %scan3A_133 = arith.constant 50 : i32
      %scan3A_134 = arith.addi %scan3A_132, %scan3A_133 : i32
      %scan3A_135 = arith.constant 1 : i32
      %scan3A_136:9 = scf.for %scan3A_2851 = %scan3A_132 to %scan3A_134 step %scan3A_135 iter_args(%scan3A_2852 = %get3A_107, %scan3A_2853 = %get3A_110, %scan3A_2854 = %get3A_113, %scan3A_2855 = %get3A_116, %scan3A_2856 = %get3A_119, %scan3A_2857 = %get3A_122, %scan3A_2858 = %get3A_125, %scan3A_2859 = %get3A_128, %scan3A_2860 = %get3A_131) -> (vector<16xf32>, vector<16xf32>, vector<16xf32>, vector<16xf32>, vector<16xf32>, vector<16xf32>, vector<16xf32>, vector<16xf32>, vector<16xf32>)  : i32 {
        %max3A = arith.maximumf %scan3A_2852, %scan3A_2853 : vector<16xf32>
        %max3A_2861 = arith.maximumf %max3A, %scan3A_2854 : vector<16xf32>
        %max3A_2862 = arith.maximumf %max3A_2861, %scan3A_2855 : vector<16xf32>
        %max3A_2863 = arith.maximumf %max3A_2862, %scan3A_2856 : vector<16xf32>
        %max3A_2864 = arith.maximumf %max3A_2863, %scan3A_2857 : vector<16xf32>
        %max3A_2865 = arith.maximumf %max3A_2864, %scan3A_2858 : vector<16xf32>
        %max3A_2866 = arith.maximumf %max3A_2865, %scan3A_2859 : vector<16xf32>
        %max3A_2867 = arith.maximumf %max3A_2866, %scan3A_2860 : vector<16xf32>
        %reduce_max3A = arith.constant true
        %reduce_max3A_2868 = vector.broadcast %reduce_max3A : i1 to vector<16xi1>
        %reduce_max3A_2869 = tpu.scan <max>, %max3A_2867 masked %reduce_max3A_2868 : vector<16xf32>, vector<16xi1> -> vector<16xf32>
        %reduce_max3A_2870 = vector.extract %reduce_max3A_2869[15] : f32 from vector<16xf32>
        %broadcast_in_dim3A_2871 = vector.broadcast %reduce_max3A_2870 : f32 to vector<16xf32>
        %broadcast_in_dim3A_2872 = arith.constant 9999 : i32
        %broadcast_in_dim3A_2873 = vector.broadcast %broadcast_in_dim3A_2872 : i32 to vector<16xi32>
        %eq3A_2874 = arith.cmpf oeq, %scan3A_2852, %broadcast_in_dim3A_2871 : vector<16xf32>
        %add3A_2875 = arith.constant 0 : i32
        %add3A_2876 = vector.broadcast %add3A_2875 : i32 to vector<16xi32>
        %add3A_2877 = arith.addi %iota3A, %add3A_2876 : vector<16xi32>
        %min3A_2878 = arith.minsi %broadcast_in_dim3A_2873, %add3A_2877 : vector<16xi32>
        %select_n3A = arith.select %eq3A_2874, %min3A_2878, %broadcast_in_dim3A_2873 : vector<16xi1>, vector<16xi32>
        %eq3A_2879 = arith.cmpf oeq, %scan3A_2853, %broadcast_in_dim3A_2871 : vector<16xf32>
        %add3A_2880 = arith.constant 16 : i32
        %add3A_2881 = vector.broadcast %add3A_2880 : i32 to vector<16xi32>
        %add3A_2882 = arith.addi %iota3A, %add3A_2881 : vector<16xi32>
        %min3A_2883 = arith.minsi %select_n3A, %add3A_2882 : vector<16xi32>
        %select_n3A_2884 = arith.select %eq3A_2879, %min3A_2883, %select_n3A : vector<16xi1>, vector<16xi32>
        %eq3A_2885 = arith.cmpf oeq, %scan3A_2854, %broadcast_in_dim3A_2871 : vector<16xf32>
        %add3A_2886 = arith.constant 32 : i32
        %add3A_2887 = vector.broadcast %add3A_2886 : i32 to vector<16xi32>
        %add3A_2888 = arith.addi %iota3A, %add3A_2887 : vector<16xi32>
        %min3A_2889 = arith.minsi %select_n3A_2884, %add3A_2888 : vector<16xi32>
        %select_n3A_2890 = arith.select %eq3A_2885, %min3A_2889, %select_n3A_2884 : vector<16xi1>, vector<16xi32>
        %eq3A_2891 = arith.cmpf oeq, %scan3A_2855, %broadcast_in_dim3A_2871 : vector<16xf32>
        %add3A_2892 = arith.constant 48 : i32
        %add3A_2893 = vector.broadcast %add3A_2892 : i32 to vector<16xi32>
        %add3A_2894 = arith.addi %iota3A, %add3A_2893 : vector<16xi32>
        %min3A_2895 = arith.minsi %select_n3A_2890, %add3A_2894 : vector<16xi32>
        %select_n3A_2896 = arith.select %eq3A_2891, %min3A_2895, %select_n3A_2890 : vector<16xi1>, vector<16xi32>
        %eq3A_2897 = arith.cmpf oeq, %scan3A_2856, %broadcast_in_dim3A_2871 : vector<16xf32>
        %add3A_2898 = arith.constant 64 : i32
        %add3A_2899 = vector.broadcast %add3A_2898 : i32 to vector<16xi32>
        %add3A_2900 = arith.addi %iota3A, %add3A_2899 : vector<16xi32>
        %min3A_2901 = arith.minsi %select_n3A_2896, %add3A_2900 : vector<16xi32>
        %select_n3A_2902 = arith.select %eq3A_2897, %min3A_2901, %select_n3A_2896 : vector<16xi1>, vector<16xi32>
        %eq3A_2903 = arith.cmpf oeq, %scan3A_2857, %broadcast_in_dim3A_2871 : vector<16xf32>
        %add3A_2904 = arith.constant 80 : i32
        %add3A_2905 = vector.broadcast %add3A_2904 : i32 to vector<16xi32>
        %add3A_2906 = arith.addi %iota3A, %add3A_2905 : vector<16xi32>
        %min3A_2907 = arith.minsi %select_n3A_2902, %add3A_2906 : vector<16xi32>
        %select_n3A_2908 = arith.select %eq3A_2903, %min3A_2907, %select_n3A_2902 : vector<16xi1>, vector<16xi32>
        %eq3A_2909 = arith.cmpf oeq, %scan3A_2858, %broadcast_in_dim3A_2871 : vector<16xf32>
        %add3A_2910 = arith.constant 96 : i32
        %add3A_2911 = vector.broadcast %add3A_2910 : i32 to vector<16xi32>
        %add3A_2912 = arith.addi %iota3A, %add3A_2911 : vector<16xi32>
        %min3A_2913 = arith.minsi %select_n3A_2908, %add3A_2912 : vector<16xi32>
        %select_n3A_2914 = arith.select %eq3A_2909, %min3A_2913, %select_n3A_2908 : vector<16xi1>, vector<16xi32>
        %eq3A_2915 = arith.cmpf oeq, %scan3A_2859, %broadcast_in_dim3A_2871 : vector<16xf32>
        %add3A_2916 = arith.constant 112 : i32
        %add3A_2917 = vector.broadcast %add3A_2916 : i32 to vector<16xi32>
        %add3A_2918 = arith.addi %iota3A, %add3A_2917 : vector<16xi32>
        %min3A_2919 = arith.minsi %select_n3A_2914, %add3A_2918 : vector<16xi32>
        %select_n3A_2920 = arith.select %eq3A_2915, %min3A_2919, %select_n3A_2914 : vector<16xi1>, vector<16xi32>
        %eq3A_2921 = arith.cmpf oeq, %scan3A_2860, %broadcast_in_dim3A_2871 : vector<16xf32>
        %add3A_2922 = arith.constant 128 : i32
        %add3A_2923 = vector.broadcast %add3A_2922 : i32 to vector<16xi32>
        %add3A_2924 = arith.addi %iota3A, %add3A_2923 : vector<16xi32>
        %min3A_2925 = arith.minsi %select_n3A_2920, %add3A_2924 : vector<16xi32>
        %select_n3A_2926 = arith.select %eq3A_2921, %min3A_2925, %select_n3A_2920 : vector<16xi1>, vector<16xi32>
        %reduce_min3A = arith.constant true
        %reduce_min3A_2927 = vector.broadcast %reduce_min3A : i1 to vector<16xi1>
        %reduce_min3A_2928 = arith.constant -2147483648 : i32
        %reduce_min3A_2929 = vector.broadcast %reduce_min3A_2928 : i32 to vector<16xi32>
        %reduce_min3A_2930 = arith.xori %select_n3A_2926, %reduce_min3A_2929 : vector<16xi32>
        %reduce_min3A_2931 = tpu.scan <min>, %reduce_min3A_2930 masked %reduce_min3A_2927 : vector<16xi32>, vector<16xi1> -> vector<16xi32>
        %reduce_min3A_2932 = arith.xori %reduce_min3A_2931, %reduce_min3A_2929 : vector<16xi32>
        %reduce_min3A_2933 = vector.extract %reduce_min3A_2932[15] : i32 from vector<16xi32>
        %broadcast_in_dim3A_2934 = vector.broadcast %scan3A_2851 : i32 to vector<16xi32>
        tpu.vector_store_idx %arg10[%broadcast_in_dim3A_2934], %broadcast_in_dim3A_2871 masked %eq3A_2 : memref<64xf32, #tpu.memory_space<vmem>>[vector<16xi32>], vector<16xf32>, vector<16xi1>
        %mul3A_2935 = arith.constant 904 : i32
        %mul3A_2936 = arith.muli %reduce_min3A_2933, %mul3A_2935 : i32
        %add3A_2937 = arith.addi %mul3A_2936, %min3A_44 : i32
        %broadcast_in_dim3A_2938 = vector.broadcast %add3A_2937 : i32 to vector<16xi32>
        tpu.vector_store_idx %arg8[%broadcast_in_dim3A_2934], %broadcast_in_dim3A_2938 masked %eq3A_2 : memref<64xi32, #tpu.memory_space<vmem>>[vector<16xi32>], vector<16xi32>, vector<16xi1>
        %broadcast_in_dim3A_2939 = vector.broadcast %reduce_min3A_2933 : i32 to vector<16xi32>
        tpu.vector_store_idx %arg9[%broadcast_in_dim3A_2934], %broadcast_in_dim3A_2939 masked %eq3A_2 : memref<64xi32, #tpu.memory_space<vmem>>[vector<16xi32>], vector<16xi32>, vector<16xi1>
        %broadcast_in_dim3A_2940 = vector.broadcast %reduce_min3A_2933 : i32 to vector<16xi32>
        %add3A_2941 = arith.constant 0 : i32
        %add3A_2942 = vector.broadcast %add3A_2941 : i32 to vector<16xi32>
        %add3A_2943 = arith.addi %iota3A, %add3A_2942 : vector<16xi32>
        %eq3A_2944 = arith.cmpi eq, %add3A_2943, %broadcast_in_dim3A_2940 : vector<16xi32>
        %jit3A = arith.constant -1.000000e+30 : f32
        %broadcast_in_dim3A_2945 = vector.broadcast %jit3A : f32 to vector<16xf32>
        %select_n3A_2946 = arith.select %eq3A_2944, %broadcast_in_dim3A_2945, %scan3A_2852 : vector<16xi1>, vector<16xf32>
        %add3A_2947 = arith.constant 16 : i32
        %add3A_2948 = vector.broadcast %add3A_2947 : i32 to vector<16xi32>
        %add3A_2949 = arith.addi %iota3A, %add3A_2948 : vector<16xi32>
        %eq3A_2950 = arith.cmpi eq, %add3A_2949, %broadcast_in_dim3A_2940 : vector<16xi32>
        %jit3A_2951 = arith.constant -1.000000e+30 : f32
        %broadcast_in_dim3A_2952 = vector.broadcast %jit3A_2951 : f32 to vector<16xf32>
        %select_n3A_2953 = arith.select %eq3A_2950, %broadcast_in_dim3A_2952, %scan3A_2853 : vector<16xi1>, vector<16xf32>
        %add3A_2954 = arith.constant 32 : i32
        %add3A_2955 = vector.broadcast %add3A_2954 : i32 to vector<16xi32>
        %add3A_2956 = arith.addi %iota3A, %add3A_2955 : vector<16xi32>
        %eq3A_2957 = arith.cmpi eq, %add3A_2956, %broadcast_in_dim3A_2940 : vector<16xi32>
        %jit3A_2958 = arith.constant -1.000000e+30 : f32
        %broadcast_in_dim3A_2959 = vector.broadcast %jit3A_2958 : f32 to vector<16xf32>
        %select_n3A_2960 = arith.select %eq3A_2957, %broadcast_in_dim3A_2959, %scan3A_2854 : vector<16xi1>, vector<16xf32>
        %add3A_2961 = arith.constant 48 : i32
        %add3A_2962 = vector.broadcast %add3A_2961 : i32 to vector<16xi32>
        %add3A_2963 = arith.addi %iota3A, %add3A_2962 : vector<16xi32>
        %eq3A_2964 = arith.cmpi eq, %add3A_2963, %broadcast_in_dim3A_2940 : vector<16xi32>
        %jit3A_2965 = arith.constant -1.000000e+30 : f32
        %broadcast_in_dim3A_2966 = vector.broadcast %jit3A_2965 : f32 to vector<16xf32>
        %select_n3A_2967 = arith.select %eq3A_2964, %broadcast_in_dim3A_2966, %scan3A_2855 : vector<16xi1>, vector<16xf32>
        %add3A_2968 = arith.constant 64 : i32
        %add3A_2969 = vector.broadcast %add3A_2968 : i32 to vector<16xi32>
        %add3A_2970 = arith.addi %iota3A, %add3A_2969 : vector<16xi32>
        %eq3A_2971 = arith.cmpi eq, %add3A_2970, %broadcast_in_dim3A_2940 : vector<16xi32>
        %jit3A_2972 = arith.constant -1.000000e+30 : f32
        %broadcast_in_dim3A_2973 = vector.broadcast %jit3A_2972 : f32 to vector<16xf32>
        %select_n3A_2974 = arith.select %eq3A_2971, %broadcast_in_dim3A_2973, %scan3A_2856 : vector<16xi1>, vector<16xf32>
        %add3A_2975 = arith.constant 80 : i32
        %add3A_2976 = vector.broadcast %add3A_2975 : i32 to vector<16xi32>
        %add3A_2977 = arith.addi %iota3A, %add3A_2976 : vector<16xi32>
        %eq3A_2978 = arith.cmpi eq, %add3A_2977, %broadcast_in_dim3A_2940 : vector<16xi32>
        %jit3A_2979 = arith.constant -1.000000e+30 : f32
        %broadcast_in_dim3A_2980 = vector.broadcast %jit3A_2979 : f32 to vector<16xf32>
        %select_n3A_2981 = arith.select %eq3A_2978, %broadcast_in_dim3A_2980, %scan3A_2857 : vector<16xi1>, vector<16xf32>
        %add3A_2982 = arith.constant 96 : i32
        %add3A_2983 = vector.broadcast %add3A_2982 : i32 to vector<16xi32>
        %add3A_2984 = arith.addi %iota3A, %add3A_2983 : vector<16xi32>
        %eq3A_2985 = arith.cmpi eq, %add3A_2984, %broadcast_in_dim3A_2940 : vector<16xi32>
        %jit3A_2986 = arith.constant -1.000000e+30 : f32
        %broadcast_in_dim3A_2987 = vector.broadcast %jit3A_2986 : f32 to vector<16xf32>
        %select_n3A_2988 = arith.select %eq3A_2985, %broadcast_in_dim3A_2987, %scan3A_2858 : vector<16xi1>, vector<16xf32>
        %add3A_2989 = arith.constant 112 : i32
        %add3A_2990 = vector.broadcast %add3A_2989 : i32 to vector<16xi32>
        %add3A_2991 = arith.addi %iota3A, %add3A_2990 : vector<16xi32>
        %eq3A_2992 = arith.cmpi eq, %add3A_2991, %broadcast_in_dim3A_2940 : vector<16xi32>
        %jit3A_2993 = arith.constant -1.000000e+30 : f32
        %broadcast_in_dim3A_2994 = vector.broadcast %jit3A_2993 : f32 to vector<16xf32>
        %select_n3A_2995 = arith.select %eq3A_2992, %broadcast_in_dim3A_2994, %scan3A_2859 : vector<16xi1>, vector<16xf32>
        %add3A_2996 = arith.constant 128 : i32
        %add3A_2997 = vector.broadcast %add3A_2996 : i32 to vector<16xi32>
        %add3A_2998 = arith.addi %iota3A, %add3A_2997 : vector<16xi32>
        %eq3A_2999 = arith.cmpi eq, %add3A_2998, %broadcast_in_dim3A_2940 : vector<16xi32>
        %jit3A_3000 = arith.constant -1.000000e+30 : f32
        %broadcast_in_dim3A_3001 = vector.broadcast %jit3A_3000 : f32 to vector<16xf32>
        %select_n3A_3002 = arith.select %eq3A_2999, %broadcast_in_dim3A_3001, %scan3A_2860 : vector<16xi1>, vector<16xf32>
        scf.yield %select_n3A_2946, %select_n3A_2953, %select_n3A_2960, %select_n3A_2967, %select_n3A_2974, %select_n3A_2981, %select_n3A_2988, %select_n3A_2995, %select_n3A_3002 : vector<16xf32>, vector<16xf32>, vector<16xf32>, vector<16xf32>, vector<16xf32>, vector<16xf32>, vector<16xf32>, vector<16xf32>, vector<16xf32>
      }
      %scan3A_137 = arith.constant 50 : i32
      %dma_start3A_138 = arith.constant 0 : i32
      %dma_start3A_139 = arith.constant 0 : i32
      %dma_start3A_140 = tpu.memref_slice %arg2[%dma_start3A_138, %dma_start3A_139] : memref<127464x256xf32, #tpu.memory_space<hbm>> -> memref<127464x256xf32, #tpu.memory_space<hbm>>
      tpu.enqueue_indirect_dma source(%dma_start3A_140 : memref<127464x256xf32, #tpu.memory_space<hbm>>) target(%arg11 : memref<64x256xf32, #tpu.memory_space<vmem>>) offsets(%arg8 : memref<64xi32, #tpu.memory_space<vmem>>) semaphore(%arg17 : memref<!tpu.dma_semaphore, #tpu.memory_space<semaphore_mem>>)
      %dma_wait3A_141 = arith.constant 0 : i32
      %dma_wait3A_142 = arith.constant 0 : i32
      %dma_wait3A_143 = tpu.memref_slice %arg2[%dma_wait3A_141, %dma_wait3A_142] : memref<127464x256xf32, #tpu.memory_space<hbm>> -> memref<127464x256xf32, #tpu.memory_space<hbm>>
      tpu.wait_indirect_dma semaphore(%arg17 : memref<!tpu.dma_semaphore, #tpu.memory_space<semaphore_mem>>) src(%dma_wait3A_143 : memref<127464x256xf32, #tpu.memory_space<hbm>>) dst(%arg11 : memref<64x256xf32, #tpu.memory_space<vmem>>)
      %get3A_144 = arith.constant 0 : index
      %get3A_145 = tpu.vector_load %arg10[%get3A_144] {strides = array<i32>} : memref<64xf32, #tpu.memory_space<vmem>>, vector<16xf32>,
      %get3A_146 = arith.constant 16 : index
      %get3A_147 = tpu.vector_load %arg10[%get3A_146] {strides = array<i32>} : memref<64xf32, #tpu.memory_space<vmem>>, vector<16xf32>,
      %get3A_148 = arith.constant 32 : index
      %get3A_149 = tpu.vector_load %arg10[%get3A_148] {strides = array<i32>} : memref<64xf32, #tpu.memory_space<vmem>>, vector<16xf32>,
      %get3A_150 = arith.constant 48 : index
      %get3A_151 = tpu.vector_load %arg10[%get3A_150] {strides = array<i32>} : memref<64xf32, #tpu.memory_space<vmem>>, vector<16xf32>,
      %scan3A_152 = arith.constant 0 : i32
      %scan3A_153 = arith.constant 50 : i32
      %scan3A_154 = arith.addi %scan3A_152, %scan3A_153 : i32
      %scan3A_155 = arith.constant 1 : i32
      %scan3A_156:4 = scf.for %scan3A_2851 = %scan3A_152 to %scan3A_154 step %scan3A_155 iter_args(%scan3A_2852 = %get3A_145, %scan3A_2853 = %get3A_147, %scan3A_2854 = %get3A_149, %scan3A_2855 = %get3A_151) -> (vector<16xf32>, vector<16xf32>, vector<16xf32>, vector<16xf32>)  : i32 {
        %max3A = arith.maximumf %scan3A_2852, %scan3A_2853 : vector<16xf32>
        %max3A_2856 = arith.maximumf %scan3A_2854, %scan3A_2855 : vector<16xf32>
        %max3A_2857 = arith.maximumf %max3A, %max3A_2856 : vector<16xf32>
        %reduce_max3A = arith.constant true
        %reduce_max3A_2858 = vector.broadcast %reduce_max3A : i1 to vector<16xi1>
        %reduce_max3A_2859 = tpu.scan <max>, %max3A_2857 masked %reduce_max3A_2858 : vector<16xf32>, vector<16xi1> -> vector<16xf32>
        %reduce_max3A_2860 = vector.extract %reduce_max3A_2859[15] : f32 from vector<16xf32>
        %broadcast_in_dim3A_2861 = vector.broadcast %reduce_max3A_2860 : f32 to vector<16xf32>
        %broadcast_in_dim3A_2862 = arith.constant 999 : i32
        %broadcast_in_dim3A_2863 = vector.broadcast %broadcast_in_dim3A_2862 : i32 to vector<16xi32>
        %eq3A_2864 = arith.cmpf oeq, %scan3A_2852, %broadcast_in_dim3A_2861 : vector<16xf32>
        %add3A_2865 = arith.constant 0 : i32
        %add3A_2866 = vector.broadcast %add3A_2865 : i32 to vector<16xi32>
        %add3A_2867 = arith.addi %iota3A, %add3A_2866 : vector<16xi32>
        %min3A_2868 = arith.minsi %broadcast_in_dim3A_2863, %add3A_2867 : vector<16xi32>
        %select_n3A = arith.select %eq3A_2864, %min3A_2868, %broadcast_in_dim3A_2863 : vector<16xi1>, vector<16xi32>
        %eq3A_2869 = arith.cmpf oeq, %scan3A_2853, %broadcast_in_dim3A_2861 : vector<16xf32>
        %add3A_2870 = arith.constant 16 : i32
        %add3A_2871 = vector.broadcast %add3A_2870 : i32 to vector<16xi32>
        %add3A_2872 = arith.addi %iota3A, %add3A_2871 : vector<16xi32>
        %min3A_2873 = arith.minsi %select_n3A, %add3A_2872 : vector<16xi32>
        %select_n3A_2874 = arith.select %eq3A_2869, %min3A_2873, %select_n3A : vector<16xi1>, vector<16xi32>
        %eq3A_2875 = arith.cmpf oeq, %scan3A_2854, %broadcast_in_dim3A_2861 : vector<16xf32>
        %add3A_2876 = arith.constant 32 : i32
        %add3A_2877 = vector.broadcast %add3A_2876 : i32 to vector<16xi32>
        %add3A_2878 = arith.addi %iota3A, %add3A_2877 : vector<16xi32>
        %min3A_2879 = arith.minsi %select_n3A_2874, %add3A_2878 : vector<16xi32>
        %select_n3A_2880 = arith.select %eq3A_2875, %min3A_2879, %select_n3A_2874 : vector<16xi1>, vector<16xi32>
        %eq3A_2881 = arith.cmpf oeq, %scan3A_2855, %broadcast_in_dim3A_2861 : vector<16xf32>
        %add3A_2882 = arith.constant 48 : i32
        %add3A_2883 = vector.broadcast %add3A_2882 : i32 to vector<16xi32>
        %add3A_2884 = arith.addi %iota3A, %add3A_2883 : vector<16xi32>
        %min3A_2885 = arith.minsi %select_n3A_2880, %add3A_2884 : vector<16xi32>
        %select_n3A_2886 = arith.select %eq3A_2881, %min3A_2885, %select_n3A_2880 : vector<16xi1>, vector<16xi32>
        %reduce_min3A = arith.constant true
        %reduce_min3A_2887 = vector.broadcast %reduce_min3A : i1 to vector<16xi1>
        %reduce_min3A_2888 = arith.constant -2147483648 : i32
        %reduce_min3A_2889 = vector.broadcast %reduce_min3A_2888 : i32 to vector<16xi32>
        %reduce_min3A_2890 = arith.xori %select_n3A_2886, %reduce_min3A_2889 : vector<16xi32>
        %reduce_min3A_2891 = tpu.scan <min>, %reduce_min3A_2890 masked %reduce_min3A_2887 : vector<16xi32>, vector<16xi1> -> vector<16xi32>
        %reduce_min3A_2892 = arith.xori %reduce_min3A_2891, %reduce_min3A_2889 : vector<16xi32>
        %reduce_min3A_2893 = vector.extract %reduce_min3A_2892[15] : i32 from vector<16xi32>
        %mul3A_2894 = arith.constant 256 : i32
        %mul3A_2895 = arith.muli %reduce_min3A_2893, %mul3A_2894 : i32
        %broadcast_in_dim3A_2896 = arith.constant 999 : i32
        %broadcast_in_dim3A_2897 = vector.broadcast %broadcast_in_dim3A_2896 : i32 to vector<16xi32>
        %get3A_2898 = arith.index_cast %reduce_min3A_2893 : i32 to index
        %get3A_2899 = arith.constant 0 : index
        %get3A_2900 = tpu.vector_load %arg11[%get3A_2898, %get3A_2899] {strides = array<i32>} : memref<64x256xf32, #tpu.memory_space<vmem>>, vector<16xf32>,
        %eq3A_2901 = arith.cmpf oeq, %get3A_2900, %broadcast_in_dim3A_2861 : vector<16xf32>
        %min3A_2902 = arith.constant 0 : i32
        %min3A_2903 = vector.broadcast %min3A_2902 : i32 to vector<16xi32>
        %min3A_2904 = arith.minsi %broadcast_in_dim3A_2897, %min3A_2903 : vector<16xi32>
        %select_n3A_2905 = arith.select %eq3A_2901, %min3A_2904, %broadcast_in_dim3A_2897 : vector<16xi1>, vector<16xi32>
        %get3A_2906 = arith.index_cast %reduce_min3A_2893 : i32 to index
        %get3A_2907 = arith.constant 16 : index
        %get3A_2908 = tpu.vector_load %arg11[%get3A_2906, %get3A_2907] {strides = array<i32>} : memref<64x256xf32, #tpu.memory_space<vmem>>, vector<16xf32>,
        %eq3A_2909 = arith.cmpf oeq, %get3A_2908, %broadcast_in_dim3A_2861 : vector<16xf32>
        %min3A_2910 = arith.constant 1 : i32
        %min3A_2911 = vector.broadcast %min3A_2910 : i32 to vector<16xi32>
        %min3A_2912 = arith.minsi %select_n3A_2905, %min3A_2911 : vector<16xi32>
        %select_n3A_2913 = arith.select %eq3A_2909, %min3A_2912, %select_n3A_2905 : vector<16xi1>, vector<16xi32>
        %get3A_2914 = arith.index_cast %reduce_min3A_2893 : i32 to index
        %get3A_2915 = arith.constant 32 : index
        %get3A_2916 = tpu.vector_load %arg11[%get3A_2914, %get3A_2915] {strides = array<i32>} : memref<64x256xf32, #tpu.memory_space<vmem>>, vector<16xf32>,
        %eq3A_2917 = arith.cmpf oeq, %get3A_2916, %broadcast_in_dim3A_2861 : vector<16xf32>
        %min3A_2918 = arith.constant 2 : i32
        %min3A_2919 = vector.broadcast %min3A_2918 : i32 to vector<16xi32>
        %min3A_2920 = arith.minsi %select_n3A_2913, %min3A_2919 : vector<16xi32>
        %select_n3A_2921 = arith.select %eq3A_2917, %min3A_2920, %select_n3A_2913 : vector<16xi1>, vector<16xi32>
        %get3A_2922 = arith.index_cast %reduce_min3A_2893 : i32 to index
        %get3A_2923 = arith.constant 48 : index
        %get3A_2924 = tpu.vector_load %arg11[%get3A_2922, %get3A_2923] {strides = array<i32>} : memref<64x256xf32, #tpu.memory_space<vmem>>, vector<16xf32>,
        %eq3A_2925 = arith.cmpf oeq, %get3A_2924, %broadcast_in_dim3A_2861 : vector<16xf32>
        %min3A_2926 = arith.constant 3 : i32
        %min3A_2927 = vector.broadcast %min3A_2926 : i32 to vector<16xi32>
        %min3A_2928 = arith.minsi %select_n3A_2921, %min3A_2927 : vector<16xi32>
        %select_n3A_2929 = arith.select %eq3A_2925, %min3A_2928, %select_n3A_2921 : vector<16xi1>, vector<16xi32>
        %get3A_2930 = arith.index_cast %reduce_min3A_2893 : i32 to index
        %get3A_2931 = arith.constant 64 : index
        %get3A_2932 = tpu.vector_load %arg11[%get3A_2930, %get3A_2931] {strides = array<i32>} : memref<64x256xf32, #tpu.memory_space<vmem>>, vector<16xf32>,
        %eq3A_2933 = arith.cmpf oeq, %get3A_2932, %broadcast_in_dim3A_2861 : vector<16xf32>
        %min3A_2934 = arith.constant 4 : i32
        %min3A_2935 = vector.broadcast %min3A_2934 : i32 to vector<16xi32>
        %min3A_2936 = arith.minsi %select_n3A_2929, %min3A_2935 : vector<16xi32>
        %select_n3A_2937 = arith.select %eq3A_2933, %min3A_2936, %select_n3A_2929 : vector<16xi1>, vector<16xi32>
        %get3A_2938 = arith.index_cast %reduce_min3A_2893 : i32 to index
        %get3A_2939 = arith.constant 80 : index
        %get3A_2940 = tpu.vector_load %arg11[%get3A_2938, %get3A_2939] {strides = array<i32>} : memref<64x256xf32, #tpu.memory_space<vmem>>, vector<16xf32>,
        %eq3A_2941 = arith.cmpf oeq, %get3A_2940, %broadcast_in_dim3A_2861 : vector<16xf32>
        %min3A_2942 = arith.constant 5 : i32
        %min3A_2943 = vector.broadcast %min3A_2942 : i32 to vector<16xi32>
        %min3A_2944 = arith.minsi %select_n3A_2937, %min3A_2943 : vector<16xi32>
        %select_n3A_2945 = arith.select %eq3A_2941, %min3A_2944, %select_n3A_2937 : vector<16xi1>, vector<16xi32>
        %get3A_2946 = arith.index_cast %reduce_min3A_2893 : i32 to index
        %get3A_2947 = arith.constant 96 : index
        %get3A_2948 = tpu.vector_load %arg11[%get3A_2946, %get3A_2947] {strides = array<i32>} : memref<64x256xf32, #tpu.memory_space<vmem>>, vector<16xf32>,
        %eq3A_2949 = arith.cmpf oeq, %get3A_2948, %broadcast_in_dim3A_2861 : vector<16xf32>
        %min3A_2950 = arith.constant 6 : i32
        %min3A_2951 = vector.broadcast %min3A_2950 : i32 to vector<16xi32>
        %min3A_2952 = arith.minsi %select_n3A_2945, %min3A_2951 : vector<16xi32>
        %select_n3A_2953 = arith.select %eq3A_2949, %min3A_2952, %select_n3A_2945 : vector<16xi1>, vector<16xi32>
        %get3A_2954 = arith.index_cast %reduce_min3A_2893 : i32 to index
        %get3A_2955 = arith.constant 112 : index
        %get3A_2956 = tpu.vector_load %arg11[%get3A_2954, %get3A_2955] {strides = array<i32>} : memref<64x256xf32, #tpu.memory_space<vmem>>, vector<16xf32>,
        %eq3A_2957 = arith.cmpf oeq, %get3A_2956, %broadcast_in_dim3A_2861 : vector<16xf32>
        %min3A_2958 = arith.constant 7 : i32
        %min3A_2959 = vector.broadcast %min3A_2958 : i32 to vector<16xi32>
        %min3A_2960 = arith.minsi %select_n3A_2953, %min3A_2959 : vector<16xi32>
        %select_n3A_2961 = arith.select %eq3A_2957, %min3A_2960, %select_n3A_2953 : vector<16xi1>, vector<16xi32>
        %get3A_2962 = arith.index_cast %reduce_min3A_2893 : i32 to index
        %get3A_2963 = arith.constant 128 : index
        %get3A_2964 = tpu.vector_load %arg11[%get3A_2962, %get3A_2963] {strides = array<i32>} : memref<64x256xf32, #tpu.memory_space<vmem>>, vector<16xf32>,
        %eq3A_2965 = arith.cmpf oeq, %get3A_2964, %broadcast_in_dim3A_2861 : vector<16xf32>
        %min3A_2966 = arith.constant 8 : i32
        %min3A_2967 = vector.broadcast %min3A_2966 : i32 to vector<16xi32>
        %min3A_2968 = arith.minsi %select_n3A_2961, %min3A_2967 : vector<16xi32>
        %select_n3A_2969 = arith.select %eq3A_2965, %min3A_2968, %select_n3A_2961 : vector<16xi1>, vector<16xi32>
        %get3A_2970 = arith.index_cast %reduce_min3A_2893 : i32 to index
        %get3A_2971 = arith.constant 144 : index
        %get3A_2972 = tpu.vector_load %arg11[%get3A_2970, %get3A_2971] {strides = array<i32>} : memref<64x256xf32, #tpu.memory_space<vmem>>, vector<16xf32>,
        %eq3A_2973 = arith.cmpf oeq, %get3A_2972, %broadcast_in_dim3A_2861 : vector<16xf32>
        %min3A_2974 = arith.constant 9 : i32
        %min3A_2975 = vector.broadcast %min3A_2974 : i32 to vector<16xi32>
        %min3A_2976 = arith.minsi %select_n3A_2969, %min3A_2975 : vector<16xi32>
        %select_n3A_2977 = arith.select %eq3A_2973, %min3A_2976, %select_n3A_2969 : vector<16xi1>, vector<16xi32>
        %get3A_2978 = arith.index_cast %reduce_min3A_2893 : i32 to index
        %get3A_2979 = arith.constant 160 : index
        %get3A_2980 = tpu.vector_load %arg11[%get3A_2978, %get3A_2979] {strides = array<i32>} : memref<64x256xf32, #tpu.memory_space<vmem>>, vector<16xf32>,
        %eq3A_2981 = arith.cmpf oeq, %get3A_2980, %broadcast_in_dim3A_2861 : vector<16xf32>
        %min3A_2982 = arith.constant 10 : i32
        %min3A_2983 = vector.broadcast %min3A_2982 : i32 to vector<16xi32>
        %min3A_2984 = arith.minsi %select_n3A_2977, %min3A_2983 : vector<16xi32>
        %select_n3A_2985 = arith.select %eq3A_2981, %min3A_2984, %select_n3A_2977 : vector<16xi1>, vector<16xi32>
        %get3A_2986 = arith.index_cast %reduce_min3A_2893 : i32 to index
        %get3A_2987 = arith.constant 176 : index
        %get3A_2988 = tpu.vector_load %arg11[%get3A_2986, %get3A_2987] {strides = array<i32>} : memref<64x256xf32, #tpu.memory_space<vmem>>, vector<16xf32>,
        %eq3A_2989 = arith.cmpf oeq, %get3A_2988, %broadcast_in_dim3A_2861 : vector<16xf32>
        %min3A_2990 = arith.constant 11 : i32
        %min3A_2991 = vector.broadcast %min3A_2990 : i32 to vector<16xi32>
        %min3A_2992 = arith.minsi %select_n3A_2985, %min3A_2991 : vector<16xi32>
        %select_n3A_2993 = arith.select %eq3A_2989, %min3A_2992, %select_n3A_2985 : vector<16xi1>, vector<16xi32>
        %get3A_2994 = arith.index_cast %reduce_min3A_2893 : i32 to index
        %get3A_2995 = arith.constant 192 : index
        %get3A_2996 = tpu.vector_load %arg11[%get3A_2994, %get3A_2995] {strides = array<i32>} : memref<64x256xf32, #tpu.memory_space<vmem>>, vector<16xf32>,
        %eq3A_2997 = arith.cmpf oeq, %get3A_2996, %broadcast_in_dim3A_2861 : vector<16xf32>
        %min3A_2998 = arith.constant 12 : i32
        %min3A_2999 = vector.broadcast %min3A_2998 : i32 to vector<16xi32>
        %min3A_3000 = arith.minsi %select_n3A_2993, %min3A_2999 : vector<16xi32>
        %select_n3A_3001 = arith.select %eq3A_2997, %min3A_3000, %select_n3A_2993 : vector<16xi1>, vector<16xi32>
        %get3A_3002 = arith.index_cast %reduce_min3A_2893 : i32 to index
        %get3A_3003 = arith.constant 208 : index
        %get3A_3004 = tpu.vector_load %arg11[%get3A_3002, %get3A_3003] {strides = array<i32>} : memref<64x256xf32, #tpu.memory_space<vmem>>, vector<16xf32>,
        %eq3A_3005 = arith.cmpf oeq, %get3A_3004, %broadcast_in_dim3A_2861 : vector<16xf32>
        %min3A_3006 = arith.constant 13 : i32
        %min3A_3007 = vector.broadcast %min3A_3006 : i32 to vector<16xi32>
        %min3A_3008 = arith.minsi %select_n3A_3001, %min3A_3007 : vector<16xi32>
        %select_n3A_3009 = arith.select %eq3A_3005, %min3A_3008, %select_n3A_3001 : vector<16xi1>, vector<16xi32>
        %get3A_3010 = arith.index_cast %reduce_min3A_2893 : i32 to index
        %get3A_3011 = arith.constant 224 : index
        %get3A_3012 = tpu.vector_load %arg11[%get3A_3010, %get3A_3011] {strides = array<i32>} : memref<64x256xf32, #tpu.memory_space<vmem>>, vector<16xf32>,
        %eq3A_3013 = arith.cmpf oeq, %get3A_3012, %broadcast_in_dim3A_2861 : vector<16xf32>
        %min3A_3014 = arith.constant 14 : i32
        %min3A_3015 = vector.broadcast %min3A_3014 : i32 to vector<16xi32>
        %min3A_3016 = arith.minsi %select_n3A_3009, %min3A_3015 : vector<16xi32>
        %select_n3A_3017 = arith.select %eq3A_3013, %min3A_3016, %select_n3A_3009 : vector<16xi1>, vector<16xi32>
        %get3A_3018 = arith.index_cast %reduce_min3A_2893 : i32 to index
        %get3A_3019 = arith.constant 240 : index
        %get3A_3020 = tpu.vector_load %arg11[%get3A_3018, %get3A_3019] {strides = array<i32>} : memref<64x256xf32, #tpu.memory_space<vmem>>, vector<16xf32>,
        %eq3A_3021 = arith.cmpf oeq, %get3A_3020, %broadcast_in_dim3A_2861 : vector<16xf32>
        %min3A_3022 = arith.constant 15 : i32
        %min3A_3023 = vector.broadcast %min3A_3022 : i32 to vector<16xi32>
        %min3A_3024 = arith.minsi %select_n3A_3017, %min3A_3023 : vector<16xi32>
        %select_n3A_3025 = arith.select %eq3A_3021, %min3A_3024, %select_n3A_3017 : vector<16xi1>, vector<16xi32>
        %mul3A_3026 = arith.constant 16 : i32
        %mul3A_3027 = vector.broadcast %mul3A_3026 : i32 to vector<16xi32>
        %mul3A_3028 = arith.muli %select_n3A_3025, %mul3A_3027 : vector<16xi32>
        %add3A_3029 = arith.addi %mul3A_3028, %iota3A : vector<16xi32>
        %reduce_min3A_3030 = arith.constant true
        %reduce_min3A_3031 = vector.broadcast %reduce_min3A_3030 : i1 to vector<16xi1>
        %reduce_min3A_3032 = arith.constant -2147483648 : i32
        %reduce_min3A_3033 = vector.broadcast %reduce_min3A_3032 : i32 to vector<16xi32>
        %reduce_min3A_3034 = arith.xori %add3A_3029, %reduce_min3A_3033 : vector<16xi32>
        %reduce_min3A_3035 = tpu.scan <min>, %reduce_min3A_3034 masked %reduce_min3A_3031 : vector<16xi32>, vector<16xi1> -> vector<16xi32>
        %reduce_min3A_3036 = arith.xori %reduce_min3A_3035, %reduce_min3A_3033 : vector<16xi32>
        %reduce_min3A_3037 = vector.extract %reduce_min3A_3036[15] : i32 from vector<16xi32>
        %shift_right_logical3A_3038 = arith.constant 4 : i32
        %shift_right_logical3A_3039 = arith.shrui %reduce_min3A_3037, %shift_right_logical3A_3038 : i32
        %and3A_3040 = arith.constant 15 : i32
        %and3A_3041 = arith.andi %reduce_min3A_3037, %and3A_3040 : i32
        %broadcast_in_dim3A_3042 = vector.broadcast %scan3A_2851 : i32 to vector<16xi32>
        tpu.vector_store_idx %arg12[%broadcast_in_dim3A_3042], %broadcast_in_dim3A_2861 masked %eq3A_2 : memref<64xf32, #tpu.memory_space<vmem>>[vector<16xi32>], vector<16xf32>, vector<16xi1>
        %add3A_3043 = arith.addi %mul3A_2895, %reduce_min3A_3037 : i32
        %broadcast_in_dim3A_3044 = vector.broadcast %add3A_3043 : i32 to vector<16xi32>
        tpu.vector_store_idx %arg13[%broadcast_in_dim3A_3042], %broadcast_in_dim3A_3044 masked %eq3A_2 : memref<64xi32, #tpu.memory_space<vmem>>[vector<16xi32>], vector<16xi32>, vector<16xi1>
        %mul3A_3045 = arith.constant 16 : i32
        %mul3A_3046 = arith.muli %shift_right_logical3A_3039, %mul3A_3045 : i32
        %get3A_3047 = arith.index_cast %reduce_min3A_2893 : i32 to index
        %get3A_3048 = arith.index_cast %mul3A_3046 : i32 to index
        %get3A_3049 = tpu.vector_load %arg11[%get3A_3047, %get3A_3048] {strides = array<i32>} : memref<64x256xf32, #tpu.memory_space<vmem>>, vector<16xf32>,
        %broadcast_in_dim3A_3050 = vector.broadcast %and3A_3041 : i32 to vector<16xi32>
        %eq3A_3051 = arith.cmpi eq, %iota3A, %broadcast_in_dim3A_3050 : vector<16xi32>
        %jit3A = arith.constant -1.000000e+30 : f32
        %broadcast_in_dim3A_3052 = vector.broadcast %jit3A : f32 to vector<16xf32>
        %select_n3A_3053 = arith.select %eq3A_3051, %broadcast_in_dim3A_3052, %get3A_3049 : vector<16xi1>, vector<16xf32>
        %mul3A_3054 = arith.constant 16 : i32
        %mul3A_3055 = arith.muli %shift_right_logical3A_3039, %mul3A_3054 : i32
        %swap3A_3056 = arith.index_cast %reduce_min3A_2893 : i32 to index
        %swap3A_3057 = arith.index_cast %mul3A_3055 : i32 to index
        %swap3A_3058 = tpu.vector_load %arg11[%swap3A_3056, %swap3A_3057] {strides = array<i32>} : memref<64x256xf32, #tpu.memory_space<vmem>>, vector<16xf32>,
        tpu.vector_store %arg11[%swap3A_3056, %swap3A_3057], %select_n3A_3053 {strides = array<i32>} : memref<64x256xf32, #tpu.memory_space<vmem>>, vector<16xf32>,
        %get3A_3059 = arith.index_cast %reduce_min3A_2893 : i32 to index
        %get3A_3060 = arith.constant 0 : index
        %get3A_3061 = tpu.vector_load %arg11[%get3A_3059, %get3A_3060] {strides = array<i32>} : memref<64x256xf32, #tpu.memory_space<vmem>>, vector<16xf32>,
        %get3A_3062 = arith.index_cast %reduce_min3A_2893 : i32 to index
        %get3A_3063 = arith.constant 16 : index
        %get3A_3064 = tpu.vector_load %arg11[%get3A_3062, %get3A_3063] {strides = array<i32>} : memref<64x256xf32, #tpu.memory_space<vmem>>, vector<16xf32>,
        %max3A_3065 = arith.maximumf %get3A_3061, %get3A_3064 : vector<16xf32>
        %get3A_3066 = arith.index_cast %reduce_min3A_2893 : i32 to index
        %get3A_3067 = arith.constant 32 : index
        %get3A_3068 = tpu.vector_load %arg11[%get3A_3066, %get3A_3067] {strides = array<i32>} : memref<64x256xf32, #tpu.memory_space<vmem>>, vector<16xf32>,
        %max3A_3069 = arith.maximumf %max3A_3065, %get3A_3068 : vector<16xf32>
        %get3A_3070 = arith.index_cast %reduce_min3A_2893 : i32 to index
        %get3A_3071 = arith.constant 48 : index
        %get3A_3072 = tpu.vector_load %arg11[%get3A_3070, %get3A_3071] {strides = array<i32>} : memref<64x256xf32, #tpu.memory_space<vmem>>, vector<16xf32>,
        %max3A_3073 = arith.maximumf %max3A_3069, %get3A_3072 : vector<16xf32>
        %get3A_3074 = arith.index_cast %reduce_min3A_2893 : i32 to index
        %get3A_3075 = arith.constant 64 : index
        %get3A_3076 = tpu.vector_load %arg11[%get3A_3074, %get3A_3075] {strides = array<i32>} : memref<64x256xf32, #tpu.memory_space<vmem>>, vector<16xf32>,
        %max3A_3077 = arith.maximumf %max3A_3073, %get3A_3076 : vector<16xf32>
        %get3A_3078 = arith.index_cast %reduce_min3A_2893 : i32 to index
        %get3A_3079 = arith.constant 80 : index
        %get3A_3080 = tpu.vector_load %arg11[%get3A_3078, %get3A_3079] {strides = array<i32>} : memref<64x256xf32, #tpu.memory_space<vmem>>, vector<16xf32>,
        %max3A_3081 = arith.maximumf %max3A_3077, %get3A_3080 : vector<16xf32>
        %get3A_3082 = arith.index_cast %reduce_min3A_2893 : i32 to index
        %get3A_3083 = arith.constant 96 : index
        %get3A_3084 = tpu.vector_load %arg11[%get3A_3082, %get3A_3083] {strides = array<i32>} : memref<64x256xf32, #tpu.memory_space<vmem>>, vector<16xf32>,
        %max3A_3085 = arith.maximumf %max3A_3081, %get3A_3084 : vector<16xf32>
        %get3A_3086 = arith.index_cast %reduce_min3A_2893 : i32 to index
        %get3A_3087 = arith.constant 112 : index
        %get3A_3088 = tpu.vector_load %arg11[%get3A_3086, %get3A_3087] {strides = array<i32>} : memref<64x256xf32, #tpu.memory_space<vmem>>, vector<16xf32>,
        %max3A_3089 = arith.maximumf %max3A_3085, %get3A_3088 : vector<16xf32>
        %get3A_3090 = arith.index_cast %reduce_min3A_2893 : i32 to index
        %get3A_3091 = arith.constant 128 : index
        %get3A_3092 = tpu.vector_load %arg11[%get3A_3090, %get3A_3091] {strides = array<i32>} : memref<64x256xf32, #tpu.memory_space<vmem>>, vector<16xf32>,
        %max3A_3093 = arith.maximumf %max3A_3089, %get3A_3092 : vector<16xf32>
        %get3A_3094 = arith.index_cast %reduce_min3A_2893 : i32 to index
        %get3A_3095 = arith.constant 144 : index
        %get3A_3096 = tpu.vector_load %arg11[%get3A_3094, %get3A_3095] {strides = array<i32>} : memref<64x256xf32, #tpu.memory_space<vmem>>, vector<16xf32>,
        %max3A_3097 = arith.maximumf %max3A_3093, %get3A_3096 : vector<16xf32>
        %get3A_3098 = arith.index_cast %reduce_min3A_2893 : i32 to index
        %get3A_3099 = arith.constant 160 : index
        %get3A_3100 = tpu.vector_load %arg11[%get3A_3098, %get3A_3099] {strides = array<i32>} : memref<64x256xf32, #tpu.memory_space<vmem>>, vector<16xf32>,
        %max3A_3101 = arith.maximumf %max3A_3097, %get3A_3100 : vector<16xf32>
        %get3A_3102 = arith.index_cast %reduce_min3A_2893 : i32 to index
        %get3A_3103 = arith.constant 176 : index
        %get3A_3104 = tpu.vector_load %arg11[%get3A_3102, %get3A_3103] {strides = array<i32>} : memref<64x256xf32, #tpu.memory_space<vmem>>, vector<16xf32>,
        %max3A_3105 = arith.maximumf %max3A_3101, %get3A_3104 : vector<16xf32>
        %get3A_3106 = arith.index_cast %reduce_min3A_2893 : i32 to index
        %get3A_3107 = arith.constant 192 : index
        %get3A_3108 = tpu.vector_load %arg11[%get3A_3106, %get3A_3107] {strides = array<i32>} : memref<64x256xf32, #tpu.memory_space<vmem>>, vector<16xf32>,
        %max3A_3109 = arith.maximumf %max3A_3105, %get3A_3108 : vector<16xf32>
        %get3A_3110 = arith.index_cast %reduce_min3A_2893 : i32 to index
        %get3A_3111 = arith.constant 208 : index
        %get3A_3112 = tpu.vector_load %arg11[%get3A_3110, %get3A_3111] {strides = array<i32>} : memref<64x256xf32, #tpu.memory_space<vmem>>, vector<16xf32>,
        %max3A_3113 = arith.maximumf %max3A_3109, %get3A_3112 : vector<16xf32>
        %get3A_3114 = arith.index_cast %reduce_min3A_2893 : i32 to index
        %get3A_3115 = arith.constant 224 : index
        %get3A_3116 = tpu.vector_load %arg11[%get3A_3114, %get3A_3115] {strides = array<i32>} : memref<64x256xf32, #tpu.memory_space<vmem>>, vector<16xf32>,
        %max3A_3117 = arith.maximumf %max3A_3113, %get3A_3116 : vector<16xf32>
        %get3A_3118 = arith.index_cast %reduce_min3A_2893 : i32 to index
        %get3A_3119 = arith.constant 240 : index
        %get3A_3120 = tpu.vector_load %arg11[%get3A_3118, %get3A_3119] {strides = array<i32>} : memref<64x256xf32, #tpu.memory_space<vmem>>, vector<16xf32>,
        %max3A_3121 = arith.maximumf %max3A_3117, %get3A_3120 : vector<16xf32>
        %reduce_max3A_3122 = arith.constant true
        %reduce_max3A_3123 = vector.broadcast %reduce_max3A_3122 : i1 to vector<16xi1>
        %reduce_max3A_3124 = tpu.scan <max>, %max3A_3121 masked %reduce_max3A_3123 : vector<16xf32>, vector<16xi1> -> vector<16xf32>
        %reduce_max3A_3125 = vector.extract %reduce_max3A_3124[15] : f32 from vector<16xf32>
        %broadcast_in_dim3A_3126 = vector.broadcast %reduce_max3A_3125 : f32 to vector<16xf32>
        %broadcast_in_dim3A_3127 = vector.broadcast %reduce_min3A_2893 : i32 to vector<16xi32>
        %add3A_3128 = arith.constant 0 : i32
        %add3A_3129 = vector.broadcast %add3A_3128 : i32 to vector<16xi32>
        %add3A_3130 = arith.addi %iota3A, %add3A_3129 : vector<16xi32>
        %eq3A_3131 = arith.cmpi eq, %add3A_3130, %broadcast_in_dim3A_3127 : vector<16xi32>
        %select_n3A_3132 = arith.select %eq3A_3131, %broadcast_in_dim3A_3126, %scan3A_2852 : vector<16xi1>, vector<16xf32>
        %add3A_3133 = arith.constant 16 : i32
        %add3A_3134 = vector.broadcast %add3A_3133 : i32 to vector<16xi32>
        %add3A_3135 = arith.addi %iota3A, %add3A_3134 : vector<16xi32>
        %eq3A_3136 = arith.cmpi eq, %add3A_3135, %broadcast_in_dim3A_3127 : vector<16xi32>
        %select_n3A_3137 = arith.select %eq3A_3136, %broadcast_in_dim3A_3126, %scan3A_2853 : vector<16xi1>, vector<16xf32>
        %add3A_3138 = arith.constant 32 : i32
        %add3A_3139 = vector.broadcast %add3A_3138 : i32 to vector<16xi32>
        %add3A_3140 = arith.addi %iota3A, %add3A_3139 : vector<16xi32>
        %eq3A_3141 = arith.cmpi eq, %add3A_3140, %broadcast_in_dim3A_3127 : vector<16xi32>
        %select_n3A_3142 = arith.select %eq3A_3141, %broadcast_in_dim3A_3126, %scan3A_2854 : vector<16xi1>, vector<16xf32>
        %add3A_3143 = arith.constant 48 : i32
        %add3A_3144 = vector.broadcast %add3A_3143 : i32 to vector<16xi32>
        %add3A_3145 = arith.addi %iota3A, %add3A_3144 : vector<16xi32>
        %eq3A_3146 = arith.cmpi eq, %add3A_3145, %broadcast_in_dim3A_3127 : vector<16xi32>
        %select_n3A_3147 = arith.select %eq3A_3146, %broadcast_in_dim3A_3126, %scan3A_2855 : vector<16xi1>, vector<16xf32>
        scf.yield %select_n3A_3132, %select_n3A_3137, %select_n3A_3142, %select_n3A_3147 : vector<16xf32>, vector<16xf32>, vector<16xf32>, vector<16xf32>
      }
      %scan3A_157 = arith.constant 50 : i32
      %get3A_158 = arith.constant 0 : index
      %get3A_159 = tpu.vector_load %arg13[%get3A_158] {strides = array<i32>} : memref<64xi32, #tpu.memory_space<vmem>>, vector<16xi32>,
      %shift_right_logical3A = arith.constant 8 : i32
      %shift_right_logical3A_160 = vector.broadcast %shift_right_logical3A : i32 to vector<16xi32>
      %shift_right_logical3A_161 = arith.shrui %get3A_159, %shift_right_logical3A_160 : vector<16xi32>
      %and3A = arith.constant 255 : i32
      %and3A_162 = vector.broadcast %and3A : i32 to vector<16xi32>
      %and3A_163 = arith.andi %get3A_159, %and3A_162 : vector<16xi32>
      %gather3A = tpu.vector_load_idx %arg9[%shift_right_logical3A_161] : memref<64xi32, #tpu.memory_space<vmem>>[vector<16xi32>], vector<16xi32>,
      %mul3A_164 = arith.constant 256 : i32
      %mul3A_165 = vector.broadcast %mul3A_164 : i32 to vector<16xi32>
      %mul3A_166 = arith.muli %gather3A, %mul3A_165 : vector<16xi32>
      %add3A_167 = arith.addi %mul3A_166, %and3A_163 : vector<16xi32>
      %swap3A_168 = arith.constant 0 : index
      %swap3A_169 = tpu.vector_load %arg13[%swap3A_168] {strides = array<i32>} : memref<64xi32, #tpu.memory_space<vmem>>, vector<16xi32>,
      tpu.vector_store %arg13[%swap3A_168], %add3A_167 {strides = array<i32>} : memref<64xi32, #tpu.memory_space<vmem>>, vector<16xi32>,
      %get3A_170 = arith.constant 16 : index
      %get3A_171 = tpu.vector_load %arg13[%get3A_170] {strides = array<i32>} : memref<64xi32, #tpu.memory_space<vmem>>, vector<16xi32>,
      %shift_right_logical3A_172 = arith.constant 8 : i32
      %shift_right_logical3A_173 = vector.broadcast %shift_right_logical3A_172 : i32 to vector<16xi32>
      %shift_right_logical3A_174 = arith.shrui %get3A_171, %shift_right_logical3A_173 : vector<16xi32>
      %and3A_175 = arith.constant 255 : i32
      %and3A_176 = vector.broadcast %and3A_175 : i32 to vector<16xi32>
      %and3A_177 = arith.andi %get3A_171, %and3A_176 : vector<16xi32>
      %gather3A_178 = tpu.vector_load_idx %arg9[%shift_right_logical3A_174] : memref<64xi32, #tpu.memory_space<vmem>>[vector<16xi32>], vector<16xi32>,
      %mul3A_179 = arith.constant 256 : i32
      %mul3A_180 = vector.broadcast %mul3A_179 : i32 to vector<16xi32>
      %mul3A_181 = arith.muli %gather3A_178, %mul3A_180 : vector<16xi32>
      %add3A_182 = arith.addi %mul3A_181, %and3A_177 : vector<16xi32>
      %swap3A_183 = arith.constant 16 : index
      %swap3A_184 = tpu.vector_load %arg13[%swap3A_183] {strides = array<i32>} : memref<64xi32, #tpu.memory_space<vmem>>, vector<16xi32>,
      tpu.vector_store %arg13[%swap3A_183], %add3A_182 {strides = array<i32>} : memref<64xi32, #tpu.memory_space<vmem>>, vector<16xi32>,
      %get3A_185 = arith.constant 32 : index
      %get3A_186 = tpu.vector_load %arg13[%get3A_185] {strides = array<i32>} : memref<64xi32, #tpu.memory_space<vmem>>, vector<16xi32>,
      %shift_right_logical3A_187 = arith.constant 8 : i32
      %shift_right_logical3A_188 = vector.broadcast %shift_right_logical3A_187 : i32 to vector<16xi32>
      %shift_right_logical3A_189 = arith.shrui %get3A_186, %shift_right_logical3A_188 : vector<16xi32>
      %and3A_190 = arith.constant 255 : i32
      %and3A_191 = vector.broadcast %and3A_190 : i32 to vector<16xi32>
      %and3A_192 = arith.andi %get3A_186, %and3A_191 : vector<16xi32>
      %gather3A_193 = tpu.vector_load_idx %arg9[%shift_right_logical3A_189] : memref<64xi32, #tpu.memory_space<vmem>>[vector<16xi32>], vector<16xi32>,
      %mul3A_194 = arith.constant 256 : i32
      %mul3A_195 = vector.broadcast %mul3A_194 : i32 to vector<16xi32>
      %mul3A_196 = arith.muli %gather3A_193, %mul3A_195 : vector<16xi32>
      %add3A_197 = arith.addi %mul3A_196, %and3A_192 : vector<16xi32>
      %swap3A_198 = arith.constant 32 : index
      %swap3A_199 = tpu.vector_load %arg13[%swap3A_198] {strides = array<i32>} : memref<64xi32, #tpu.memory_space<vmem>>, vector<16xi32>,
      tpu.vector_store %arg13[%swap3A_198], %add3A_197 {strides = array<i32>} : memref<64xi32, #tpu.memory_space<vmem>>, vector<16xi32>,
      %get3A_200 = arith.constant 48 : index
      %get3A_201 = tpu.vector_load %arg13[%get3A_200] {strides = array<i32>} : memref<64xi32, #tpu.memory_space<vmem>>, vector<16xi32>,
      %shift_right_logical3A_202 = arith.constant 8 : i32
      %shift_right_logical3A_203 = vector.broadcast %shift_right_logical3A_202 : i32 to vector<16xi32>
      %shift_right_logical3A_204 = arith.shrui %get3A_201, %shift_right_logical3A_203 : vector<16xi32>
      %and3A_205 = arith.constant 255 : i32
      %and3A_206 = vector.broadcast %and3A_205 : i32 to vector<16xi32>
      %and3A_207 = arith.andi %get3A_201, %and3A_206 : vector<16xi32>
      %gather3A_208 = tpu.vector_load_idx %arg9[%shift_right_logical3A_204] : memref<64xi32, #tpu.memory_space<vmem>>[vector<16xi32>], vector<16xi32>,
      %mul3A_209 = arith.constant 256 : i32
      %mul3A_210 = vector.broadcast %mul3A_209 : i32 to vector<16xi32>
      %mul3A_211 = arith.muli %gather3A_208, %mul3A_210 : vector<16xi32>
      %add3A_212 = arith.addi %mul3A_211, %and3A_207 : vector<16xi32>
      %swap3A_213 = arith.constant 48 : index
      %swap3A_214 = tpu.vector_load %arg13[%swap3A_213] {strides = array<i32>} : memref<64xi32, #tpu.memory_space<vmem>>, vector<16xi32>,
      tpu.vector_store %arg13[%swap3A_213], %add3A_212 {strides = array<i32>} : memref<64xi32, #tpu.memory_space<vmem>>, vector<16xi32>,
      %get3A_215 = arith.constant 0 : index
      %get3A_216 = tpu.vector_load %arg12[%get3A_215] {strides = array<i32>} : memref<64xf32, #tpu.memory_space<vmem>>, vector<16xf32>,
      %slice3A = vector.extract_strided_slice %get3A_216 {offsets = [0], sizes = [1], strides = [1]} : vector<16xf32> to vector<1xf32>
      %squeeze3A = vector.extract %slice3A[0] : f32 from vector<1xf32>
      %broadcast_in_dim3A_217 = vector.broadcast %squeeze3A : f32 to vector<16xf32>
      %broadcast_in_dim3A_218 = arith.constant 0.000000e+00 : f32
      %broadcast_in_dim3A_219 = vector.broadcast %broadcast_in_dim3A_218 : f32 to vector<16xf32>
      %get3A_220 = arith.constant 0 : index
      %get3A_221 = tpu.vector_load %arg12[%get3A_220] {strides = array<i32>} : memref<64xf32, #tpu.memory_space<vmem>>, vector<16xf32>,
      %sub3A = arith.subf %get3A_221, %broadcast_in_dim3A_217 : vector<16xf32>
      %exp3A = math.exp %sub3A : vector<16xf32>
      %add3A_222 = arith.addf %broadcast_in_dim3A_219, %exp3A : vector<16xf32>
      %get3A_223 = arith.constant 16 : index
      %get3A_224 = tpu.vector_load %arg12[%get3A_223] {strides = array<i32>} : memref<64xf32, #tpu.memory_space<vmem>>, vector<16xf32>,
      %sub3A_225 = arith.subf %get3A_224, %broadcast_in_dim3A_217 : vector<16xf32>
      %exp3A_226 = math.exp %sub3A_225 : vector<16xf32>
      %add3A_227 = arith.addf %add3A_222, %exp3A_226 : vector<16xf32>
      %get3A_228 = arith.constant 32 : index
      %get3A_229 = tpu.vector_load %arg12[%get3A_228] {strides = array<i32>} : memref<64xf32, #tpu.memory_space<vmem>>, vector<16xf32>,
      %sub3A_230 = arith.subf %get3A_229, %broadcast_in_dim3A_217 : vector<16xf32>
      %exp3A_231 = math.exp %sub3A_230 : vector<16xf32>
      %add3A_232 = arith.addf %add3A_227, %exp3A_231 : vector<16xf32>
      %get3A_233 = arith.constant 48 : index
      %get3A_234 = tpu.vector_load %arg12[%get3A_233] {strides = array<i32>} : memref<64xf32, #tpu.memory_space<vmem>>, vector<16xf32>,
      %sub3A_235 = arith.subf %get3A_234, %broadcast_in_dim3A_217 : vector<16xf32>
      %exp3A_236 = math.exp %sub3A_235 : vector<16xf32>
      %add3A_237 = arith.addf %add3A_232, %exp3A_236 : vector<16xf32>
      %reduce_sum3A = arith.constant true
      %reduce_sum3A_238 = vector.broadcast %reduce_sum3A : i1 to vector<16xi1>
      %reduce_sum3A_239 = tpu.scan <sum>, %add3A_237 masked %reduce_sum3A_238 : vector<16xf32>, vector<16xi1> -> vector<16xf32>
      %reduce_sum3A_240 = vector.extract %reduce_sum3A_239[15] : f32 from vector<16xf32>
      %broadcast_in_dim3A_241 = vector.broadcast %reduce_sum3A_240 : f32 to vector<16xf32>
      %div3A = arith.divf %exp3A, %broadcast_in_dim3A_241 : vector<16xf32>
      %div3A_242 = arith.divf %exp3A_226, %broadcast_in_dim3A_241 : vector<16xf32>
      %div3A_243 = arith.divf %exp3A_231, %broadcast_in_dim3A_241 : vector<16xf32>
      %div3A_244 = arith.divf %exp3A_236, %broadcast_in_dim3A_241 : vector<16xf32>
      %dma_start3A_245 = arith.constant 0 : i32
      %dma_start3A_246 = arith.constant 0 : i32
      %dma_start3A_247 = tpu.memref_slice %arg3[%dma_start3A_245, %dma_start3A_246] : memref<36096x128xf32, #tpu.memory_space<hbm>> -> memref<36096x128xf32, #tpu.memory_space<hbm>>
      tpu.enqueue_indirect_dma source(%dma_start3A_247 : memref<36096x128xf32, #tpu.memory_space<hbm>>) target(%arg14 : memref<64x128xf32, #tpu.memory_space<vmem>>) offsets(%arg13 : memref<64xi32, #tpu.memory_space<vmem>>) semaphore(%arg16 : memref<!tpu.dma_semaphore, #tpu.memory_space<semaphore_mem>>)
      %dma_wait3A_248 = arith.constant 0 : i32
      %dma_wait3A_249 = arith.constant 0 : i32
      %dma_wait3A_250 = tpu.memref_slice %arg3[%dma_wait3A_248, %dma_wait3A_249] : memref<36096x128xf32, #tpu.memory_space<hbm>> -> memref<36096x128xf32, #tpu.memory_space<hbm>>
      tpu.wait_indirect_dma semaphore(%arg16 : memref<!tpu.dma_semaphore, #tpu.memory_space<semaphore_mem>>) src(%dma_wait3A_250 : memref<36096x128xf32, #tpu.memory_space<hbm>>) dst(%arg14 : memref<64x128xf32, #tpu.memory_space<vmem>>)
      %broadcast_in_dim3A_251 = arith.constant 0.000000e+00 : f32
      %broadcast_in_dim3A_252 = vector.broadcast %broadcast_in_dim3A_251 : f32 to vector<16xf32>
      %broadcast_in_dim3A_253 = arith.constant 0.000000e+00 : f32
      %broadcast_in_dim3A_254 = vector.broadcast %broadcast_in_dim3A_253 : f32 to vector<16xf32>
      %broadcast_in_dim3A_255 = arith.constant 0.000000e+00 : f32
      %broadcast_in_dim3A_256 = vector.broadcast %broadcast_in_dim3A_255 : f32 to vector<16xf32>
      %broadcast_in_dim3A_257 = arith.constant 0.000000e+00 : f32
      %broadcast_in_dim3A_258 = vector.broadcast %broadcast_in_dim3A_257 : f32 to vector<16xf32>
      %broadcast_in_dim3A_259 = arith.constant 0.000000e+00 : f32
      %broadcast_in_dim3A_260 = vector.broadcast %broadcast_in_dim3A_259 : f32 to vector<16xf32>
      %broadcast_in_dim3A_261 = arith.constant 0.000000e+00 : f32
      %broadcast_in_dim3A_262 = vector.broadcast %broadcast_in_dim3A_261 : f32 to vector<16xf32>
      %broadcast_in_dim3A_263 = arith.constant 0.000000e+00 : f32
      %broadcast_in_dim3A_264 = vector.broadcast %broadcast_in_dim3A_263 : f32 to vector<16xf32>
      %broadcast_in_dim3A_265 = arith.constant 0.000000e+00 : f32
      %broadcast_in_dim3A_266 = vector.broadcast %broadcast_in_dim3A_265 : f32 to vector<16xf32>
      %slice3A_267 = vector.extract_strided_slice %div3A {offsets = [0], sizes = [1], strides = [1]} : vector<16xf32> to vector<1xf32>
      %squeeze3A_268 = vector.extract %slice3A_267[0] : f32 from vector<1xf32>
      %broadcast_in_dim3A_269 = vector.broadcast %squeeze3A_268 : f32 to vector<16xf32>
      %get3A_270 = arith.constant 0 : i32
      %get3A_271 = arith.index_cast %get3A_270 : i32 to index
      %get3A_272 = arith.constant 0 : index
      %get3A_273 = tpu.vector_load %arg14[%get3A_271, %get3A_272] {strides = array<i32>} : memref<64x128xf32, #tpu.memory_space<vmem>>, vector<16xf32>,
      %mul3A_274 = arith.mulf %broadcast_in_dim3A_269, %get3A_273 : vector<16xf32>
      %add3A_275 = arith.addf %broadcast_in_dim3A_252, %mul3A_274 : vector<16xf32>
      %get3A_276 = arith.constant 0 : i32
      %get3A_277 = arith.index_cast %get3A_276 : i32 to index
      %get3A_278 = arith.constant 16 : index
      %get3A_279 = tpu.vector_load %arg14[%get3A_277, %get3A_278] {strides = array<i32>} : memref<64x128xf32, #tpu.memory_space<vmem>>, vector<16xf32>,
      %mul3A_280 = arith.mulf %broadcast_in_dim3A_269, %get3A_279 : vector<16xf32>
      %add3A_281 = arith.addf %broadcast_in_dim3A_254, %mul3A_280 : vector<16xf32>
      %get3A_282 = arith.constant 0 : i32
      %get3A_283 = arith.index_cast %get3A_282 : i32 to index
      %get3A_284 = arith.constant 32 : index
      %get3A_285 = tpu.vector_load %arg14[%get3A_283, %get3A_284] {strides = array<i32>} : memref<64x128xf32, #tpu.memory_space<vmem>>, vector<16xf32>,
      %mul3A_286 = arith.mulf %broadcast_in_dim3A_269, %get3A_285 : vector<16xf32>
      %add3A_287 = arith.addf %broadcast_in_dim3A_256, %mul3A_286 : vector<16xf32>
      %get3A_288 = arith.constant 0 : i32
      %get3A_289 = arith.index_cast %get3A_288 : i32 to index
      %get3A_290 = arith.constant 48 : index
      %get3A_291 = tpu.vector_load %arg14[%get3A_289, %get3A_290] {strides = array<i32>} : memref<64x128xf32, #tpu.memory_space<vmem>>, vector<16xf32>,
      %mul3A_292 = arith.mulf %broadcast_in_dim3A_269, %get3A_291 : vector<16xf32>
      %add3A_293 = arith.addf %broadcast_in_dim3A_258, %mul3A_292 : vector<16xf32>
      %get3A_294 = arith.constant 0 : i32
      %get3A_295 = arith.index_cast %get3A_294 : i32 to index
      %get3A_296 = arith.constant 64 : index
      %get3A_297 = tpu.vector_load %arg14[%get3A_295, %get3A_296] {strides = array<i32>} : memref<64x128xf32, #tpu.memory_space<vmem>>, vector<16xf32>,
      %mul3A_298 = arith.mulf %broadcast_in_dim3A_269, %get3A_297 : vector<16xf32>
      %add3A_299 = arith.addf %broadcast_in_dim3A_260, %mul3A_298 : vector<16xf32>
      %get3A_300 = arith.constant 0 : i32
      %get3A_301 = arith.index_cast %get3A_300 : i32 to index
      %get3A_302 = arith.constant 80 : index
      %get3A_303 = tpu.vector_load %arg14[%get3A_301, %get3A_302] {strides = array<i32>} : memref<64x128xf32, #tpu.memory_space<vmem>>, vector<16xf32>,
      %mul3A_304 = arith.mulf %broadcast_in_dim3A_269, %get3A_303 : vector<16xf32>
      %add3A_305 = arith.addf %broadcast_in_dim3A_262, %mul3A_304 : vector<16xf32>
      %get3A_306 = arith.constant 0 : i32
      %get3A_307 = arith.index_cast %get3A_306 : i32 to index
      %get3A_308 = arith.constant 96 : index
      %get3A_309 = tpu.vector_load %arg14[%get3A_307, %get3A_308] {strides = array<i32>} : memref<64x128xf32, #tpu.memory_space<vmem>>, vector<16xf32>,
      %mul3A_310 = arith.mulf %broadcast_in_dim3A_269, %get3A_309 : vector<16xf32>
      %add3A_311 = arith.addf %broadcast_in_dim3A_264, %mul3A_310 : vector<16xf32>
      %get3A_312 = arith.constant 0 : i32
      %get3A_313 = arith.index_cast %get3A_312 : i32 to index
      %get3A_314 = arith.constant 112 : index
      %get3A_315 = tpu.vector_load %arg14[%get3A_313, %get3A_314] {strides = array<i32>} : memref<64x128xf32, #tpu.memory_space<vmem>>, vector<16xf32>,
      %mul3A_316 = arith.mulf %broadcast_in_dim3A_269, %get3A_315 : vector<16xf32>
      %add3A_317 = arith.addf %broadcast_in_dim3A_266, %mul3A_316 : vector<16xf32>
      %slice3A_318 = vector.extract_strided_slice %div3A {offsets = [1], sizes = [1], strides = [1]} : vector<16xf32> to vector<1xf32>
      %squeeze3A_319 = vector.extract %slice3A_318[0] : f32 from vector<1xf32>
      %broadcast_in_dim3A_320 = vector.broadcast %squeeze3A_319 : f32 to vector<16xf32>
      %get3A_321 = arith.constant 1 : i32
      %get3A_322 = arith.index_cast %get3A_321 : i32 to index
      %get3A_323 = arith.constant 0 : index
      %get3A_324 = tpu.vector_load %arg14[%get3A_322, %get3A_323] {strides = array<i32>} : memref<64x128xf32, #tpu.memory_space<vmem>>, vector<16xf32>,
      %mul3A_325 = arith.mulf %broadcast_in_dim3A_320, %get3A_324 : vector<16xf32>
      %add3A_326 = arith.addf %add3A_275, %mul3A_325 : vector<16xf32>
      %get3A_327 = arith.constant 1 : i32
      %get3A_328 = arith.index_cast %get3A_327 : i32 to index
      %get3A_329 = arith.constant 16 : index
      %get3A_330 = tpu.vector_load %arg14[%get3A_328, %get3A_329] {strides = array<i32>} : memref<64x128xf32, #tpu.memory_space<vmem>>, vector<16xf32>,
      %mul3A_331 = arith.mulf %broadcast_in_dim3A_320, %get3A_330 : vector<16xf32>
      %add3A_332 = arith.addf %add3A_281, %mul3A_331 : vector<16xf32>
      %get3A_333 = arith.constant 1 : i32
      %get3A_334 = arith.index_cast %get3A_333 : i32 to index
      %get3A_335 = arith.constant 32 : index
      %get3A_336 = tpu.vector_load %arg14[%get3A_334, %get3A_335] {strides = array<i32>} : memref<64x128xf32, #tpu.memory_space<vmem>>, vector<16xf32>,
      %mul3A_337 = arith.mulf %broadcast_in_dim3A_320, %get3A_336 : vector<16xf32>
      %add3A_338 = arith.addf %add3A_287, %mul3A_337 : vector<16xf32>
      %get3A_339 = arith.constant 1 : i32
      %get3A_340 = arith.index_cast %get3A_339 : i32 to index
      %get3A_341 = arith.constant 48 : index
      %get3A_342 = tpu.vector_load %arg14[%get3A_340, %get3A_341] {strides = array<i32>} : memref<64x128xf32, #tpu.memory_space<vmem>>, vector<16xf32>,
      %mul3A_343 = arith.mulf %broadcast_in_dim3A_320, %get3A_342 : vector<16xf32>
      %add3A_344 = arith.addf %add3A_293, %mul3A_343 : vector<16xf32>
      %get3A_345 = arith.constant 1 : i32
      %get3A_346 = arith.index_cast %get3A_345 : i32 to index
      %get3A_347 = arith.constant 64 : index
      %get3A_348 = tpu.vector_load %arg14[%get3A_346, %get3A_347] {strides = array<i32>} : memref<64x128xf32, #tpu.memory_space<vmem>>, vector<16xf32>,
      %mul3A_349 = arith.mulf %broadcast_in_dim3A_320, %get3A_348 : vector<16xf32>
      %add3A_350 = arith.addf %add3A_299, %mul3A_349 : vector<16xf32>
      %get3A_351 = arith.constant 1 : i32
      %get3A_352 = arith.index_cast %get3A_351 : i32 to index
      %get3A_353 = arith.constant 80 : index
      %get3A_354 = tpu.vector_load %arg14[%get3A_352, %get3A_353] {strides = array<i32>} : memref<64x128xf32, #tpu.memory_space<vmem>>, vector<16xf32>,
      %mul3A_355 = arith.mulf %broadcast_in_dim3A_320, %get3A_354 : vector<16xf32>
      %add3A_356 = arith.addf %add3A_305, %mul3A_355 : vector<16xf32>
      %get3A_357 = arith.constant 1 : i32
      %get3A_358 = arith.index_cast %get3A_357 : i32 to index
      %get3A_359 = arith.constant 96 : index
      %get3A_360 = tpu.vector_load %arg14[%get3A_358, %get3A_359] {strides = array<i32>} : memref<64x128xf32, #tpu.memory_space<vmem>>, vector<16xf32>,
      %mul3A_361 = arith.mulf %broadcast_in_dim3A_320, %get3A_360 : vector<16xf32>
      %add3A_362 = arith.addf %add3A_311, %mul3A_361 : vector<16xf32>
      %get3A_363 = arith.constant 1 : i32
      %get3A_364 = arith.index_cast %get3A_363 : i32 to index
      %get3A_365 = arith.constant 112 : index
      %get3A_366 = tpu.vector_load %arg14[%get3A_364, %get3A_365] {strides = array<i32>} : memref<64x128xf32, #tpu.memory_space<vmem>>, vector<16xf32>,
      %mul3A_367 = arith.mulf %broadcast_in_dim3A_320, %get3A_366 : vector<16xf32>
      %add3A_368 = arith.addf %add3A_317, %mul3A_367 : vector<16xf32>
      %slice3A_369 = vector.extract_strided_slice %div3A {offsets = [2], sizes = [1], strides = [1]} : vector<16xf32> to vector<1xf32>
      %squeeze3A_370 = vector.extract %slice3A_369[0] : f32 from vector<1xf32>
      %broadcast_in_dim3A_371 = vector.broadcast %squeeze3A_370 : f32 to vector<16xf32>
      %get3A_372 = arith.constant 2 : i32
      %get3A_373 = arith.index_cast %get3A_372 : i32 to index
      %get3A_374 = arith.constant 0 : index
      %get3A_375 = tpu.vector_load %arg14[%get3A_373, %get3A_374] {strides = array<i32>} : memref<64x128xf32, #tpu.memory_space<vmem>>, vector<16xf32>,
      %mul3A_376 = arith.mulf %broadcast_in_dim3A_371, %get3A_375 : vector<16xf32>
      %add3A_377 = arith.addf %add3A_326, %mul3A_376 : vector<16xf32>
      %get3A_378 = arith.constant 2 : i32
      %get3A_379 = arith.index_cast %get3A_378 : i32 to index
      %get3A_380 = arith.constant 16 : index
      %get3A_381 = tpu.vector_load %arg14[%get3A_379, %get3A_380] {strides = array<i32>} : memref<64x128xf32, #tpu.memory_space<vmem>>, vector<16xf32>,
      %mul3A_382 = arith.mulf %broadcast_in_dim3A_371, %get3A_381 : vector<16xf32>
      %add3A_383 = arith.addf %add3A_332, %mul3A_382 : vector<16xf32>
      %get3A_384 = arith.constant 2 : i32
      %get3A_385 = arith.index_cast %get3A_384 : i32 to index
      %get3A_386 = arith.constant 32 : index
      %get3A_387 = tpu.vector_load %arg14[%get3A_385, %get3A_386] {strides = array<i32>} : memref<64x128xf32, #tpu.memory_space<vmem>>, vector<16xf32>,
      %mul3A_388 = arith.mulf %broadcast_in_dim3A_371, %get3A_387 : vector<16xf32>
      %add3A_389 = arith.addf %add3A_338, %mul3A_388 : vector<16xf32>
      %get3A_390 = arith.constant 2 : i32
      %get3A_391 = arith.index_cast %get3A_390 : i32 to index
      %get3A_392 = arith.constant 48 : index
      %get3A_393 = tpu.vector_load %arg14[%get3A_391, %get3A_392] {strides = array<i32>} : memref<64x128xf32, #tpu.memory_space<vmem>>, vector<16xf32>,
      %mul3A_394 = arith.mulf %broadcast_in_dim3A_371, %get3A_393 : vector<16xf32>
      %add3A_395 = arith.addf %add3A_344, %mul3A_394 : vector<16xf32>
      %get3A_396 = arith.constant 2 : i32
      %get3A_397 = arith.index_cast %get3A_396 : i32 to index
      %get3A_398 = arith.constant 64 : index
      %get3A_399 = tpu.vector_load %arg14[%get3A_397, %get3A_398] {strides = array<i32>} : memref<64x128xf32, #tpu.memory_space<vmem>>, vector<16xf32>,
      %mul3A_400 = arith.mulf %broadcast_in_dim3A_371, %get3A_399 : vector<16xf32>
      %add3A_401 = arith.addf %add3A_350, %mul3A_400 : vector<16xf32>
      %get3A_402 = arith.constant 2 : i32
      %get3A_403 = arith.index_cast %get3A_402 : i32 to index
      %get3A_404 = arith.constant 80 : index
      %get3A_405 = tpu.vector_load %arg14[%get3A_403, %get3A_404] {strides = array<i32>} : memref<64x128xf32, #tpu.memory_space<vmem>>, vector<16xf32>,
      %mul3A_406 = arith.mulf %broadcast_in_dim3A_371, %get3A_405 : vector<16xf32>
      %add3A_407 = arith.addf %add3A_356, %mul3A_406 : vector<16xf32>
      %get3A_408 = arith.constant 2 : i32
      %get3A_409 = arith.index_cast %get3A_408 : i32 to index
      %get3A_410 = arith.constant 96 : index
      %get3A_411 = tpu.vector_load %arg14[%get3A_409, %get3A_410] {strides = array<i32>} : memref<64x128xf32, #tpu.memory_space<vmem>>, vector<16xf32>,
      %mul3A_412 = arith.mulf %broadcast_in_dim3A_371, %get3A_411 : vector<16xf32>
      %add3A_413 = arith.addf %add3A_362, %mul3A_412 : vector<16xf32>
      %get3A_414 = arith.constant 2 : i32
      %get3A_415 = arith.index_cast %get3A_414 : i32 to index
      %get3A_416 = arith.constant 112 : index
      %get3A_417 = tpu.vector_load %arg14[%get3A_415, %get3A_416] {strides = array<i32>} : memref<64x128xf32, #tpu.memory_space<vmem>>, vector<16xf32>,
      %mul3A_418 = arith.mulf %broadcast_in_dim3A_371, %get3A_417 : vector<16xf32>
      %add3A_419 = arith.addf %add3A_368, %mul3A_418 : vector<16xf32>
      %slice3A_420 = vector.extract_strided_slice %div3A {offsets = [3], sizes = [1], strides = [1]} : vector<16xf32> to vector<1xf32>
      %squeeze3A_421 = vector.extract %slice3A_420[0] : f32 from vector<1xf32>
      %broadcast_in_dim3A_422 = vector.broadcast %squeeze3A_421 : f32 to vector<16xf32>
      %get3A_423 = arith.constant 3 : i32
      %get3A_424 = arith.index_cast %get3A_423 : i32 to index
      %get3A_425 = arith.constant 0 : index
      %get3A_426 = tpu.vector_load %arg14[%get3A_424, %get3A_425] {strides = array<i32>} : memref<64x128xf32, #tpu.memory_space<vmem>>, vector<16xf32>,
      %mul3A_427 = arith.mulf %broadcast_in_dim3A_422, %get3A_426 : vector<16xf32>
      %add3A_428 = arith.addf %add3A_377, %mul3A_427 : vector<16xf32>
      %get3A_429 = arith.constant 3 : i32
      %get3A_430 = arith.index_cast %get3A_429 : i32 to index
      %get3A_431 = arith.constant 16 : index
      %get3A_432 = tpu.vector_load %arg14[%get3A_430, %get3A_431] {strides = array<i32>} : memref<64x128xf32, #tpu.memory_space<vmem>>, vector<16xf32>,
      %mul3A_433 = arith.mulf %broadcast_in_dim3A_422, %get3A_432 : vector<16xf32>
      %add3A_434 = arith.addf %add3A_383, %mul3A_433 : vector<16xf32>
      %get3A_435 = arith.constant 3 : i32
      %get3A_436 = arith.index_cast %get3A_435 : i32 to index
      %get3A_437 = arith.constant 32 : index
      %get3A_438 = tpu.vector_load %arg14[%get3A_436, %get3A_437] {strides = array<i32>} : memref<64x128xf32, #tpu.memory_space<vmem>>, vector<16xf32>,
      %mul3A_439 = arith.mulf %broadcast_in_dim3A_422, %get3A_438 : vector<16xf32>
      %add3A_440 = arith.addf %add3A_389, %mul3A_439 : vector<16xf32>
      %get3A_441 = arith.constant 3 : i32
      %get3A_442 = arith.index_cast %get3A_441 : i32 to index
      %get3A_443 = arith.constant 48 : index
      %get3A_444 = tpu.vector_load %arg14[%get3A_442, %get3A_443] {strides = array<i32>} : memref<64x128xf32, #tpu.memory_space<vmem>>, vector<16xf32>,
      %mul3A_445 = arith.mulf %broadcast_in_dim3A_422, %get3A_444 : vector<16xf32>
      %add3A_446 = arith.addf %add3A_395, %mul3A_445 : vector<16xf32>
      %get3A_447 = arith.constant 3 : i32
      %get3A_448 = arith.index_cast %get3A_447 : i32 to index
      %get3A_449 = arith.constant 64 : index
      %get3A_450 = tpu.vector_load %arg14[%get3A_448, %get3A_449] {strides = array<i32>} : memref<64x128xf32, #tpu.memory_space<vmem>>, vector<16xf32>,
      %mul3A_451 = arith.mulf %broadcast_in_dim3A_422, %get3A_450 : vector<16xf32>
      %add3A_452 = arith.addf %add3A_401, %mul3A_451 : vector<16xf32>
      %get3A_453 = arith.constant 3 : i32
      %get3A_454 = arith.index_cast %get3A_453 : i32 to index
      %get3A_455 = arith.constant 80 : index
      %get3A_456 = tpu.vector_load %arg14[%get3A_454, %get3A_455] {strides = array<i32>} : memref<64x128xf32, #tpu.memory_space<vmem>>, vector<16xf32>,
      %mul3A_457 = arith.mulf %broadcast_in_dim3A_422, %get3A_456 : vector<16xf32>
      %add3A_458 = arith.addf %add3A_407, %mul3A_457 : vector<16xf32>
      %get3A_459 = arith.constant 3 : i32
      %get3A_460 = arith.index_cast %get3A_459 : i32 to index
      %get3A_461 = arith.constant 96 : index
      %get3A_462 = tpu.vector_load %arg14[%get3A_460, %get3A_461] {strides = array<i32>} : memref<64x128xf32, #tpu.memory_space<vmem>>, vector<16xf32>,
      %mul3A_463 = arith.mulf %broadcast_in_dim3A_422, %get3A_462 : vector<16xf32>
      %add3A_464 = arith.addf %add3A_413, %mul3A_463 : vector<16xf32>
      %get3A_465 = arith.constant 3 : i32
      %get3A_466 = arith.index_cast %get3A_465 : i32 to index
      %get3A_467 = arith.constant 112 : index
      %get3A_468 = tpu.vector_load %arg14[%get3A_466, %get3A_467] {strides = array<i32>} : memref<64x128xf32, #tpu.memory_space<vmem>>, vector<16xf32>,
      %mul3A_469 = arith.mulf %broadcast_in_dim3A_422, %get3A_468 : vector<16xf32>
      %add3A_470 = arith.addf %add3A_419, %mul3A_469 : vector<16xf32>
      %slice3A_471 = vector.extract_strided_slice %div3A {offsets = [4], sizes = [1], strides = [1]} : vector<16xf32> to vector<1xf32>
      %squeeze3A_472 = vector.extract %slice3A_471[0] : f32 from vector<1xf32>
      %broadcast_in_dim3A_473 = vector.broadcast %squeeze3A_472 : f32 to vector<16xf32>
      %get3A_474 = arith.constant 4 : i32
      %get3A_475 = arith.index_cast %get3A_474 : i32 to index
      %get3A_476 = arith.constant 0 : index
      %get3A_477 = tpu.vector_load %arg14[%get3A_475, %get3A_476] {strides = array<i32>} : memref<64x128xf32, #tpu.memory_space<vmem>>, vector<16xf32>,
      %mul3A_478 = arith.mulf %broadcast_in_dim3A_473, %get3A_477 : vector<16xf32>
      %add3A_479 = arith.addf %add3A_428, %mul3A_478 : vector<16xf32>
      %get3A_480 = arith.constant 4 : i32
      %get3A_481 = arith.index_cast %get3A_480 : i32 to index
      %get3A_482 = arith.constant 16 : index
      %get3A_483 = tpu.vector_load %arg14[%get3A_481, %get3A_482] {strides = array<i32>} : memref<64x128xf32, #tpu.memory_space<vmem>>, vector<16xf32>,
      %mul3A_484 = arith.mulf %broadcast_in_dim3A_473, %get3A_483 : vector<16xf32>
      %add3A_485 = arith.addf %add3A_434, %mul3A_484 : vector<16xf32>
      %get3A_486 = arith.constant 4 : i32
      %get3A_487 = arith.index_cast %get3A_486 : i32 to index
      %get3A_488 = arith.constant 32 : index
      %get3A_489 = tpu.vector_load %arg14[%get3A_487, %get3A_488] {strides = array<i32>} : memref<64x128xf32, #tpu.memory_space<vmem>>, vector<16xf32>,
      %mul3A_490 = arith.mulf %broadcast_in_dim3A_473, %get3A_489 : vector<16xf32>
      %add3A_491 = arith.addf %add3A_440, %mul3A_490 : vector<16xf32>
      %get3A_492 = arith.constant 4 : i32
      %get3A_493 = arith.index_cast %get3A_492 : i32 to index
      %get3A_494 = arith.constant 48 : index
      %get3A_495 = tpu.vector_load %arg14[%get3A_493, %get3A_494] {strides = array<i32>} : memref<64x128xf32, #tpu.memory_space<vmem>>, vector<16xf32>,
      %mul3A_496 = arith.mulf %broadcast_in_dim3A_473, %get3A_495 : vector<16xf32>
      %add3A_497 = arith.addf %add3A_446, %mul3A_496 : vector<16xf32>
      %get3A_498 = arith.constant 4 : i32
      %get3A_499 = arith.index_cast %get3A_498 : i32 to index
      %get3A_500 = arith.constant 64 : index
      %get3A_501 = tpu.vector_load %arg14[%get3A_499, %get3A_500] {strides = array<i32>} : memref<64x128xf32, #tpu.memory_space<vmem>>, vector<16xf32>,
      %mul3A_502 = arith.mulf %broadcast_in_dim3A_473, %get3A_501 : vector<16xf32>
      %add3A_503 = arith.addf %add3A_452, %mul3A_502 : vector<16xf32>
      %get3A_504 = arith.constant 4 : i32
      %get3A_505 = arith.index_cast %get3A_504 : i32 to index
      %get3A_506 = arith.constant 80 : index
      %get3A_507 = tpu.vector_load %arg14[%get3A_505, %get3A_506] {strides = array<i32>} : memref<64x128xf32, #tpu.memory_space<vmem>>, vector<16xf32>,
      %mul3A_508 = arith.mulf %broadcast_in_dim3A_473, %get3A_507 : vector<16xf32>
      %add3A_509 = arith.addf %add3A_458, %mul3A_508 : vector<16xf32>
      %get3A_510 = arith.constant 4 : i32
      %get3A_511 = arith.index_cast %get3A_510 : i32 to index
      %get3A_512 = arith.constant 96 : index
      %get3A_513 = tpu.vector_load %arg14[%get3A_511, %get3A_512] {strides = array<i32>} : memref<64x128xf32, #tpu.memory_space<vmem>>, vector<16xf32>,
      %mul3A_514 = arith.mulf %broadcast_in_dim3A_473, %get3A_513 : vector<16xf32>
      %add3A_515 = arith.addf %add3A_464, %mul3A_514 : vector<16xf32>
      %get3A_516 = arith.constant 4 : i32
      %get3A_517 = arith.index_cast %get3A_516 : i32 to index
      %get3A_518 = arith.constant 112 : index
      %get3A_519 = tpu.vector_load %arg14[%get3A_517, %get3A_518] {strides = array<i32>} : memref<64x128xf32, #tpu.memory_space<vmem>>, vector<16xf32>,
      %mul3A_520 = arith.mulf %broadcast_in_dim3A_473, %get3A_519 : vector<16xf32>
      %add3A_521 = arith.addf %add3A_470, %mul3A_520 : vector<16xf32>
      %slice3A_522 = vector.extract_strided_slice %div3A {offsets = [5], sizes = [1], strides = [1]} : vector<16xf32> to vector<1xf32>
      %squeeze3A_523 = vector.extract %slice3A_522[0] : f32 from vector<1xf32>
      %broadcast_in_dim3A_524 = vector.broadcast %squeeze3A_523 : f32 to vector<16xf32>
      %get3A_525 = arith.constant 5 : i32
      %get3A_526 = arith.index_cast %get3A_525 : i32 to index
      %get3A_527 = arith.constant 0 : index
      %get3A_528 = tpu.vector_load %arg14[%get3A_526, %get3A_527] {strides = array<i32>} : memref<64x128xf32, #tpu.memory_space<vmem>>, vector<16xf32>,
      %mul3A_529 = arith.mulf %broadcast_in_dim3A_524, %get3A_528 : vector<16xf32>
      %add3A_530 = arith.addf %add3A_479, %mul3A_529 : vector<16xf32>
      %get3A_531 = arith.constant 5 : i32
      %get3A_532 = arith.index_cast %get3A_531 : i32 to index
      %get3A_533 = arith.constant 16 : index
      %get3A_534 = tpu.vector_load %arg14[%get3A_532, %get3A_533] {strides = array<i32>} : memref<64x128xf32, #tpu.memory_space<vmem>>, vector<16xf32>,
      %mul3A_535 = arith.mulf %broadcast_in_dim3A_524, %get3A_534 : vector<16xf32>
      %add3A_536 = arith.addf %add3A_485, %mul3A_535 : vector<16xf32>
      %get3A_537 = arith.constant 5 : i32
      %get3A_538 = arith.index_cast %get3A_537 : i32 to index
      %get3A_539 = arith.constant 32 : index
      %get3A_540 = tpu.vector_load %arg14[%get3A_538, %get3A_539] {strides = array<i32>} : memref<64x128xf32, #tpu.memory_space<vmem>>, vector<16xf32>,
      %mul3A_541 = arith.mulf %broadcast_in_dim3A_524, %get3A_540 : vector<16xf32>
      %add3A_542 = arith.addf %add3A_491, %mul3A_541 : vector<16xf32>
      %get3A_543 = arith.constant 5 : i32
      %get3A_544 = arith.index_cast %get3A_543 : i32 to index
      %get3A_545 = arith.constant 48 : index
      %get3A_546 = tpu.vector_load %arg14[%get3A_544, %get3A_545] {strides = array<i32>} : memref<64x128xf32, #tpu.memory_space<vmem>>, vector<16xf32>,
      %mul3A_547 = arith.mulf %broadcast_in_dim3A_524, %get3A_546 : vector<16xf32>
      %add3A_548 = arith.addf %add3A_497, %mul3A_547 : vector<16xf32>
      %get3A_549 = arith.constant 5 : i32
      %get3A_550 = arith.index_cast %get3A_549 : i32 to index
      %get3A_551 = arith.constant 64 : index
      %get3A_552 = tpu.vector_load %arg14[%get3A_550, %get3A_551] {strides = array<i32>} : memref<64x128xf32, #tpu.memory_space<vmem>>, vector<16xf32>,
      %mul3A_553 = arith.mulf %broadcast_in_dim3A_524, %get3A_552 : vector<16xf32>
      %add3A_554 = arith.addf %add3A_503, %mul3A_553 : vector<16xf32>
      %get3A_555 = arith.constant 5 : i32
      %get3A_556 = arith.index_cast %get3A_555 : i32 to index
      %get3A_557 = arith.constant 80 : index
      %get3A_558 = tpu.vector_load %arg14[%get3A_556, %get3A_557] {strides = array<i32>} : memref<64x128xf32, #tpu.memory_space<vmem>>, vector<16xf32>,
      %mul3A_559 = arith.mulf %broadcast_in_dim3A_524, %get3A_558 : vector<16xf32>
      %add3A_560 = arith.addf %add3A_509, %mul3A_559 : vector<16xf32>
      %get3A_561 = arith.constant 5 : i32
      %get3A_562 = arith.index_cast %get3A_561 : i32 to index
      %get3A_563 = arith.constant 96 : index
      %get3A_564 = tpu.vector_load %arg14[%get3A_562, %get3A_563] {strides = array<i32>} : memref<64x128xf32, #tpu.memory_space<vmem>>, vector<16xf32>,
      %mul3A_565 = arith.mulf %broadcast_in_dim3A_524, %get3A_564 : vector<16xf32>
      %add3A_566 = arith.addf %add3A_515, %mul3A_565 : vector<16xf32>
      %get3A_567 = arith.constant 5 : i32
      %get3A_568 = arith.index_cast %get3A_567 : i32 to index
      %get3A_569 = arith.constant 112 : index
      %get3A_570 = tpu.vector_load %arg14[%get3A_568, %get3A_569] {strides = array<i32>} : memref<64x128xf32, #tpu.memory_space<vmem>>, vector<16xf32>,
      %mul3A_571 = arith.mulf %broadcast_in_dim3A_524, %get3A_570 : vector<16xf32>
      %add3A_572 = arith.addf %add3A_521, %mul3A_571 : vector<16xf32>
      %slice3A_573 = vector.extract_strided_slice %div3A {offsets = [6], sizes = [1], strides = [1]} : vector<16xf32> to vector<1xf32>
      %squeeze3A_574 = vector.extract %slice3A_573[0] : f32 from vector<1xf32>
      %broadcast_in_dim3A_575 = vector.broadcast %squeeze3A_574 : f32 to vector<16xf32>
      %get3A_576 = arith.constant 6 : i32
      %get3A_577 = arith.index_cast %get3A_576 : i32 to index
      %get3A_578 = arith.constant 0 : index
      %get3A_579 = tpu.vector_load %arg14[%get3A_577, %get3A_578] {strides = array<i32>} : memref<64x128xf32, #tpu.memory_space<vmem>>, vector<16xf32>,
      %mul3A_580 = arith.mulf %broadcast_in_dim3A_575, %get3A_579 : vector<16xf32>
      %add3A_581 = arith.addf %add3A_530, %mul3A_580 : vector<16xf32>
      %get3A_582 = arith.constant 6 : i32
      %get3A_583 = arith.index_cast %get3A_582 : i32 to index
      %get3A_584 = arith.constant 16 : index
      %get3A_585 = tpu.vector_load %arg14[%get3A_583, %get3A_584] {strides = array<i32>} : memref<64x128xf32, #tpu.memory_space<vmem>>, vector<16xf32>,
      %mul3A_586 = arith.mulf %broadcast_in_dim3A_575, %get3A_585 : vector<16xf32>
      %add3A_587 = arith.addf %add3A_536, %mul3A_586 : vector<16xf32>
      %get3A_588 = arith.constant 6 : i32
      %get3A_589 = arith.index_cast %get3A_588 : i32 to index
      %get3A_590 = arith.constant 32 : index
      %get3A_591 = tpu.vector_load %arg14[%get3A_589, %get3A_590] {strides = array<i32>} : memref<64x128xf32, #tpu.memory_space<vmem>>, vector<16xf32>,
      %mul3A_592 = arith.mulf %broadcast_in_dim3A_575, %get3A_591 : vector<16xf32>
      %add3A_593 = arith.addf %add3A_542, %mul3A_592 : vector<16xf32>
      %get3A_594 = arith.constant 6 : i32
      %get3A_595 = arith.index_cast %get3A_594 : i32 to index
      %get3A_596 = arith.constant 48 : index
      %get3A_597 = tpu.vector_load %arg14[%get3A_595, %get3A_596] {strides = array<i32>} : memref<64x128xf32, #tpu.memory_space<vmem>>, vector<16xf32>,
      %mul3A_598 = arith.mulf %broadcast_in_dim3A_575, %get3A_597 : vector<16xf32>
      %add3A_599 = arith.addf %add3A_548, %mul3A_598 : vector<16xf32>
      %get3A_600 = arith.constant 6 : i32
      %get3A_601 = arith.index_cast %get3A_600 : i32 to index
      %get3A_602 = arith.constant 64 : index
      %get3A_603 = tpu.vector_load %arg14[%get3A_601, %get3A_602] {strides = array<i32>} : memref<64x128xf32, #tpu.memory_space<vmem>>, vector<16xf32>,
      %mul3A_604 = arith.mulf %broadcast_in_dim3A_575, %get3A_603 : vector<16xf32>
      %add3A_605 = arith.addf %add3A_554, %mul3A_604 : vector<16xf32>
      %get3A_606 = arith.constant 6 : i32
      %get3A_607 = arith.index_cast %get3A_606 : i32 to index
      %get3A_608 = arith.constant 80 : index
      %get3A_609 = tpu.vector_load %arg14[%get3A_607, %get3A_608] {strides = array<i32>} : memref<64x128xf32, #tpu.memory_space<vmem>>, vector<16xf32>,
      %mul3A_610 = arith.mulf %broadcast_in_dim3A_575, %get3A_609 : vector<16xf32>
      %add3A_611 = arith.addf %add3A_560, %mul3A_610 : vector<16xf32>
      %get3A_612 = arith.constant 6 : i32
      %get3A_613 = arith.index_cast %get3A_612 : i32 to index
      %get3A_614 = arith.constant 96 : index
      %get3A_615 = tpu.vector_load %arg14[%get3A_613, %get3A_614] {strides = array<i32>} : memref<64x128xf32, #tpu.memory_space<vmem>>, vector<16xf32>,
      %mul3A_616 = arith.mulf %broadcast_in_dim3A_575, %get3A_615 : vector<16xf32>
      %add3A_617 = arith.addf %add3A_566, %mul3A_616 : vector<16xf32>
      %get3A_618 = arith.constant 6 : i32
      %get3A_619 = arith.index_cast %get3A_618 : i32 to index
      %get3A_620 = arith.constant 112 : index
      %get3A_621 = tpu.vector_load %arg14[%get3A_619, %get3A_620] {strides = array<i32>} : memref<64x128xf32, #tpu.memory_space<vmem>>, vector<16xf32>,
      %mul3A_622 = arith.mulf %broadcast_in_dim3A_575, %get3A_621 : vector<16xf32>
      %add3A_623 = arith.addf %add3A_572, %mul3A_622 : vector<16xf32>
      %slice3A_624 = vector.extract_strided_slice %div3A {offsets = [7], sizes = [1], strides = [1]} : vector<16xf32> to vector<1xf32>
      %squeeze3A_625 = vector.extract %slice3A_624[0] : f32 from vector<1xf32>
      %broadcast_in_dim3A_626 = vector.broadcast %squeeze3A_625 : f32 to vector<16xf32>
      %get3A_627 = arith.constant 7 : i32
      %get3A_628 = arith.index_cast %get3A_627 : i32 to index
      %get3A_629 = arith.constant 0 : index
      %get3A_630 = tpu.vector_load %arg14[%get3A_628, %get3A_629] {strides = array<i32>} : memref<64x128xf32, #tpu.memory_space<vmem>>, vector<16xf32>,
      %mul3A_631 = arith.mulf %broadcast_in_dim3A_626, %get3A_630 : vector<16xf32>
      %add3A_632 = arith.addf %add3A_581, %mul3A_631 : vector<16xf32>
      %get3A_633 = arith.constant 7 : i32
      %get3A_634 = arith.index_cast %get3A_633 : i32 to index
      %get3A_635 = arith.constant 16 : index
      %get3A_636 = tpu.vector_load %arg14[%get3A_634, %get3A_635] {strides = array<i32>} : memref<64x128xf32, #tpu.memory_space<vmem>>, vector<16xf32>,
      %mul3A_637 = arith.mulf %broadcast_in_dim3A_626, %get3A_636 : vector<16xf32>
      %add3A_638 = arith.addf %add3A_587, %mul3A_637 : vector<16xf32>
      %get3A_639 = arith.constant 7 : i32
      %get3A_640 = arith.index_cast %get3A_639 : i32 to index
      %get3A_641 = arith.constant 32 : index
      %get3A_642 = tpu.vector_load %arg14[%get3A_640, %get3A_641] {strides = array<i32>} : memref<64x128xf32, #tpu.memory_space<vmem>>, vector<16xf32>,
      %mul3A_643 = arith.mulf %broadcast_in_dim3A_626, %get3A_642 : vector<16xf32>
      %add3A_644 = arith.addf %add3A_593, %mul3A_643 : vector<16xf32>
      %get3A_645 = arith.constant 7 : i32
      %get3A_646 = arith.index_cast %get3A_645 : i32 to index
      %get3A_647 = arith.constant 48 : index
      %get3A_648 = tpu.vector_load %arg14[%get3A_646, %get3A_647] {strides = array<i32>} : memref<64x128xf32, #tpu.memory_space<vmem>>, vector<16xf32>,
      %mul3A_649 = arith.mulf %broadcast_in_dim3A_626, %get3A_648 : vector<16xf32>
      %add3A_650 = arith.addf %add3A_599, %mul3A_649 : vector<16xf32>
      %get3A_651 = arith.constant 7 : i32
      %get3A_652 = arith.index_cast %get3A_651 : i32 to index
      %get3A_653 = arith.constant 64 : index
      %get3A_654 = tpu.vector_load %arg14[%get3A_652, %get3A_653] {strides = array<i32>} : memref<64x128xf32, #tpu.memory_space<vmem>>, vector<16xf32>,
      %mul3A_655 = arith.mulf %broadcast_in_dim3A_626, %get3A_654 : vector<16xf32>
      %add3A_656 = arith.addf %add3A_605, %mul3A_655 : vector<16xf32>
      %get3A_657 = arith.constant 7 : i32
      %get3A_658 = arith.index_cast %get3A_657 : i32 to index
      %get3A_659 = arith.constant 80 : index
      %get3A_660 = tpu.vector_load %arg14[%get3A_658, %get3A_659] {strides = array<i32>} : memref<64x128xf32, #tpu.memory_space<vmem>>, vector<16xf32>,
      %mul3A_661 = arith.mulf %broadcast_in_dim3A_626, %get3A_660 : vector<16xf32>
      %add3A_662 = arith.addf %add3A_611, %mul3A_661 : vector<16xf32>
      %get3A_663 = arith.constant 7 : i32
      %get3A_664 = arith.index_cast %get3A_663 : i32 to index
      %get3A_665 = arith.constant 96 : index
      %get3A_666 = tpu.vector_load %arg14[%get3A_664, %get3A_665] {strides = array<i32>} : memref<64x128xf32, #tpu.memory_space<vmem>>, vector<16xf32>,
      %mul3A_667 = arith.mulf %broadcast_in_dim3A_626, %get3A_666 : vector<16xf32>
      %add3A_668 = arith.addf %add3A_617, %mul3A_667 : vector<16xf32>
      %get3A_669 = arith.constant 7 : i32
      %get3A_670 = arith.index_cast %get3A_669 : i32 to index
      %get3A_671 = arith.constant 112 : index
      %get3A_672 = tpu.vector_load %arg14[%get3A_670, %get3A_671] {strides = array<i32>} : memref<64x128xf32, #tpu.memory_space<vmem>>, vector<16xf32>,
      %mul3A_673 = arith.mulf %broadcast_in_dim3A_626, %get3A_672 : vector<16xf32>
      %add3A_674 = arith.addf %add3A_623, %mul3A_673 : vector<16xf32>
      %slice3A_675 = vector.extract_strided_slice %div3A {offsets = [8], sizes = [1], strides = [1]} : vector<16xf32> to vector<1xf32>
      %squeeze3A_676 = vector.extract %slice3A_675[0] : f32 from vector<1xf32>
      %broadcast_in_dim3A_677 = vector.broadcast %squeeze3A_676 : f32 to vector<16xf32>
      %get3A_678 = arith.constant 8 : i32
      %get3A_679 = arith.index_cast %get3A_678 : i32 to index
      %get3A_680 = arith.constant 0 : index
      %get3A_681 = tpu.vector_load %arg14[%get3A_679, %get3A_680] {strides = array<i32>} : memref<64x128xf32, #tpu.memory_space<vmem>>, vector<16xf32>,
      %mul3A_682 = arith.mulf %broadcast_in_dim3A_677, %get3A_681 : vector<16xf32>
      %add3A_683 = arith.addf %add3A_632, %mul3A_682 : vector<16xf32>
      %get3A_684 = arith.constant 8 : i32
      %get3A_685 = arith.index_cast %get3A_684 : i32 to index
      %get3A_686 = arith.constant 16 : index
      %get3A_687 = tpu.vector_load %arg14[%get3A_685, %get3A_686] {strides = array<i32>} : memref<64x128xf32, #tpu.memory_space<vmem>>, vector<16xf32>,
      %mul3A_688 = arith.mulf %broadcast_in_dim3A_677, %get3A_687 : vector<16xf32>
      %add3A_689 = arith.addf %add3A_638, %mul3A_688 : vector<16xf32>
      %get3A_690 = arith.constant 8 : i32
      %get3A_691 = arith.index_cast %get3A_690 : i32 to index
      %get3A_692 = arith.constant 32 : index
      %get3A_693 = tpu.vector_load %arg14[%get3A_691, %get3A_692] {strides = array<i32>} : memref<64x128xf32, #tpu.memory_space<vmem>>, vector<16xf32>,
      %mul3A_694 = arith.mulf %broadcast_in_dim3A_677, %get3A_693 : vector<16xf32>
      %add3A_695 = arith.addf %add3A_644, %mul3A_694 : vector<16xf32>
      %get3A_696 = arith.constant 8 : i32
      %get3A_697 = arith.index_cast %get3A_696 : i32 to index
      %get3A_698 = arith.constant 48 : index
      %get3A_699 = tpu.vector_load %arg14[%get3A_697, %get3A_698] {strides = array<i32>} : memref<64x128xf32, #tpu.memory_space<vmem>>, vector<16xf32>,
      %mul3A_700 = arith.mulf %broadcast_in_dim3A_677, %get3A_699 : vector<16xf32>
      %add3A_701 = arith.addf %add3A_650, %mul3A_700 : vector<16xf32>
      %get3A_702 = arith.constant 8 : i32
      %get3A_703 = arith.index_cast %get3A_702 : i32 to index
      %get3A_704 = arith.constant 64 : index
      %get3A_705 = tpu.vector_load %arg14[%get3A_703, %get3A_704] {strides = array<i32>} : memref<64x128xf32, #tpu.memory_space<vmem>>, vector<16xf32>,
      %mul3A_706 = arith.mulf %broadcast_in_dim3A_677, %get3A_705 : vector<16xf32>
      %add3A_707 = arith.addf %add3A_656, %mul3A_706 : vector<16xf32>
      %get3A_708 = arith.constant 8 : i32
      %get3A_709 = arith.index_cast %get3A_708 : i32 to index
      %get3A_710 = arith.constant 80 : index
      %get3A_711 = tpu.vector_load %arg14[%get3A_709, %get3A_710] {strides = array<i32>} : memref<64x128xf32, #tpu.memory_space<vmem>>, vector<16xf32>,
      %mul3A_712 = arith.mulf %broadcast_in_dim3A_677, %get3A_711 : vector<16xf32>
      %add3A_713 = arith.addf %add3A_662, %mul3A_712 : vector<16xf32>
      %get3A_714 = arith.constant 8 : i32
      %get3A_715 = arith.index_cast %get3A_714 : i32 to index
      %get3A_716 = arith.constant 96 : index
      %get3A_717 = tpu.vector_load %arg14[%get3A_715, %get3A_716] {strides = array<i32>} : memref<64x128xf32, #tpu.memory_space<vmem>>, vector<16xf32>,
      %mul3A_718 = arith.mulf %broadcast_in_dim3A_677, %get3A_717 : vector<16xf32>
      %add3A_719 = arith.addf %add3A_668, %mul3A_718 : vector<16xf32>
      %get3A_720 = arith.constant 8 : i32
      %get3A_721 = arith.index_cast %get3A_720 : i32 to index
      %get3A_722 = arith.constant 112 : index
      %get3A_723 = tpu.vector_load %arg14[%get3A_721, %get3A_722] {strides = array<i32>} : memref<64x128xf32, #tpu.memory_space<vmem>>, vector<16xf32>,
      %mul3A_724 = arith.mulf %broadcast_in_dim3A_677, %get3A_723 : vector<16xf32>
      %add3A_725 = arith.addf %add3A_674, %mul3A_724 : vector<16xf32>
      %slice3A_726 = vector.extract_strided_slice %div3A {offsets = [9], sizes = [1], strides = [1]} : vector<16xf32> to vector<1xf32>
      %squeeze3A_727 = vector.extract %slice3A_726[0] : f32 from vector<1xf32>
      %broadcast_in_dim3A_728 = vector.broadcast %squeeze3A_727 : f32 to vector<16xf32>
      %get3A_729 = arith.constant 9 : i32
      %get3A_730 = arith.index_cast %get3A_729 : i32 to index
      %get3A_731 = arith.constant 0 : index
      %get3A_732 = tpu.vector_load %arg14[%get3A_730, %get3A_731] {strides = array<i32>} : memref<64x128xf32, #tpu.memory_space<vmem>>, vector<16xf32>,
      %mul3A_733 = arith.mulf %broadcast_in_dim3A_728, %get3A_732 : vector<16xf32>
      %add3A_734 = arith.addf %add3A_683, %mul3A_733 : vector<16xf32>
      %get3A_735 = arith.constant 9 : i32
      %get3A_736 = arith.index_cast %get3A_735 : i32 to index
      %get3A_737 = arith.constant 16 : index
      %get3A_738 = tpu.vector_load %arg14[%get3A_736, %get3A_737] {strides = array<i32>} : memref<64x128xf32, #tpu.memory_space<vmem>>, vector<16xf32>,
      %mul3A_739 = arith.mulf %broadcast_in_dim3A_728, %get3A_738 : vector<16xf32>
      %add3A_740 = arith.addf %add3A_689, %mul3A_739 : vector<16xf32>
      %get3A_741 = arith.constant 9 : i32
      %get3A_742 = arith.index_cast %get3A_741 : i32 to index
      %get3A_743 = arith.constant 32 : index
      %get3A_744 = tpu.vector_load %arg14[%get3A_742, %get3A_743] {strides = array<i32>} : memref<64x128xf32, #tpu.memory_space<vmem>>, vector<16xf32>,
      %mul3A_745 = arith.mulf %broadcast_in_dim3A_728, %get3A_744 : vector<16xf32>
      %add3A_746 = arith.addf %add3A_695, %mul3A_745 : vector<16xf32>
      %get3A_747 = arith.constant 9 : i32
      %get3A_748 = arith.index_cast %get3A_747 : i32 to index
      %get3A_749 = arith.constant 48 : index
      %get3A_750 = tpu.vector_load %arg14[%get3A_748, %get3A_749] {strides = array<i32>} : memref<64x128xf32, #tpu.memory_space<vmem>>, vector<16xf32>,
      %mul3A_751 = arith.mulf %broadcast_in_dim3A_728, %get3A_750 : vector<16xf32>
      %add3A_752 = arith.addf %add3A_701, %mul3A_751 : vector<16xf32>
      %get3A_753 = arith.constant 9 : i32
      %get3A_754 = arith.index_cast %get3A_753 : i32 to index
      %get3A_755 = arith.constant 64 : index
      %get3A_756 = tpu.vector_load %arg14[%get3A_754, %get3A_755] {strides = array<i32>} : memref<64x128xf32, #tpu.memory_space<vmem>>, vector<16xf32>,
      %mul3A_757 = arith.mulf %broadcast_in_dim3A_728, %get3A_756 : vector<16xf32>
      %add3A_758 = arith.addf %add3A_707, %mul3A_757 : vector<16xf32>
      %get3A_759 = arith.constant 9 : i32
      %get3A_760 = arith.index_cast %get3A_759 : i32 to index
      %get3A_761 = arith.constant 80 : index
      %get3A_762 = tpu.vector_load %arg14[%get3A_760, %get3A_761] {strides = array<i32>} : memref<64x128xf32, #tpu.memory_space<vmem>>, vector<16xf32>,
      %mul3A_763 = arith.mulf %broadcast_in_dim3A_728, %get3A_762 : vector<16xf32>
      %add3A_764 = arith.addf %add3A_713, %mul3A_763 : vector<16xf32>
      %get3A_765 = arith.constant 9 : i32
      %get3A_766 = arith.index_cast %get3A_765 : i32 to index
      %get3A_767 = arith.constant 96 : index
      %get3A_768 = tpu.vector_load %arg14[%get3A_766, %get3A_767] {strides = array<i32>} : memref<64x128xf32, #tpu.memory_space<vmem>>, vector<16xf32>,
      %mul3A_769 = arith.mulf %broadcast_in_dim3A_728, %get3A_768 : vector<16xf32>
      %add3A_770 = arith.addf %add3A_719, %mul3A_769 : vector<16xf32>
      %get3A_771 = arith.constant 9 : i32
      %get3A_772 = arith.index_cast %get3A_771 : i32 to index
      %get3A_773 = arith.constant 112 : index
      %get3A_774 = tpu.vector_load %arg14[%get3A_772, %get3A_773] {strides = array<i32>} : memref<64x128xf32, #tpu.memory_space<vmem>>, vector<16xf32>,
      %mul3A_775 = arith.mulf %broadcast_in_dim3A_728, %get3A_774 : vector<16xf32>
      %add3A_776 = arith.addf %add3A_725, %mul3A_775 : vector<16xf32>
      %slice3A_777 = vector.extract_strided_slice %div3A {offsets = [10], sizes = [1], strides = [1]} : vector<16xf32> to vector<1xf32>
      %squeeze3A_778 = vector.extract %slice3A_777[0] : f32 from vector<1xf32>
      %broadcast_in_dim3A_779 = vector.broadcast %squeeze3A_778 : f32 to vector<16xf32>
      %get3A_780 = arith.constant 10 : i32
      %get3A_781 = arith.index_cast %get3A_780 : i32 to index
      %get3A_782 = arith.constant 0 : index
      %get3A_783 = tpu.vector_load %arg14[%get3A_781, %get3A_782] {strides = array<i32>} : memref<64x128xf32, #tpu.memory_space<vmem>>, vector<16xf32>,
      %mul3A_784 = arith.mulf %broadcast_in_dim3A_779, %get3A_783 : vector<16xf32>
      %add3A_785 = arith.addf %add3A_734, %mul3A_784 : vector<16xf32>
      %get3A_786 = arith.constant 10 : i32
      %get3A_787 = arith.index_cast %get3A_786 : i32 to index
      %get3A_788 = arith.constant 16 : index
      %get3A_789 = tpu.vector_load %arg14[%get3A_787, %get3A_788] {strides = array<i32>} : memref<64x128xf32, #tpu.memory_space<vmem>>, vector<16xf32>,
      %mul3A_790 = arith.mulf %broadcast_in_dim3A_779, %get3A_789 : vector<16xf32>
      %add3A_791 = arith.addf %add3A_740, %mul3A_790 : vector<16xf32>
      %get3A_792 = arith.constant 10 : i32
      %get3A_793 = arith.index_cast %get3A_792 : i32 to index
      %get3A_794 = arith.constant 32 : index
      %get3A_795 = tpu.vector_load %arg14[%get3A_793, %get3A_794] {strides = array<i32>} : memref<64x128xf32, #tpu.memory_space<vmem>>, vector<16xf32>,
      %mul3A_796 = arith.mulf %broadcast_in_dim3A_779, %get3A_795 : vector<16xf32>
      %add3A_797 = arith.addf %add3A_746, %mul3A_796 : vector<16xf32>
      %get3A_798 = arith.constant 10 : i32
      %get3A_799 = arith.index_cast %get3A_798 : i32 to index
      %get3A_800 = arith.constant 48 : index
      %get3A_801 = tpu.vector_load %arg14[%get3A_799, %get3A_800] {strides = array<i32>} : memref<64x128xf32, #tpu.memory_space<vmem>>, vector<16xf32>,
      %mul3A_802 = arith.mulf %broadcast_in_dim3A_779, %get3A_801 : vector<16xf32>
      %add3A_803 = arith.addf %add3A_752, %mul3A_802 : vector<16xf32>
      %get3A_804 = arith.constant 10 : i32
      %get3A_805 = arith.index_cast %get3A_804 : i32 to index
      %get3A_806 = arith.constant 64 : index
      %get3A_807 = tpu.vector_load %arg14[%get3A_805, %get3A_806] {strides = array<i32>} : memref<64x128xf32, #tpu.memory_space<vmem>>, vector<16xf32>,
      %mul3A_808 = arith.mulf %broadcast_in_dim3A_779, %get3A_807 : vector<16xf32>
      %add3A_809 = arith.addf %add3A_758, %mul3A_808 : vector<16xf32>
      %get3A_810 = arith.constant 10 : i32
      %get3A_811 = arith.index_cast %get3A_810 : i32 to index
      %get3A_812 = arith.constant 80 : index
      %get3A_813 = tpu.vector_load %arg14[%get3A_811, %get3A_812] {strides = array<i32>} : memref<64x128xf32, #tpu.memory_space<vmem>>, vector<16xf32>,
      %mul3A_814 = arith.mulf %broadcast_in_dim3A_779, %get3A_813 : vector<16xf32>
      %add3A_815 = arith.addf %add3A_764, %mul3A_814 : vector<16xf32>
      %get3A_816 = arith.constant 10 : i32
      %get3A_817 = arith.index_cast %get3A_816 : i32 to index
      %get3A_818 = arith.constant 96 : index
      %get3A_819 = tpu.vector_load %arg14[%get3A_817, %get3A_818] {strides = array<i32>} : memref<64x128xf32, #tpu.memory_space<vmem>>, vector<16xf32>,
      %mul3A_820 = arith.mulf %broadcast_in_dim3A_779, %get3A_819 : vector<16xf32>
      %add3A_821 = arith.addf %add3A_770, %mul3A_820 : vector<16xf32>
      %get3A_822 = arith.constant 10 : i32
      %get3A_823 = arith.index_cast %get3A_822 : i32 to index
      %get3A_824 = arith.constant 112 : index
      %get3A_825 = tpu.vector_load %arg14[%get3A_823, %get3A_824] {strides = array<i32>} : memref<64x128xf32, #tpu.memory_space<vmem>>, vector<16xf32>,
      %mul3A_826 = arith.mulf %broadcast_in_dim3A_779, %get3A_825 : vector<16xf32>
      %add3A_827 = arith.addf %add3A_776, %mul3A_826 : vector<16xf32>
      %slice3A_828 = vector.extract_strided_slice %div3A {offsets = [11], sizes = [1], strides = [1]} : vector<16xf32> to vector<1xf32>
      %squeeze3A_829 = vector.extract %slice3A_828[0] : f32 from vector<1xf32>
      %broadcast_in_dim3A_830 = vector.broadcast %squeeze3A_829 : f32 to vector<16xf32>
      %get3A_831 = arith.constant 11 : i32
      %get3A_832 = arith.index_cast %get3A_831 : i32 to index
      %get3A_833 = arith.constant 0 : index
      %get3A_834 = tpu.vector_load %arg14[%get3A_832, %get3A_833] {strides = array<i32>} : memref<64x128xf32, #tpu.memory_space<vmem>>, vector<16xf32>,
      %mul3A_835 = arith.mulf %broadcast_in_dim3A_830, %get3A_834 : vector<16xf32>
      %add3A_836 = arith.addf %add3A_785, %mul3A_835 : vector<16xf32>
      %get3A_837 = arith.constant 11 : i32
      %get3A_838 = arith.index_cast %get3A_837 : i32 to index
      %get3A_839 = arith.constant 16 : index
      %get3A_840 = tpu.vector_load %arg14[%get3A_838, %get3A_839] {strides = array<i32>} : memref<64x128xf32, #tpu.memory_space<vmem>>, vector<16xf32>,
      %mul3A_841 = arith.mulf %broadcast_in_dim3A_830, %get3A_840 : vector<16xf32>
      %add3A_842 = arith.addf %add3A_791, %mul3A_841 : vector<16xf32>
      %get3A_843 = arith.constant 11 : i32
      %get3A_844 = arith.index_cast %get3A_843 : i32 to index
      %get3A_845 = arith.constant 32 : index
      %get3A_846 = tpu.vector_load %arg14[%get3A_844, %get3A_845] {strides = array<i32>} : memref<64x128xf32, #tpu.memory_space<vmem>>, vector<16xf32>,
      %mul3A_847 = arith.mulf %broadcast_in_dim3A_830, %get3A_846 : vector<16xf32>
      %add3A_848 = arith.addf %add3A_797, %mul3A_847 : vector<16xf32>
      %get3A_849 = arith.constant 11 : i32
      %get3A_850 = arith.index_cast %get3A_849 : i32 to index
      %get3A_851 = arith.constant 48 : index
      %get3A_852 = tpu.vector_load %arg14[%get3A_850, %get3A_851] {strides = array<i32>} : memref<64x128xf32, #tpu.memory_space<vmem>>, vector<16xf32>,
      %mul3A_853 = arith.mulf %broadcast_in_dim3A_830, %get3A_852 : vector<16xf32>
      %add3A_854 = arith.addf %add3A_803, %mul3A_853 : vector<16xf32>
      %get3A_855 = arith.constant 11 : i32
      %get3A_856 = arith.index_cast %get3A_855 : i32 to index
      %get3A_857 = arith.constant 64 : index
      %get3A_858 = tpu.vector_load %arg14[%get3A_856, %get3A_857] {strides = array<i32>} : memref<64x128xf32, #tpu.memory_space<vmem>>, vector<16xf32>,
      %mul3A_859 = arith.mulf %broadcast_in_dim3A_830, %get3A_858 : vector<16xf32>
      %add3A_860 = arith.addf %add3A_809, %mul3A_859 : vector<16xf32>
      %get3A_861 = arith.constant 11 : i32
      %get3A_862 = arith.index_cast %get3A_861 : i32 to index
      %get3A_863 = arith.constant 80 : index
      %get3A_864 = tpu.vector_load %arg14[%get3A_862, %get3A_863] {strides = array<i32>} : memref<64x128xf32, #tpu.memory_space<vmem>>, vector<16xf32>,
      %mul3A_865 = arith.mulf %broadcast_in_dim3A_830, %get3A_864 : vector<16xf32>
      %add3A_866 = arith.addf %add3A_815, %mul3A_865 : vector<16xf32>
      %get3A_867 = arith.constant 11 : i32
      %get3A_868 = arith.index_cast %get3A_867 : i32 to index
      %get3A_869 = arith.constant 96 : index
      %get3A_870 = tpu.vector_load %arg14[%get3A_868, %get3A_869] {strides = array<i32>} : memref<64x128xf32, #tpu.memory_space<vmem>>, vector<16xf32>,
      %mul3A_871 = arith.mulf %broadcast_in_dim3A_830, %get3A_870 : vector<16xf32>
      %add3A_872 = arith.addf %add3A_821, %mul3A_871 : vector<16xf32>
      %get3A_873 = arith.constant 11 : i32
      %get3A_874 = arith.index_cast %get3A_873 : i32 to index
      %get3A_875 = arith.constant 112 : index
      %get3A_876 = tpu.vector_load %arg14[%get3A_874, %get3A_875] {strides = array<i32>} : memref<64x128xf32, #tpu.memory_space<vmem>>, vector<16xf32>,
      %mul3A_877 = arith.mulf %broadcast_in_dim3A_830, %get3A_876 : vector<16xf32>
      %add3A_878 = arith.addf %add3A_827, %mul3A_877 : vector<16xf32>
      %slice3A_879 = vector.extract_strided_slice %div3A {offsets = [12], sizes = [1], strides = [1]} : vector<16xf32> to vector<1xf32>
      %squeeze3A_880 = vector.extract %slice3A_879[0] : f32 from vector<1xf32>
      %broadcast_in_dim3A_881 = vector.broadcast %squeeze3A_880 : f32 to vector<16xf32>
      %get3A_882 = arith.constant 12 : i32
      %get3A_883 = arith.index_cast %get3A_882 : i32 to index
      %get3A_884 = arith.constant 0 : index
      %get3A_885 = tpu.vector_load %arg14[%get3A_883, %get3A_884] {strides = array<i32>} : memref<64x128xf32, #tpu.memory_space<vmem>>, vector<16xf32>,
      %mul3A_886 = arith.mulf %broadcast_in_dim3A_881, %get3A_885 : vector<16xf32>
      %add3A_887 = arith.addf %add3A_836, %mul3A_886 : vector<16xf32>
      %get3A_888 = arith.constant 12 : i32
      %get3A_889 = arith.index_cast %get3A_888 : i32 to index
      %get3A_890 = arith.constant 16 : index
      %get3A_891 = tpu.vector_load %arg14[%get3A_889, %get3A_890] {strides = array<i32>} : memref<64x128xf32, #tpu.memory_space<vmem>>, vector<16xf32>,
      %mul3A_892 = arith.mulf %broadcast_in_dim3A_881, %get3A_891 : vector<16xf32>
      %add3A_893 = arith.addf %add3A_842, %mul3A_892 : vector<16xf32>
      %get3A_894 = arith.constant 12 : i32
      %get3A_895 = arith.index_cast %get3A_894 : i32 to index
      %get3A_896 = arith.constant 32 : index
      %get3A_897 = tpu.vector_load %arg14[%get3A_895, %get3A_896] {strides = array<i32>} : memref<64x128xf32, #tpu.memory_space<vmem>>, vector<16xf32>,
      %mul3A_898 = arith.mulf %broadcast_in_dim3A_881, %get3A_897 : vector<16xf32>
      %add3A_899 = arith.addf %add3A_848, %mul3A_898 : vector<16xf32>
      %get3A_900 = arith.constant 12 : i32
      %get3A_901 = arith.index_cast %get3A_900 : i32 to index
      %get3A_902 = arith.constant 48 : index
      %get3A_903 = tpu.vector_load %arg14[%get3A_901, %get3A_902] {strides = array<i32>} : memref<64x128xf32, #tpu.memory_space<vmem>>, vector<16xf32>,
      %mul3A_904 = arith.mulf %broadcast_in_dim3A_881, %get3A_903 : vector<16xf32>
      %add3A_905 = arith.addf %add3A_854, %mul3A_904 : vector<16xf32>
      %get3A_906 = arith.constant 12 : i32
      %get3A_907 = arith.index_cast %get3A_906 : i32 to index
      %get3A_908 = arith.constant 64 : index
      %get3A_909 = tpu.vector_load %arg14[%get3A_907, %get3A_908] {strides = array<i32>} : memref<64x128xf32, #tpu.memory_space<vmem>>, vector<16xf32>,
      %mul3A_910 = arith.mulf %broadcast_in_dim3A_881, %get3A_909 : vector<16xf32>
      %add3A_911 = arith.addf %add3A_860, %mul3A_910 : vector<16xf32>
      %get3A_912 = arith.constant 12 : i32
      %get3A_913 = arith.index_cast %get3A_912 : i32 to index
      %get3A_914 = arith.constant 80 : index
      %get3A_915 = tpu.vector_load %arg14[%get3A_913, %get3A_914] {strides = array<i32>} : memref<64x128xf32, #tpu.memory_space<vmem>>, vector<16xf32>,
      %mul3A_916 = arith.mulf %broadcast_in_dim3A_881, %get3A_915 : vector<16xf32>
      %add3A_917 = arith.addf %add3A_866, %mul3A_916 : vector<16xf32>
      %get3A_918 = arith.constant 12 : i32
      %get3A_919 = arith.index_cast %get3A_918 : i32 to index
      %get3A_920 = arith.constant 96 : index
      %get3A_921 = tpu.vector_load %arg14[%get3A_919, %get3A_920] {strides = array<i32>} : memref<64x128xf32, #tpu.memory_space<vmem>>, vector<16xf32>,
      %mul3A_922 = arith.mulf %broadcast_in_dim3A_881, %get3A_921 : vector<16xf32>
      %add3A_923 = arith.addf %add3A_872, %mul3A_922 : vector<16xf32>
      %get3A_924 = arith.constant 12 : i32
      %get3A_925 = arith.index_cast %get3A_924 : i32 to index
      %get3A_926 = arith.constant 112 : index
      %get3A_927 = tpu.vector_load %arg14[%get3A_925, %get3A_926] {strides = array<i32>} : memref<64x128xf32, #tpu.memory_space<vmem>>, vector<16xf32>,
      %mul3A_928 = arith.mulf %broadcast_in_dim3A_881, %get3A_927 : vector<16xf32>
      %add3A_929 = arith.addf %add3A_878, %mul3A_928 : vector<16xf32>
      %slice3A_930 = vector.extract_strided_slice %div3A {offsets = [13], sizes = [1], strides = [1]} : vector<16xf32> to vector<1xf32>
      %squeeze3A_931 = vector.extract %slice3A_930[0] : f32 from vector<1xf32>
      %broadcast_in_dim3A_932 = vector.broadcast %squeeze3A_931 : f32 to vector<16xf32>
      %get3A_933 = arith.constant 13 : i32
      %get3A_934 = arith.index_cast %get3A_933 : i32 to index
      %get3A_935 = arith.constant 0 : index
      %get3A_936 = tpu.vector_load %arg14[%get3A_934, %get3A_935] {strides = array<i32>} : memref<64x128xf32, #tpu.memory_space<vmem>>, vector<16xf32>,
      %mul3A_937 = arith.mulf %broadcast_in_dim3A_932, %get3A_936 : vector<16xf32>
      %add3A_938 = arith.addf %add3A_887, %mul3A_937 : vector<16xf32>
      %get3A_939 = arith.constant 13 : i32
      %get3A_940 = arith.index_cast %get3A_939 : i32 to index
      %get3A_941 = arith.constant 16 : index
      %get3A_942 = tpu.vector_load %arg14[%get3A_940, %get3A_941] {strides = array<i32>} : memref<64x128xf32, #tpu.memory_space<vmem>>, vector<16xf32>,
      %mul3A_943 = arith.mulf %broadcast_in_dim3A_932, %get3A_942 : vector<16xf32>
      %add3A_944 = arith.addf %add3A_893, %mul3A_943 : vector<16xf32>
      %get3A_945 = arith.constant 13 : i32
      %get3A_946 = arith.index_cast %get3A_945 : i32 to index
      %get3A_947 = arith.constant 32 : index
      %get3A_948 = tpu.vector_load %arg14[%get3A_946, %get3A_947] {strides = array<i32>} : memref<64x128xf32, #tpu.memory_space<vmem>>, vector<16xf32>,
      %mul3A_949 = arith.mulf %broadcast_in_dim3A_932, %get3A_948 : vector<16xf32>
      %add3A_950 = arith.addf %add3A_899, %mul3A_949 : vector<16xf32>
      %get3A_951 = arith.constant 13 : i32
      %get3A_952 = arith.index_cast %get3A_951 : i32 to index
      %get3A_953 = arith.constant 48 : index
      %get3A_954 = tpu.vector_load %arg14[%get3A_952, %get3A_953] {strides = array<i32>} : memref<64x128xf32, #tpu.memory_space<vmem>>, vector<16xf32>,
      %mul3A_955 = arith.mulf %broadcast_in_dim3A_932, %get3A_954 : vector<16xf32>
      %add3A_956 = arith.addf %add3A_905, %mul3A_955 : vector<16xf32>
      %get3A_957 = arith.constant 13 : i32
      %get3A_958 = arith.index_cast %get3A_957 : i32 to index
      %get3A_959 = arith.constant 64 : index
      %get3A_960 = tpu.vector_load %arg14[%get3A_958, %get3A_959] {strides = array<i32>} : memref<64x128xf32, #tpu.memory_space<vmem>>, vector<16xf32>,
      %mul3A_961 = arith.mulf %broadcast_in_dim3A_932, %get3A_960 : vector<16xf32>
      %add3A_962 = arith.addf %add3A_911, %mul3A_961 : vector<16xf32>
      %get3A_963 = arith.constant 13 : i32
      %get3A_964 = arith.index_cast %get3A_963 : i32 to index
      %get3A_965 = arith.constant 80 : index
      %get3A_966 = tpu.vector_load %arg14[%get3A_964, %get3A_965] {strides = array<i32>} : memref<64x128xf32, #tpu.memory_space<vmem>>, vector<16xf32>,
      %mul3A_967 = arith.mulf %broadcast_in_dim3A_932, %get3A_966 : vector<16xf32>
      %add3A_968 = arith.addf %add3A_917, %mul3A_967 : vector<16xf32>
      %get3A_969 = arith.constant 13 : i32
      %get3A_970 = arith.index_cast %get3A_969 : i32 to index
      %get3A_971 = arith.constant 96 : index
      %get3A_972 = tpu.vector_load %arg14[%get3A_970, %get3A_971] {strides = array<i32>} : memref<64x128xf32, #tpu.memory_space<vmem>>, vector<16xf32>,
      %mul3A_973 = arith.mulf %broadcast_in_dim3A_932, %get3A_972 : vector<16xf32>
      %add3A_974 = arith.addf %add3A_923, %mul3A_973 : vector<16xf32>
      %get3A_975 = arith.constant 13 : i32
      %get3A_976 = arith.index_cast %get3A_975 : i32 to index
      %get3A_977 = arith.constant 112 : index
      %get3A_978 = tpu.vector_load %arg14[%get3A_976, %get3A_977] {strides = array<i32>} : memref<64x128xf32, #tpu.memory_space<vmem>>, vector<16xf32>,
      %mul3A_979 = arith.mulf %broadcast_in_dim3A_932, %get3A_978 : vector<16xf32>
      %add3A_980 = arith.addf %add3A_929, %mul3A_979 : vector<16xf32>
      %slice3A_981 = vector.extract_strided_slice %div3A {offsets = [14], sizes = [1], strides = [1]} : vector<16xf32> to vector<1xf32>
      %squeeze3A_982 = vector.extract %slice3A_981[0] : f32 from vector<1xf32>
      %broadcast_in_dim3A_983 = vector.broadcast %squeeze3A_982 : f32 to vector<16xf32>
      %get3A_984 = arith.constant 14 : i32
      %get3A_985 = arith.index_cast %get3A_984 : i32 to index
      %get3A_986 = arith.constant 0 : index
      %get3A_987 = tpu.vector_load %arg14[%get3A_985, %get3A_986] {strides = array<i32>} : memref<64x128xf32, #tpu.memory_space<vmem>>, vector<16xf32>,
      %mul3A_988 = arith.mulf %broadcast_in_dim3A_983, %get3A_987 : vector<16xf32>
      %add3A_989 = arith.addf %add3A_938, %mul3A_988 : vector<16xf32>
      %get3A_990 = arith.constant 14 : i32
      %get3A_991 = arith.index_cast %get3A_990 : i32 to index
      %get3A_992 = arith.constant 16 : index
      %get3A_993 = tpu.vector_load %arg14[%get3A_991, %get3A_992] {strides = array<i32>} : memref<64x128xf32, #tpu.memory_space<vmem>>, vector<16xf32>,
      %mul3A_994 = arith.mulf %broadcast_in_dim3A_983, %get3A_993 : vector<16xf32>
      %add3A_995 = arith.addf %add3A_944, %mul3A_994 : vector<16xf32>
      %get3A_996 = arith.constant 14 : i32
      %get3A_997 = arith.index_cast %get3A_996 : i32 to index
      %get3A_998 = arith.constant 32 : index
      %get3A_999 = tpu.vector_load %arg14[%get3A_997, %get3A_998] {strides = array<i32>} : memref<64x128xf32, #tpu.memory_space<vmem>>, vector<16xf32>,
      %mul3A_1000 = arith.mulf %broadcast_in_dim3A_983, %get3A_999 : vector<16xf32>
      %add3A_1001 = arith.addf %add3A_950, %mul3A_1000 : vector<16xf32>
      %get3A_1002 = arith.constant 14 : i32
      %get3A_1003 = arith.index_cast %get3A_1002 : i32 to index
      %get3A_1004 = arith.constant 48 : index
      %get3A_1005 = tpu.vector_load %arg14[%get3A_1003, %get3A_1004] {strides = array<i32>} : memref<64x128xf32, #tpu.memory_space<vmem>>, vector<16xf32>,
      %mul3A_1006 = arith.mulf %broadcast_in_dim3A_983, %get3A_1005 : vector<16xf32>
      %add3A_1007 = arith.addf %add3A_956, %mul3A_1006 : vector<16xf32>
      %get3A_1008 = arith.constant 14 : i32
      %get3A_1009 = arith.index_cast %get3A_1008 : i32 to index
      %get3A_1010 = arith.constant 64 : index
      %get3A_1011 = tpu.vector_load %arg14[%get3A_1009, %get3A_1010] {strides = array<i32>} : memref<64x128xf32, #tpu.memory_space<vmem>>, vector<16xf32>,
      %mul3A_1012 = arith.mulf %broadcast_in_dim3A_983, %get3A_1011 : vector<16xf32>
      %add3A_1013 = arith.addf %add3A_962, %mul3A_1012 : vector<16xf32>
      %get3A_1014 = arith.constant 14 : i32
      %get3A_1015 = arith.index_cast %get3A_1014 : i32 to index
      %get3A_1016 = arith.constant 80 : index
      %get3A_1017 = tpu.vector_load %arg14[%get3A_1015, %get3A_1016] {strides = array<i32>} : memref<64x128xf32, #tpu.memory_space<vmem>>, vector<16xf32>,
      %mul3A_1018 = arith.mulf %broadcast_in_dim3A_983, %get3A_1017 : vector<16xf32>
      %add3A_1019 = arith.addf %add3A_968, %mul3A_1018 : vector<16xf32>
      %get3A_1020 = arith.constant 14 : i32
      %get3A_1021 = arith.index_cast %get3A_1020 : i32 to index
      %get3A_1022 = arith.constant 96 : index
      %get3A_1023 = tpu.vector_load %arg14[%get3A_1021, %get3A_1022] {strides = array<i32>} : memref<64x128xf32, #tpu.memory_space<vmem>>, vector<16xf32>,
      %mul3A_1024 = arith.mulf %broadcast_in_dim3A_983, %get3A_1023 : vector<16xf32>
      %add3A_1025 = arith.addf %add3A_974, %mul3A_1024 : vector<16xf32>
      %get3A_1026 = arith.constant 14 : i32
      %get3A_1027 = arith.index_cast %get3A_1026 : i32 to index
      %get3A_1028 = arith.constant 112 : index
      %get3A_1029 = tpu.vector_load %arg14[%get3A_1027, %get3A_1028] {strides = array<i32>} : memref<64x128xf32, #tpu.memory_space<vmem>>, vector<16xf32>,
      %mul3A_1030 = arith.mulf %broadcast_in_dim3A_983, %get3A_1029 : vector<16xf32>
      %add3A_1031 = arith.addf %add3A_980, %mul3A_1030 : vector<16xf32>
      %slice3A_1032 = vector.extract_strided_slice %div3A {offsets = [15], sizes = [1], strides = [1]} : vector<16xf32> to vector<1xf32>
      %squeeze3A_1033 = vector.extract %slice3A_1032[0] : f32 from vector<1xf32>
      %broadcast_in_dim3A_1034 = vector.broadcast %squeeze3A_1033 : f32 to vector<16xf32>
      %get3A_1035 = arith.constant 15 : i32
      %get3A_1036 = arith.index_cast %get3A_1035 : i32 to index
      %get3A_1037 = arith.constant 0 : index
      %get3A_1038 = tpu.vector_load %arg14[%get3A_1036, %get3A_1037] {strides = array<i32>} : memref<64x128xf32, #tpu.memory_space<vmem>>, vector<16xf32>,
      %mul3A_1039 = arith.mulf %broadcast_in_dim3A_1034, %get3A_1038 : vector<16xf32>
      %add3A_1040 = arith.addf %add3A_989, %mul3A_1039 : vector<16xf32>
      %get3A_1041 = arith.constant 15 : i32
      %get3A_1042 = arith.index_cast %get3A_1041 : i32 to index
      %get3A_1043 = arith.constant 16 : index
      %get3A_1044 = tpu.vector_load %arg14[%get3A_1042, %get3A_1043] {strides = array<i32>} : memref<64x128xf32, #tpu.memory_space<vmem>>, vector<16xf32>,
      %mul3A_1045 = arith.mulf %broadcast_in_dim3A_1034, %get3A_1044 : vector<16xf32>
      %add3A_1046 = arith.addf %add3A_995, %mul3A_1045 : vector<16xf32>
      %get3A_1047 = arith.constant 15 : i32
      %get3A_1048 = arith.index_cast %get3A_1047 : i32 to index
      %get3A_1049 = arith.constant 32 : index
      %get3A_1050 = tpu.vector_load %arg14[%get3A_1048, %get3A_1049] {strides = array<i32>} : memref<64x128xf32, #tpu.memory_space<vmem>>, vector<16xf32>,
      %mul3A_1051 = arith.mulf %broadcast_in_dim3A_1034, %get3A_1050 : vector<16xf32>
      %add3A_1052 = arith.addf %add3A_1001, %mul3A_1051 : vector<16xf32>
      %get3A_1053 = arith.constant 15 : i32
      %get3A_1054 = arith.index_cast %get3A_1053 : i32 to index
      %get3A_1055 = arith.constant 48 : index
      %get3A_1056 = tpu.vector_load %arg14[%get3A_1054, %get3A_1055] {strides = array<i32>} : memref<64x128xf32, #tpu.memory_space<vmem>>, vector<16xf32>,
      %mul3A_1057 = arith.mulf %broadcast_in_dim3A_1034, %get3A_1056 : vector<16xf32>
      %add3A_1058 = arith.addf %add3A_1007, %mul3A_1057 : vector<16xf32>
      %get3A_1059 = arith.constant 15 : i32
      %get3A_1060 = arith.index_cast %get3A_1059 : i32 to index
      %get3A_1061 = arith.constant 64 : index
      %get3A_1062 = tpu.vector_load %arg14[%get3A_1060, %get3A_1061] {strides = array<i32>} : memref<64x128xf32, #tpu.memory_space<vmem>>, vector<16xf32>,
      %mul3A_1063 = arith.mulf %broadcast_in_dim3A_1034, %get3A_1062 : vector<16xf32>
      %add3A_1064 = arith.addf %add3A_1013, %mul3A_1063 : vector<16xf32>
      %get3A_1065 = arith.constant 15 : i32
      %get3A_1066 = arith.index_cast %get3A_1065 : i32 to index
      %get3A_1067 = arith.constant 80 : index
      %get3A_1068 = tpu.vector_load %arg14[%get3A_1066, %get3A_1067] {strides = array<i32>} : memref<64x128xf32, #tpu.memory_space<vmem>>, vector<16xf32>,
      %mul3A_1069 = arith.mulf %broadcast_in_dim3A_1034, %get3A_1068 : vector<16xf32>
      %add3A_1070 = arith.addf %add3A_1019, %mul3A_1069 : vector<16xf32>
      %get3A_1071 = arith.constant 15 : i32
      %get3A_1072 = arith.index_cast %get3A_1071 : i32 to index
      %get3A_1073 = arith.constant 96 : index
      %get3A_1074 = tpu.vector_load %arg14[%get3A_1072, %get3A_1073] {strides = array<i32>} : memref<64x128xf32, #tpu.memory_space<vmem>>, vector<16xf32>,
      %mul3A_1075 = arith.mulf %broadcast_in_dim3A_1034, %get3A_1074 : vector<16xf32>
      %add3A_1076 = arith.addf %add3A_1025, %mul3A_1075 : vector<16xf32>
      %get3A_1077 = arith.constant 15 : i32
      %get3A_1078 = arith.index_cast %get3A_1077 : i32 to index
      %get3A_1079 = arith.constant 112 : index
      %get3A_1080 = tpu.vector_load %arg14[%get3A_1078, %get3A_1079] {strides = array<i32>} : memref<64x128xf32, #tpu.memory_space<vmem>>, vector<16xf32>,
      %mul3A_1081 = arith.mulf %broadcast_in_dim3A_1034, %get3A_1080 : vector<16xf32>
      %add3A_1082 = arith.addf %add3A_1031, %mul3A_1081 : vector<16xf32>
      %slice3A_1083 = vector.extract_strided_slice %div3A_242 {offsets = [0], sizes = [1], strides = [1]} : vector<16xf32> to vector<1xf32>
      %squeeze3A_1084 = vector.extract %slice3A_1083[0] : f32 from vector<1xf32>
      %broadcast_in_dim3A_1085 = vector.broadcast %squeeze3A_1084 : f32 to vector<16xf32>
      %get3A_1086 = arith.constant 16 : i32
      %get3A_1087 = arith.index_cast %get3A_1086 : i32 to index
      %get3A_1088 = arith.constant 0 : index
      %get3A_1089 = tpu.vector_load %arg14[%get3A_1087, %get3A_1088] {strides = array<i32>} : memref<64x128xf32, #tpu.memory_space<vmem>>, vector<16xf32>,
      %mul3A_1090 = arith.mulf %broadcast_in_dim3A_1085, %get3A_1089 : vector<16xf32>
      %add3A_1091 = arith.addf %add3A_1040, %mul3A_1090 : vector<16xf32>
      %get3A_1092 = arith.constant 16 : i32
      %get3A_1093 = arith.index_cast %get3A_1092 : i32 to index
      %get3A_1094 = arith.constant 16 : index
      %get3A_1095 = tpu.vector_load %arg14[%get3A_1093, %get3A_1094] {strides = array<i32>} : memref<64x128xf32, #tpu.memory_space<vmem>>, vector<16xf32>,
      %mul3A_1096 = arith.mulf %broadcast_in_dim3A_1085, %get3A_1095 : vector<16xf32>
      %add3A_1097 = arith.addf %add3A_1046, %mul3A_1096 : vector<16xf32>
      %get3A_1098 = arith.constant 16 : i32
      %get3A_1099 = arith.index_cast %get3A_1098 : i32 to index
      %get3A_1100 = arith.constant 32 : index
      %get3A_1101 = tpu.vector_load %arg14[%get3A_1099, %get3A_1100] {strides = array<i32>} : memref<64x128xf32, #tpu.memory_space<vmem>>, vector<16xf32>,
      %mul3A_1102 = arith.mulf %broadcast_in_dim3A_1085, %get3A_1101 : vector<16xf32>
      %add3A_1103 = arith.addf %add3A_1052, %mul3A_1102 : vector<16xf32>
      %get3A_1104 = arith.constant 16 : i32
      %get3A_1105 = arith.index_cast %get3A_1104 : i32 to index
      %get3A_1106 = arith.constant 48 : index
      %get3A_1107 = tpu.vector_load %arg14[%get3A_1105, %get3A_1106] {strides = array<i32>} : memref<64x128xf32, #tpu.memory_space<vmem>>, vector<16xf32>,
      %mul3A_1108 = arith.mulf %broadcast_in_dim3A_1085, %get3A_1107 : vector<16xf32>
      %add3A_1109 = arith.addf %add3A_1058, %mul3A_1108 : vector<16xf32>
      %get3A_1110 = arith.constant 16 : i32
      %get3A_1111 = arith.index_cast %get3A_1110 : i32 to index
      %get3A_1112 = arith.constant 64 : index
      %get3A_1113 = tpu.vector_load %arg14[%get3A_1111, %get3A_1112] {strides = array<i32>} : memref<64x128xf32, #tpu.memory_space<vmem>>, vector<16xf32>,
      %mul3A_1114 = arith.mulf %broadcast_in_dim3A_1085, %get3A_1113 : vector<16xf32>
      %add3A_1115 = arith.addf %add3A_1064, %mul3A_1114 : vector<16xf32>
      %get3A_1116 = arith.constant 16 : i32
      %get3A_1117 = arith.index_cast %get3A_1116 : i32 to index
      %get3A_1118 = arith.constant 80 : index
      %get3A_1119 = tpu.vector_load %arg14[%get3A_1117, %get3A_1118] {strides = array<i32>} : memref<64x128xf32, #tpu.memory_space<vmem>>, vector<16xf32>,
      %mul3A_1120 = arith.mulf %broadcast_in_dim3A_1085, %get3A_1119 : vector<16xf32>
      %add3A_1121 = arith.addf %add3A_1070, %mul3A_1120 : vector<16xf32>
      %get3A_1122 = arith.constant 16 : i32
      %get3A_1123 = arith.index_cast %get3A_1122 : i32 to index
      %get3A_1124 = arith.constant 96 : index
      %get3A_1125 = tpu.vector_load %arg14[%get3A_1123, %get3A_1124] {strides = array<i32>} : memref<64x128xf32, #tpu.memory_space<vmem>>, vector<16xf32>,
      %mul3A_1126 = arith.mulf %broadcast_in_dim3A_1085, %get3A_1125 : vector<16xf32>
      %add3A_1127 = arith.addf %add3A_1076, %mul3A_1126 : vector<16xf32>
      %get3A_1128 = arith.constant 16 : i32
      %get3A_1129 = arith.index_cast %get3A_1128 : i32 to index
      %get3A_1130 = arith.constant 112 : index
      %get3A_1131 = tpu.vector_load %arg14[%get3A_1129, %get3A_1130] {strides = array<i32>} : memref<64x128xf32, #tpu.memory_space<vmem>>, vector<16xf32>,
      %mul3A_1132 = arith.mulf %broadcast_in_dim3A_1085, %get3A_1131 : vector<16xf32>
      %add3A_1133 = arith.addf %add3A_1082, %mul3A_1132 : vector<16xf32>
      %slice3A_1134 = vector.extract_strided_slice %div3A_242 {offsets = [1], sizes = [1], strides = [1]} : vector<16xf32> to vector<1xf32>
      %squeeze3A_1135 = vector.extract %slice3A_1134[0] : f32 from vector<1xf32>
      %broadcast_in_dim3A_1136 = vector.broadcast %squeeze3A_1135 : f32 to vector<16xf32>
      %get3A_1137 = arith.constant 17 : i32
      %get3A_1138 = arith.index_cast %get3A_1137 : i32 to index
      %get3A_1139 = arith.constant 0 : index
      %get3A_1140 = tpu.vector_load %arg14[%get3A_1138, %get3A_1139] {strides = array<i32>} : memref<64x128xf32, #tpu.memory_space<vmem>>, vector<16xf32>,
      %mul3A_1141 = arith.mulf %broadcast_in_dim3A_1136, %get3A_1140 : vector<16xf32>
      %add3A_1142 = arith.addf %add3A_1091, %mul3A_1141 : vector<16xf32>
      %get3A_1143 = arith.constant 17 : i32
      %get3A_1144 = arith.index_cast %get3A_1143 : i32 to index
      %get3A_1145 = arith.constant 16 : index
      %get3A_1146 = tpu.vector_load %arg14[%get3A_1144, %get3A_1145] {strides = array<i32>} : memref<64x128xf32, #tpu.memory_space<vmem>>, vector<16xf32>,
      %mul3A_1147 = arith.mulf %broadcast_in_dim3A_1136, %get3A_1146 : vector<16xf32>
      %add3A_1148 = arith.addf %add3A_1097, %mul3A_1147 : vector<16xf32>
      %get3A_1149 = arith.constant 17 : i32
      %get3A_1150 = arith.index_cast %get3A_1149 : i32 to index
      %get3A_1151 = arith.constant 32 : index
      %get3A_1152 = tpu.vector_load %arg14[%get3A_1150, %get3A_1151] {strides = array<i32>} : memref<64x128xf32, #tpu.memory_space<vmem>>, vector<16xf32>,
      %mul3A_1153 = arith.mulf %broadcast_in_dim3A_1136, %get3A_1152 : vector<16xf32>
      %add3A_1154 = arith.addf %add3A_1103, %mul3A_1153 : vector<16xf32>
      %get3A_1155 = arith.constant 17 : i32
      %get3A_1156 = arith.index_cast %get3A_1155 : i32 to index
      %get3A_1157 = arith.constant 48 : index
      %get3A_1158 = tpu.vector_load %arg14[%get3A_1156, %get3A_1157] {strides = array<i32>} : memref<64x128xf32, #tpu.memory_space<vmem>>, vector<16xf32>,
      %mul3A_1159 = arith.mulf %broadcast_in_dim3A_1136, %get3A_1158 : vector<16xf32>
      %add3A_1160 = arith.addf %add3A_1109, %mul3A_1159 : vector<16xf32>
      %get3A_1161 = arith.constant 17 : i32
      %get3A_1162 = arith.index_cast %get3A_1161 : i32 to index
      %get3A_1163 = arith.constant 64 : index
      %get3A_1164 = tpu.vector_load %arg14[%get3A_1162, %get3A_1163] {strides = array<i32>} : memref<64x128xf32, #tpu.memory_space<vmem>>, vector<16xf32>,
      %mul3A_1165 = arith.mulf %broadcast_in_dim3A_1136, %get3A_1164 : vector<16xf32>
      %add3A_1166 = arith.addf %add3A_1115, %mul3A_1165 : vector<16xf32>
      %get3A_1167 = arith.constant 17 : i32
      %get3A_1168 = arith.index_cast %get3A_1167 : i32 to index
      %get3A_1169 = arith.constant 80 : index
      %get3A_1170 = tpu.vector_load %arg14[%get3A_1168, %get3A_1169] {strides = array<i32>} : memref<64x128xf32, #tpu.memory_space<vmem>>, vector<16xf32>,
      %mul3A_1171 = arith.mulf %broadcast_in_dim3A_1136, %get3A_1170 : vector<16xf32>
      %add3A_1172 = arith.addf %add3A_1121, %mul3A_1171 : vector<16xf32>
      %get3A_1173 = arith.constant 17 : i32
      %get3A_1174 = arith.index_cast %get3A_1173 : i32 to index
      %get3A_1175 = arith.constant 96 : index
      %get3A_1176 = tpu.vector_load %arg14[%get3A_1174, %get3A_1175] {strides = array<i32>} : memref<64x128xf32, #tpu.memory_space<vmem>>, vector<16xf32>,
      %mul3A_1177 = arith.mulf %broadcast_in_dim3A_1136, %get3A_1176 : vector<16xf32>
      %add3A_1178 = arith.addf %add3A_1127, %mul3A_1177 : vector<16xf32>
      %get3A_1179 = arith.constant 17 : i32
      %get3A_1180 = arith.index_cast %get3A_1179 : i32 to index
      %get3A_1181 = arith.constant 112 : index
      %get3A_1182 = tpu.vector_load %arg14[%get3A_1180, %get3A_1181] {strides = array<i32>} : memref<64x128xf32, #tpu.memory_space<vmem>>, vector<16xf32>,
      %mul3A_1183 = arith.mulf %broadcast_in_dim3A_1136, %get3A_1182 : vector<16xf32>
      %add3A_1184 = arith.addf %add3A_1133, %mul3A_1183 : vector<16xf32>
      %slice3A_1185 = vector.extract_strided_slice %div3A_242 {offsets = [2], sizes = [1], strides = [1]} : vector<16xf32> to vector<1xf32>
      %squeeze3A_1186 = vector.extract %slice3A_1185[0] : f32 from vector<1xf32>
      %broadcast_in_dim3A_1187 = vector.broadcast %squeeze3A_1186 : f32 to vector<16xf32>
      %get3A_1188 = arith.constant 18 : i32
      %get3A_1189 = arith.index_cast %get3A_1188 : i32 to index
      %get3A_1190 = arith.constant 0 : index
      %get3A_1191 = tpu.vector_load %arg14[%get3A_1189, %get3A_1190] {strides = array<i32>} : memref<64x128xf32, #tpu.memory_space<vmem>>, vector<16xf32>,
      %mul3A_1192 = arith.mulf %broadcast_in_dim3A_1187, %get3A_1191 : vector<16xf32>
      %add3A_1193 = arith.addf %add3A_1142, %mul3A_1192 : vector<16xf32>
      %get3A_1194 = arith.constant 18 : i32
      %get3A_1195 = arith.index_cast %get3A_1194 : i32 to index
      %get3A_1196 = arith.constant 16 : index
      %get3A_1197 = tpu.vector_load %arg14[%get3A_1195, %get3A_1196] {strides = array<i32>} : memref<64x128xf32, #tpu.memory_space<vmem>>, vector<16xf32>,
      %mul3A_1198 = arith.mulf %broadcast_in_dim3A_1187, %get3A_1197 : vector<16xf32>
      %add3A_1199 = arith.addf %add3A_1148, %mul3A_1198 : vector<16xf32>
      %get3A_1200 = arith.constant 18 : i32
      %get3A_1201 = arith.index_cast %get3A_1200 : i32 to index
      %get3A_1202 = arith.constant 32 : index
      %get3A_1203 = tpu.vector_load %arg14[%get3A_1201, %get3A_1202] {strides = array<i32>} : memref<64x128xf32, #tpu.memory_space<vmem>>, vector<16xf32>,
      %mul3A_1204 = arith.mulf %broadcast_in_dim3A_1187, %get3A_1203 : vector<16xf32>
      %add3A_1205 = arith.addf %add3A_1154, %mul3A_1204 : vector<16xf32>
      %get3A_1206 = arith.constant 18 : i32
      %get3A_1207 = arith.index_cast %get3A_1206 : i32 to index
      %get3A_1208 = arith.constant 48 : index
      %get3A_1209 = tpu.vector_load %arg14[%get3A_1207, %get3A_1208] {strides = array<i32>} : memref<64x128xf32, #tpu.memory_space<vmem>>, vector<16xf32>,
      %mul3A_1210 = arith.mulf %broadcast_in_dim3A_1187, %get3A_1209 : vector<16xf32>
      %add3A_1211 = arith.addf %add3A_1160, %mul3A_1210 : vector<16xf32>
      %get3A_1212 = arith.constant 18 : i32
      %get3A_1213 = arith.index_cast %get3A_1212 : i32 to index
      %get3A_1214 = arith.constant 64 : index
      %get3A_1215 = tpu.vector_load %arg14[%get3A_1213, %get3A_1214] {strides = array<i32>} : memref<64x128xf32, #tpu.memory_space<vmem>>, vector<16xf32>,
      %mul3A_1216 = arith.mulf %broadcast_in_dim3A_1187, %get3A_1215 : vector<16xf32>
      %add3A_1217 = arith.addf %add3A_1166, %mul3A_1216 : vector<16xf32>
      %get3A_1218 = arith.constant 18 : i32
      %get3A_1219 = arith.index_cast %get3A_1218 : i32 to index
      %get3A_1220 = arith.constant 80 : index
      %get3A_1221 = tpu.vector_load %arg14[%get3A_1219, %get3A_1220] {strides = array<i32>} : memref<64x128xf32, #tpu.memory_space<vmem>>, vector<16xf32>,
      %mul3A_1222 = arith.mulf %broadcast_in_dim3A_1187, %get3A_1221 : vector<16xf32>
      %add3A_1223 = arith.addf %add3A_1172, %mul3A_1222 : vector<16xf32>
      %get3A_1224 = arith.constant 18 : i32
      %get3A_1225 = arith.index_cast %get3A_1224 : i32 to index
      %get3A_1226 = arith.constant 96 : index
      %get3A_1227 = tpu.vector_load %arg14[%get3A_1225, %get3A_1226] {strides = array<i32>} : memref<64x128xf32, #tpu.memory_space<vmem>>, vector<16xf32>,
      %mul3A_1228 = arith.mulf %broadcast_in_dim3A_1187, %get3A_1227 : vector<16xf32>
      %add3A_1229 = arith.addf %add3A_1178, %mul3A_1228 : vector<16xf32>
      %get3A_1230 = arith.constant 18 : i32
      %get3A_1231 = arith.index_cast %get3A_1230 : i32 to index
      %get3A_1232 = arith.constant 112 : index
      %get3A_1233 = tpu.vector_load %arg14[%get3A_1231, %get3A_1232] {strides = array<i32>} : memref<64x128xf32, #tpu.memory_space<vmem>>, vector<16xf32>,
      %mul3A_1234 = arith.mulf %broadcast_in_dim3A_1187, %get3A_1233 : vector<16xf32>
      %add3A_1235 = arith.addf %add3A_1184, %mul3A_1234 : vector<16xf32>
      %slice3A_1236 = vector.extract_strided_slice %div3A_242 {offsets = [3], sizes = [1], strides = [1]} : vector<16xf32> to vector<1xf32>
      %squeeze3A_1237 = vector.extract %slice3A_1236[0] : f32 from vector<1xf32>
      %broadcast_in_dim3A_1238 = vector.broadcast %squeeze3A_1237 : f32 to vector<16xf32>
      %get3A_1239 = arith.constant 19 : i32
      %get3A_1240 = arith.index_cast %get3A_1239 : i32 to index
      %get3A_1241 = arith.constant 0 : index
      %get3A_1242 = tpu.vector_load %arg14[%get3A_1240, %get3A_1241] {strides = array<i32>} : memref<64x128xf32, #tpu.memory_space<vmem>>, vector<16xf32>,
      %mul3A_1243 = arith.mulf %broadcast_in_dim3A_1238, %get3A_1242 : vector<16xf32>
      %add3A_1244 = arith.addf %add3A_1193, %mul3A_1243 : vector<16xf32>
      %get3A_1245 = arith.constant 19 : i32
      %get3A_1246 = arith.index_cast %get3A_1245 : i32 to index
      %get3A_1247 = arith.constant 16 : index
      %get3A_1248 = tpu.vector_load %arg14[%get3A_1246, %get3A_1247] {strides = array<i32>} : memref<64x128xf32, #tpu.memory_space<vmem>>, vector<16xf32>,
      %mul3A_1249 = arith.mulf %broadcast_in_dim3A_1238, %get3A_1248 : vector<16xf32>
      %add3A_1250 = arith.addf %add3A_1199, %mul3A_1249 : vector<16xf32>
      %get3A_1251 = arith.constant 19 : i32
      %get3A_1252 = arith.index_cast %get3A_1251 : i32 to index
      %get3A_1253 = arith.constant 32 : index
      %get3A_1254 = tpu.vector_load %arg14[%get3A_1252, %get3A_1253] {strides = array<i32>} : memref<64x128xf32, #tpu.memory_space<vmem>>, vector<16xf32>,
      %mul3A_1255 = arith.mulf %broadcast_in_dim3A_1238, %get3A_1254 : vector<16xf32>
      %add3A_1256 = arith.addf %add3A_1205, %mul3A_1255 : vector<16xf32>
      %get3A_1257 = arith.constant 19 : i32
      %get3A_1258 = arith.index_cast %get3A_1257 : i32 to index
      %get3A_1259 = arith.constant 48 : index
      %get3A_1260 = tpu.vector_load %arg14[%get3A_1258, %get3A_1259] {strides = array<i32>} : memref<64x128xf32, #tpu.memory_space<vmem>>, vector<16xf32>,
      %mul3A_1261 = arith.mulf %broadcast_in_dim3A_1238, %get3A_1260 : vector<16xf32>
      %add3A_1262 = arith.addf %add3A_1211, %mul3A_1261 : vector<16xf32>
      %get3A_1263 = arith.constant 19 : i32
      %get3A_1264 = arith.index_cast %get3A_1263 : i32 to index
      %get3A_1265 = arith.constant 64 : index
      %get3A_1266 = tpu.vector_load %arg14[%get3A_1264, %get3A_1265] {strides = array<i32>} : memref<64x128xf32, #tpu.memory_space<vmem>>, vector<16xf32>,
      %mul3A_1267 = arith.mulf %broadcast_in_dim3A_1238, %get3A_1266 : vector<16xf32>
      %add3A_1268 = arith.addf %add3A_1217, %mul3A_1267 : vector<16xf32>
      %get3A_1269 = arith.constant 19 : i32
      %get3A_1270 = arith.index_cast %get3A_1269 : i32 to index
      %get3A_1271 = arith.constant 80 : index
      %get3A_1272 = tpu.vector_load %arg14[%get3A_1270, %get3A_1271] {strides = array<i32>} : memref<64x128xf32, #tpu.memory_space<vmem>>, vector<16xf32>,
      %mul3A_1273 = arith.mulf %broadcast_in_dim3A_1238, %get3A_1272 : vector<16xf32>
      %add3A_1274 = arith.addf %add3A_1223, %mul3A_1273 : vector<16xf32>
      %get3A_1275 = arith.constant 19 : i32
      %get3A_1276 = arith.index_cast %get3A_1275 : i32 to index
      %get3A_1277 = arith.constant 96 : index
      %get3A_1278 = tpu.vector_load %arg14[%get3A_1276, %get3A_1277] {strides = array<i32>} : memref<64x128xf32, #tpu.memory_space<vmem>>, vector<16xf32>,
      %mul3A_1279 = arith.mulf %broadcast_in_dim3A_1238, %get3A_1278 : vector<16xf32>
      %add3A_1280 = arith.addf %add3A_1229, %mul3A_1279 : vector<16xf32>
      %get3A_1281 = arith.constant 19 : i32
      %get3A_1282 = arith.index_cast %get3A_1281 : i32 to index
      %get3A_1283 = arith.constant 112 : index
      %get3A_1284 = tpu.vector_load %arg14[%get3A_1282, %get3A_1283] {strides = array<i32>} : memref<64x128xf32, #tpu.memory_space<vmem>>, vector<16xf32>,
      %mul3A_1285 = arith.mulf %broadcast_in_dim3A_1238, %get3A_1284 : vector<16xf32>
      %add3A_1286 = arith.addf %add3A_1235, %mul3A_1285 : vector<16xf32>
      %slice3A_1287 = vector.extract_strided_slice %div3A_242 {offsets = [4], sizes = [1], strides = [1]} : vector<16xf32> to vector<1xf32>
      %squeeze3A_1288 = vector.extract %slice3A_1287[0] : f32 from vector<1xf32>
      %broadcast_in_dim3A_1289 = vector.broadcast %squeeze3A_1288 : f32 to vector<16xf32>
      %get3A_1290 = arith.constant 20 : i32
      %get3A_1291 = arith.index_cast %get3A_1290 : i32 to index
      %get3A_1292 = arith.constant 0 : index
      %get3A_1293 = tpu.vector_load %arg14[%get3A_1291, %get3A_1292] {strides = array<i32>} : memref<64x128xf32, #tpu.memory_space<vmem>>, vector<16xf32>,
      %mul3A_1294 = arith.mulf %broadcast_in_dim3A_1289, %get3A_1293 : vector<16xf32>
      %add3A_1295 = arith.addf %add3A_1244, %mul3A_1294 : vector<16xf32>
      %get3A_1296 = arith.constant 20 : i32
      %get3A_1297 = arith.index_cast %get3A_1296 : i32 to index
      %get3A_1298 = arith.constant 16 : index
      %get3A_1299 = tpu.vector_load %arg14[%get3A_1297, %get3A_1298] {strides = array<i32>} : memref<64x128xf32, #tpu.memory_space<vmem>>, vector<16xf32>,
      %mul3A_1300 = arith.mulf %broadcast_in_dim3A_1289, %get3A_1299 : vector<16xf32>
      %add3A_1301 = arith.addf %add3A_1250, %mul3A_1300 : vector<16xf32>
      %get3A_1302 = arith.constant 20 : i32
      %get3A_1303 = arith.index_cast %get3A_1302 : i32 to index
      %get3A_1304 = arith.constant 32 : index
      %get3A_1305 = tpu.vector_load %arg14[%get3A_1303, %get3A_1304] {strides = array<i32>} : memref<64x128xf32, #tpu.memory_space<vmem>>, vector<16xf32>,
      %mul3A_1306 = arith.mulf %broadcast_in_dim3A_1289, %get3A_1305 : vector<16xf32>
      %add3A_1307 = arith.addf %add3A_1256, %mul3A_1306 : vector<16xf32>
      %get3A_1308 = arith.constant 20 : i32
      %get3A_1309 = arith.index_cast %get3A_1308 : i32 to index
      %get3A_1310 = arith.constant 48 : index
      %get3A_1311 = tpu.vector_load %arg14[%get3A_1309, %get3A_1310] {strides = array<i32>} : memref<64x128xf32, #tpu.memory_space<vmem>>, vector<16xf32>,
      %mul3A_1312 = arith.mulf %broadcast_in_dim3A_1289, %get3A_1311 : vector<16xf32>
      %add3A_1313 = arith.addf %add3A_1262, %mul3A_1312 : vector<16xf32>
      %get3A_1314 = arith.constant 20 : i32
      %get3A_1315 = arith.index_cast %get3A_1314 : i32 to index
      %get3A_1316 = arith.constant 64 : index
      %get3A_1317 = tpu.vector_load %arg14[%get3A_1315, %get3A_1316] {strides = array<i32>} : memref<64x128xf32, #tpu.memory_space<vmem>>, vector<16xf32>,
      %mul3A_1318 = arith.mulf %broadcast_in_dim3A_1289, %get3A_1317 : vector<16xf32>
      %add3A_1319 = arith.addf %add3A_1268, %mul3A_1318 : vector<16xf32>
      %get3A_1320 = arith.constant 20 : i32
      %get3A_1321 = arith.index_cast %get3A_1320 : i32 to index
      %get3A_1322 = arith.constant 80 : index
      %get3A_1323 = tpu.vector_load %arg14[%get3A_1321, %get3A_1322] {strides = array<i32>} : memref<64x128xf32, #tpu.memory_space<vmem>>, vector<16xf32>,
      %mul3A_1324 = arith.mulf %broadcast_in_dim3A_1289, %get3A_1323 : vector<16xf32>
      %add3A_1325 = arith.addf %add3A_1274, %mul3A_1324 : vector<16xf32>
      %get3A_1326 = arith.constant 20 : i32
      %get3A_1327 = arith.index_cast %get3A_1326 : i32 to index
      %get3A_1328 = arith.constant 96 : index
      %get3A_1329 = tpu.vector_load %arg14[%get3A_1327, %get3A_1328] {strides = array<i32>} : memref<64x128xf32, #tpu.memory_space<vmem>>, vector<16xf32>,
      %mul3A_1330 = arith.mulf %broadcast_in_dim3A_1289, %get3A_1329 : vector<16xf32>
      %add3A_1331 = arith.addf %add3A_1280, %mul3A_1330 : vector<16xf32>
      %get3A_1332 = arith.constant 20 : i32
      %get3A_1333 = arith.index_cast %get3A_1332 : i32 to index
      %get3A_1334 = arith.constant 112 : index
      %get3A_1335 = tpu.vector_load %arg14[%get3A_1333, %get3A_1334] {strides = array<i32>} : memref<64x128xf32, #tpu.memory_space<vmem>>, vector<16xf32>,
      %mul3A_1336 = arith.mulf %broadcast_in_dim3A_1289, %get3A_1335 : vector<16xf32>
      %add3A_1337 = arith.addf %add3A_1286, %mul3A_1336 : vector<16xf32>
      %slice3A_1338 = vector.extract_strided_slice %div3A_242 {offsets = [5], sizes = [1], strides = [1]} : vector<16xf32> to vector<1xf32>
      %squeeze3A_1339 = vector.extract %slice3A_1338[0] : f32 from vector<1xf32>
      %broadcast_in_dim3A_1340 = vector.broadcast %squeeze3A_1339 : f32 to vector<16xf32>
      %get3A_1341 = arith.constant 21 : i32
      %get3A_1342 = arith.index_cast %get3A_1341 : i32 to index
      %get3A_1343 = arith.constant 0 : index
      %get3A_1344 = tpu.vector_load %arg14[%get3A_1342, %get3A_1343] {strides = array<i32>} : memref<64x128xf32, #tpu.memory_space<vmem>>, vector<16xf32>,
      %mul3A_1345 = arith.mulf %broadcast_in_dim3A_1340, %get3A_1344 : vector<16xf32>
      %add3A_1346 = arith.addf %add3A_1295, %mul3A_1345 : vector<16xf32>
      %get3A_1347 = arith.constant 21 : i32
      %get3A_1348 = arith.index_cast %get3A_1347 : i32 to index
      %get3A_1349 = arith.constant 16 : index
      %get3A_1350 = tpu.vector_load %arg14[%get3A_1348, %get3A_1349] {strides = array<i32>} : memref<64x128xf32, #tpu.memory_space<vmem>>, vector<16xf32>,
      %mul3A_1351 = arith.mulf %broadcast_in_dim3A_1340, %get3A_1350 : vector<16xf32>
      %add3A_1352 = arith.addf %add3A_1301, %mul3A_1351 : vector<16xf32>
      %get3A_1353 = arith.constant 21 : i32
      %get3A_1354 = arith.index_cast %get3A_1353 : i32 to index
      %get3A_1355 = arith.constant 32 : index
      %get3A_1356 = tpu.vector_load %arg14[%get3A_1354, %get3A_1355] {strides = array<i32>} : memref<64x128xf32, #tpu.memory_space<vmem>>, vector<16xf32>,
      %mul3A_1357 = arith.mulf %broadcast_in_dim3A_1340, %get3A_1356 : vector<16xf32>
      %add3A_1358 = arith.addf %add3A_1307, %mul3A_1357 : vector<16xf32>
      %get3A_1359 = arith.constant 21 : i32
      %get3A_1360 = arith.index_cast %get3A_1359 : i32 to index
      %get3A_1361 = arith.constant 48 : index
      %get3A_1362 = tpu.vector_load %arg14[%get3A_1360, %get3A_1361] {strides = array<i32>} : memref<64x128xf32, #tpu.memory_space<vmem>>, vector<16xf32>,
      %mul3A_1363 = arith.mulf %broadcast_in_dim3A_1340, %get3A_1362 : vector<16xf32>
      %add3A_1364 = arith.addf %add3A_1313, %mul3A_1363 : vector<16xf32>
      %get3A_1365 = arith.constant 21 : i32
      %get3A_1366 = arith.index_cast %get3A_1365 : i32 to index
      %get3A_1367 = arith.constant 64 : index
      %get3A_1368 = tpu.vector_load %arg14[%get3A_1366, %get3A_1367] {strides = array<i32>} : memref<64x128xf32, #tpu.memory_space<vmem>>, vector<16xf32>,
      %mul3A_1369 = arith.mulf %broadcast_in_dim3A_1340, %get3A_1368 : vector<16xf32>
      %add3A_1370 = arith.addf %add3A_1319, %mul3A_1369 : vector<16xf32>
      %get3A_1371 = arith.constant 21 : i32
      %get3A_1372 = arith.index_cast %get3A_1371 : i32 to index
      %get3A_1373 = arith.constant 80 : index
      %get3A_1374 = tpu.vector_load %arg14[%get3A_1372, %get3A_1373] {strides = array<i32>} : memref<64x128xf32, #tpu.memory_space<vmem>>, vector<16xf32>,
      %mul3A_1375 = arith.mulf %broadcast_in_dim3A_1340, %get3A_1374 : vector<16xf32>
      %add3A_1376 = arith.addf %add3A_1325, %mul3A_1375 : vector<16xf32>
      %get3A_1377 = arith.constant 21 : i32
      %get3A_1378 = arith.index_cast %get3A_1377 : i32 to index
      %get3A_1379 = arith.constant 96 : index
      %get3A_1380 = tpu.vector_load %arg14[%get3A_1378, %get3A_1379] {strides = array<i32>} : memref<64x128xf32, #tpu.memory_space<vmem>>, vector<16xf32>,
      %mul3A_1381 = arith.mulf %broadcast_in_dim3A_1340, %get3A_1380 : vector<16xf32>
      %add3A_1382 = arith.addf %add3A_1331, %mul3A_1381 : vector<16xf32>
      %get3A_1383 = arith.constant 21 : i32
      %get3A_1384 = arith.index_cast %get3A_1383 : i32 to index
      %get3A_1385 = arith.constant 112 : index
      %get3A_1386 = tpu.vector_load %arg14[%get3A_1384, %get3A_1385] {strides = array<i32>} : memref<64x128xf32, #tpu.memory_space<vmem>>, vector<16xf32>,
      %mul3A_1387 = arith.mulf %broadcast_in_dim3A_1340, %get3A_1386 : vector<16xf32>
      %add3A_1388 = arith.addf %add3A_1337, %mul3A_1387 : vector<16xf32>
      %slice3A_1389 = vector.extract_strided_slice %div3A_242 {offsets = [6], sizes = [1], strides = [1]} : vector<16xf32> to vector<1xf32>
      %squeeze3A_1390 = vector.extract %slice3A_1389[0] : f32 from vector<1xf32>
      %broadcast_in_dim3A_1391 = vector.broadcast %squeeze3A_1390 : f32 to vector<16xf32>
      %get3A_1392 = arith.constant 22 : i32
      %get3A_1393 = arith.index_cast %get3A_1392 : i32 to index
      %get3A_1394 = arith.constant 0 : index
      %get3A_1395 = tpu.vector_load %arg14[%get3A_1393, %get3A_1394] {strides = array<i32>} : memref<64x128xf32, #tpu.memory_space<vmem>>, vector<16xf32>,
      %mul3A_1396 = arith.mulf %broadcast_in_dim3A_1391, %get3A_1395 : vector<16xf32>
      %add3A_1397 = arith.addf %add3A_1346, %mul3A_1396 : vector<16xf32>
      %get3A_1398 = arith.constant 22 : i32
      %get3A_1399 = arith.index_cast %get3A_1398 : i32 to index
      %get3A_1400 = arith.constant 16 : index
      %get3A_1401 = tpu.vector_load %arg14[%get3A_1399, %get3A_1400] {strides = array<i32>} : memref<64x128xf32, #tpu.memory_space<vmem>>, vector<16xf32>,
      %mul3A_1402 = arith.mulf %broadcast_in_dim3A_1391, %get3A_1401 : vector<16xf32>
      %add3A_1403 = arith.addf %add3A_1352, %mul3A_1402 : vector<16xf32>
      %get3A_1404 = arith.constant 22 : i32
      %get3A_1405 = arith.index_cast %get3A_1404 : i32 to index
      %get3A_1406 = arith.constant 32 : index
      %get3A_1407 = tpu.vector_load %arg14[%get3A_1405, %get3A_1406] {strides = array<i32>} : memref<64x128xf32, #tpu.memory_space<vmem>>, vector<16xf32>,
      %mul3A_1408 = arith.mulf %broadcast_in_dim3A_1391, %get3A_1407 : vector<16xf32>
      %add3A_1409 = arith.addf %add3A_1358, %mul3A_1408 : vector<16xf32>
      %get3A_1410 = arith.constant 22 : i32
      %get3A_1411 = arith.index_cast %get3A_1410 : i32 to index
      %get3A_1412 = arith.constant 48 : index
      %get3A_1413 = tpu.vector_load %arg14[%get3A_1411, %get3A_1412] {strides = array<i32>} : memref<64x128xf32, #tpu.memory_space<vmem>>, vector<16xf32>,
      %mul3A_1414 = arith.mulf %broadcast_in_dim3A_1391, %get3A_1413 : vector<16xf32>
      %add3A_1415 = arith.addf %add3A_1364, %mul3A_1414 : vector<16xf32>
      %get3A_1416 = arith.constant 22 : i32
      %get3A_1417 = arith.index_cast %get3A_1416 : i32 to index
      %get3A_1418 = arith.constant 64 : index
      %get3A_1419 = tpu.vector_load %arg14[%get3A_1417, %get3A_1418] {strides = array<i32>} : memref<64x128xf32, #tpu.memory_space<vmem>>, vector<16xf32>,
      %mul3A_1420 = arith.mulf %broadcast_in_dim3A_1391, %get3A_1419 : vector<16xf32>
      %add3A_1421 = arith.addf %add3A_1370, %mul3A_1420 : vector<16xf32>
      %get3A_1422 = arith.constant 22 : i32
      %get3A_1423 = arith.index_cast %get3A_1422 : i32 to index
      %get3A_1424 = arith.constant 80 : index
      %get3A_1425 = tpu.vector_load %arg14[%get3A_1423, %get3A_1424] {strides = array<i32>} : memref<64x128xf32, #tpu.memory_space<vmem>>, vector<16xf32>,
      %mul3A_1426 = arith.mulf %broadcast_in_dim3A_1391, %get3A_1425 : vector<16xf32>
      %add3A_1427 = arith.addf %add3A_1376, %mul3A_1426 : vector<16xf32>
      %get3A_1428 = arith.constant 22 : i32
      %get3A_1429 = arith.index_cast %get3A_1428 : i32 to index
      %get3A_1430 = arith.constant 96 : index
      %get3A_1431 = tpu.vector_load %arg14[%get3A_1429, %get3A_1430] {strides = array<i32>} : memref<64x128xf32, #tpu.memory_space<vmem>>, vector<16xf32>,
      %mul3A_1432 = arith.mulf %broadcast_in_dim3A_1391, %get3A_1431 : vector<16xf32>
      %add3A_1433 = arith.addf %add3A_1382, %mul3A_1432 : vector<16xf32>
      %get3A_1434 = arith.constant 22 : i32
      %get3A_1435 = arith.index_cast %get3A_1434 : i32 to index
      %get3A_1436 = arith.constant 112 : index
      %get3A_1437 = tpu.vector_load %arg14[%get3A_1435, %get3A_1436] {strides = array<i32>} : memref<64x128xf32, #tpu.memory_space<vmem>>, vector<16xf32>,
      %mul3A_1438 = arith.mulf %broadcast_in_dim3A_1391, %get3A_1437 : vector<16xf32>
      %add3A_1439 = arith.addf %add3A_1388, %mul3A_1438 : vector<16xf32>
      %slice3A_1440 = vector.extract_strided_slice %div3A_242 {offsets = [7], sizes = [1], strides = [1]} : vector<16xf32> to vector<1xf32>
      %squeeze3A_1441 = vector.extract %slice3A_1440[0] : f32 from vector<1xf32>
      %broadcast_in_dim3A_1442 = vector.broadcast %squeeze3A_1441 : f32 to vector<16xf32>
      %get3A_1443 = arith.constant 23 : i32
      %get3A_1444 = arith.index_cast %get3A_1443 : i32 to index
      %get3A_1445 = arith.constant 0 : index
      %get3A_1446 = tpu.vector_load %arg14[%get3A_1444, %get3A_1445] {strides = array<i32>} : memref<64x128xf32, #tpu.memory_space<vmem>>, vector<16xf32>,
      %mul3A_1447 = arith.mulf %broadcast_in_dim3A_1442, %get3A_1446 : vector<16xf32>
      %add3A_1448 = arith.addf %add3A_1397, %mul3A_1447 : vector<16xf32>
      %get3A_1449 = arith.constant 23 : i32
      %get3A_1450 = arith.index_cast %get3A_1449 : i32 to index
      %get3A_1451 = arith.constant 16 : index
      %get3A_1452 = tpu.vector_load %arg14[%get3A_1450, %get3A_1451] {strides = array<i32>} : memref<64x128xf32, #tpu.memory_space<vmem>>, vector<16xf32>,
      %mul3A_1453 = arith.mulf %broadcast_in_dim3A_1442, %get3A_1452 : vector<16xf32>
      %add3A_1454 = arith.addf %add3A_1403, %mul3A_1453 : vector<16xf32>
      %get3A_1455 = arith.constant 23 : i32
      %get3A_1456 = arith.index_cast %get3A_1455 : i32 to index
      %get3A_1457 = arith.constant 32 : index
      %get3A_1458 = tpu.vector_load %arg14[%get3A_1456, %get3A_1457] {strides = array<i32>} : memref<64x128xf32, #tpu.memory_space<vmem>>, vector<16xf32>,
      %mul3A_1459 = arith.mulf %broadcast_in_dim3A_1442, %get3A_1458 : vector<16xf32>
      %add3A_1460 = arith.addf %add3A_1409, %mul3A_1459 : vector<16xf32>
      %get3A_1461 = arith.constant 23 : i32
      %get3A_1462 = arith.index_cast %get3A_1461 : i32 to index
      %get3A_1463 = arith.constant 48 : index
      %get3A_1464 = tpu.vector_load %arg14[%get3A_1462, %get3A_1463] {strides = array<i32>} : memref<64x128xf32, #tpu.memory_space<vmem>>, vector<16xf32>,
      %mul3A_1465 = arith.mulf %broadcast_in_dim3A_1442, %get3A_1464 : vector<16xf32>
      %add3A_1466 = arith.addf %add3A_1415, %mul3A_1465 : vector<16xf32>
      %get3A_1467 = arith.constant 23 : i32
      %get3A_1468 = arith.index_cast %get3A_1467 : i32 to index
      %get3A_1469 = arith.constant 64 : index
      %get3A_1470 = tpu.vector_load %arg14[%get3A_1468, %get3A_1469] {strides = array<i32>} : memref<64x128xf32, #tpu.memory_space<vmem>>, vector<16xf32>,
      %mul3A_1471 = arith.mulf %broadcast_in_dim3A_1442, %get3A_1470 : vector<16xf32>
      %add3A_1472 = arith.addf %add3A_1421, %mul3A_1471 : vector<16xf32>
      %get3A_1473 = arith.constant 23 : i32
      %get3A_1474 = arith.index_cast %get3A_1473 : i32 to index
      %get3A_1475 = arith.constant 80 : index
      %get3A_1476 = tpu.vector_load %arg14[%get3A_1474, %get3A_1475] {strides = array<i32>} : memref<64x128xf32, #tpu.memory_space<vmem>>, vector<16xf32>,
      %mul3A_1477 = arith.mulf %broadcast_in_dim3A_1442, %get3A_1476 : vector<16xf32>
      %add3A_1478 = arith.addf %add3A_1427, %mul3A_1477 : vector<16xf32>
      %get3A_1479 = arith.constant 23 : i32
      %get3A_1480 = arith.index_cast %get3A_1479 : i32 to index
      %get3A_1481 = arith.constant 96 : index
      %get3A_1482 = tpu.vector_load %arg14[%get3A_1480, %get3A_1481] {strides = array<i32>} : memref<64x128xf32, #tpu.memory_space<vmem>>, vector<16xf32>,
      %mul3A_1483 = arith.mulf %broadcast_in_dim3A_1442, %get3A_1482 : vector<16xf32>
      %add3A_1484 = arith.addf %add3A_1433, %mul3A_1483 : vector<16xf32>
      %get3A_1485 = arith.constant 23 : i32
      %get3A_1486 = arith.index_cast %get3A_1485 : i32 to index
      %get3A_1487 = arith.constant 112 : index
      %get3A_1488 = tpu.vector_load %arg14[%get3A_1486, %get3A_1487] {strides = array<i32>} : memref<64x128xf32, #tpu.memory_space<vmem>>, vector<16xf32>,
      %mul3A_1489 = arith.mulf %broadcast_in_dim3A_1442, %get3A_1488 : vector<16xf32>
      %add3A_1490 = arith.addf %add3A_1439, %mul3A_1489 : vector<16xf32>
      %slice3A_1491 = vector.extract_strided_slice %div3A_242 {offsets = [8], sizes = [1], strides = [1]} : vector<16xf32> to vector<1xf32>
      %squeeze3A_1492 = vector.extract %slice3A_1491[0] : f32 from vector<1xf32>
      %broadcast_in_dim3A_1493 = vector.broadcast %squeeze3A_1492 : f32 to vector<16xf32>
      %get3A_1494 = arith.constant 24 : i32
      %get3A_1495 = arith.index_cast %get3A_1494 : i32 to index
      %get3A_1496 = arith.constant 0 : index
      %get3A_1497 = tpu.vector_load %arg14[%get3A_1495, %get3A_1496] {strides = array<i32>} : memref<64x128xf32, #tpu.memory_space<vmem>>, vector<16xf32>,
      %mul3A_1498 = arith.mulf %broadcast_in_dim3A_1493, %get3A_1497 : vector<16xf32>
      %add3A_1499 = arith.addf %add3A_1448, %mul3A_1498 : vector<16xf32>
      %get3A_1500 = arith.constant 24 : i32
      %get3A_1501 = arith.index_cast %get3A_1500 : i32 to index
      %get3A_1502 = arith.constant 16 : index
      %get3A_1503 = tpu.vector_load %arg14[%get3A_1501, %get3A_1502] {strides = array<i32>} : memref<64x128xf32, #tpu.memory_space<vmem>>, vector<16xf32>,
      %mul3A_1504 = arith.mulf %broadcast_in_dim3A_1493, %get3A_1503 : vector<16xf32>
      %add3A_1505 = arith.addf %add3A_1454, %mul3A_1504 : vector<16xf32>
      %get3A_1506 = arith.constant 24 : i32
      %get3A_1507 = arith.index_cast %get3A_1506 : i32 to index
      %get3A_1508 = arith.constant 32 : index
      %get3A_1509 = tpu.vector_load %arg14[%get3A_1507, %get3A_1508] {strides = array<i32>} : memref<64x128xf32, #tpu.memory_space<vmem>>, vector<16xf32>,
      %mul3A_1510 = arith.mulf %broadcast_in_dim3A_1493, %get3A_1509 : vector<16xf32>
      %add3A_1511 = arith.addf %add3A_1460, %mul3A_1510 : vector<16xf32>
      %get3A_1512 = arith.constant 24 : i32
      %get3A_1513 = arith.index_cast %get3A_1512 : i32 to index
      %get3A_1514 = arith.constant 48 : index
      %get3A_1515 = tpu.vector_load %arg14[%get3A_1513, %get3A_1514] {strides = array<i32>} : memref<64x128xf32, #tpu.memory_space<vmem>>, vector<16xf32>,
      %mul3A_1516 = arith.mulf %broadcast_in_dim3A_1493, %get3A_1515 : vector<16xf32>
      %add3A_1517 = arith.addf %add3A_1466, %mul3A_1516 : vector<16xf32>
      %get3A_1518 = arith.constant 24 : i32
      %get3A_1519 = arith.index_cast %get3A_1518 : i32 to index
      %get3A_1520 = arith.constant 64 : index
      %get3A_1521 = tpu.vector_load %arg14[%get3A_1519, %get3A_1520] {strides = array<i32>} : memref<64x128xf32, #tpu.memory_space<vmem>>, vector<16xf32>,
      %mul3A_1522 = arith.mulf %broadcast_in_dim3A_1493, %get3A_1521 : vector<16xf32>
      %add3A_1523 = arith.addf %add3A_1472, %mul3A_1522 : vector<16xf32>
      %get3A_1524 = arith.constant 24 : i32
      %get3A_1525 = arith.index_cast %get3A_1524 : i32 to index
      %get3A_1526 = arith.constant 80 : index
      %get3A_1527 = tpu.vector_load %arg14[%get3A_1525, %get3A_1526] {strides = array<i32>} : memref<64x128xf32, #tpu.memory_space<vmem>>, vector<16xf32>,
      %mul3A_1528 = arith.mulf %broadcast_in_dim3A_1493, %get3A_1527 : vector<16xf32>
      %add3A_1529 = arith.addf %add3A_1478, %mul3A_1528 : vector<16xf32>
      %get3A_1530 = arith.constant 24 : i32
      %get3A_1531 = arith.index_cast %get3A_1530 : i32 to index
      %get3A_1532 = arith.constant 96 : index
      %get3A_1533 = tpu.vector_load %arg14[%get3A_1531, %get3A_1532] {strides = array<i32>} : memref<64x128xf32, #tpu.memory_space<vmem>>, vector<16xf32>,
      %mul3A_1534 = arith.mulf %broadcast_in_dim3A_1493, %get3A_1533 : vector<16xf32>
      %add3A_1535 = arith.addf %add3A_1484, %mul3A_1534 : vector<16xf32>
      %get3A_1536 = arith.constant 24 : i32
      %get3A_1537 = arith.index_cast %get3A_1536 : i32 to index
      %get3A_1538 = arith.constant 112 : index
      %get3A_1539 = tpu.vector_load %arg14[%get3A_1537, %get3A_1538] {strides = array<i32>} : memref<64x128xf32, #tpu.memory_space<vmem>>, vector<16xf32>,
      %mul3A_1540 = arith.mulf %broadcast_in_dim3A_1493, %get3A_1539 : vector<16xf32>
      %add3A_1541 = arith.addf %add3A_1490, %mul3A_1540 : vector<16xf32>
      %slice3A_1542 = vector.extract_strided_slice %div3A_242 {offsets = [9], sizes = [1], strides = [1]} : vector<16xf32> to vector<1xf32>
      %squeeze3A_1543 = vector.extract %slice3A_1542[0] : f32 from vector<1xf32>
      %broadcast_in_dim3A_1544 = vector.broadcast %squeeze3A_1543 : f32 to vector<16xf32>
      %get3A_1545 = arith.constant 25 : i32
      %get3A_1546 = arith.index_cast %get3A_1545 : i32 to index
      %get3A_1547 = arith.constant 0 : index
      %get3A_1548 = tpu.vector_load %arg14[%get3A_1546, %get3A_1547] {strides = array<i32>} : memref<64x128xf32, #tpu.memory_space<vmem>>, vector<16xf32>,
      %mul3A_1549 = arith.mulf %broadcast_in_dim3A_1544, %get3A_1548 : vector<16xf32>
      %add3A_1550 = arith.addf %add3A_1499, %mul3A_1549 : vector<16xf32>
      %get3A_1551 = arith.constant 25 : i32
      %get3A_1552 = arith.index_cast %get3A_1551 : i32 to index
      %get3A_1553 = arith.constant 16 : index
      %get3A_1554 = tpu.vector_load %arg14[%get3A_1552, %get3A_1553] {strides = array<i32>} : memref<64x128xf32, #tpu.memory_space<vmem>>, vector<16xf32>,
      %mul3A_1555 = arith.mulf %broadcast_in_dim3A_1544, %get3A_1554 : vector<16xf32>
      %add3A_1556 = arith.addf %add3A_1505, %mul3A_1555 : vector<16xf32>
      %get3A_1557 = arith.constant 25 : i32
      %get3A_1558 = arith.index_cast %get3A_1557 : i32 to index
      %get3A_1559 = arith.constant 32 : index
      %get3A_1560 = tpu.vector_load %arg14[%get3A_1558, %get3A_1559] {strides = array<i32>} : memref<64x128xf32, #tpu.memory_space<vmem>>, vector<16xf32>,
      %mul3A_1561 = arith.mulf %broadcast_in_dim3A_1544, %get3A_1560 : vector<16xf32>
      %add3A_1562 = arith.addf %add3A_1511, %mul3A_1561 : vector<16xf32>
      %get3A_1563 = arith.constant 25 : i32
      %get3A_1564 = arith.index_cast %get3A_1563 : i32 to index
      %get3A_1565 = arith.constant 48 : index
      %get3A_1566 = tpu.vector_load %arg14[%get3A_1564, %get3A_1565] {strides = array<i32>} : memref<64x128xf32, #tpu.memory_space<vmem>>, vector<16xf32>,
      %mul3A_1567 = arith.mulf %broadcast_in_dim3A_1544, %get3A_1566 : vector<16xf32>
      %add3A_1568 = arith.addf %add3A_1517, %mul3A_1567 : vector<16xf32>
      %get3A_1569 = arith.constant 25 : i32
      %get3A_1570 = arith.index_cast %get3A_1569 : i32 to index
      %get3A_1571 = arith.constant 64 : index
      %get3A_1572 = tpu.vector_load %arg14[%get3A_1570, %get3A_1571] {strides = array<i32>} : memref<64x128xf32, #tpu.memory_space<vmem>>, vector<16xf32>,
      %mul3A_1573 = arith.mulf %broadcast_in_dim3A_1544, %get3A_1572 : vector<16xf32>
      %add3A_1574 = arith.addf %add3A_1523, %mul3A_1573 : vector<16xf32>
      %get3A_1575 = arith.constant 25 : i32
      %get3A_1576 = arith.index_cast %get3A_1575 : i32 to index
      %get3A_1577 = arith.constant 80 : index
      %get3A_1578 = tpu.vector_load %arg14[%get3A_1576, %get3A_1577] {strides = array<i32>} : memref<64x128xf32, #tpu.memory_space<vmem>>, vector<16xf32>,
      %mul3A_1579 = arith.mulf %broadcast_in_dim3A_1544, %get3A_1578 : vector<16xf32>
      %add3A_1580 = arith.addf %add3A_1529, %mul3A_1579 : vector<16xf32>
      %get3A_1581 = arith.constant 25 : i32
      %get3A_1582 = arith.index_cast %get3A_1581 : i32 to index
      %get3A_1583 = arith.constant 96 : index
      %get3A_1584 = tpu.vector_load %arg14[%get3A_1582, %get3A_1583] {strides = array<i32>} : memref<64x128xf32, #tpu.memory_space<vmem>>, vector<16xf32>,
      %mul3A_1585 = arith.mulf %broadcast_in_dim3A_1544, %get3A_1584 : vector<16xf32>
      %add3A_1586 = arith.addf %add3A_1535, %mul3A_1585 : vector<16xf32>
      %get3A_1587 = arith.constant 25 : i32
      %get3A_1588 = arith.index_cast %get3A_1587 : i32 to index
      %get3A_1589 = arith.constant 112 : index
      %get3A_1590 = tpu.vector_load %arg14[%get3A_1588, %get3A_1589] {strides = array<i32>} : memref<64x128xf32, #tpu.memory_space<vmem>>, vector<16xf32>,
      %mul3A_1591 = arith.mulf %broadcast_in_dim3A_1544, %get3A_1590 : vector<16xf32>
      %add3A_1592 = arith.addf %add3A_1541, %mul3A_1591 : vector<16xf32>
      %slice3A_1593 = vector.extract_strided_slice %div3A_242 {offsets = [10], sizes = [1], strides = [1]} : vector<16xf32> to vector<1xf32>
      %squeeze3A_1594 = vector.extract %slice3A_1593[0] : f32 from vector<1xf32>
      %broadcast_in_dim3A_1595 = vector.broadcast %squeeze3A_1594 : f32 to vector<16xf32>
      %get3A_1596 = arith.constant 26 : i32
      %get3A_1597 = arith.index_cast %get3A_1596 : i32 to index
      %get3A_1598 = arith.constant 0 : index
      %get3A_1599 = tpu.vector_load %arg14[%get3A_1597, %get3A_1598] {strides = array<i32>} : memref<64x128xf32, #tpu.memory_space<vmem>>, vector<16xf32>,
      %mul3A_1600 = arith.mulf %broadcast_in_dim3A_1595, %get3A_1599 : vector<16xf32>
      %add3A_1601 = arith.addf %add3A_1550, %mul3A_1600 : vector<16xf32>
      %get3A_1602 = arith.constant 26 : i32
      %get3A_1603 = arith.index_cast %get3A_1602 : i32 to index
      %get3A_1604 = arith.constant 16 : index
      %get3A_1605 = tpu.vector_load %arg14[%get3A_1603, %get3A_1604] {strides = array<i32>} : memref<64x128xf32, #tpu.memory_space<vmem>>, vector<16xf32>,
      %mul3A_1606 = arith.mulf %broadcast_in_dim3A_1595, %get3A_1605 : vector<16xf32>
      %add3A_1607 = arith.addf %add3A_1556, %mul3A_1606 : vector<16xf32>
      %get3A_1608 = arith.constant 26 : i32
      %get3A_1609 = arith.index_cast %get3A_1608 : i32 to index
      %get3A_1610 = arith.constant 32 : index
      %get3A_1611 = tpu.vector_load %arg14[%get3A_1609, %get3A_1610] {strides = array<i32>} : memref<64x128xf32, #tpu.memory_space<vmem>>, vector<16xf32>,
      %mul3A_1612 = arith.mulf %broadcast_in_dim3A_1595, %get3A_1611 : vector<16xf32>
      %add3A_1613 = arith.addf %add3A_1562, %mul3A_1612 : vector<16xf32>
      %get3A_1614 = arith.constant 26 : i32
      %get3A_1615 = arith.index_cast %get3A_1614 : i32 to index
      %get3A_1616 = arith.constant 48 : index
      %get3A_1617 = tpu.vector_load %arg14[%get3A_1615, %get3A_1616] {strides = array<i32>} : memref<64x128xf32, #tpu.memory_space<vmem>>, vector<16xf32>,
      %mul3A_1618 = arith.mulf %broadcast_in_dim3A_1595, %get3A_1617 : vector<16xf32>
      %add3A_1619 = arith.addf %add3A_1568, %mul3A_1618 : vector<16xf32>
      %get3A_1620 = arith.constant 26 : i32
      %get3A_1621 = arith.index_cast %get3A_1620 : i32 to index
      %get3A_1622 = arith.constant 64 : index
      %get3A_1623 = tpu.vector_load %arg14[%get3A_1621, %get3A_1622] {strides = array<i32>} : memref<64x128xf32, #tpu.memory_space<vmem>>, vector<16xf32>,
      %mul3A_1624 = arith.mulf %broadcast_in_dim3A_1595, %get3A_1623 : vector<16xf32>
      %add3A_1625 = arith.addf %add3A_1574, %mul3A_1624 : vector<16xf32>
      %get3A_1626 = arith.constant 26 : i32
      %get3A_1627 = arith.index_cast %get3A_1626 : i32 to index
      %get3A_1628 = arith.constant 80 : index
      %get3A_1629 = tpu.vector_load %arg14[%get3A_1627, %get3A_1628] {strides = array<i32>} : memref<64x128xf32, #tpu.memory_space<vmem>>, vector<16xf32>,
      %mul3A_1630 = arith.mulf %broadcast_in_dim3A_1595, %get3A_1629 : vector<16xf32>
      %add3A_1631 = arith.addf %add3A_1580, %mul3A_1630 : vector<16xf32>
      %get3A_1632 = arith.constant 26 : i32
      %get3A_1633 = arith.index_cast %get3A_1632 : i32 to index
      %get3A_1634 = arith.constant 96 : index
      %get3A_1635 = tpu.vector_load %arg14[%get3A_1633, %get3A_1634] {strides = array<i32>} : memref<64x128xf32, #tpu.memory_space<vmem>>, vector<16xf32>,
      %mul3A_1636 = arith.mulf %broadcast_in_dim3A_1595, %get3A_1635 : vector<16xf32>
      %add3A_1637 = arith.addf %add3A_1586, %mul3A_1636 : vector<16xf32>
      %get3A_1638 = arith.constant 26 : i32
      %get3A_1639 = arith.index_cast %get3A_1638 : i32 to index
      %get3A_1640 = arith.constant 112 : index
      %get3A_1641 = tpu.vector_load %arg14[%get3A_1639, %get3A_1640] {strides = array<i32>} : memref<64x128xf32, #tpu.memory_space<vmem>>, vector<16xf32>,
      %mul3A_1642 = arith.mulf %broadcast_in_dim3A_1595, %get3A_1641 : vector<16xf32>
      %add3A_1643 = arith.addf %add3A_1592, %mul3A_1642 : vector<16xf32>
      %slice3A_1644 = vector.extract_strided_slice %div3A_242 {offsets = [11], sizes = [1], strides = [1]} : vector<16xf32> to vector<1xf32>
      %squeeze3A_1645 = vector.extract %slice3A_1644[0] : f32 from vector<1xf32>
      %broadcast_in_dim3A_1646 = vector.broadcast %squeeze3A_1645 : f32 to vector<16xf32>
      %get3A_1647 = arith.constant 27 : i32
      %get3A_1648 = arith.index_cast %get3A_1647 : i32 to index
      %get3A_1649 = arith.constant 0 : index
      %get3A_1650 = tpu.vector_load %arg14[%get3A_1648, %get3A_1649] {strides = array<i32>} : memref<64x128xf32, #tpu.memory_space<vmem>>, vector<16xf32>,
      %mul3A_1651 = arith.mulf %broadcast_in_dim3A_1646, %get3A_1650 : vector<16xf32>
      %add3A_1652 = arith.addf %add3A_1601, %mul3A_1651 : vector<16xf32>
      %get3A_1653 = arith.constant 27 : i32
      %get3A_1654 = arith.index_cast %get3A_1653 : i32 to index
      %get3A_1655 = arith.constant 16 : index
      %get3A_1656 = tpu.vector_load %arg14[%get3A_1654, %get3A_1655] {strides = array<i32>} : memref<64x128xf32, #tpu.memory_space<vmem>>, vector<16xf32>,
      %mul3A_1657 = arith.mulf %broadcast_in_dim3A_1646, %get3A_1656 : vector<16xf32>
      %add3A_1658 = arith.addf %add3A_1607, %mul3A_1657 : vector<16xf32>
      %get3A_1659 = arith.constant 27 : i32
      %get3A_1660 = arith.index_cast %get3A_1659 : i32 to index
      %get3A_1661 = arith.constant 32 : index
      %get3A_1662 = tpu.vector_load %arg14[%get3A_1660, %get3A_1661] {strides = array<i32>} : memref<64x128xf32, #tpu.memory_space<vmem>>, vector<16xf32>,
      %mul3A_1663 = arith.mulf %broadcast_in_dim3A_1646, %get3A_1662 : vector<16xf32>
      %add3A_1664 = arith.addf %add3A_1613, %mul3A_1663 : vector<16xf32>
      %get3A_1665 = arith.constant 27 : i32
      %get3A_1666 = arith.index_cast %get3A_1665 : i32 to index
      %get3A_1667 = arith.constant 48 : index
      %get3A_1668 = tpu.vector_load %arg14[%get3A_1666, %get3A_1667] {strides = array<i32>} : memref<64x128xf32, #tpu.memory_space<vmem>>, vector<16xf32>,
      %mul3A_1669 = arith.mulf %broadcast_in_dim3A_1646, %get3A_1668 : vector<16xf32>
      %add3A_1670 = arith.addf %add3A_1619, %mul3A_1669 : vector<16xf32>
      %get3A_1671 = arith.constant 27 : i32
      %get3A_1672 = arith.index_cast %get3A_1671 : i32 to index
      %get3A_1673 = arith.constant 64 : index
      %get3A_1674 = tpu.vector_load %arg14[%get3A_1672, %get3A_1673] {strides = array<i32>} : memref<64x128xf32, #tpu.memory_space<vmem>>, vector<16xf32>,
      %mul3A_1675 = arith.mulf %broadcast_in_dim3A_1646, %get3A_1674 : vector<16xf32>
      %add3A_1676 = arith.addf %add3A_1625, %mul3A_1675 : vector<16xf32>
      %get3A_1677 = arith.constant 27 : i32
      %get3A_1678 = arith.index_cast %get3A_1677 : i32 to index
      %get3A_1679 = arith.constant 80 : index
      %get3A_1680 = tpu.vector_load %arg14[%get3A_1678, %get3A_1679] {strides = array<i32>} : memref<64x128xf32, #tpu.memory_space<vmem>>, vector<16xf32>,
      %mul3A_1681 = arith.mulf %broadcast_in_dim3A_1646, %get3A_1680 : vector<16xf32>
      %add3A_1682 = arith.addf %add3A_1631, %mul3A_1681 : vector<16xf32>
      %get3A_1683 = arith.constant 27 : i32
      %get3A_1684 = arith.index_cast %get3A_1683 : i32 to index
      %get3A_1685 = arith.constant 96 : index
      %get3A_1686 = tpu.vector_load %arg14[%get3A_1684, %get3A_1685] {strides = array<i32>} : memref<64x128xf32, #tpu.memory_space<vmem>>, vector<16xf32>,
      %mul3A_1687 = arith.mulf %broadcast_in_dim3A_1646, %get3A_1686 : vector<16xf32>
      %add3A_1688 = arith.addf %add3A_1637, %mul3A_1687 : vector<16xf32>
      %get3A_1689 = arith.constant 27 : i32
      %get3A_1690 = arith.index_cast %get3A_1689 : i32 to index
      %get3A_1691 = arith.constant 112 : index
      %get3A_1692 = tpu.vector_load %arg14[%get3A_1690, %get3A_1691] {strides = array<i32>} : memref<64x128xf32, #tpu.memory_space<vmem>>, vector<16xf32>,
      %mul3A_1693 = arith.mulf %broadcast_in_dim3A_1646, %get3A_1692 : vector<16xf32>
      %add3A_1694 = arith.addf %add3A_1643, %mul3A_1693 : vector<16xf32>
      %slice3A_1695 = vector.extract_strided_slice %div3A_242 {offsets = [12], sizes = [1], strides = [1]} : vector<16xf32> to vector<1xf32>
      %squeeze3A_1696 = vector.extract %slice3A_1695[0] : f32 from vector<1xf32>
      %broadcast_in_dim3A_1697 = vector.broadcast %squeeze3A_1696 : f32 to vector<16xf32>
      %get3A_1698 = arith.constant 28 : i32
      %get3A_1699 = arith.index_cast %get3A_1698 : i32 to index
      %get3A_1700 = arith.constant 0 : index
      %get3A_1701 = tpu.vector_load %arg14[%get3A_1699, %get3A_1700] {strides = array<i32>} : memref<64x128xf32, #tpu.memory_space<vmem>>, vector<16xf32>,
      %mul3A_1702 = arith.mulf %broadcast_in_dim3A_1697, %get3A_1701 : vector<16xf32>
      %add3A_1703 = arith.addf %add3A_1652, %mul3A_1702 : vector<16xf32>
      %get3A_1704 = arith.constant 28 : i32
      %get3A_1705 = arith.index_cast %get3A_1704 : i32 to index
      %get3A_1706 = arith.constant 16 : index
      %get3A_1707 = tpu.vector_load %arg14[%get3A_1705, %get3A_1706] {strides = array<i32>} : memref<64x128xf32, #tpu.memory_space<vmem>>, vector<16xf32>,
      %mul3A_1708 = arith.mulf %broadcast_in_dim3A_1697, %get3A_1707 : vector<16xf32>
      %add3A_1709 = arith.addf %add3A_1658, %mul3A_1708 : vector<16xf32>
      %get3A_1710 = arith.constant 28 : i32
      %get3A_1711 = arith.index_cast %get3A_1710 : i32 to index
      %get3A_1712 = arith.constant 32 : index
      %get3A_1713 = tpu.vector_load %arg14[%get3A_1711, %get3A_1712] {strides = array<i32>} : memref<64x128xf32, #tpu.memory_space<vmem>>, vector<16xf32>,
      %mul3A_1714 = arith.mulf %broadcast_in_dim3A_1697, %get3A_1713 : vector<16xf32>
      %add3A_1715 = arith.addf %add3A_1664, %mul3A_1714 : vector<16xf32>
      %get3A_1716 = arith.constant 28 : i32
      %get3A_1717 = arith.index_cast %get3A_1716 : i32 to index
      %get3A_1718 = arith.constant 48 : index
      %get3A_1719 = tpu.vector_load %arg14[%get3A_1717, %get3A_1718] {strides = array<i32>} : memref<64x128xf32, #tpu.memory_space<vmem>>, vector<16xf32>,
      %mul3A_1720 = arith.mulf %broadcast_in_dim3A_1697, %get3A_1719 : vector<16xf32>
      %add3A_1721 = arith.addf %add3A_1670, %mul3A_1720 : vector<16xf32>
      %get3A_1722 = arith.constant 28 : i32
      %get3A_1723 = arith.index_cast %get3A_1722 : i32 to index
      %get3A_1724 = arith.constant 64 : index
      %get3A_1725 = tpu.vector_load %arg14[%get3A_1723, %get3A_1724] {strides = array<i32>} : memref<64x128xf32, #tpu.memory_space<vmem>>, vector<16xf32>,
      %mul3A_1726 = arith.mulf %broadcast_in_dim3A_1697, %get3A_1725 : vector<16xf32>
      %add3A_1727 = arith.addf %add3A_1676, %mul3A_1726 : vector<16xf32>
      %get3A_1728 = arith.constant 28 : i32
      %get3A_1729 = arith.index_cast %get3A_1728 : i32 to index
      %get3A_1730 = arith.constant 80 : index
      %get3A_1731 = tpu.vector_load %arg14[%get3A_1729, %get3A_1730] {strides = array<i32>} : memref<64x128xf32, #tpu.memory_space<vmem>>, vector<16xf32>,
      %mul3A_1732 = arith.mulf %broadcast_in_dim3A_1697, %get3A_1731 : vector<16xf32>
      %add3A_1733 = arith.addf %add3A_1682, %mul3A_1732 : vector<16xf32>
      %get3A_1734 = arith.constant 28 : i32
      %get3A_1735 = arith.index_cast %get3A_1734 : i32 to index
      %get3A_1736 = arith.constant 96 : index
      %get3A_1737 = tpu.vector_load %arg14[%get3A_1735, %get3A_1736] {strides = array<i32>} : memref<64x128xf32, #tpu.memory_space<vmem>>, vector<16xf32>,
      %mul3A_1738 = arith.mulf %broadcast_in_dim3A_1697, %get3A_1737 : vector<16xf32>
      %add3A_1739 = arith.addf %add3A_1688, %mul3A_1738 : vector<16xf32>
      %get3A_1740 = arith.constant 28 : i32
      %get3A_1741 = arith.index_cast %get3A_1740 : i32 to index
      %get3A_1742 = arith.constant 112 : index
      %get3A_1743 = tpu.vector_load %arg14[%get3A_1741, %get3A_1742] {strides = array<i32>} : memref<64x128xf32, #tpu.memory_space<vmem>>, vector<16xf32>,
      %mul3A_1744 = arith.mulf %broadcast_in_dim3A_1697, %get3A_1743 : vector<16xf32>
      %add3A_1745 = arith.addf %add3A_1694, %mul3A_1744 : vector<16xf32>
      %slice3A_1746 = vector.extract_strided_slice %div3A_242 {offsets = [13], sizes = [1], strides = [1]} : vector<16xf32> to vector<1xf32>
      %squeeze3A_1747 = vector.extract %slice3A_1746[0] : f32 from vector<1xf32>
      %broadcast_in_dim3A_1748 = vector.broadcast %squeeze3A_1747 : f32 to vector<16xf32>
      %get3A_1749 = arith.constant 29 : i32
      %get3A_1750 = arith.index_cast %get3A_1749 : i32 to index
      %get3A_1751 = arith.constant 0 : index
      %get3A_1752 = tpu.vector_load %arg14[%get3A_1750, %get3A_1751] {strides = array<i32>} : memref<64x128xf32, #tpu.memory_space<vmem>>, vector<16xf32>,
      %mul3A_1753 = arith.mulf %broadcast_in_dim3A_1748, %get3A_1752 : vector<16xf32>
      %add3A_1754 = arith.addf %add3A_1703, %mul3A_1753 : vector<16xf32>
      %get3A_1755 = arith.constant 29 : i32
      %get3A_1756 = arith.index_cast %get3A_1755 : i32 to index
      %get3A_1757 = arith.constant 16 : index
      %get3A_1758 = tpu.vector_load %arg14[%get3A_1756, %get3A_1757] {strides = array<i32>} : memref<64x128xf32, #tpu.memory_space<vmem>>, vector<16xf32>,
      %mul3A_1759 = arith.mulf %broadcast_in_dim3A_1748, %get3A_1758 : vector<16xf32>
      %add3A_1760 = arith.addf %add3A_1709, %mul3A_1759 : vector<16xf32>
      %get3A_1761 = arith.constant 29 : i32
      %get3A_1762 = arith.index_cast %get3A_1761 : i32 to index
      %get3A_1763 = arith.constant 32 : index
      %get3A_1764 = tpu.vector_load %arg14[%get3A_1762, %get3A_1763] {strides = array<i32>} : memref<64x128xf32, #tpu.memory_space<vmem>>, vector<16xf32>,
      %mul3A_1765 = arith.mulf %broadcast_in_dim3A_1748, %get3A_1764 : vector<16xf32>
      %add3A_1766 = arith.addf %add3A_1715, %mul3A_1765 : vector<16xf32>
      %get3A_1767 = arith.constant 29 : i32
      %get3A_1768 = arith.index_cast %get3A_1767 : i32 to index
      %get3A_1769 = arith.constant 48 : index
      %get3A_1770 = tpu.vector_load %arg14[%get3A_1768, %get3A_1769] {strides = array<i32>} : memref<64x128xf32, #tpu.memory_space<vmem>>, vector<16xf32>,
      %mul3A_1771 = arith.mulf %broadcast_in_dim3A_1748, %get3A_1770 : vector<16xf32>
      %add3A_1772 = arith.addf %add3A_1721, %mul3A_1771 : vector<16xf32>
      %get3A_1773 = arith.constant 29 : i32
      %get3A_1774 = arith.index_cast %get3A_1773 : i32 to index
      %get3A_1775 = arith.constant 64 : index
      %get3A_1776 = tpu.vector_load %arg14[%get3A_1774, %get3A_1775] {strides = array<i32>} : memref<64x128xf32, #tpu.memory_space<vmem>>, vector<16xf32>,
      %mul3A_1777 = arith.mulf %broadcast_in_dim3A_1748, %get3A_1776 : vector<16xf32>
      %add3A_1778 = arith.addf %add3A_1727, %mul3A_1777 : vector<16xf32>
      %get3A_1779 = arith.constant 29 : i32
      %get3A_1780 = arith.index_cast %get3A_1779 : i32 to index
      %get3A_1781 = arith.constant 80 : index
      %get3A_1782 = tpu.vector_load %arg14[%get3A_1780, %get3A_1781] {strides = array<i32>} : memref<64x128xf32, #tpu.memory_space<vmem>>, vector<16xf32>,
      %mul3A_1783 = arith.mulf %broadcast_in_dim3A_1748, %get3A_1782 : vector<16xf32>
      %add3A_1784 = arith.addf %add3A_1733, %mul3A_1783 : vector<16xf32>
      %get3A_1785 = arith.constant 29 : i32
      %get3A_1786 = arith.index_cast %get3A_1785 : i32 to index
      %get3A_1787 = arith.constant 96 : index
      %get3A_1788 = tpu.vector_load %arg14[%get3A_1786, %get3A_1787] {strides = array<i32>} : memref<64x128xf32, #tpu.memory_space<vmem>>, vector<16xf32>,
      %mul3A_1789 = arith.mulf %broadcast_in_dim3A_1748, %get3A_1788 : vector<16xf32>
      %add3A_1790 = arith.addf %add3A_1739, %mul3A_1789 : vector<16xf32>
      %get3A_1791 = arith.constant 29 : i32
      %get3A_1792 = arith.index_cast %get3A_1791 : i32 to index
      %get3A_1793 = arith.constant 112 : index
      %get3A_1794 = tpu.vector_load %arg14[%get3A_1792, %get3A_1793] {strides = array<i32>} : memref<64x128xf32, #tpu.memory_space<vmem>>, vector<16xf32>,
      %mul3A_1795 = arith.mulf %broadcast_in_dim3A_1748, %get3A_1794 : vector<16xf32>
      %add3A_1796 = arith.addf %add3A_1745, %mul3A_1795 : vector<16xf32>
      %slice3A_1797 = vector.extract_strided_slice %div3A_242 {offsets = [14], sizes = [1], strides = [1]} : vector<16xf32> to vector<1xf32>
      %squeeze3A_1798 = vector.extract %slice3A_1797[0] : f32 from vector<1xf32>
      %broadcast_in_dim3A_1799 = vector.broadcast %squeeze3A_1798 : f32 to vector<16xf32>
      %get3A_1800 = arith.constant 30 : i32
      %get3A_1801 = arith.index_cast %get3A_1800 : i32 to index
      %get3A_1802 = arith.constant 0 : index
      %get3A_1803 = tpu.vector_load %arg14[%get3A_1801, %get3A_1802] {strides = array<i32>} : memref<64x128xf32, #tpu.memory_space<vmem>>, vector<16xf32>,
      %mul3A_1804 = arith.mulf %broadcast_in_dim3A_1799, %get3A_1803 : vector<16xf32>
      %add3A_1805 = arith.addf %add3A_1754, %mul3A_1804 : vector<16xf32>
      %get3A_1806 = arith.constant 30 : i32
      %get3A_1807 = arith.index_cast %get3A_1806 : i32 to index
      %get3A_1808 = arith.constant 16 : index
      %get3A_1809 = tpu.vector_load %arg14[%get3A_1807, %get3A_1808] {strides = array<i32>} : memref<64x128xf32, #tpu.memory_space<vmem>>, vector<16xf32>,
      %mul3A_1810 = arith.mulf %broadcast_in_dim3A_1799, %get3A_1809 : vector<16xf32>
      %add3A_1811 = arith.addf %add3A_1760, %mul3A_1810 : vector<16xf32>
      %get3A_1812 = arith.constant 30 : i32
      %get3A_1813 = arith.index_cast %get3A_1812 : i32 to index
      %get3A_1814 = arith.constant 32 : index
      %get3A_1815 = tpu.vector_load %arg14[%get3A_1813, %get3A_1814] {strides = array<i32>} : memref<64x128xf32, #tpu.memory_space<vmem>>, vector<16xf32>,
      %mul3A_1816 = arith.mulf %broadcast_in_dim3A_1799, %get3A_1815 : vector<16xf32>
      %add3A_1817 = arith.addf %add3A_1766, %mul3A_1816 : vector<16xf32>
      %get3A_1818 = arith.constant 30 : i32
      %get3A_1819 = arith.index_cast %get3A_1818 : i32 to index
      %get3A_1820 = arith.constant 48 : index
      %get3A_1821 = tpu.vector_load %arg14[%get3A_1819, %get3A_1820] {strides = array<i32>} : memref<64x128xf32, #tpu.memory_space<vmem>>, vector<16xf32>,
      %mul3A_1822 = arith.mulf %broadcast_in_dim3A_1799, %get3A_1821 : vector<16xf32>
      %add3A_1823 = arith.addf %add3A_1772, %mul3A_1822 : vector<16xf32>
      %get3A_1824 = arith.constant 30 : i32
      %get3A_1825 = arith.index_cast %get3A_1824 : i32 to index
      %get3A_1826 = arith.constant 64 : index
      %get3A_1827 = tpu.vector_load %arg14[%get3A_1825, %get3A_1826] {strides = array<i32>} : memref<64x128xf32, #tpu.memory_space<vmem>>, vector<16xf32>,
      %mul3A_1828 = arith.mulf %broadcast_in_dim3A_1799, %get3A_1827 : vector<16xf32>
      %add3A_1829 = arith.addf %add3A_1778, %mul3A_1828 : vector<16xf32>
      %get3A_1830 = arith.constant 30 : i32
      %get3A_1831 = arith.index_cast %get3A_1830 : i32 to index
      %get3A_1832 = arith.constant 80 : index
      %get3A_1833 = tpu.vector_load %arg14[%get3A_1831, %get3A_1832] {strides = array<i32>} : memref<64x128xf32, #tpu.memory_space<vmem>>, vector<16xf32>,
      %mul3A_1834 = arith.mulf %broadcast_in_dim3A_1799, %get3A_1833 : vector<16xf32>
      %add3A_1835 = arith.addf %add3A_1784, %mul3A_1834 : vector<16xf32>
      %get3A_1836 = arith.constant 30 : i32
      %get3A_1837 = arith.index_cast %get3A_1836 : i32 to index
      %get3A_1838 = arith.constant 96 : index
      %get3A_1839 = tpu.vector_load %arg14[%get3A_1837, %get3A_1838] {strides = array<i32>} : memref<64x128xf32, #tpu.memory_space<vmem>>, vector<16xf32>,
      %mul3A_1840 = arith.mulf %broadcast_in_dim3A_1799, %get3A_1839 : vector<16xf32>
      %add3A_1841 = arith.addf %add3A_1790, %mul3A_1840 : vector<16xf32>
      %get3A_1842 = arith.constant 30 : i32
      %get3A_1843 = arith.index_cast %get3A_1842 : i32 to index
      %get3A_1844 = arith.constant 112 : index
      %get3A_1845 = tpu.vector_load %arg14[%get3A_1843, %get3A_1844] {strides = array<i32>} : memref<64x128xf32, #tpu.memory_space<vmem>>, vector<16xf32>,
      %mul3A_1846 = arith.mulf %broadcast_in_dim3A_1799, %get3A_1845 : vector<16xf32>
      %add3A_1847 = arith.addf %add3A_1796, %mul3A_1846 : vector<16xf32>
      %slice3A_1848 = vector.extract_strided_slice %div3A_242 {offsets = [15], sizes = [1], strides = [1]} : vector<16xf32> to vector<1xf32>
      %squeeze3A_1849 = vector.extract %slice3A_1848[0] : f32 from vector<1xf32>
      %broadcast_in_dim3A_1850 = vector.broadcast %squeeze3A_1849 : f32 to vector<16xf32>
      %get3A_1851 = arith.constant 31 : i32
      %get3A_1852 = arith.index_cast %get3A_1851 : i32 to index
      %get3A_1853 = arith.constant 0 : index
      %get3A_1854 = tpu.vector_load %arg14[%get3A_1852, %get3A_1853] {strides = array<i32>} : memref<64x128xf32, #tpu.memory_space<vmem>>, vector<16xf32>,
      %mul3A_1855 = arith.mulf %broadcast_in_dim3A_1850, %get3A_1854 : vector<16xf32>
      %add3A_1856 = arith.addf %add3A_1805, %mul3A_1855 : vector<16xf32>
      %get3A_1857 = arith.constant 31 : i32
      %get3A_1858 = arith.index_cast %get3A_1857 : i32 to index
      %get3A_1859 = arith.constant 16 : index
      %get3A_1860 = tpu.vector_load %arg14[%get3A_1858, %get3A_1859] {strides = array<i32>} : memref<64x128xf32, #tpu.memory_space<vmem>>, vector<16xf32>,
      %mul3A_1861 = arith.mulf %broadcast_in_dim3A_1850, %get3A_1860 : vector<16xf32>
      %add3A_1862 = arith.addf %add3A_1811, %mul3A_1861 : vector<16xf32>
      %get3A_1863 = arith.constant 31 : i32
      %get3A_1864 = arith.index_cast %get3A_1863 : i32 to index
      %get3A_1865 = arith.constant 32 : index
      %get3A_1866 = tpu.vector_load %arg14[%get3A_1864, %get3A_1865] {strides = array<i32>} : memref<64x128xf32, #tpu.memory_space<vmem>>, vector<16xf32>,
      %mul3A_1867 = arith.mulf %broadcast_in_dim3A_1850, %get3A_1866 : vector<16xf32>
      %add3A_1868 = arith.addf %add3A_1817, %mul3A_1867 : vector<16xf32>
      %get3A_1869 = arith.constant 31 : i32
      %get3A_1870 = arith.index_cast %get3A_1869 : i32 to index
      %get3A_1871 = arith.constant 48 : index
      %get3A_1872 = tpu.vector_load %arg14[%get3A_1870, %get3A_1871] {strides = array<i32>} : memref<64x128xf32, #tpu.memory_space<vmem>>, vector<16xf32>,
      %mul3A_1873 = arith.mulf %broadcast_in_dim3A_1850, %get3A_1872 : vector<16xf32>
      %add3A_1874 = arith.addf %add3A_1823, %mul3A_1873 : vector<16xf32>
      %get3A_1875 = arith.constant 31 : i32
      %get3A_1876 = arith.index_cast %get3A_1875 : i32 to index
      %get3A_1877 = arith.constant 64 : index
      %get3A_1878 = tpu.vector_load %arg14[%get3A_1876, %get3A_1877] {strides = array<i32>} : memref<64x128xf32, #tpu.memory_space<vmem>>, vector<16xf32>,
      %mul3A_1879 = arith.mulf %broadcast_in_dim3A_1850, %get3A_1878 : vector<16xf32>
      %add3A_1880 = arith.addf %add3A_1829, %mul3A_1879 : vector<16xf32>
      %get3A_1881 = arith.constant 31 : i32
      %get3A_1882 = arith.index_cast %get3A_1881 : i32 to index
      %get3A_1883 = arith.constant 80 : index
      %get3A_1884 = tpu.vector_load %arg14[%get3A_1882, %get3A_1883] {strides = array<i32>} : memref<64x128xf32, #tpu.memory_space<vmem>>, vector<16xf32>,
      %mul3A_1885 = arith.mulf %broadcast_in_dim3A_1850, %get3A_1884 : vector<16xf32>
      %add3A_1886 = arith.addf %add3A_1835, %mul3A_1885 : vector<16xf32>
      %get3A_1887 = arith.constant 31 : i32
      %get3A_1888 = arith.index_cast %get3A_1887 : i32 to index
      %get3A_1889 = arith.constant 96 : index
      %get3A_1890 = tpu.vector_load %arg14[%get3A_1888, %get3A_1889] {strides = array<i32>} : memref<64x128xf32, #tpu.memory_space<vmem>>, vector<16xf32>,
      %mul3A_1891 = arith.mulf %broadcast_in_dim3A_1850, %get3A_1890 : vector<16xf32>
      %add3A_1892 = arith.addf %add3A_1841, %mul3A_1891 : vector<16xf32>
      %get3A_1893 = arith.constant 31 : i32
      %get3A_1894 = arith.index_cast %get3A_1893 : i32 to index
      %get3A_1895 = arith.constant 112 : index
      %get3A_1896 = tpu.vector_load %arg14[%get3A_1894, %get3A_1895] {strides = array<i32>} : memref<64x128xf32, #tpu.memory_space<vmem>>, vector<16xf32>,
      %mul3A_1897 = arith.mulf %broadcast_in_dim3A_1850, %get3A_1896 : vector<16xf32>
      %add3A_1898 = arith.addf %add3A_1847, %mul3A_1897 : vector<16xf32>
      %slice3A_1899 = vector.extract_strided_slice %div3A_243 {offsets = [0], sizes = [1], strides = [1]} : vector<16xf32> to vector<1xf32>
      %squeeze3A_1900 = vector.extract %slice3A_1899[0] : f32 from vector<1xf32>
      %broadcast_in_dim3A_1901 = vector.broadcast %squeeze3A_1900 : f32 to vector<16xf32>
      %get3A_1902 = arith.constant 32 : i32
      %get3A_1903 = arith.index_cast %get3A_1902 : i32 to index
      %get3A_1904 = arith.constant 0 : index
      %get3A_1905 = tpu.vector_load %arg14[%get3A_1903, %get3A_1904] {strides = array<i32>} : memref<64x128xf32, #tpu.memory_space<vmem>>, vector<16xf32>,
      %mul3A_1906 = arith.mulf %broadcast_in_dim3A_1901, %get3A_1905 : vector<16xf32>
      %add3A_1907 = arith.addf %add3A_1856, %mul3A_1906 : vector<16xf32>
      %get3A_1908 = arith.constant 32 : i32
      %get3A_1909 = arith.index_cast %get3A_1908 : i32 to index
      %get3A_1910 = arith.constant 16 : index
      %get3A_1911 = tpu.vector_load %arg14[%get3A_1909, %get3A_1910] {strides = array<i32>} : memref<64x128xf32, #tpu.memory_space<vmem>>, vector<16xf32>,
      %mul3A_1912 = arith.mulf %broadcast_in_dim3A_1901, %get3A_1911 : vector<16xf32>
      %add3A_1913 = arith.addf %add3A_1862, %mul3A_1912 : vector<16xf32>
      %get3A_1914 = arith.constant 32 : i32
      %get3A_1915 = arith.index_cast %get3A_1914 : i32 to index
      %get3A_1916 = arith.constant 32 : index
      %get3A_1917 = tpu.vector_load %arg14[%get3A_1915, %get3A_1916] {strides = array<i32>} : memref<64x128xf32, #tpu.memory_space<vmem>>, vector<16xf32>,
      %mul3A_1918 = arith.mulf %broadcast_in_dim3A_1901, %get3A_1917 : vector<16xf32>
      %add3A_1919 = arith.addf %add3A_1868, %mul3A_1918 : vector<16xf32>
      %get3A_1920 = arith.constant 32 : i32
      %get3A_1921 = arith.index_cast %get3A_1920 : i32 to index
      %get3A_1922 = arith.constant 48 : index
      %get3A_1923 = tpu.vector_load %arg14[%get3A_1921, %get3A_1922] {strides = array<i32>} : memref<64x128xf32, #tpu.memory_space<vmem>>, vector<16xf32>,
      %mul3A_1924 = arith.mulf %broadcast_in_dim3A_1901, %get3A_1923 : vector<16xf32>
      %add3A_1925 = arith.addf %add3A_1874, %mul3A_1924 : vector<16xf32>
      %get3A_1926 = arith.constant 32 : i32
      %get3A_1927 = arith.index_cast %get3A_1926 : i32 to index
      %get3A_1928 = arith.constant 64 : index
      %get3A_1929 = tpu.vector_load %arg14[%get3A_1927, %get3A_1928] {strides = array<i32>} : memref<64x128xf32, #tpu.memory_space<vmem>>, vector<16xf32>,
      %mul3A_1930 = arith.mulf %broadcast_in_dim3A_1901, %get3A_1929 : vector<16xf32>
      %add3A_1931 = arith.addf %add3A_1880, %mul3A_1930 : vector<16xf32>
      %get3A_1932 = arith.constant 32 : i32
      %get3A_1933 = arith.index_cast %get3A_1932 : i32 to index
      %get3A_1934 = arith.constant 80 : index
      %get3A_1935 = tpu.vector_load %arg14[%get3A_1933, %get3A_1934] {strides = array<i32>} : memref<64x128xf32, #tpu.memory_space<vmem>>, vector<16xf32>,
      %mul3A_1936 = arith.mulf %broadcast_in_dim3A_1901, %get3A_1935 : vector<16xf32>
      %add3A_1937 = arith.addf %add3A_1886, %mul3A_1936 : vector<16xf32>
      %get3A_1938 = arith.constant 32 : i32
      %get3A_1939 = arith.index_cast %get3A_1938 : i32 to index
      %get3A_1940 = arith.constant 96 : index
      %get3A_1941 = tpu.vector_load %arg14[%get3A_1939, %get3A_1940] {strides = array<i32>} : memref<64x128xf32, #tpu.memory_space<vmem>>, vector<16xf32>,
      %mul3A_1942 = arith.mulf %broadcast_in_dim3A_1901, %get3A_1941 : vector<16xf32>
      %add3A_1943 = arith.addf %add3A_1892, %mul3A_1942 : vector<16xf32>
      %get3A_1944 = arith.constant 32 : i32
      %get3A_1945 = arith.index_cast %get3A_1944 : i32 to index
      %get3A_1946 = arith.constant 112 : index
      %get3A_1947 = tpu.vector_load %arg14[%get3A_1945, %get3A_1946] {strides = array<i32>} : memref<64x128xf32, #tpu.memory_space<vmem>>, vector<16xf32>,
      %mul3A_1948 = arith.mulf %broadcast_in_dim3A_1901, %get3A_1947 : vector<16xf32>
      %add3A_1949 = arith.addf %add3A_1898, %mul3A_1948 : vector<16xf32>
      %slice3A_1950 = vector.extract_strided_slice %div3A_243 {offsets = [1], sizes = [1], strides = [1]} : vector<16xf32> to vector<1xf32>
      %squeeze3A_1951 = vector.extract %slice3A_1950[0] : f32 from vector<1xf32>
      %broadcast_in_dim3A_1952 = vector.broadcast %squeeze3A_1951 : f32 to vector<16xf32>
      %get3A_1953 = arith.constant 33 : i32
      %get3A_1954 = arith.index_cast %get3A_1953 : i32 to index
      %get3A_1955 = arith.constant 0 : index
      %get3A_1956 = tpu.vector_load %arg14[%get3A_1954, %get3A_1955] {strides = array<i32>} : memref<64x128xf32, #tpu.memory_space<vmem>>, vector<16xf32>,
      %mul3A_1957 = arith.mulf %broadcast_in_dim3A_1952, %get3A_1956 : vector<16xf32>
      %add3A_1958 = arith.addf %add3A_1907, %mul3A_1957 : vector<16xf32>
      %get3A_1959 = arith.constant 33 : i32
      %get3A_1960 = arith.index_cast %get3A_1959 : i32 to index
      %get3A_1961 = arith.constant 16 : index
      %get3A_1962 = tpu.vector_load %arg14[%get3A_1960, %get3A_1961] {strides = array<i32>} : memref<64x128xf32, #tpu.memory_space<vmem>>, vector<16xf32>,
      %mul3A_1963 = arith.mulf %broadcast_in_dim3A_1952, %get3A_1962 : vector<16xf32>
      %add3A_1964 = arith.addf %add3A_1913, %mul3A_1963 : vector<16xf32>
      %get3A_1965 = arith.constant 33 : i32
      %get3A_1966 = arith.index_cast %get3A_1965 : i32 to index
      %get3A_1967 = arith.constant 32 : index
      %get3A_1968 = tpu.vector_load %arg14[%get3A_1966, %get3A_1967] {strides = array<i32>} : memref<64x128xf32, #tpu.memory_space<vmem>>, vector<16xf32>,
      %mul3A_1969 = arith.mulf %broadcast_in_dim3A_1952, %get3A_1968 : vector<16xf32>
      %add3A_1970 = arith.addf %add3A_1919, %mul3A_1969 : vector<16xf32>
      %get3A_1971 = arith.constant 33 : i32
      %get3A_1972 = arith.index_cast %get3A_1971 : i32 to index
      %get3A_1973 = arith.constant 48 : index
      %get3A_1974 = tpu.vector_load %arg14[%get3A_1972, %get3A_1973] {strides = array<i32>} : memref<64x128xf32, #tpu.memory_space<vmem>>, vector<16xf32>,
      %mul3A_1975 = arith.mulf %broadcast_in_dim3A_1952, %get3A_1974 : vector<16xf32>
      %add3A_1976 = arith.addf %add3A_1925, %mul3A_1975 : vector<16xf32>
      %get3A_1977 = arith.constant 33 : i32
      %get3A_1978 = arith.index_cast %get3A_1977 : i32 to index
      %get3A_1979 = arith.constant 64 : index
      %get3A_1980 = tpu.vector_load %arg14[%get3A_1978, %get3A_1979] {strides = array<i32>} : memref<64x128xf32, #tpu.memory_space<vmem>>, vector<16xf32>,
      %mul3A_1981 = arith.mulf %broadcast_in_dim3A_1952, %get3A_1980 : vector<16xf32>
      %add3A_1982 = arith.addf %add3A_1931, %mul3A_1981 : vector<16xf32>
      %get3A_1983 = arith.constant 33 : i32
      %get3A_1984 = arith.index_cast %get3A_1983 : i32 to index
      %get3A_1985 = arith.constant 80 : index
      %get3A_1986 = tpu.vector_load %arg14[%get3A_1984, %get3A_1985] {strides = array<i32>} : memref<64x128xf32, #tpu.memory_space<vmem>>, vector<16xf32>,
      %mul3A_1987 = arith.mulf %broadcast_in_dim3A_1952, %get3A_1986 : vector<16xf32>
      %add3A_1988 = arith.addf %add3A_1937, %mul3A_1987 : vector<16xf32>
      %get3A_1989 = arith.constant 33 : i32
      %get3A_1990 = arith.index_cast %get3A_1989 : i32 to index
      %get3A_1991 = arith.constant 96 : index
      %get3A_1992 = tpu.vector_load %arg14[%get3A_1990, %get3A_1991] {strides = array<i32>} : memref<64x128xf32, #tpu.memory_space<vmem>>, vector<16xf32>,
      %mul3A_1993 = arith.mulf %broadcast_in_dim3A_1952, %get3A_1992 : vector<16xf32>
      %add3A_1994 = arith.addf %add3A_1943, %mul3A_1993 : vector<16xf32>
      %get3A_1995 = arith.constant 33 : i32
      %get3A_1996 = arith.index_cast %get3A_1995 : i32 to index
      %get3A_1997 = arith.constant 112 : index
      %get3A_1998 = tpu.vector_load %arg14[%get3A_1996, %get3A_1997] {strides = array<i32>} : memref<64x128xf32, #tpu.memory_space<vmem>>, vector<16xf32>,
      %mul3A_1999 = arith.mulf %broadcast_in_dim3A_1952, %get3A_1998 : vector<16xf32>
      %add3A_2000 = arith.addf %add3A_1949, %mul3A_1999 : vector<16xf32>
      %slice3A_2001 = vector.extract_strided_slice %div3A_243 {offsets = [2], sizes = [1], strides = [1]} : vector<16xf32> to vector<1xf32>
      %squeeze3A_2002 = vector.extract %slice3A_2001[0] : f32 from vector<1xf32>
      %broadcast_in_dim3A_2003 = vector.broadcast %squeeze3A_2002 : f32 to vector<16xf32>
      %get3A_2004 = arith.constant 34 : i32
      %get3A_2005 = arith.index_cast %get3A_2004 : i32 to index
      %get3A_2006 = arith.constant 0 : index
      %get3A_2007 = tpu.vector_load %arg14[%get3A_2005, %get3A_2006] {strides = array<i32>} : memref<64x128xf32, #tpu.memory_space<vmem>>, vector<16xf32>,
      %mul3A_2008 = arith.mulf %broadcast_in_dim3A_2003, %get3A_2007 : vector<16xf32>
      %add3A_2009 = arith.addf %add3A_1958, %mul3A_2008 : vector<16xf32>
      %get3A_2010 = arith.constant 34 : i32
      %get3A_2011 = arith.index_cast %get3A_2010 : i32 to index
      %get3A_2012 = arith.constant 16 : index
      %get3A_2013 = tpu.vector_load %arg14[%get3A_2011, %get3A_2012] {strides = array<i32>} : memref<64x128xf32, #tpu.memory_space<vmem>>, vector<16xf32>,
      %mul3A_2014 = arith.mulf %broadcast_in_dim3A_2003, %get3A_2013 : vector<16xf32>
      %add3A_2015 = arith.addf %add3A_1964, %mul3A_2014 : vector<16xf32>
      %get3A_2016 = arith.constant 34 : i32
      %get3A_2017 = arith.index_cast %get3A_2016 : i32 to index
      %get3A_2018 = arith.constant 32 : index
      %get3A_2019 = tpu.vector_load %arg14[%get3A_2017, %get3A_2018] {strides = array<i32>} : memref<64x128xf32, #tpu.memory_space<vmem>>, vector<16xf32>,
      %mul3A_2020 = arith.mulf %broadcast_in_dim3A_2003, %get3A_2019 : vector<16xf32>
      %add3A_2021 = arith.addf %add3A_1970, %mul3A_2020 : vector<16xf32>
      %get3A_2022 = arith.constant 34 : i32
      %get3A_2023 = arith.index_cast %get3A_2022 : i32 to index
      %get3A_2024 = arith.constant 48 : index
      %get3A_2025 = tpu.vector_load %arg14[%get3A_2023, %get3A_2024] {strides = array<i32>} : memref<64x128xf32, #tpu.memory_space<vmem>>, vector<16xf32>,
      %mul3A_2026 = arith.mulf %broadcast_in_dim3A_2003, %get3A_2025 : vector<16xf32>
      %add3A_2027 = arith.addf %add3A_1976, %mul3A_2026 : vector<16xf32>
      %get3A_2028 = arith.constant 34 : i32
      %get3A_2029 = arith.index_cast %get3A_2028 : i32 to index
      %get3A_2030 = arith.constant 64 : index
      %get3A_2031 = tpu.vector_load %arg14[%get3A_2029, %get3A_2030] {strides = array<i32>} : memref<64x128xf32, #tpu.memory_space<vmem>>, vector<16xf32>,
      %mul3A_2032 = arith.mulf %broadcast_in_dim3A_2003, %get3A_2031 : vector<16xf32>
      %add3A_2033 = arith.addf %add3A_1982, %mul3A_2032 : vector<16xf32>
      %get3A_2034 = arith.constant 34 : i32
      %get3A_2035 = arith.index_cast %get3A_2034 : i32 to index
      %get3A_2036 = arith.constant 80 : index
      %get3A_2037 = tpu.vector_load %arg14[%get3A_2035, %get3A_2036] {strides = array<i32>} : memref<64x128xf32, #tpu.memory_space<vmem>>, vector<16xf32>,
      %mul3A_2038 = arith.mulf %broadcast_in_dim3A_2003, %get3A_2037 : vector<16xf32>
      %add3A_2039 = arith.addf %add3A_1988, %mul3A_2038 : vector<16xf32>
      %get3A_2040 = arith.constant 34 : i32
      %get3A_2041 = arith.index_cast %get3A_2040 : i32 to index
      %get3A_2042 = arith.constant 96 : index
      %get3A_2043 = tpu.vector_load %arg14[%get3A_2041, %get3A_2042] {strides = array<i32>} : memref<64x128xf32, #tpu.memory_space<vmem>>, vector<16xf32>,
      %mul3A_2044 = arith.mulf %broadcast_in_dim3A_2003, %get3A_2043 : vector<16xf32>
      %add3A_2045 = arith.addf %add3A_1994, %mul3A_2044 : vector<16xf32>
      %get3A_2046 = arith.constant 34 : i32
      %get3A_2047 = arith.index_cast %get3A_2046 : i32 to index
      %get3A_2048 = arith.constant 112 : index
      %get3A_2049 = tpu.vector_load %arg14[%get3A_2047, %get3A_2048] {strides = array<i32>} : memref<64x128xf32, #tpu.memory_space<vmem>>, vector<16xf32>,
      %mul3A_2050 = arith.mulf %broadcast_in_dim3A_2003, %get3A_2049 : vector<16xf32>
      %add3A_2051 = arith.addf %add3A_2000, %mul3A_2050 : vector<16xf32>
      %slice3A_2052 = vector.extract_strided_slice %div3A_243 {offsets = [3], sizes = [1], strides = [1]} : vector<16xf32> to vector<1xf32>
      %squeeze3A_2053 = vector.extract %slice3A_2052[0] : f32 from vector<1xf32>
      %broadcast_in_dim3A_2054 = vector.broadcast %squeeze3A_2053 : f32 to vector<16xf32>
      %get3A_2055 = arith.constant 35 : i32
      %get3A_2056 = arith.index_cast %get3A_2055 : i32 to index
      %get3A_2057 = arith.constant 0 : index
      %get3A_2058 = tpu.vector_load %arg14[%get3A_2056, %get3A_2057] {strides = array<i32>} : memref<64x128xf32, #tpu.memory_space<vmem>>, vector<16xf32>,
      %mul3A_2059 = arith.mulf %broadcast_in_dim3A_2054, %get3A_2058 : vector<16xf32>
      %add3A_2060 = arith.addf %add3A_2009, %mul3A_2059 : vector<16xf32>
      %get3A_2061 = arith.constant 35 : i32
      %get3A_2062 = arith.index_cast %get3A_2061 : i32 to index
      %get3A_2063 = arith.constant 16 : index
      %get3A_2064 = tpu.vector_load %arg14[%get3A_2062, %get3A_2063] {strides = array<i32>} : memref<64x128xf32, #tpu.memory_space<vmem>>, vector<16xf32>,
      %mul3A_2065 = arith.mulf %broadcast_in_dim3A_2054, %get3A_2064 : vector<16xf32>
      %add3A_2066 = arith.addf %add3A_2015, %mul3A_2065 : vector<16xf32>
      %get3A_2067 = arith.constant 35 : i32
      %get3A_2068 = arith.index_cast %get3A_2067 : i32 to index
      %get3A_2069 = arith.constant 32 : index
      %get3A_2070 = tpu.vector_load %arg14[%get3A_2068, %get3A_2069] {strides = array<i32>} : memref<64x128xf32, #tpu.memory_space<vmem>>, vector<16xf32>,
      %mul3A_2071 = arith.mulf %broadcast_in_dim3A_2054, %get3A_2070 : vector<16xf32>
      %add3A_2072 = arith.addf %add3A_2021, %mul3A_2071 : vector<16xf32>
      %get3A_2073 = arith.constant 35 : i32
      %get3A_2074 = arith.index_cast %get3A_2073 : i32 to index
      %get3A_2075 = arith.constant 48 : index
      %get3A_2076 = tpu.vector_load %arg14[%get3A_2074, %get3A_2075] {strides = array<i32>} : memref<64x128xf32, #tpu.memory_space<vmem>>, vector<16xf32>,
      %mul3A_2077 = arith.mulf %broadcast_in_dim3A_2054, %get3A_2076 : vector<16xf32>
      %add3A_2078 = arith.addf %add3A_2027, %mul3A_2077 : vector<16xf32>
      %get3A_2079 = arith.constant 35 : i32
      %get3A_2080 = arith.index_cast %get3A_2079 : i32 to index
      %get3A_2081 = arith.constant 64 : index
      %get3A_2082 = tpu.vector_load %arg14[%get3A_2080, %get3A_2081] {strides = array<i32>} : memref<64x128xf32, #tpu.memory_space<vmem>>, vector<16xf32>,
      %mul3A_2083 = arith.mulf %broadcast_in_dim3A_2054, %get3A_2082 : vector<16xf32>
      %add3A_2084 = arith.addf %add3A_2033, %mul3A_2083 : vector<16xf32>
      %get3A_2085 = arith.constant 35 : i32
      %get3A_2086 = arith.index_cast %get3A_2085 : i32 to index
      %get3A_2087 = arith.constant 80 : index
      %get3A_2088 = tpu.vector_load %arg14[%get3A_2086, %get3A_2087] {strides = array<i32>} : memref<64x128xf32, #tpu.memory_space<vmem>>, vector<16xf32>,
      %mul3A_2089 = arith.mulf %broadcast_in_dim3A_2054, %get3A_2088 : vector<16xf32>
      %add3A_2090 = arith.addf %add3A_2039, %mul3A_2089 : vector<16xf32>
      %get3A_2091 = arith.constant 35 : i32
      %get3A_2092 = arith.index_cast %get3A_2091 : i32 to index
      %get3A_2093 = arith.constant 96 : index
      %get3A_2094 = tpu.vector_load %arg14[%get3A_2092, %get3A_2093] {strides = array<i32>} : memref<64x128xf32, #tpu.memory_space<vmem>>, vector<16xf32>,
      %mul3A_2095 = arith.mulf %broadcast_in_dim3A_2054, %get3A_2094 : vector<16xf32>
      %add3A_2096 = arith.addf %add3A_2045, %mul3A_2095 : vector<16xf32>
      %get3A_2097 = arith.constant 35 : i32
      %get3A_2098 = arith.index_cast %get3A_2097 : i32 to index
      %get3A_2099 = arith.constant 112 : index
      %get3A_2100 = tpu.vector_load %arg14[%get3A_2098, %get3A_2099] {strides = array<i32>} : memref<64x128xf32, #tpu.memory_space<vmem>>, vector<16xf32>,
      %mul3A_2101 = arith.mulf %broadcast_in_dim3A_2054, %get3A_2100 : vector<16xf32>
      %add3A_2102 = arith.addf %add3A_2051, %mul3A_2101 : vector<16xf32>
      %slice3A_2103 = vector.extract_strided_slice %div3A_243 {offsets = [4], sizes = [1], strides = [1]} : vector<16xf32> to vector<1xf32>
      %squeeze3A_2104 = vector.extract %slice3A_2103[0] : f32 from vector<1xf32>
      %broadcast_in_dim3A_2105 = vector.broadcast %squeeze3A_2104 : f32 to vector<16xf32>
      %get3A_2106 = arith.constant 36 : i32
      %get3A_2107 = arith.index_cast %get3A_2106 : i32 to index
      %get3A_2108 = arith.constant 0 : index
      %get3A_2109 = tpu.vector_load %arg14[%get3A_2107, %get3A_2108] {strides = array<i32>} : memref<64x128xf32, #tpu.memory_space<vmem>>, vector<16xf32>,
      %mul3A_2110 = arith.mulf %broadcast_in_dim3A_2105, %get3A_2109 : vector<16xf32>
      %add3A_2111 = arith.addf %add3A_2060, %mul3A_2110 : vector<16xf32>
      %get3A_2112 = arith.constant 36 : i32
      %get3A_2113 = arith.index_cast %get3A_2112 : i32 to index
      %get3A_2114 = arith.constant 16 : index
      %get3A_2115 = tpu.vector_load %arg14[%get3A_2113, %get3A_2114] {strides = array<i32>} : memref<64x128xf32, #tpu.memory_space<vmem>>, vector<16xf32>,
      %mul3A_2116 = arith.mulf %broadcast_in_dim3A_2105, %get3A_2115 : vector<16xf32>
      %add3A_2117 = arith.addf %add3A_2066, %mul3A_2116 : vector<16xf32>
      %get3A_2118 = arith.constant 36 : i32
      %get3A_2119 = arith.index_cast %get3A_2118 : i32 to index
      %get3A_2120 = arith.constant 32 : index
      %get3A_2121 = tpu.vector_load %arg14[%get3A_2119, %get3A_2120] {strides = array<i32>} : memref<64x128xf32, #tpu.memory_space<vmem>>, vector<16xf32>,
      %mul3A_2122 = arith.mulf %broadcast_in_dim3A_2105, %get3A_2121 : vector<16xf32>
      %add3A_2123 = arith.addf %add3A_2072, %mul3A_2122 : vector<16xf32>
      %get3A_2124 = arith.constant 36 : i32
      %get3A_2125 = arith.index_cast %get3A_2124 : i32 to index
      %get3A_2126 = arith.constant 48 : index
      %get3A_2127 = tpu.vector_load %arg14[%get3A_2125, %get3A_2126] {strides = array<i32>} : memref<64x128xf32, #tpu.memory_space<vmem>>, vector<16xf32>,
      %mul3A_2128 = arith.mulf %broadcast_in_dim3A_2105, %get3A_2127 : vector<16xf32>
      %add3A_2129 = arith.addf %add3A_2078, %mul3A_2128 : vector<16xf32>
      %get3A_2130 = arith.constant 36 : i32
      %get3A_2131 = arith.index_cast %get3A_2130 : i32 to index
      %get3A_2132 = arith.constant 64 : index
      %get3A_2133 = tpu.vector_load %arg14[%get3A_2131, %get3A_2132] {strides = array<i32>} : memref<64x128xf32, #tpu.memory_space<vmem>>, vector<16xf32>,
      %mul3A_2134 = arith.mulf %broadcast_in_dim3A_2105, %get3A_2133 : vector<16xf32>
      %add3A_2135 = arith.addf %add3A_2084, %mul3A_2134 : vector<16xf32>
      %get3A_2136 = arith.constant 36 : i32
      %get3A_2137 = arith.index_cast %get3A_2136 : i32 to index
      %get3A_2138 = arith.constant 80 : index
      %get3A_2139 = tpu.vector_load %arg14[%get3A_2137, %get3A_2138] {strides = array<i32>} : memref<64x128xf32, #tpu.memory_space<vmem>>, vector<16xf32>,
      %mul3A_2140 = arith.mulf %broadcast_in_dim3A_2105, %get3A_2139 : vector<16xf32>
      %add3A_2141 = arith.addf %add3A_2090, %mul3A_2140 : vector<16xf32>
      %get3A_2142 = arith.constant 36 : i32
      %get3A_2143 = arith.index_cast %get3A_2142 : i32 to index
      %get3A_2144 = arith.constant 96 : index
      %get3A_2145 = tpu.vector_load %arg14[%get3A_2143, %get3A_2144] {strides = array<i32>} : memref<64x128xf32, #tpu.memory_space<vmem>>, vector<16xf32>,
      %mul3A_2146 = arith.mulf %broadcast_in_dim3A_2105, %get3A_2145 : vector<16xf32>
      %add3A_2147 = arith.addf %add3A_2096, %mul3A_2146 : vector<16xf32>
      %get3A_2148 = arith.constant 36 : i32
      %get3A_2149 = arith.index_cast %get3A_2148 : i32 to index
      %get3A_2150 = arith.constant 112 : index
      %get3A_2151 = tpu.vector_load %arg14[%get3A_2149, %get3A_2150] {strides = array<i32>} : memref<64x128xf32, #tpu.memory_space<vmem>>, vector<16xf32>,
      %mul3A_2152 = arith.mulf %broadcast_in_dim3A_2105, %get3A_2151 : vector<16xf32>
      %add3A_2153 = arith.addf %add3A_2102, %mul3A_2152 : vector<16xf32>
      %slice3A_2154 = vector.extract_strided_slice %div3A_243 {offsets = [5], sizes = [1], strides = [1]} : vector<16xf32> to vector<1xf32>
      %squeeze3A_2155 = vector.extract %slice3A_2154[0] : f32 from vector<1xf32>
      %broadcast_in_dim3A_2156 = vector.broadcast %squeeze3A_2155 : f32 to vector<16xf32>
      %get3A_2157 = arith.constant 37 : i32
      %get3A_2158 = arith.index_cast %get3A_2157 : i32 to index
      %get3A_2159 = arith.constant 0 : index
      %get3A_2160 = tpu.vector_load %arg14[%get3A_2158, %get3A_2159] {strides = array<i32>} : memref<64x128xf32, #tpu.memory_space<vmem>>, vector<16xf32>,
      %mul3A_2161 = arith.mulf %broadcast_in_dim3A_2156, %get3A_2160 : vector<16xf32>
      %add3A_2162 = arith.addf %add3A_2111, %mul3A_2161 : vector<16xf32>
      %get3A_2163 = arith.constant 37 : i32
      %get3A_2164 = arith.index_cast %get3A_2163 : i32 to index
      %get3A_2165 = arith.constant 16 : index
      %get3A_2166 = tpu.vector_load %arg14[%get3A_2164, %get3A_2165] {strides = array<i32>} : memref<64x128xf32, #tpu.memory_space<vmem>>, vector<16xf32>,
      %mul3A_2167 = arith.mulf %broadcast_in_dim3A_2156, %get3A_2166 : vector<16xf32>
      %add3A_2168 = arith.addf %add3A_2117, %mul3A_2167 : vector<16xf32>
      %get3A_2169 = arith.constant 37 : i32
      %get3A_2170 = arith.index_cast %get3A_2169 : i32 to index
      %get3A_2171 = arith.constant 32 : index
      %get3A_2172 = tpu.vector_load %arg14[%get3A_2170, %get3A_2171] {strides = array<i32>} : memref<64x128xf32, #tpu.memory_space<vmem>>, vector<16xf32>,
      %mul3A_2173 = arith.mulf %broadcast_in_dim3A_2156, %get3A_2172 : vector<16xf32>
      %add3A_2174 = arith.addf %add3A_2123, %mul3A_2173 : vector<16xf32>
      %get3A_2175 = arith.constant 37 : i32
      %get3A_2176 = arith.index_cast %get3A_2175 : i32 to index
      %get3A_2177 = arith.constant 48 : index
      %get3A_2178 = tpu.vector_load %arg14[%get3A_2176, %get3A_2177] {strides = array<i32>} : memref<64x128xf32, #tpu.memory_space<vmem>>, vector<16xf32>,
      %mul3A_2179 = arith.mulf %broadcast_in_dim3A_2156, %get3A_2178 : vector<16xf32>
      %add3A_2180 = arith.addf %add3A_2129, %mul3A_2179 : vector<16xf32>
      %get3A_2181 = arith.constant 37 : i32
      %get3A_2182 = arith.index_cast %get3A_2181 : i32 to index
      %get3A_2183 = arith.constant 64 : index
      %get3A_2184 = tpu.vector_load %arg14[%get3A_2182, %get3A_2183] {strides = array<i32>} : memref<64x128xf32, #tpu.memory_space<vmem>>, vector<16xf32>,
      %mul3A_2185 = arith.mulf %broadcast_in_dim3A_2156, %get3A_2184 : vector<16xf32>
      %add3A_2186 = arith.addf %add3A_2135, %mul3A_2185 : vector<16xf32>
      %get3A_2187 = arith.constant 37 : i32
      %get3A_2188 = arith.index_cast %get3A_2187 : i32 to index
      %get3A_2189 = arith.constant 80 : index
      %get3A_2190 = tpu.vector_load %arg14[%get3A_2188, %get3A_2189] {strides = array<i32>} : memref<64x128xf32, #tpu.memory_space<vmem>>, vector<16xf32>,
      %mul3A_2191 = arith.mulf %broadcast_in_dim3A_2156, %get3A_2190 : vector<16xf32>
      %add3A_2192 = arith.addf %add3A_2141, %mul3A_2191 : vector<16xf32>
      %get3A_2193 = arith.constant 37 : i32
      %get3A_2194 = arith.index_cast %get3A_2193 : i32 to index
      %get3A_2195 = arith.constant 96 : index
      %get3A_2196 = tpu.vector_load %arg14[%get3A_2194, %get3A_2195] {strides = array<i32>} : memref<64x128xf32, #tpu.memory_space<vmem>>, vector<16xf32>,
      %mul3A_2197 = arith.mulf %broadcast_in_dim3A_2156, %get3A_2196 : vector<16xf32>
      %add3A_2198 = arith.addf %add3A_2147, %mul3A_2197 : vector<16xf32>
      %get3A_2199 = arith.constant 37 : i32
      %get3A_2200 = arith.index_cast %get3A_2199 : i32 to index
      %get3A_2201 = arith.constant 112 : index
      %get3A_2202 = tpu.vector_load %arg14[%get3A_2200, %get3A_2201] {strides = array<i32>} : memref<64x128xf32, #tpu.memory_space<vmem>>, vector<16xf32>,
      %mul3A_2203 = arith.mulf %broadcast_in_dim3A_2156, %get3A_2202 : vector<16xf32>
      %add3A_2204 = arith.addf %add3A_2153, %mul3A_2203 : vector<16xf32>
      %slice3A_2205 = vector.extract_strided_slice %div3A_243 {offsets = [6], sizes = [1], strides = [1]} : vector<16xf32> to vector<1xf32>
      %squeeze3A_2206 = vector.extract %slice3A_2205[0] : f32 from vector<1xf32>
      %broadcast_in_dim3A_2207 = vector.broadcast %squeeze3A_2206 : f32 to vector<16xf32>
      %get3A_2208 = arith.constant 38 : i32
      %get3A_2209 = arith.index_cast %get3A_2208 : i32 to index
      %get3A_2210 = arith.constant 0 : index
      %get3A_2211 = tpu.vector_load %arg14[%get3A_2209, %get3A_2210] {strides = array<i32>} : memref<64x128xf32, #tpu.memory_space<vmem>>, vector<16xf32>,
      %mul3A_2212 = arith.mulf %broadcast_in_dim3A_2207, %get3A_2211 : vector<16xf32>
      %add3A_2213 = arith.addf %add3A_2162, %mul3A_2212 : vector<16xf32>
      %get3A_2214 = arith.constant 38 : i32
      %get3A_2215 = arith.index_cast %get3A_2214 : i32 to index
      %get3A_2216 = arith.constant 16 : index
      %get3A_2217 = tpu.vector_load %arg14[%get3A_2215, %get3A_2216] {strides = array<i32>} : memref<64x128xf32, #tpu.memory_space<vmem>>, vector<16xf32>,
      %mul3A_2218 = arith.mulf %broadcast_in_dim3A_2207, %get3A_2217 : vector<16xf32>
      %add3A_2219 = arith.addf %add3A_2168, %mul3A_2218 : vector<16xf32>
      %get3A_2220 = arith.constant 38 : i32
      %get3A_2221 = arith.index_cast %get3A_2220 : i32 to index
      %get3A_2222 = arith.constant 32 : index
      %get3A_2223 = tpu.vector_load %arg14[%get3A_2221, %get3A_2222] {strides = array<i32>} : memref<64x128xf32, #tpu.memory_space<vmem>>, vector<16xf32>,
      %mul3A_2224 = arith.mulf %broadcast_in_dim3A_2207, %get3A_2223 : vector<16xf32>
      %add3A_2225 = arith.addf %add3A_2174, %mul3A_2224 : vector<16xf32>
      %get3A_2226 = arith.constant 38 : i32
      %get3A_2227 = arith.index_cast %get3A_2226 : i32 to index
      %get3A_2228 = arith.constant 48 : index
      %get3A_2229 = tpu.vector_load %arg14[%get3A_2227, %get3A_2228] {strides = array<i32>} : memref<64x128xf32, #tpu.memory_space<vmem>>, vector<16xf32>,
      %mul3A_2230 = arith.mulf %broadcast_in_dim3A_2207, %get3A_2229 : vector<16xf32>
      %add3A_2231 = arith.addf %add3A_2180, %mul3A_2230 : vector<16xf32>
      %get3A_2232 = arith.constant 38 : i32
      %get3A_2233 = arith.index_cast %get3A_2232 : i32 to index
      %get3A_2234 = arith.constant 64 : index
      %get3A_2235 = tpu.vector_load %arg14[%get3A_2233, %get3A_2234] {strides = array<i32>} : memref<64x128xf32, #tpu.memory_space<vmem>>, vector<16xf32>,
      %mul3A_2236 = arith.mulf %broadcast_in_dim3A_2207, %get3A_2235 : vector<16xf32>
      %add3A_2237 = arith.addf %add3A_2186, %mul3A_2236 : vector<16xf32>
      %get3A_2238 = arith.constant 38 : i32
      %get3A_2239 = arith.index_cast %get3A_2238 : i32 to index
      %get3A_2240 = arith.constant 80 : index
      %get3A_2241 = tpu.vector_load %arg14[%get3A_2239, %get3A_2240] {strides = array<i32>} : memref<64x128xf32, #tpu.memory_space<vmem>>, vector<16xf32>,
      %mul3A_2242 = arith.mulf %broadcast_in_dim3A_2207, %get3A_2241 : vector<16xf32>
      %add3A_2243 = arith.addf %add3A_2192, %mul3A_2242 : vector<16xf32>
      %get3A_2244 = arith.constant 38 : i32
      %get3A_2245 = arith.index_cast %get3A_2244 : i32 to index
      %get3A_2246 = arith.constant 96 : index
      %get3A_2247 = tpu.vector_load %arg14[%get3A_2245, %get3A_2246] {strides = array<i32>} : memref<64x128xf32, #tpu.memory_space<vmem>>, vector<16xf32>,
      %mul3A_2248 = arith.mulf %broadcast_in_dim3A_2207, %get3A_2247 : vector<16xf32>
      %add3A_2249 = arith.addf %add3A_2198, %mul3A_2248 : vector<16xf32>
      %get3A_2250 = arith.constant 38 : i32
      %get3A_2251 = arith.index_cast %get3A_2250 : i32 to index
      %get3A_2252 = arith.constant 112 : index
      %get3A_2253 = tpu.vector_load %arg14[%get3A_2251, %get3A_2252] {strides = array<i32>} : memref<64x128xf32, #tpu.memory_space<vmem>>, vector<16xf32>,
      %mul3A_2254 = arith.mulf %broadcast_in_dim3A_2207, %get3A_2253 : vector<16xf32>
      %add3A_2255 = arith.addf %add3A_2204, %mul3A_2254 : vector<16xf32>
      %slice3A_2256 = vector.extract_strided_slice %div3A_243 {offsets = [7], sizes = [1], strides = [1]} : vector<16xf32> to vector<1xf32>
      %squeeze3A_2257 = vector.extract %slice3A_2256[0] : f32 from vector<1xf32>
      %broadcast_in_dim3A_2258 = vector.broadcast %squeeze3A_2257 : f32 to vector<16xf32>
      %get3A_2259 = arith.constant 39 : i32
      %get3A_2260 = arith.index_cast %get3A_2259 : i32 to index
      %get3A_2261 = arith.constant 0 : index
      %get3A_2262 = tpu.vector_load %arg14[%get3A_2260, %get3A_2261] {strides = array<i32>} : memref<64x128xf32, #tpu.memory_space<vmem>>, vector<16xf32>,
      %mul3A_2263 = arith.mulf %broadcast_in_dim3A_2258, %get3A_2262 : vector<16xf32>
      %add3A_2264 = arith.addf %add3A_2213, %mul3A_2263 : vector<16xf32>
      %get3A_2265 = arith.constant 39 : i32
      %get3A_2266 = arith.index_cast %get3A_2265 : i32 to index
      %get3A_2267 = arith.constant 16 : index
      %get3A_2268 = tpu.vector_load %arg14[%get3A_2266, %get3A_2267] {strides = array<i32>} : memref<64x128xf32, #tpu.memory_space<vmem>>, vector<16xf32>,
      %mul3A_2269 = arith.mulf %broadcast_in_dim3A_2258, %get3A_2268 : vector<16xf32>
      %add3A_2270 = arith.addf %add3A_2219, %mul3A_2269 : vector<16xf32>
      %get3A_2271 = arith.constant 39 : i32
      %get3A_2272 = arith.index_cast %get3A_2271 : i32 to index
      %get3A_2273 = arith.constant 32 : index
      %get3A_2274 = tpu.vector_load %arg14[%get3A_2272, %get3A_2273] {strides = array<i32>} : memref<64x128xf32, #tpu.memory_space<vmem>>, vector<16xf32>,
      %mul3A_2275 = arith.mulf %broadcast_in_dim3A_2258, %get3A_2274 : vector<16xf32>
      %add3A_2276 = arith.addf %add3A_2225, %mul3A_2275 : vector<16xf32>
      %get3A_2277 = arith.constant 39 : i32
      %get3A_2278 = arith.index_cast %get3A_2277 : i32 to index
      %get3A_2279 = arith.constant 48 : index
      %get3A_2280 = tpu.vector_load %arg14[%get3A_2278, %get3A_2279] {strides = array<i32>} : memref<64x128xf32, #tpu.memory_space<vmem>>, vector<16xf32>,
      %mul3A_2281 = arith.mulf %broadcast_in_dim3A_2258, %get3A_2280 : vector<16xf32>
      %add3A_2282 = arith.addf %add3A_2231, %mul3A_2281 : vector<16xf32>
      %get3A_2283 = arith.constant 39 : i32
      %get3A_2284 = arith.index_cast %get3A_2283 : i32 to index
      %get3A_2285 = arith.constant 64 : index
      %get3A_2286 = tpu.vector_load %arg14[%get3A_2284, %get3A_2285] {strides = array<i32>} : memref<64x128xf32, #tpu.memory_space<vmem>>, vector<16xf32>,
      %mul3A_2287 = arith.mulf %broadcast_in_dim3A_2258, %get3A_2286 : vector<16xf32>
      %add3A_2288 = arith.addf %add3A_2237, %mul3A_2287 : vector<16xf32>
      %get3A_2289 = arith.constant 39 : i32
      %get3A_2290 = arith.index_cast %get3A_2289 : i32 to index
      %get3A_2291 = arith.constant 80 : index
      %get3A_2292 = tpu.vector_load %arg14[%get3A_2290, %get3A_2291] {strides = array<i32>} : memref<64x128xf32, #tpu.memory_space<vmem>>, vector<16xf32>,
      %mul3A_2293 = arith.mulf %broadcast_in_dim3A_2258, %get3A_2292 : vector<16xf32>
      %add3A_2294 = arith.addf %add3A_2243, %mul3A_2293 : vector<16xf32>
      %get3A_2295 = arith.constant 39 : i32
      %get3A_2296 = arith.index_cast %get3A_2295 : i32 to index
      %get3A_2297 = arith.constant 96 : index
      %get3A_2298 = tpu.vector_load %arg14[%get3A_2296, %get3A_2297] {strides = array<i32>} : memref<64x128xf32, #tpu.memory_space<vmem>>, vector<16xf32>,
      %mul3A_2299 = arith.mulf %broadcast_in_dim3A_2258, %get3A_2298 : vector<16xf32>
      %add3A_2300 = arith.addf %add3A_2249, %mul3A_2299 : vector<16xf32>
      %get3A_2301 = arith.constant 39 : i32
      %get3A_2302 = arith.index_cast %get3A_2301 : i32 to index
      %get3A_2303 = arith.constant 112 : index
      %get3A_2304 = tpu.vector_load %arg14[%get3A_2302, %get3A_2303] {strides = array<i32>} : memref<64x128xf32, #tpu.memory_space<vmem>>, vector<16xf32>,
      %mul3A_2305 = arith.mulf %broadcast_in_dim3A_2258, %get3A_2304 : vector<16xf32>
      %add3A_2306 = arith.addf %add3A_2255, %mul3A_2305 : vector<16xf32>
      %slice3A_2307 = vector.extract_strided_slice %div3A_243 {offsets = [8], sizes = [1], strides = [1]} : vector<16xf32> to vector<1xf32>
      %squeeze3A_2308 = vector.extract %slice3A_2307[0] : f32 from vector<1xf32>
      %broadcast_in_dim3A_2309 = vector.broadcast %squeeze3A_2308 : f32 to vector<16xf32>
      %get3A_2310 = arith.constant 40 : i32
      %get3A_2311 = arith.index_cast %get3A_2310 : i32 to index
      %get3A_2312 = arith.constant 0 : index
      %get3A_2313 = tpu.vector_load %arg14[%get3A_2311, %get3A_2312] {strides = array<i32>} : memref<64x128xf32, #tpu.memory_space<vmem>>, vector<16xf32>,
      %mul3A_2314 = arith.mulf %broadcast_in_dim3A_2309, %get3A_2313 : vector<16xf32>
      %add3A_2315 = arith.addf %add3A_2264, %mul3A_2314 : vector<16xf32>
      %get3A_2316 = arith.constant 40 : i32
      %get3A_2317 = arith.index_cast %get3A_2316 : i32 to index
      %get3A_2318 = arith.constant 16 : index
      %get3A_2319 = tpu.vector_load %arg14[%get3A_2317, %get3A_2318] {strides = array<i32>} : memref<64x128xf32, #tpu.memory_space<vmem>>, vector<16xf32>,
      %mul3A_2320 = arith.mulf %broadcast_in_dim3A_2309, %get3A_2319 : vector<16xf32>
      %add3A_2321 = arith.addf %add3A_2270, %mul3A_2320 : vector<16xf32>
      %get3A_2322 = arith.constant 40 : i32
      %get3A_2323 = arith.index_cast %get3A_2322 : i32 to index
      %get3A_2324 = arith.constant 32 : index
      %get3A_2325 = tpu.vector_load %arg14[%get3A_2323, %get3A_2324] {strides = array<i32>} : memref<64x128xf32, #tpu.memory_space<vmem>>, vector<16xf32>,
      %mul3A_2326 = arith.mulf %broadcast_in_dim3A_2309, %get3A_2325 : vector<16xf32>
      %add3A_2327 = arith.addf %add3A_2276, %mul3A_2326 : vector<16xf32>
      %get3A_2328 = arith.constant 40 : i32
      %get3A_2329 = arith.index_cast %get3A_2328 : i32 to index
      %get3A_2330 = arith.constant 48 : index
      %get3A_2331 = tpu.vector_load %arg14[%get3A_2329, %get3A_2330] {strides = array<i32>} : memref<64x128xf32, #tpu.memory_space<vmem>>, vector<16xf32>,
      %mul3A_2332 = arith.mulf %broadcast_in_dim3A_2309, %get3A_2331 : vector<16xf32>
      %add3A_2333 = arith.addf %add3A_2282, %mul3A_2332 : vector<16xf32>
      %get3A_2334 = arith.constant 40 : i32
      %get3A_2335 = arith.index_cast %get3A_2334 : i32 to index
      %get3A_2336 = arith.constant 64 : index
      %get3A_2337 = tpu.vector_load %arg14[%get3A_2335, %get3A_2336] {strides = array<i32>} : memref<64x128xf32, #tpu.memory_space<vmem>>, vector<16xf32>,
      %mul3A_2338 = arith.mulf %broadcast_in_dim3A_2309, %get3A_2337 : vector<16xf32>
      %add3A_2339 = arith.addf %add3A_2288, %mul3A_2338 : vector<16xf32>
      %get3A_2340 = arith.constant 40 : i32
      %get3A_2341 = arith.index_cast %get3A_2340 : i32 to index
      %get3A_2342 = arith.constant 80 : index
      %get3A_2343 = tpu.vector_load %arg14[%get3A_2341, %get3A_2342] {strides = array<i32>} : memref<64x128xf32, #tpu.memory_space<vmem>>, vector<16xf32>,
      %mul3A_2344 = arith.mulf %broadcast_in_dim3A_2309, %get3A_2343 : vector<16xf32>
      %add3A_2345 = arith.addf %add3A_2294, %mul3A_2344 : vector<16xf32>
      %get3A_2346 = arith.constant 40 : i32
      %get3A_2347 = arith.index_cast %get3A_2346 : i32 to index
      %get3A_2348 = arith.constant 96 : index
      %get3A_2349 = tpu.vector_load %arg14[%get3A_2347, %get3A_2348] {strides = array<i32>} : memref<64x128xf32, #tpu.memory_space<vmem>>, vector<16xf32>,
      %mul3A_2350 = arith.mulf %broadcast_in_dim3A_2309, %get3A_2349 : vector<16xf32>
      %add3A_2351 = arith.addf %add3A_2300, %mul3A_2350 : vector<16xf32>
      %get3A_2352 = arith.constant 40 : i32
      %get3A_2353 = arith.index_cast %get3A_2352 : i32 to index
      %get3A_2354 = arith.constant 112 : index
      %get3A_2355 = tpu.vector_load %arg14[%get3A_2353, %get3A_2354] {strides = array<i32>} : memref<64x128xf32, #tpu.memory_space<vmem>>, vector<16xf32>,
      %mul3A_2356 = arith.mulf %broadcast_in_dim3A_2309, %get3A_2355 : vector<16xf32>
      %add3A_2357 = arith.addf %add3A_2306, %mul3A_2356 : vector<16xf32>
      %slice3A_2358 = vector.extract_strided_slice %div3A_243 {offsets = [9], sizes = [1], strides = [1]} : vector<16xf32> to vector<1xf32>
      %squeeze3A_2359 = vector.extract %slice3A_2358[0] : f32 from vector<1xf32>
      %broadcast_in_dim3A_2360 = vector.broadcast %squeeze3A_2359 : f32 to vector<16xf32>
      %get3A_2361 = arith.constant 41 : i32
      %get3A_2362 = arith.index_cast %get3A_2361 : i32 to index
      %get3A_2363 = arith.constant 0 : index
      %get3A_2364 = tpu.vector_load %arg14[%get3A_2362, %get3A_2363] {strides = array<i32>} : memref<64x128xf32, #tpu.memory_space<vmem>>, vector<16xf32>,
      %mul3A_2365 = arith.mulf %broadcast_in_dim3A_2360, %get3A_2364 : vector<16xf32>
      %add3A_2366 = arith.addf %add3A_2315, %mul3A_2365 : vector<16xf32>
      %get3A_2367 = arith.constant 41 : i32
      %get3A_2368 = arith.index_cast %get3A_2367 : i32 to index
      %get3A_2369 = arith.constant 16 : index
      %get3A_2370 = tpu.vector_load %arg14[%get3A_2368, %get3A_2369] {strides = array<i32>} : memref<64x128xf32, #tpu.memory_space<vmem>>, vector<16xf32>,
      %mul3A_2371 = arith.mulf %broadcast_in_dim3A_2360, %get3A_2370 : vector<16xf32>
      %add3A_2372 = arith.addf %add3A_2321, %mul3A_2371 : vector<16xf32>
      %get3A_2373 = arith.constant 41 : i32
      %get3A_2374 = arith.index_cast %get3A_2373 : i32 to index
      %get3A_2375 = arith.constant 32 : index
      %get3A_2376 = tpu.vector_load %arg14[%get3A_2374, %get3A_2375] {strides = array<i32>} : memref<64x128xf32, #tpu.memory_space<vmem>>, vector<16xf32>,
      %mul3A_2377 = arith.mulf %broadcast_in_dim3A_2360, %get3A_2376 : vector<16xf32>
      %add3A_2378 = arith.addf %add3A_2327, %mul3A_2377 : vector<16xf32>
      %get3A_2379 = arith.constant 41 : i32
      %get3A_2380 = arith.index_cast %get3A_2379 : i32 to index
      %get3A_2381 = arith.constant 48 : index
      %get3A_2382 = tpu.vector_load %arg14[%get3A_2380, %get3A_2381] {strides = array<i32>} : memref<64x128xf32, #tpu.memory_space<vmem>>, vector<16xf32>,
      %mul3A_2383 = arith.mulf %broadcast_in_dim3A_2360, %get3A_2382 : vector<16xf32>
      %add3A_2384 = arith.addf %add3A_2333, %mul3A_2383 : vector<16xf32>
      %get3A_2385 = arith.constant 41 : i32
      %get3A_2386 = arith.index_cast %get3A_2385 : i32 to index
      %get3A_2387 = arith.constant 64 : index
      %get3A_2388 = tpu.vector_load %arg14[%get3A_2386, %get3A_2387] {strides = array<i32>} : memref<64x128xf32, #tpu.memory_space<vmem>>, vector<16xf32>,
      %mul3A_2389 = arith.mulf %broadcast_in_dim3A_2360, %get3A_2388 : vector<16xf32>
      %add3A_2390 = arith.addf %add3A_2339, %mul3A_2389 : vector<16xf32>
      %get3A_2391 = arith.constant 41 : i32
      %get3A_2392 = arith.index_cast %get3A_2391 : i32 to index
      %get3A_2393 = arith.constant 80 : index
      %get3A_2394 = tpu.vector_load %arg14[%get3A_2392, %get3A_2393] {strides = array<i32>} : memref<64x128xf32, #tpu.memory_space<vmem>>, vector<16xf32>,
      %mul3A_2395 = arith.mulf %broadcast_in_dim3A_2360, %get3A_2394 : vector<16xf32>
      %add3A_2396 = arith.addf %add3A_2345, %mul3A_2395 : vector<16xf32>
      %get3A_2397 = arith.constant 41 : i32
      %get3A_2398 = arith.index_cast %get3A_2397 : i32 to index
      %get3A_2399 = arith.constant 96 : index
      %get3A_2400 = tpu.vector_load %arg14[%get3A_2398, %get3A_2399] {strides = array<i32>} : memref<64x128xf32, #tpu.memory_space<vmem>>, vector<16xf32>,
      %mul3A_2401 = arith.mulf %broadcast_in_dim3A_2360, %get3A_2400 : vector<16xf32>
      %add3A_2402 = arith.addf %add3A_2351, %mul3A_2401 : vector<16xf32>
      %get3A_2403 = arith.constant 41 : i32
      %get3A_2404 = arith.index_cast %get3A_2403 : i32 to index
      %get3A_2405 = arith.constant 112 : index
      %get3A_2406 = tpu.vector_load %arg14[%get3A_2404, %get3A_2405] {strides = array<i32>} : memref<64x128xf32, #tpu.memory_space<vmem>>, vector<16xf32>,
      %mul3A_2407 = arith.mulf %broadcast_in_dim3A_2360, %get3A_2406 : vector<16xf32>
      %add3A_2408 = arith.addf %add3A_2357, %mul3A_2407 : vector<16xf32>
      %slice3A_2409 = vector.extract_strided_slice %div3A_243 {offsets = [10], sizes = [1], strides = [1]} : vector<16xf32> to vector<1xf32>
      %squeeze3A_2410 = vector.extract %slice3A_2409[0] : f32 from vector<1xf32>
      %broadcast_in_dim3A_2411 = vector.broadcast %squeeze3A_2410 : f32 to vector<16xf32>
      %get3A_2412 = arith.constant 42 : i32
      %get3A_2413 = arith.index_cast %get3A_2412 : i32 to index
      %get3A_2414 = arith.constant 0 : index
      %get3A_2415 = tpu.vector_load %arg14[%get3A_2413, %get3A_2414] {strides = array<i32>} : memref<64x128xf32, #tpu.memory_space<vmem>>, vector<16xf32>,
      %mul3A_2416 = arith.mulf %broadcast_in_dim3A_2411, %get3A_2415 : vector<16xf32>
      %add3A_2417 = arith.addf %add3A_2366, %mul3A_2416 : vector<16xf32>
      %get3A_2418 = arith.constant 42 : i32
      %get3A_2419 = arith.index_cast %get3A_2418 : i32 to index
      %get3A_2420 = arith.constant 16 : index
      %get3A_2421 = tpu.vector_load %arg14[%get3A_2419, %get3A_2420] {strides = array<i32>} : memref<64x128xf32, #tpu.memory_space<vmem>>, vector<16xf32>,
      %mul3A_2422 = arith.mulf %broadcast_in_dim3A_2411, %get3A_2421 : vector<16xf32>
      %add3A_2423 = arith.addf %add3A_2372, %mul3A_2422 : vector<16xf32>
      %get3A_2424 = arith.constant 42 : i32
      %get3A_2425 = arith.index_cast %get3A_2424 : i32 to index
      %get3A_2426 = arith.constant 32 : index
      %get3A_2427 = tpu.vector_load %arg14[%get3A_2425, %get3A_2426] {strides = array<i32>} : memref<64x128xf32, #tpu.memory_space<vmem>>, vector<16xf32>,
      %mul3A_2428 = arith.mulf %broadcast_in_dim3A_2411, %get3A_2427 : vector<16xf32>
      %add3A_2429 = arith.addf %add3A_2378, %mul3A_2428 : vector<16xf32>
      %get3A_2430 = arith.constant 42 : i32
      %get3A_2431 = arith.index_cast %get3A_2430 : i32 to index
      %get3A_2432 = arith.constant 48 : index
      %get3A_2433 = tpu.vector_load %arg14[%get3A_2431, %get3A_2432] {strides = array<i32>} : memref<64x128xf32, #tpu.memory_space<vmem>>, vector<16xf32>,
      %mul3A_2434 = arith.mulf %broadcast_in_dim3A_2411, %get3A_2433 : vector<16xf32>
      %add3A_2435 = arith.addf %add3A_2384, %mul3A_2434 : vector<16xf32>
      %get3A_2436 = arith.constant 42 : i32
      %get3A_2437 = arith.index_cast %get3A_2436 : i32 to index
      %get3A_2438 = arith.constant 64 : index
      %get3A_2439 = tpu.vector_load %arg14[%get3A_2437, %get3A_2438] {strides = array<i32>} : memref<64x128xf32, #tpu.memory_space<vmem>>, vector<16xf32>,
      %mul3A_2440 = arith.mulf %broadcast_in_dim3A_2411, %get3A_2439 : vector<16xf32>
      %add3A_2441 = arith.addf %add3A_2390, %mul3A_2440 : vector<16xf32>
      %get3A_2442 = arith.constant 42 : i32
      %get3A_2443 = arith.index_cast %get3A_2442 : i32 to index
      %get3A_2444 = arith.constant 80 : index
      %get3A_2445 = tpu.vector_load %arg14[%get3A_2443, %get3A_2444] {strides = array<i32>} : memref<64x128xf32, #tpu.memory_space<vmem>>, vector<16xf32>,
      %mul3A_2446 = arith.mulf %broadcast_in_dim3A_2411, %get3A_2445 : vector<16xf32>
      %add3A_2447 = arith.addf %add3A_2396, %mul3A_2446 : vector<16xf32>
      %get3A_2448 = arith.constant 42 : i32
      %get3A_2449 = arith.index_cast %get3A_2448 : i32 to index
      %get3A_2450 = arith.constant 96 : index
      %get3A_2451 = tpu.vector_load %arg14[%get3A_2449, %get3A_2450] {strides = array<i32>} : memref<64x128xf32, #tpu.memory_space<vmem>>, vector<16xf32>,
      %mul3A_2452 = arith.mulf %broadcast_in_dim3A_2411, %get3A_2451 : vector<16xf32>
      %add3A_2453 = arith.addf %add3A_2402, %mul3A_2452 : vector<16xf32>
      %get3A_2454 = arith.constant 42 : i32
      %get3A_2455 = arith.index_cast %get3A_2454 : i32 to index
      %get3A_2456 = arith.constant 112 : index
      %get3A_2457 = tpu.vector_load %arg14[%get3A_2455, %get3A_2456] {strides = array<i32>} : memref<64x128xf32, #tpu.memory_space<vmem>>, vector<16xf32>,
      %mul3A_2458 = arith.mulf %broadcast_in_dim3A_2411, %get3A_2457 : vector<16xf32>
      %add3A_2459 = arith.addf %add3A_2408, %mul3A_2458 : vector<16xf32>
      %slice3A_2460 = vector.extract_strided_slice %div3A_243 {offsets = [11], sizes = [1], strides = [1]} : vector<16xf32> to vector<1xf32>
      %squeeze3A_2461 = vector.extract %slice3A_2460[0] : f32 from vector<1xf32>
      %broadcast_in_dim3A_2462 = vector.broadcast %squeeze3A_2461 : f32 to vector<16xf32>
      %get3A_2463 = arith.constant 43 : i32
      %get3A_2464 = arith.index_cast %get3A_2463 : i32 to index
      %get3A_2465 = arith.constant 0 : index
      %get3A_2466 = tpu.vector_load %arg14[%get3A_2464, %get3A_2465] {strides = array<i32>} : memref<64x128xf32, #tpu.memory_space<vmem>>, vector<16xf32>,
      %mul3A_2467 = arith.mulf %broadcast_in_dim3A_2462, %get3A_2466 : vector<16xf32>
      %add3A_2468 = arith.addf %add3A_2417, %mul3A_2467 : vector<16xf32>
      %get3A_2469 = arith.constant 43 : i32
      %get3A_2470 = arith.index_cast %get3A_2469 : i32 to index
      %get3A_2471 = arith.constant 16 : index
      %get3A_2472 = tpu.vector_load %arg14[%get3A_2470, %get3A_2471] {strides = array<i32>} : memref<64x128xf32, #tpu.memory_space<vmem>>, vector<16xf32>,
      %mul3A_2473 = arith.mulf %broadcast_in_dim3A_2462, %get3A_2472 : vector<16xf32>
      %add3A_2474 = arith.addf %add3A_2423, %mul3A_2473 : vector<16xf32>
      %get3A_2475 = arith.constant 43 : i32
      %get3A_2476 = arith.index_cast %get3A_2475 : i32 to index
      %get3A_2477 = arith.constant 32 : index
      %get3A_2478 = tpu.vector_load %arg14[%get3A_2476, %get3A_2477] {strides = array<i32>} : memref<64x128xf32, #tpu.memory_space<vmem>>, vector<16xf32>,
      %mul3A_2479 = arith.mulf %broadcast_in_dim3A_2462, %get3A_2478 : vector<16xf32>
      %add3A_2480 = arith.addf %add3A_2429, %mul3A_2479 : vector<16xf32>
      %get3A_2481 = arith.constant 43 : i32
      %get3A_2482 = arith.index_cast %get3A_2481 : i32 to index
      %get3A_2483 = arith.constant 48 : index
      %get3A_2484 = tpu.vector_load %arg14[%get3A_2482, %get3A_2483] {strides = array<i32>} : memref<64x128xf32, #tpu.memory_space<vmem>>, vector<16xf32>,
      %mul3A_2485 = arith.mulf %broadcast_in_dim3A_2462, %get3A_2484 : vector<16xf32>
      %add3A_2486 = arith.addf %add3A_2435, %mul3A_2485 : vector<16xf32>
      %get3A_2487 = arith.constant 43 : i32
      %get3A_2488 = arith.index_cast %get3A_2487 : i32 to index
      %get3A_2489 = arith.constant 64 : index
      %get3A_2490 = tpu.vector_load %arg14[%get3A_2488, %get3A_2489] {strides = array<i32>} : memref<64x128xf32, #tpu.memory_space<vmem>>, vector<16xf32>,
      %mul3A_2491 = arith.mulf %broadcast_in_dim3A_2462, %get3A_2490 : vector<16xf32>
      %add3A_2492 = arith.addf %add3A_2441, %mul3A_2491 : vector<16xf32>
      %get3A_2493 = arith.constant 43 : i32
      %get3A_2494 = arith.index_cast %get3A_2493 : i32 to index
      %get3A_2495 = arith.constant 80 : index
      %get3A_2496 = tpu.vector_load %arg14[%get3A_2494, %get3A_2495] {strides = array<i32>} : memref<64x128xf32, #tpu.memory_space<vmem>>, vector<16xf32>,
      %mul3A_2497 = arith.mulf %broadcast_in_dim3A_2462, %get3A_2496 : vector<16xf32>
      %add3A_2498 = arith.addf %add3A_2447, %mul3A_2497 : vector<16xf32>
      %get3A_2499 = arith.constant 43 : i32
      %get3A_2500 = arith.index_cast %get3A_2499 : i32 to index
      %get3A_2501 = arith.constant 96 : index
      %get3A_2502 = tpu.vector_load %arg14[%get3A_2500, %get3A_2501] {strides = array<i32>} : memref<64x128xf32, #tpu.memory_space<vmem>>, vector<16xf32>,
      %mul3A_2503 = arith.mulf %broadcast_in_dim3A_2462, %get3A_2502 : vector<16xf32>
      %add3A_2504 = arith.addf %add3A_2453, %mul3A_2503 : vector<16xf32>
      %get3A_2505 = arith.constant 43 : i32
      %get3A_2506 = arith.index_cast %get3A_2505 : i32 to index
      %get3A_2507 = arith.constant 112 : index
      %get3A_2508 = tpu.vector_load %arg14[%get3A_2506, %get3A_2507] {strides = array<i32>} : memref<64x128xf32, #tpu.memory_space<vmem>>, vector<16xf32>,
      %mul3A_2509 = arith.mulf %broadcast_in_dim3A_2462, %get3A_2508 : vector<16xf32>
      %add3A_2510 = arith.addf %add3A_2459, %mul3A_2509 : vector<16xf32>
      %slice3A_2511 = vector.extract_strided_slice %div3A_243 {offsets = [12], sizes = [1], strides = [1]} : vector<16xf32> to vector<1xf32>
      %squeeze3A_2512 = vector.extract %slice3A_2511[0] : f32 from vector<1xf32>
      %broadcast_in_dim3A_2513 = vector.broadcast %squeeze3A_2512 : f32 to vector<16xf32>
      %get3A_2514 = arith.constant 44 : i32
      %get3A_2515 = arith.index_cast %get3A_2514 : i32 to index
      %get3A_2516 = arith.constant 0 : index
      %get3A_2517 = tpu.vector_load %arg14[%get3A_2515, %get3A_2516] {strides = array<i32>} : memref<64x128xf32, #tpu.memory_space<vmem>>, vector<16xf32>,
      %mul3A_2518 = arith.mulf %broadcast_in_dim3A_2513, %get3A_2517 : vector<16xf32>
      %add3A_2519 = arith.addf %add3A_2468, %mul3A_2518 : vector<16xf32>
      %get3A_2520 = arith.constant 44 : i32
      %get3A_2521 = arith.index_cast %get3A_2520 : i32 to index
      %get3A_2522 = arith.constant 16 : index
      %get3A_2523 = tpu.vector_load %arg14[%get3A_2521, %get3A_2522] {strides = array<i32>} : memref<64x128xf32, #tpu.memory_space<vmem>>, vector<16xf32>,
      %mul3A_2524 = arith.mulf %broadcast_in_dim3A_2513, %get3A_2523 : vector<16xf32>
      %add3A_2525 = arith.addf %add3A_2474, %mul3A_2524 : vector<16xf32>
      %get3A_2526 = arith.constant 44 : i32
      %get3A_2527 = arith.index_cast %get3A_2526 : i32 to index
      %get3A_2528 = arith.constant 32 : index
      %get3A_2529 = tpu.vector_load %arg14[%get3A_2527, %get3A_2528] {strides = array<i32>} : memref<64x128xf32, #tpu.memory_space<vmem>>, vector<16xf32>,
      %mul3A_2530 = arith.mulf %broadcast_in_dim3A_2513, %get3A_2529 : vector<16xf32>
      %add3A_2531 = arith.addf %add3A_2480, %mul3A_2530 : vector<16xf32>
      %get3A_2532 = arith.constant 44 : i32
      %get3A_2533 = arith.index_cast %get3A_2532 : i32 to index
      %get3A_2534 = arith.constant 48 : index
      %get3A_2535 = tpu.vector_load %arg14[%get3A_2533, %get3A_2534] {strides = array<i32>} : memref<64x128xf32, #tpu.memory_space<vmem>>, vector<16xf32>,
      %mul3A_2536 = arith.mulf %broadcast_in_dim3A_2513, %get3A_2535 : vector<16xf32>
      %add3A_2537 = arith.addf %add3A_2486, %mul3A_2536 : vector<16xf32>
      %get3A_2538 = arith.constant 44 : i32
      %get3A_2539 = arith.index_cast %get3A_2538 : i32 to index
      %get3A_2540 = arith.constant 64 : index
      %get3A_2541 = tpu.vector_load %arg14[%get3A_2539, %get3A_2540] {strides = array<i32>} : memref<64x128xf32, #tpu.memory_space<vmem>>, vector<16xf32>,
      %mul3A_2542 = arith.mulf %broadcast_in_dim3A_2513, %get3A_2541 : vector<16xf32>
      %add3A_2543 = arith.addf %add3A_2492, %mul3A_2542 : vector<16xf32>
      %get3A_2544 = arith.constant 44 : i32
      %get3A_2545 = arith.index_cast %get3A_2544 : i32 to index
      %get3A_2546 = arith.constant 80 : index
      %get3A_2547 = tpu.vector_load %arg14[%get3A_2545, %get3A_2546] {strides = array<i32>} : memref<64x128xf32, #tpu.memory_space<vmem>>, vector<16xf32>,
      %mul3A_2548 = arith.mulf %broadcast_in_dim3A_2513, %get3A_2547 : vector<16xf32>
      %add3A_2549 = arith.addf %add3A_2498, %mul3A_2548 : vector<16xf32>
      %get3A_2550 = arith.constant 44 : i32
      %get3A_2551 = arith.index_cast %get3A_2550 : i32 to index
      %get3A_2552 = arith.constant 96 : index
      %get3A_2553 = tpu.vector_load %arg14[%get3A_2551, %get3A_2552] {strides = array<i32>} : memref<64x128xf32, #tpu.memory_space<vmem>>, vector<16xf32>,
      %mul3A_2554 = arith.mulf %broadcast_in_dim3A_2513, %get3A_2553 : vector<16xf32>
      %add3A_2555 = arith.addf %add3A_2504, %mul3A_2554 : vector<16xf32>
      %get3A_2556 = arith.constant 44 : i32
      %get3A_2557 = arith.index_cast %get3A_2556 : i32 to index
      %get3A_2558 = arith.constant 112 : index
      %get3A_2559 = tpu.vector_load %arg14[%get3A_2557, %get3A_2558] {strides = array<i32>} : memref<64x128xf32, #tpu.memory_space<vmem>>, vector<16xf32>,
      %mul3A_2560 = arith.mulf %broadcast_in_dim3A_2513, %get3A_2559 : vector<16xf32>
      %add3A_2561 = arith.addf %add3A_2510, %mul3A_2560 : vector<16xf32>
      %slice3A_2562 = vector.extract_strided_slice %div3A_243 {offsets = [13], sizes = [1], strides = [1]} : vector<16xf32> to vector<1xf32>
      %squeeze3A_2563 = vector.extract %slice3A_2562[0] : f32 from vector<1xf32>
      %broadcast_in_dim3A_2564 = vector.broadcast %squeeze3A_2563 : f32 to vector<16xf32>
      %get3A_2565 = arith.constant 45 : i32
      %get3A_2566 = arith.index_cast %get3A_2565 : i32 to index
      %get3A_2567 = arith.constant 0 : index
      %get3A_2568 = tpu.vector_load %arg14[%get3A_2566, %get3A_2567] {strides = array<i32>} : memref<64x128xf32, #tpu.memory_space<vmem>>, vector<16xf32>,
      %mul3A_2569 = arith.mulf %broadcast_in_dim3A_2564, %get3A_2568 : vector<16xf32>
      %add3A_2570 = arith.addf %add3A_2519, %mul3A_2569 : vector<16xf32>
      %get3A_2571 = arith.constant 45 : i32
      %get3A_2572 = arith.index_cast %get3A_2571 : i32 to index
      %get3A_2573 = arith.constant 16 : index
      %get3A_2574 = tpu.vector_load %arg14[%get3A_2572, %get3A_2573] {strides = array<i32>} : memref<64x128xf32, #tpu.memory_space<vmem>>, vector<16xf32>,
      %mul3A_2575 = arith.mulf %broadcast_in_dim3A_2564, %get3A_2574 : vector<16xf32>
      %add3A_2576 = arith.addf %add3A_2525, %mul3A_2575 : vector<16xf32>
      %get3A_2577 = arith.constant 45 : i32
      %get3A_2578 = arith.index_cast %get3A_2577 : i32 to index
      %get3A_2579 = arith.constant 32 : index
      %get3A_2580 = tpu.vector_load %arg14[%get3A_2578, %get3A_2579] {strides = array<i32>} : memref<64x128xf32, #tpu.memory_space<vmem>>, vector<16xf32>,
      %mul3A_2581 = arith.mulf %broadcast_in_dim3A_2564, %get3A_2580 : vector<16xf32>
      %add3A_2582 = arith.addf %add3A_2531, %mul3A_2581 : vector<16xf32>
      %get3A_2583 = arith.constant 45 : i32
      %get3A_2584 = arith.index_cast %get3A_2583 : i32 to index
      %get3A_2585 = arith.constant 48 : index
      %get3A_2586 = tpu.vector_load %arg14[%get3A_2584, %get3A_2585] {strides = array<i32>} : memref<64x128xf32, #tpu.memory_space<vmem>>, vector<16xf32>,
      %mul3A_2587 = arith.mulf %broadcast_in_dim3A_2564, %get3A_2586 : vector<16xf32>
      %add3A_2588 = arith.addf %add3A_2537, %mul3A_2587 : vector<16xf32>
      %get3A_2589 = arith.constant 45 : i32
      %get3A_2590 = arith.index_cast %get3A_2589 : i32 to index
      %get3A_2591 = arith.constant 64 : index
      %get3A_2592 = tpu.vector_load %arg14[%get3A_2590, %get3A_2591] {strides = array<i32>} : memref<64x128xf32, #tpu.memory_space<vmem>>, vector<16xf32>,
      %mul3A_2593 = arith.mulf %broadcast_in_dim3A_2564, %get3A_2592 : vector<16xf32>
      %add3A_2594 = arith.addf %add3A_2543, %mul3A_2593 : vector<16xf32>
      %get3A_2595 = arith.constant 45 : i32
      %get3A_2596 = arith.index_cast %get3A_2595 : i32 to index
      %get3A_2597 = arith.constant 80 : index
      %get3A_2598 = tpu.vector_load %arg14[%get3A_2596, %get3A_2597] {strides = array<i32>} : memref<64x128xf32, #tpu.memory_space<vmem>>, vector<16xf32>,
      %mul3A_2599 = arith.mulf %broadcast_in_dim3A_2564, %get3A_2598 : vector<16xf32>
      %add3A_2600 = arith.addf %add3A_2549, %mul3A_2599 : vector<16xf32>
      %get3A_2601 = arith.constant 45 : i32
      %get3A_2602 = arith.index_cast %get3A_2601 : i32 to index
      %get3A_2603 = arith.constant 96 : index
      %get3A_2604 = tpu.vector_load %arg14[%get3A_2602, %get3A_2603] {strides = array<i32>} : memref<64x128xf32, #tpu.memory_space<vmem>>, vector<16xf32>,
      %mul3A_2605 = arith.mulf %broadcast_in_dim3A_2564, %get3A_2604 : vector<16xf32>
      %add3A_2606 = arith.addf %add3A_2555, %mul3A_2605 : vector<16xf32>
      %get3A_2607 = arith.constant 45 : i32
      %get3A_2608 = arith.index_cast %get3A_2607 : i32 to index
      %get3A_2609 = arith.constant 112 : index
      %get3A_2610 = tpu.vector_load %arg14[%get3A_2608, %get3A_2609] {strides = array<i32>} : memref<64x128xf32, #tpu.memory_space<vmem>>, vector<16xf32>,
      %mul3A_2611 = arith.mulf %broadcast_in_dim3A_2564, %get3A_2610 : vector<16xf32>
      %add3A_2612 = arith.addf %add3A_2561, %mul3A_2611 : vector<16xf32>
      %slice3A_2613 = vector.extract_strided_slice %div3A_243 {offsets = [14], sizes = [1], strides = [1]} : vector<16xf32> to vector<1xf32>
      %squeeze3A_2614 = vector.extract %slice3A_2613[0] : f32 from vector<1xf32>
      %broadcast_in_dim3A_2615 = vector.broadcast %squeeze3A_2614 : f32 to vector<16xf32>
      %get3A_2616 = arith.constant 46 : i32
      %get3A_2617 = arith.index_cast %get3A_2616 : i32 to index
      %get3A_2618 = arith.constant 0 : index
      %get3A_2619 = tpu.vector_load %arg14[%get3A_2617, %get3A_2618] {strides = array<i32>} : memref<64x128xf32, #tpu.memory_space<vmem>>, vector<16xf32>,
      %mul3A_2620 = arith.mulf %broadcast_in_dim3A_2615, %get3A_2619 : vector<16xf32>
      %add3A_2621 = arith.addf %add3A_2570, %mul3A_2620 : vector<16xf32>
      %get3A_2622 = arith.constant 46 : i32
      %get3A_2623 = arith.index_cast %get3A_2622 : i32 to index
      %get3A_2624 = arith.constant 16 : index
      %get3A_2625 = tpu.vector_load %arg14[%get3A_2623, %get3A_2624] {strides = array<i32>} : memref<64x128xf32, #tpu.memory_space<vmem>>, vector<16xf32>,
      %mul3A_2626 = arith.mulf %broadcast_in_dim3A_2615, %get3A_2625 : vector<16xf32>
      %add3A_2627 = arith.addf %add3A_2576, %mul3A_2626 : vector<16xf32>
      %get3A_2628 = arith.constant 46 : i32
      %get3A_2629 = arith.index_cast %get3A_2628 : i32 to index
      %get3A_2630 = arith.constant 32 : index
      %get3A_2631 = tpu.vector_load %arg14[%get3A_2629, %get3A_2630] {strides = array<i32>} : memref<64x128xf32, #tpu.memory_space<vmem>>, vector<16xf32>,
      %mul3A_2632 = arith.mulf %broadcast_in_dim3A_2615, %get3A_2631 : vector<16xf32>
      %add3A_2633 = arith.addf %add3A_2582, %mul3A_2632 : vector<16xf32>
      %get3A_2634 = arith.constant 46 : i32
      %get3A_2635 = arith.index_cast %get3A_2634 : i32 to index
      %get3A_2636 = arith.constant 48 : index
      %get3A_2637 = tpu.vector_load %arg14[%get3A_2635, %get3A_2636] {strides = array<i32>} : memref<64x128xf32, #tpu.memory_space<vmem>>, vector<16xf32>,
      %mul3A_2638 = arith.mulf %broadcast_in_dim3A_2615, %get3A_2637 : vector<16xf32>
      %add3A_2639 = arith.addf %add3A_2588, %mul3A_2638 : vector<16xf32>
      %get3A_2640 = arith.constant 46 : i32
      %get3A_2641 = arith.index_cast %get3A_2640 : i32 to index
      %get3A_2642 = arith.constant 64 : index
      %get3A_2643 = tpu.vector_load %arg14[%get3A_2641, %get3A_2642] {strides = array<i32>} : memref<64x128xf32, #tpu.memory_space<vmem>>, vector<16xf32>,
      %mul3A_2644 = arith.mulf %broadcast_in_dim3A_2615, %get3A_2643 : vector<16xf32>
      %add3A_2645 = arith.addf %add3A_2594, %mul3A_2644 : vector<16xf32>
      %get3A_2646 = arith.constant 46 : i32
      %get3A_2647 = arith.index_cast %get3A_2646 : i32 to index
      %get3A_2648 = arith.constant 80 : index
      %get3A_2649 = tpu.vector_load %arg14[%get3A_2647, %get3A_2648] {strides = array<i32>} : memref<64x128xf32, #tpu.memory_space<vmem>>, vector<16xf32>,
      %mul3A_2650 = arith.mulf %broadcast_in_dim3A_2615, %get3A_2649 : vector<16xf32>
      %add3A_2651 = arith.addf %add3A_2600, %mul3A_2650 : vector<16xf32>
      %get3A_2652 = arith.constant 46 : i32
      %get3A_2653 = arith.index_cast %get3A_2652 : i32 to index
      %get3A_2654 = arith.constant 96 : index
      %get3A_2655 = tpu.vector_load %arg14[%get3A_2653, %get3A_2654] {strides = array<i32>} : memref<64x128xf32, #tpu.memory_space<vmem>>, vector<16xf32>,
      %mul3A_2656 = arith.mulf %broadcast_in_dim3A_2615, %get3A_2655 : vector<16xf32>
      %add3A_2657 = arith.addf %add3A_2606, %mul3A_2656 : vector<16xf32>
      %get3A_2658 = arith.constant 46 : i32
      %get3A_2659 = arith.index_cast %get3A_2658 : i32 to index
      %get3A_2660 = arith.constant 112 : index
      %get3A_2661 = tpu.vector_load %arg14[%get3A_2659, %get3A_2660] {strides = array<i32>} : memref<64x128xf32, #tpu.memory_space<vmem>>, vector<16xf32>,
      %mul3A_2662 = arith.mulf %broadcast_in_dim3A_2615, %get3A_2661 : vector<16xf32>
      %add3A_2663 = arith.addf %add3A_2612, %mul3A_2662 : vector<16xf32>
      %slice3A_2664 = vector.extract_strided_slice %div3A_243 {offsets = [15], sizes = [1], strides = [1]} : vector<16xf32> to vector<1xf32>
      %squeeze3A_2665 = vector.extract %slice3A_2664[0] : f32 from vector<1xf32>
      %broadcast_in_dim3A_2666 = vector.broadcast %squeeze3A_2665 : f32 to vector<16xf32>
      %get3A_2667 = arith.constant 47 : i32
      %get3A_2668 = arith.index_cast %get3A_2667 : i32 to index
      %get3A_2669 = arith.constant 0 : index
      %get3A_2670 = tpu.vector_load %arg14[%get3A_2668, %get3A_2669] {strides = array<i32>} : memref<64x128xf32, #tpu.memory_space<vmem>>, vector<16xf32>,
      %mul3A_2671 = arith.mulf %broadcast_in_dim3A_2666, %get3A_2670 : vector<16xf32>
      %add3A_2672 = arith.addf %add3A_2621, %mul3A_2671 : vector<16xf32>
      %get3A_2673 = arith.constant 47 : i32
      %get3A_2674 = arith.index_cast %get3A_2673 : i32 to index
      %get3A_2675 = arith.constant 16 : index
      %get3A_2676 = tpu.vector_load %arg14[%get3A_2674, %get3A_2675] {strides = array<i32>} : memref<64x128xf32, #tpu.memory_space<vmem>>, vector<16xf32>,
      %mul3A_2677 = arith.mulf %broadcast_in_dim3A_2666, %get3A_2676 : vector<16xf32>
      %add3A_2678 = arith.addf %add3A_2627, %mul3A_2677 : vector<16xf32>
      %get3A_2679 = arith.constant 47 : i32
      %get3A_2680 = arith.index_cast %get3A_2679 : i32 to index
      %get3A_2681 = arith.constant 32 : index
      %get3A_2682 = tpu.vector_load %arg14[%get3A_2680, %get3A_2681] {strides = array<i32>} : memref<64x128xf32, #tpu.memory_space<vmem>>, vector<16xf32>,
      %mul3A_2683 = arith.mulf %broadcast_in_dim3A_2666, %get3A_2682 : vector<16xf32>
      %add3A_2684 = arith.addf %add3A_2633, %mul3A_2683 : vector<16xf32>
      %get3A_2685 = arith.constant 47 : i32
      %get3A_2686 = arith.index_cast %get3A_2685 : i32 to index
      %get3A_2687 = arith.constant 48 : index
      %get3A_2688 = tpu.vector_load %arg14[%get3A_2686, %get3A_2687] {strides = array<i32>} : memref<64x128xf32, #tpu.memory_space<vmem>>, vector<16xf32>,
      %mul3A_2689 = arith.mulf %broadcast_in_dim3A_2666, %get3A_2688 : vector<16xf32>
      %add3A_2690 = arith.addf %add3A_2639, %mul3A_2689 : vector<16xf32>
      %get3A_2691 = arith.constant 47 : i32
      %get3A_2692 = arith.index_cast %get3A_2691 : i32 to index
      %get3A_2693 = arith.constant 64 : index
      %get3A_2694 = tpu.vector_load %arg14[%get3A_2692, %get3A_2693] {strides = array<i32>} : memref<64x128xf32, #tpu.memory_space<vmem>>, vector<16xf32>,
      %mul3A_2695 = arith.mulf %broadcast_in_dim3A_2666, %get3A_2694 : vector<16xf32>
      %add3A_2696 = arith.addf %add3A_2645, %mul3A_2695 : vector<16xf32>
      %get3A_2697 = arith.constant 47 : i32
      %get3A_2698 = arith.index_cast %get3A_2697 : i32 to index
      %get3A_2699 = arith.constant 80 : index
      %get3A_2700 = tpu.vector_load %arg14[%get3A_2698, %get3A_2699] {strides = array<i32>} : memref<64x128xf32, #tpu.memory_space<vmem>>, vector<16xf32>,
      %mul3A_2701 = arith.mulf %broadcast_in_dim3A_2666, %get3A_2700 : vector<16xf32>
      %add3A_2702 = arith.addf %add3A_2651, %mul3A_2701 : vector<16xf32>
      %get3A_2703 = arith.constant 47 : i32
      %get3A_2704 = arith.index_cast %get3A_2703 : i32 to index
      %get3A_2705 = arith.constant 96 : index
      %get3A_2706 = tpu.vector_load %arg14[%get3A_2704, %get3A_2705] {strides = array<i32>} : memref<64x128xf32, #tpu.memory_space<vmem>>, vector<16xf32>,
      %mul3A_2707 = arith.mulf %broadcast_in_dim3A_2666, %get3A_2706 : vector<16xf32>
      %add3A_2708 = arith.addf %add3A_2657, %mul3A_2707 : vector<16xf32>
      %get3A_2709 = arith.constant 47 : i32
      %get3A_2710 = arith.index_cast %get3A_2709 : i32 to index
      %get3A_2711 = arith.constant 112 : index
      %get3A_2712 = tpu.vector_load %arg14[%get3A_2710, %get3A_2711] {strides = array<i32>} : memref<64x128xf32, #tpu.memory_space<vmem>>, vector<16xf32>,
      %mul3A_2713 = arith.mulf %broadcast_in_dim3A_2666, %get3A_2712 : vector<16xf32>
      %add3A_2714 = arith.addf %add3A_2663, %mul3A_2713 : vector<16xf32>
      %slice3A_2715 = vector.extract_strided_slice %div3A_244 {offsets = [0], sizes = [1], strides = [1]} : vector<16xf32> to vector<1xf32>
      %squeeze3A_2716 = vector.extract %slice3A_2715[0] : f32 from vector<1xf32>
      %broadcast_in_dim3A_2717 = vector.broadcast %squeeze3A_2716 : f32 to vector<16xf32>
      %get3A_2718 = arith.constant 48 : i32
      %get3A_2719 = arith.index_cast %get3A_2718 : i32 to index
      %get3A_2720 = arith.constant 0 : index
      %get3A_2721 = tpu.vector_load %arg14[%get3A_2719, %get3A_2720] {strides = array<i32>} : memref<64x128xf32, #tpu.memory_space<vmem>>, vector<16xf32>,
      %mul3A_2722 = arith.mulf %broadcast_in_dim3A_2717, %get3A_2721 : vector<16xf32>
      %add3A_2723 = arith.addf %add3A_2672, %mul3A_2722 : vector<16xf32>
      %get3A_2724 = arith.constant 48 : i32
      %get3A_2725 = arith.index_cast %get3A_2724 : i32 to index
      %get3A_2726 = arith.constant 16 : index
      %get3A_2727 = tpu.vector_load %arg14[%get3A_2725, %get3A_2726] {strides = array<i32>} : memref<64x128xf32, #tpu.memory_space<vmem>>, vector<16xf32>,
      %mul3A_2728 = arith.mulf %broadcast_in_dim3A_2717, %get3A_2727 : vector<16xf32>
      %add3A_2729 = arith.addf %add3A_2678, %mul3A_2728 : vector<16xf32>
      %get3A_2730 = arith.constant 48 : i32
      %get3A_2731 = arith.index_cast %get3A_2730 : i32 to index
      %get3A_2732 = arith.constant 32 : index
      %get3A_2733 = tpu.vector_load %arg14[%get3A_2731, %get3A_2732] {strides = array<i32>} : memref<64x128xf32, #tpu.memory_space<vmem>>, vector<16xf32>,
      %mul3A_2734 = arith.mulf %broadcast_in_dim3A_2717, %get3A_2733 : vector<16xf32>
      %add3A_2735 = arith.addf %add3A_2684, %mul3A_2734 : vector<16xf32>
      %get3A_2736 = arith.constant 48 : i32
      %get3A_2737 = arith.index_cast %get3A_2736 : i32 to index
      %get3A_2738 = arith.constant 48 : index
      %get3A_2739 = tpu.vector_load %arg14[%get3A_2737, %get3A_2738] {strides = array<i32>} : memref<64x128xf32, #tpu.memory_space<vmem>>, vector<16xf32>,
      %mul3A_2740 = arith.mulf %broadcast_in_dim3A_2717, %get3A_2739 : vector<16xf32>
      %add3A_2741 = arith.addf %add3A_2690, %mul3A_2740 : vector<16xf32>
      %get3A_2742 = arith.constant 48 : i32
      %get3A_2743 = arith.index_cast %get3A_2742 : i32 to index
      %get3A_2744 = arith.constant 64 : index
      %get3A_2745 = tpu.vector_load %arg14[%get3A_2743, %get3A_2744] {strides = array<i32>} : memref<64x128xf32, #tpu.memory_space<vmem>>, vector<16xf32>,
      %mul3A_2746 = arith.mulf %broadcast_in_dim3A_2717, %get3A_2745 : vector<16xf32>
      %add3A_2747 = arith.addf %add3A_2696, %mul3A_2746 : vector<16xf32>
      %get3A_2748 = arith.constant 48 : i32
      %get3A_2749 = arith.index_cast %get3A_2748 : i32 to index
      %get3A_2750 = arith.constant 80 : index
      %get3A_2751 = tpu.vector_load %arg14[%get3A_2749, %get3A_2750] {strides = array<i32>} : memref<64x128xf32, #tpu.memory_space<vmem>>, vector<16xf32>,
      %mul3A_2752 = arith.mulf %broadcast_in_dim3A_2717, %get3A_2751 : vector<16xf32>
      %add3A_2753 = arith.addf %add3A_2702, %mul3A_2752 : vector<16xf32>
      %get3A_2754 = arith.constant 48 : i32
      %get3A_2755 = arith.index_cast %get3A_2754 : i32 to index
      %get3A_2756 = arith.constant 96 : index
      %get3A_2757 = tpu.vector_load %arg14[%get3A_2755, %get3A_2756] {strides = array<i32>} : memref<64x128xf32, #tpu.memory_space<vmem>>, vector<16xf32>,
      %mul3A_2758 = arith.mulf %broadcast_in_dim3A_2717, %get3A_2757 : vector<16xf32>
      %add3A_2759 = arith.addf %add3A_2708, %mul3A_2758 : vector<16xf32>
      %get3A_2760 = arith.constant 48 : i32
      %get3A_2761 = arith.index_cast %get3A_2760 : i32 to index
      %get3A_2762 = arith.constant 112 : index
      %get3A_2763 = tpu.vector_load %arg14[%get3A_2761, %get3A_2762] {strides = array<i32>} : memref<64x128xf32, #tpu.memory_space<vmem>>, vector<16xf32>,
      %mul3A_2764 = arith.mulf %broadcast_in_dim3A_2717, %get3A_2763 : vector<16xf32>
      %add3A_2765 = arith.addf %add3A_2714, %mul3A_2764 : vector<16xf32>
      %slice3A_2766 = vector.extract_strided_slice %div3A_244 {offsets = [1], sizes = [1], strides = [1]} : vector<16xf32> to vector<1xf32>
      %squeeze3A_2767 = vector.extract %slice3A_2766[0] : f32 from vector<1xf32>
      %broadcast_in_dim3A_2768 = vector.broadcast %squeeze3A_2767 : f32 to vector<16xf32>
      %get3A_2769 = arith.constant 49 : i32
      %get3A_2770 = arith.index_cast %get3A_2769 : i32 to index
      %get3A_2771 = arith.constant 0 : index
      %get3A_2772 = tpu.vector_load %arg14[%get3A_2770, %get3A_2771] {strides = array<i32>} : memref<64x128xf32, #tpu.memory_space<vmem>>, vector<16xf32>,
      %mul3A_2773 = arith.mulf %broadcast_in_dim3A_2768, %get3A_2772 : vector<16xf32>
      %add3A_2774 = arith.addf %add3A_2723, %mul3A_2773 : vector<16xf32>
      %get3A_2775 = arith.constant 49 : i32
      %get3A_2776 = arith.index_cast %get3A_2775 : i32 to index
      %get3A_2777 = arith.constant 16 : index
      %get3A_2778 = tpu.vector_load %arg14[%get3A_2776, %get3A_2777] {strides = array<i32>} : memref<64x128xf32, #tpu.memory_space<vmem>>, vector<16xf32>,
      %mul3A_2779 = arith.mulf %broadcast_in_dim3A_2768, %get3A_2778 : vector<16xf32>
      %add3A_2780 = arith.addf %add3A_2729, %mul3A_2779 : vector<16xf32>
      %get3A_2781 = arith.constant 49 : i32
      %get3A_2782 = arith.index_cast %get3A_2781 : i32 to index
      %get3A_2783 = arith.constant 32 : index
      %get3A_2784 = tpu.vector_load %arg14[%get3A_2782, %get3A_2783] {strides = array<i32>} : memref<64x128xf32, #tpu.memory_space<vmem>>, vector<16xf32>,
      %mul3A_2785 = arith.mulf %broadcast_in_dim3A_2768, %get3A_2784 : vector<16xf32>
      %add3A_2786 = arith.addf %add3A_2735, %mul3A_2785 : vector<16xf32>
      %get3A_2787 = arith.constant 49 : i32
      %get3A_2788 = arith.index_cast %get3A_2787 : i32 to index
      %get3A_2789 = arith.constant 48 : index
      %get3A_2790 = tpu.vector_load %arg14[%get3A_2788, %get3A_2789] {strides = array<i32>} : memref<64x128xf32, #tpu.memory_space<vmem>>, vector<16xf32>,
      %mul3A_2791 = arith.mulf %broadcast_in_dim3A_2768, %get3A_2790 : vector<16xf32>
      %add3A_2792 = arith.addf %add3A_2741, %mul3A_2791 : vector<16xf32>
      %get3A_2793 = arith.constant 49 : i32
      %get3A_2794 = arith.index_cast %get3A_2793 : i32 to index
      %get3A_2795 = arith.constant 64 : index
      %get3A_2796 = tpu.vector_load %arg14[%get3A_2794, %get3A_2795] {strides = array<i32>} : memref<64x128xf32, #tpu.memory_space<vmem>>, vector<16xf32>,
      %mul3A_2797 = arith.mulf %broadcast_in_dim3A_2768, %get3A_2796 : vector<16xf32>
      %add3A_2798 = arith.addf %add3A_2747, %mul3A_2797 : vector<16xf32>
      %get3A_2799 = arith.constant 49 : i32
      %get3A_2800 = arith.index_cast %get3A_2799 : i32 to index
      %get3A_2801 = arith.constant 80 : index
      %get3A_2802 = tpu.vector_load %arg14[%get3A_2800, %get3A_2801] {strides = array<i32>} : memref<64x128xf32, #tpu.memory_space<vmem>>, vector<16xf32>,
      %mul3A_2803 = arith.mulf %broadcast_in_dim3A_2768, %get3A_2802 : vector<16xf32>
      %add3A_2804 = arith.addf %add3A_2753, %mul3A_2803 : vector<16xf32>
      %get3A_2805 = arith.constant 49 : i32
      %get3A_2806 = arith.index_cast %get3A_2805 : i32 to index
      %get3A_2807 = arith.constant 96 : index
      %get3A_2808 = tpu.vector_load %arg14[%get3A_2806, %get3A_2807] {strides = array<i32>} : memref<64x128xf32, #tpu.memory_space<vmem>>, vector<16xf32>,
      %mul3A_2809 = arith.mulf %broadcast_in_dim3A_2768, %get3A_2808 : vector<16xf32>
      %add3A_2810 = arith.addf %add3A_2759, %mul3A_2809 : vector<16xf32>
      %get3A_2811 = arith.constant 49 : i32
      %get3A_2812 = arith.index_cast %get3A_2811 : i32 to index
      %get3A_2813 = arith.constant 112 : index
      %get3A_2814 = tpu.vector_load %arg14[%get3A_2812, %get3A_2813] {strides = array<i32>} : memref<64x128xf32, #tpu.memory_space<vmem>>, vector<16xf32>,
      %mul3A_2815 = arith.mulf %broadcast_in_dim3A_2768, %get3A_2814 : vector<16xf32>
      %add3A_2816 = arith.addf %add3A_2765, %mul3A_2815 : vector<16xf32>
      %swap3A_2817 = arith.constant 0 : i32
      %swap3A_2818 = arith.index_cast %swap3A_2817 : i32 to index
      %swap3A_2819 = arith.constant 0 : index
      %swap3A_2820 = tpu.vector_load %arg15[%swap3A_2818, %swap3A_2819] {strides = array<i32>} : memref<1x128xf32, #tpu.memory_space<vmem>>, vector<16xf32>,
      tpu.vector_store %arg15[%swap3A_2818, %swap3A_2819], %add3A_2774 {strides = array<i32>} : memref<1x128xf32, #tpu.memory_space<vmem>>, vector<16xf32>,
      %swap3A_2821 = arith.constant 0 : i32
      %swap3A_2822 = arith.index_cast %swap3A_2821 : i32 to index
      %swap3A_2823 = arith.constant 16 : index
      %swap3A_2824 = tpu.vector_load %arg15[%swap3A_2822, %swap3A_2823] {strides = array<i32>} : memref<1x128xf32, #tpu.memory_space<vmem>>, vector<16xf32>,
      tpu.vector_store %arg15[%swap3A_2822, %swap3A_2823], %add3A_2780 {strides = array<i32>} : memref<1x128xf32, #tpu.memory_space<vmem>>, vector<16xf32>,
      %swap3A_2825 = arith.constant 0 : i32
      %swap3A_2826 = arith.index_cast %swap3A_2825 : i32 to index
      %swap3A_2827 = arith.constant 32 : index
      %swap3A_2828 = tpu.vector_load %arg15[%swap3A_2826, %swap3A_2827] {strides = array<i32>} : memref<1x128xf32, #tpu.memory_space<vmem>>, vector<16xf32>,
      tpu.vector_store %arg15[%swap3A_2826, %swap3A_2827], %add3A_2786 {strides = array<i32>} : memref<1x128xf32, #tpu.memory_space<vmem>>, vector<16xf32>,
      %swap3A_2829 = arith.constant 0 : i32
      %swap3A_2830 = arith.index_cast %swap3A_2829 : i32 to index
      %swap3A_2831 = arith.constant 48 : index
      %swap3A_2832 = tpu.vector_load %arg15[%swap3A_2830, %swap3A_2831] {strides = array<i32>} : memref<1x128xf32, #tpu.memory_space<vmem>>, vector<16xf32>,
      tpu.vector_store %arg15[%swap3A_2830, %swap3A_2831], %add3A_2792 {strides = array<i32>} : memref<1x128xf32, #tpu.memory_space<vmem>>, vector<16xf32>,
      %swap3A_2833 = arith.constant 0 : i32
      %swap3A_2834 = arith.index_cast %swap3A_2833 : i32 to index
      %swap3A_2835 = arith.constant 64 : index
      %swap3A_2836 = tpu.vector_load %arg15[%swap3A_2834, %swap3A_2835] {strides = array<i32>} : memref<1x128xf32, #tpu.memory_space<vmem>>, vector<16xf32>,
      tpu.vector_store %arg15[%swap3A_2834, %swap3A_2835], %add3A_2798 {strides = array<i32>} : memref<1x128xf32, #tpu.memory_space<vmem>>, vector<16xf32>,
      %swap3A_2837 = arith.constant 0 : i32
      %swap3A_2838 = arith.index_cast %swap3A_2837 : i32 to index
      %swap3A_2839 = arith.constant 80 : index
      %swap3A_2840 = tpu.vector_load %arg15[%swap3A_2838, %swap3A_2839] {strides = array<i32>} : memref<1x128xf32, #tpu.memory_space<vmem>>, vector<16xf32>,
      tpu.vector_store %arg15[%swap3A_2838, %swap3A_2839], %add3A_2804 {strides = array<i32>} : memref<1x128xf32, #tpu.memory_space<vmem>>, vector<16xf32>,
      %swap3A_2841 = arith.constant 0 : i32
      %swap3A_2842 = arith.index_cast %swap3A_2841 : i32 to index
      %swap3A_2843 = arith.constant 96 : index
      %swap3A_2844 = tpu.vector_load %arg15[%swap3A_2842, %swap3A_2843] {strides = array<i32>} : memref<1x128xf32, #tpu.memory_space<vmem>>, vector<16xf32>,
      tpu.vector_store %arg15[%swap3A_2842, %swap3A_2843], %add3A_2810 {strides = array<i32>} : memref<1x128xf32, #tpu.memory_space<vmem>>, vector<16xf32>,
      %swap3A_2845 = arith.constant 0 : i32
      %swap3A_2846 = arith.index_cast %swap3A_2845 : i32 to index
      %swap3A_2847 = arith.constant 112 : index
      %swap3A_2848 = tpu.vector_load %arg15[%swap3A_2846, %swap3A_2847] {strides = array<i32>} : memref<1x128xf32, #tpu.memory_space<vmem>>, vector<16xf32>,
      tpu.vector_store %arg15[%swap3A_2846, %swap3A_2847], %add3A_2816 {strides = array<i32>} : memref<1x128xf32, #tpu.memory_space<vmem>>, vector<16xf32>,
      %convert_element_type3A = arith.extui %lt3A_45 : i1 to i32
      %cond3A = arith.constant 0 : i32
      %cond3A_2849 = arith.cmpi ne, %convert_element_type3A, %cond3A : i32
      scf.if %cond3A_2849 {
        "tpu.region"() ({
          %run_scoped3A = tpu.sem_alloc : memref<!tpu.dma_semaphore, #tpu.memory_space<semaphore_mem>>
          %dma_start3A_2851 = arith.constant 0 : i32
          %dma_start3A_2852 = tpu.memref_slice %arg5[%min3A_44, %dma_start3A_2851] : memref<900x128xf32, #tpu.memory_space<hbm>> -> memref<1x128xf32, #tpu.memory_space<hbm>>
          %dma_start3A_2853 = arith.constant 0 : i32
          %dma_start3A_2854 = tpu.memref_slice %arg5[%min3A_44, %dma_start3A_2853] : memref<900x128xf32, #tpu.memory_space<hbm>> -> memref<1x128xf32, #tpu.memory_space<hbm>>
          tpu.enqueue_dma source(%arg15 : memref<1x128xf32, #tpu.memory_space<vmem>>) target(%dma_start3A_2854 : memref<1x128xf32, #tpu.memory_space<hbm>>) target_semaphore(%run_scoped3A : memref<!tpu.dma_semaphore, #tpu.memory_space<semaphore_mem>>)
          %dma_wait3A_2855 = arith.constant 0 : i32
          %dma_wait3A_2856 = tpu.memref_slice %arg5[%min3A_44, %dma_wait3A_2855] : memref<900x128xf32, #tpu.memory_space<hbm>> -> memref<1x128xf32, #tpu.memory_space<hbm>>
          %dma_wait3A_2857 = arith.constant 0 : i32
          %dma_wait3A_2858 = tpu.memref_slice %arg5[%min3A_44, %dma_wait3A_2857] : memref<900x128xf32, #tpu.memory_space<hbm>> -> memref<1x128xf32, #tpu.memory_space<hbm>>
          tpu.wait_dma2 semaphore(%run_scoped3A : memref<!tpu.dma_semaphore, #tpu.memory_space<semaphore_mem>>) src(%arg15 : memref<1x128xf32, #tpu.memory_space<vmem>>) dst(%dma_wait3A_2858 : memref<1x128xf32, #tpu.memory_space<hbm>>)
          tpu.yield
        }) : () -> ()
      } else {
      }
      %scan3A_2850 = arith.constant 0 : i32
      scf.yield %scan3A_2850 : i32
    }
    %scan3A_37 = arith.constant 29 : i32
    return
  }
}

module attributes {stable_mosaic.version = 14 : i64} {
  func.func @_tc_body(%arg0: i32, %arg1: memref<904x64xf32, #tpu.memory_space<vmem>>, %arg2: memref<64x256xf32, #tpu.memory_space<vmem>>, %arg3: memref<128x256xf32, #tpu.memory_space<vmem>>, %arg4: memref<904x256xf32, #tpu.memory_space<vmem>>, %arg5: memref<256x128xf32, #tpu.memory_space<vmem>>, %arg6: memref<904x256xf32, #tpu.memory_space<vmem>>, %arg7: memref<904x256xf32, #tpu.memory_space<vmem>>) attributes {dimension_semantics = [#tpu.dimension_semantics<arbitrary>], iteration_bounds = array<i64: 141>, scalar_prefetch = 0 : i64, scratch_operands = 1 : i64, tpu.core_type = #tpu.core_type<tc>, window_params = [{pipeline_mode = #tpu.pipeline_mode<synchronous>, transform_indices = @transform_0, window_bounds = array<i64: 904, 64>}, {transform_indices = @transform_1, window_bounds = array<i64: 64, 256>}, {transform_indices = @transform_2, window_bounds = array<i64: 128, 256>}, {transform_indices = @transform_3, window_bounds = array<i64: 904, 256>}, {transform_indices = @transform_4, window_bounds = array<i64: 256, 128>}, {pipeline_mode = #tpu.pipeline_mode<synchronous>, transform_indices = @transform_5, window_bounds = array<i64: 904, 256>}]} {
    %get3A = arith.constant 0 : index
    %get3A_0 = arith.constant 0 : index
    %get3A_1 = vector.load %arg1[%get3A, %get3A_0] : memref<904x64xf32, #tpu.memory_space<vmem>>, vector<904x64xf32>
    %get3A_2 = arith.constant 0 : index
    %get3A_3 = arith.constant 0 : index
    %get3A_4 = vector.load %arg2[%get3A_2, %get3A_3] : memref<64x256xf32, #tpu.memory_space<vmem>>, vector<64x256xf32>
    %dot_general3A = arith.constant dense<0.000000e+00> : vector<904x256xf32>
    %dot_general3A_5 = tpu.matmul %get3A_1, %get3A_4, %dot_general3A {dimension_numbers = #tpu.dot_dimension_numbers<[1], [0], [0], [1], [0, 0, 1, 1], [], []>, transpose_lhs_hint = false} : vector<904x64xf32>, vector<64x256xf32>, vector<904x256xf32> -> vector<904x256xf32>
    %mul3A = arith.constant 256 : i32
    %mul3A_6 = arith.muli %arg0, %mul3A : i32
    %sub3A = arith.constant 36000 : i32
    %sub3A_7 = arith.subi %sub3A, %mul3A_6 : i32
    %min3A = arith.constant 256 : i32
    %min3A_8 = arith.minsi %min3A, %sub3A_7 : i32
    %iota3A = tpu.iota {dimensions = array<i32: 1>} : vector<904x256xi32>
    %lt3A = vector.broadcast %min3A_8 : i32 to vector<904x256xi32>
    %lt3A_9 = arith.cmpi slt, %iota3A, %lt3A : vector<904x256xi32>
    %jit3A = arith.constant -1.000000e+30 : f32
    %broadcast_in_dim3A = vector.broadcast %jit3A : f32 to vector<904x256xf32>
    %select_n3A = arith.select %lt3A_9, %dot_general3A_5, %broadcast_in_dim3A : vector<904x256xi1>, vector<904x256xf32>
    %swap3A = arith.constant 0 : index
    %swap3A_10 = arith.constant 0 : index
    %swap3A_11 = vector.load %arg4[%swap3A, %swap3A_10] : memref<904x256xf32, #tpu.memory_space<vmem>>, vector<904x256xf32>
    tpu.vector_store %arg4[%swap3A, %swap3A_10], %select_n3A {strides = array<i32>} : memref<904x256xf32, #tpu.memory_space<vmem>>, vector<904x256xf32>,
    %get3A_12 = arith.constant 0 : index
    %get3A_13 = arith.constant 0 : index
    %get3A_14 = vector.load %arg3[%get3A_12, %get3A_13] : memref<128x256xf32, #tpu.memory_space<vmem>>, vector<128x256xf32>
    %transpose3A = tpu.transpose %get3A_14, [1, 0] : vector<128x256xf32> -> vector<256x128xf32>
    %swap3A_15 = arith.constant 0 : index
    %swap3A_16 = arith.constant 0 : index
    %swap3A_17 = vector.load %arg5[%swap3A_15, %swap3A_16] : memref<256x128xf32, #tpu.memory_space<vmem>>, vector<256x128xf32>
    tpu.vector_store %arg5[%swap3A_15, %swap3A_16], %transpose3A {strides = array<i32>} : memref<256x128xf32, #tpu.memory_space<vmem>>, vector<256x128xf32>,
    %reduce_max3A = arith.constant dense<0xFF800000> : vector<904xf32>
    %reduce_max3A_18 = vector.multi_reduction <maximumf>, %select_n3A, %reduce_max3A [1] : vector<904x256xf32> to vector<904xf32>
    %broadcast_in_dim3A_19 = vector.shape_cast %reduce_max3A_18 : vector<904xf32> to vector<904x1xf32>
    %iota3A_20 = tpu.iota {dimensions = array<i32: 1>} : vector<904x256xi32>
    %eq3A = vector.broadcast %arg0 : i32 to vector<904x256xi32>
    %eq3A_21 = arith.cmpi eq, %iota3A_20, %eq3A : vector<904x256xi32>
    %broadcast_in_dim3A_22 = vector.shape_cast %broadcast_in_dim3A_19 : vector<904x1xf32> to vector<904x1xf32>
    %broadcast_in_dim3A_23 = vector.broadcast %broadcast_in_dim3A_22 : vector<904x1xf32> to vector<904x256xf32>
    %broadcast_in_dim3A_24 = arith.constant -1.000000e+30 : f32
    %broadcast_in_dim3A_25 = vector.broadcast %broadcast_in_dim3A_24 : f32 to vector<904x256xf32>
    %select_n3A_26 = arith.select %eq3A_21, %broadcast_in_dim3A_23, %broadcast_in_dim3A_25 : vector<904x256xi1>, vector<904x256xf32>
    %eq3A_27 = arith.constant 0 : i32
    %eq3A_28 = arith.cmpi eq, %arg0, %eq3A_27 : i32
    %convert_element_type3A = arith.extui %eq3A_28 : i1 to i32
    %cond3A = arith.constant 0 : i32
    %cond3A_29 = arith.cmpi ne, %convert_element_type3A, %cond3A : i32
    scf.if %cond3A_29 {
      %swap3A_39 = arith.constant 0 : index
      %swap3A_40 = arith.constant 0 : index
      %swap3A_41 = vector.load %arg7[%swap3A_39, %swap3A_40] : memref<904x256xf32, #tpu.memory_space<vmem>>, vector<904x256xf32>
      tpu.vector_store %arg7[%swap3A_39, %swap3A_40], %select_n3A_26 {strides = array<i32>} : memref<904x256xf32, #tpu.memory_space<vmem>>, vector<904x256xf32>,
    } else {
    }
    %gt3A = arith.constant 0 : i32
    %gt3A_30 = arith.cmpi sgt, %arg0, %gt3A : i32
    %convert_element_type3A_31 = arith.extui %gt3A_30 : i1 to i32
    %cond3A_32 = arith.constant 0 : i32
    %cond3A_33 = arith.cmpi ne, %convert_element_type3A_31, %cond3A_32 : i32
    scf.if %cond3A_33 {
      %get3A_39 = arith.constant 0 : index
      %get3A_40 = arith.constant 0 : index
      %get3A_41 = vector.load %arg7[%get3A_39, %get3A_40] : memref<904x256xf32, #tpu.memory_space<vmem>>, vector<904x256xf32>
      %max3A = arith.maximumf %get3A_41, %select_n3A_26 : vector<904x256xf32>
      %swap3A_42 = arith.constant 0 : index
      %swap3A_43 = arith.constant 0 : index
      %swap3A_44 = vector.load %arg7[%swap3A_42, %swap3A_43] : memref<904x256xf32, #tpu.memory_space<vmem>>, vector<904x256xf32>
      tpu.vector_store %arg7[%swap3A_42, %swap3A_43], %max3A {strides = array<i32>} : memref<904x256xf32, #tpu.memory_space<vmem>>, vector<904x256xf32>,
    } else {
    }
    %eq3A_34 = arith.constant 140 : i32
    %eq3A_35 = arith.cmpi eq, %arg0, %eq3A_34 : i32
    %convert_element_type3A_36 = arith.extui %eq3A_35 : i1 to i32
    %cond3A_37 = arith.constant 0 : i32
    %cond3A_38 = arith.cmpi ne, %convert_element_type3A_36, %cond3A_37 : i32
    scf.if %cond3A_38 {
      %get3A_39 = arith.constant 0 : index
      %get3A_40 = arith.constant 0 : index
      %get3A_41 = vector.load %arg7[%get3A_39, %get3A_40] : memref<904x256xf32, #tpu.memory_space<vmem>>, vector<904x256xf32>
      %swap3A_42 = arith.constant 0 : index
      %swap3A_43 = arith.constant 0 : index
      %swap3A_44 = vector.load %arg6[%swap3A_42, %swap3A_43] : memref<904x256xf32, #tpu.memory_space<vmem>>, vector<904x256xf32>
      tpu.vector_store %arg6[%swap3A_42, %swap3A_43], %get3A_41 {strides = array<i32>} : memref<904x256xf32, #tpu.memory_space<vmem>>, vector<904x256xf32>,
    } else {
    }
    return
  }
  func.func @transform_0(%arg0: i32) -> (i32, i32) {
    %c0_i32 = arith.constant 0 : i32
    %c0_i32_0 = arith.constant 0 : i32
    %c0_i32_1 = arith.constant 0 : i32
    return %c0_i32, %c0_i32_0 : i32, i32
  }
  func.func @transform_1(%arg0: i32) -> (i32, i32) {
    %c0_i32 = arith.constant 0 : i32
    %c0_i32_0 = arith.constant 0 : i32
    return %c0_i32, %arg0 : i32, i32
  }
  func.func @transform_2(%arg0: i32) -> (i32, i32) {
    %c0_i32 = arith.constant 0 : i32
    %c0_i32_0 = arith.constant 0 : i32
    return %c0_i32, %arg0 : i32, i32
  }
  func.func @transform_3(%arg0: i32) -> (i32, i32) {
    %c0_i32 = arith.constant 0 : i32
    %c0_i32_0 = arith.constant 0 : i32
    return %arg0, %c0_i32 : i32, i32
  }
  func.func @transform_4(%arg0: i32) -> (i32, i32) {
    %c0_i32 = arith.constant 0 : i32
    %c0_i32_0 = arith.constant 0 : i32
    return %arg0, %c0_i32 : i32, i32
  }
  func.func @transform_5(%arg0: i32) -> (i32, i32) {
    %c0_i32 = arith.constant 0 : i32
    %c0_i32_0 = arith.constant 0 : i32
    %c0_i32_1 = arith.constant 0 : i32
    return %c0_i32, %c0_i32_0 : i32, i32
  }
}

</mosaic_0001>

<sc_bundles>
// kernel: kernel.4.cloned.1.call-start
scs
__scs_entry_jumppad:
0x0: {  	(pc) =	sbr.rel $0x88, $3  }
0x1: {  	(tag) =	ssettag $0x0;
	lr =	simm.s32 $0x1  }
0x2: {  	[smem:$0x3F9E] =	sst lr;
	_ =	strace $0xD0000000  }
0x3: {  	_ = 	snop  }
0x4: {  	_ = 	snop  }
0x5: {  	_ = 	snop  }
0x6: {  	_ = 	snop  }
0x7: {  	_ = 	snop  }
__scs_overlays_trampoline_lowered:
0x8: {  	[smem:$0x3FAD] =	sst s0  }
0x9: {  	[smem:$0x3FAE] =	sst s1  }
0xa: {  	[smem:$0x3FAF] =	sst s2  }
0xb: {  	[smem:$0x3FB0] =	sst s3  }
0xc: {  	[smem:$0x3FB1] =	sst s4  }
0xd: {  	[smem:$0x3FB2] =	sst s5  }
0xe: {  	[smem:$0x3FB3] =	sst s6  }
0xf: {  	[smem:$0x3FB4] =	sst s7  }
0x10: {  	[smem:$0x3FB5] =	sst s8  }
0x11: {  	[smem:$0x3FB6] =	sst s9;
	s0 =	simm.s32 @!p0 $0x0  }
0x12: {  	s1 =	sld [smem:$0x3F9C];
	s0 =	simm.s32 @p0 $0x1  }
0x13: {  	[smem:$0x3FB7] =	sst s0;
	s0 =	simm.s32 @!p1 $0x0  }
0x14: {  	s2 =	sld [smem:$0x3F9B];
	s0 =	simm.s32 @p1 $0x1  }
0x15: {  	[smem:$0x3FB8] =	sst s0;
	s0 =	simm.s32 @!p2 $0x0  }
0x16: {  	s3 =	sld [smem:$0x3FDB];
	s0 =	simm.s32 @p2 $0x1  }
0x17: {  	s4 =	simm.s32 $0x1BF5;
	[smem:$0x3FBA] =	sst s0  }
0x18: {  	s0 =	sld [smem:$0x3F9D];
	_ =	swait.ge [sflag:s4], $0x0  }
0x19: {  	s7 =	sld [smem:$0x3F9E]  }
0x1a: {  	s8 =	sadd.s32 $0xFFFFE003, lr  }
0x1b: {  	s9 =	sadd.s32 $0xFFFFFEF7, lr;
	s5 =	simm.s32 $0xFFFFFFFF;
	p2 =	slt.u32 s8, $0xFFFFF086  }
0x1c: {  	p1 =	slt.u32 s9, $0xF7A;
	s5 =	simm.s32 @!p2 $0x0  }
0x1d: {  	s5 =	simm.s32 @p1 $0x1;
	p0 =	seq.s32 s7, s2  }
0x1e: {  	s7 =	smul.u32 @!p0 $0xF7A, s2;
	p2 =	seq.s32 @!p0 s5, $0x0  }
0x1f: {  	s9 =	smul.u32 $0xF7A, s1;
	s8 =	simm.s32 @!p0 $0x1BF5;
	p2 =	por !p2, p0  }
0x20: {  	[sflag:s8] =	ssyncset.s32 @!p0 $0xFFFFF086;
	s6 =	sadd.s32 @!p0 s3, s7;
	s7 =	simm.s32 @!p0 $0x108  }
0x21: {  	s3 =	sadd.s32 s3, s9;
	s6 =	sadd.s32 @!p0 $0x88, s6;
	s7 =	simm.s32 @p2 $0x1082  }
0x22: {  	[simem:s7], [sflag:s8] =	dma.local @!p0 [hbm:s6], $0xF7A  }
0x23: {  	s9 =	sor.u32 $0xD0000000, s2;
	s6 =	simm.s32 $0x108;
	_ =	swait.ge @!p0 [sflag:s8], $0x0  }
0x24: {  	s3 =	sadd.s32 $0x88, s3;
	s6 =	simm.s32 @!p1 $0x1082;
	[sflag:s4] =	ssyncset.s32 $0xFFFFF086  }
0x25: {  	[simem:s6], [sflag:s4] =	dma.local [hbm:s3], $0xF7A  }
0x26: {  	[smem:$0x3F9E] =	sst s1;
	(tag) =	ssettag s2;
	_ =	strace s9  }
0x27: {  	s1 =	sld [smem:$0x3FAE]  }
0x28: {  	s2 =	sld [smem:$0x3FAF]  }
0x29: {  	s4 =	sld [smem:$0x3FB1]  }
0x2a: {  	p0 =	seq.s32 s5, $0x0;
	s5 =	sld [smem:$0x3FB2]  }
0x2b: {  	s6 =	sld [smem:$0x3FB3]  }
0x2c: {  	s7 =	sld [smem:$0x3FB4]  }
0x2d: {  	s3 =	simm.s32 $0x108;
	s8 =	sld [smem:$0x3FB5]  }
0x2e: {  	s3 =	simm.s32 @!p0 $0x1082;
	s9 =	sld [smem:$0x3FB6]  }
0x2f: {  	lr =	sadd.s32 s0, s3;
	s0 =	sld [smem:$0x3FAD]  }
0x30: {  	s3 =	sld [smem:$0x3FB0]  }
0x31: {  	[smem:$0x3FB9] =	sst s10  }
0x32: {  	s10 =	sld [smem:$0x3FB7];
	_ =	sdelay $0x3  }
0x33: {  	p0 =	seq.s32 s10, $0x1;
	s10 =	sld [smem:$0x3FB9];
	_ =	sdelay $0x3  }
0x34: {  	[smem:$0x3FB9] =	sst s10  }
0x35: {  	s10 =	sld [smem:$0x3FB8];
	_ =	sdelay $0x3  }
0x36: {  	p1 =	seq.s32 s10, $0x1;
	s10 =	sld [smem:$0x3FB9];
	_ =	sdelay $0x3  }
0x37: {  	[smem:$0x3FB9] =	sst s10  }
0x38: {  	s10 =	sld [smem:$0x3FBA]  }
0x39: {  	_ = 	snop;
	(pc) =	sbr.ind lr, $3  }
0x3a: {  	_ = 	snop  }
0x3b: {  	_ = 	snop  }
0x3c: {  	p2 =	seq.s32 s10, $0x1;
	s10 =	sld [smem:$0x3FB9]  }
0x3d: {  	_ =	shalt  }
0x3e: {  	_ =	shalt  }
0x3f: {  	_ =	shalt  }
0x40: {  	_ =	shalt  }
0x41: {  	_ =	shalt  }
0x42: {  	_ =	shalt  }
0x43: {  	_ =	shalt  }
0x44: {  	_ =	shalt  }
0x45: {  	_ =	shalt  }
0x46: {  	_ =	shalt  }
0x47: {  	_ =	shalt  }
0x48: {  	_ =	shalt  }
0x49: {  	_ =	shalt  }
0x4a: {  	_ =	shalt  }
0x4b: {  	_ =	shalt  }
0x4c: {  	_ =	shalt  }
0x4d: {  	_ =	shalt  }
0x4e: {  	_ =	shalt  }
0x4f: {  	_ =	shalt  }
0x50: {  	_ =	shalt  }
0x51: {  	_ =	shalt  }
0x52: {  	_ =	shalt  }
0x53: {  	_ =	shalt  }
0x54: {  	_ =	shalt  }
0x55: {  	_ =	shalt  }
0x56: {  	_ =	shalt  }
0x57: {  	_ =	shalt  }
0x58: {  	_ =	shalt  }
0x59: {  	_ =	shalt  }
0x5a: {  	_ =	shalt  }
0x5b: {  	_ =	shalt  }
0x5c: {  	_ =	shalt  }
0x5d: {  	_ =	shalt  }
0x5e: {  	_ =	shalt  }
0x5f: {  	_ =	shalt  }
0x60: {  	_ =	shalt  }
0x61: {  	_ =	shalt  }
0x62: {  	_ =	shalt  }
0x63: {  	_ =	shalt  }
0x64: {  	_ =	shalt  }
0x65: {  	_ =	shalt  }
0x66: {  	_ =	shalt  }
0x67: {  	_ =	shalt  }
0x68: {  	_ =	shalt  }
0x69: {  	_ =	shalt  }
0x6a: {  	_ =	shalt  }
0x6b: {  	_ =	shalt  }
0x6c: {  	_ =	shalt  }
0x6d: {  	_ =	shalt  }
0x6e: {  	_ =	shalt  }
0x6f: {  	_ =	shalt  }
0x70: {  	_ =	shalt  }
0x71: {  	_ =	shalt  }
0x72: {  	_ =	shalt  }
0x73: {  	_ =	shalt  }
0x74: {  	_ =	shalt  }
0x75: {  	_ =	shalt  }
0x76: {  	_ =	shalt  }
0x77: {  	_ =	shalt  }
0x78: {  	_ =	shalt  }
0x79: {  	_ =	shalt  }
0x7a: {  	_ =	shalt  }
0x7b: {  	_ =	shalt  }
0x7c: {  	_ =	shalt  }
0x7d: {  	_ =	shalt  }
0x7e: {  	_ =	shalt  }
0x7f: {  	_ =	shalt  }
0x80: {  	_ =	shalt  }
0x81: {  	_ =	shalt  }
0x82: {  	_ =	shalt  }
0x83: {  	_ =	shalt  }
0x84: {  	_ =	shalt  }
0x85: {  	_ =	shalt  }
0x86: {  	_ =	shalt  }
0x87: {  	_ =	shalt  }
.Lfunc_end0:
.L_simem_size_0:
called_computation_lowered:
.L_overlay_start_0:
0x88: {  	s2 =	sld [smem:$0x3FD9]  }
0x89: {  	s3 =	sld [smem:$0x3FFE];
	_ =	sdelay $0x1  }
0x8a: {  	s1 =	srdreg.scid  }
0x8b: {  	s0 =	sand.u32 $0x1, s1  }
0x8c: {  	s16 =	sshll.u32 s0, $0xA;
	s2 =	sadd.s32 s3, s2  }
0x8d: {  	s2 =	sadd.s32 s2, s16  }
0x8e: {  	[smem:$0x3FC5] =	sst s2  }
0x8f: {  	_ = 	snop  }
0x90: {  	(tm) =	ssettm $0x1  }
0x91: {  	s17 =	sld [smem:$0x3FFB];
	_ =	sdelay $0x3  }
0x92: {  	_ =	strace s17  }
0x93: {  	s2 =	sld [smem:$0x3FFC];
	_ =	sdelay $0x3  }
0x94: {  	_ =	strace s2  }
0x95: {  	s2 =	sld [smem:$0x3FFD];
	_ =	sdelay $0x3  }
0x96: {  	_ =	strace s2  }
0x97: {  	_ =	strace $0x8FFFFFFF  }
0x98: {  	s18 =	sld [smem:$0x3FDB];
	_ =	sdelay $0x1  }
0x99: {  	s19 =	simm.s32 $_scs_section_size  }
0x9a: {  	s4 =	simm.s32 $_size__tile_overlayer_lowered;
	s5 =	simm.s32 $_tile_overlayer_lowered  }
0x9b: {  	s22 =	simm.s32 $0x1BFF;
	s21 =	sshll.u32 s5, $0x1;
	s2 =	sadd.s32 s19, s18  }
0x9c: {  	s6 =	simm.s32 $0x0;
	s20 =	sshll.u32 s4, $0x1;
	s4 =	sadd.s32 s21, s2  }
0x9d: {  	[timem:s6], [sflag:s22] =	dma.local [hbm:s4], s20  }
0x9e: {  	_ =	swait.ge [sflag:s22], s20  }
0x9f: {  	s3 =	ssub.s32 $0x0, s20;
	[sflag:s22] =	ssyncset.done $0x0  }
0xa0: {  	[sflag:s22] =	ssyncadd.s32 s3;
	_ =	sdelay $0x1  }
0xa1: {  	s23 =	simm.s32 $0x1B8B  }
0xa2: {  	_ =	swait.ge [sflag:s23], $0x1  }
0xa3: {  	[sflag:s23] =	ssyncset.done $0x0  }
0xa4: {  	s25 =	simm.s32 $0x1B8E;
	s24 =	sld [smem:$0x3FFE];
	[sflag:s23] =	ssyncadd.s32 $0xFFFFFFFF  }
0xa5: {  	s26 =	simm.s32 $execute0_lowered;
	[smem:$0x3FD2] =	sst s25  }
0xa6: {  	s4 =	sshll.u32 s26, $0x1;
	_ =	strace $0x80000046;
	[dreg:$0x1] =	wrdreg $0xFFFFFFFF  }
0xa7: {  	s28 =	simm.s32 $_size_execute0_lowered;
	s2 =	sadd.s32 s2, s4;
	[dreg:$0x0] =	wrdreg $0x0  }
0xa8: {  	s4 =	sshll.u32 s28, $0x1;
	[dreg:$0x2] =	wrdreg s2  }
0xa9: {  	[dreg:$0x3] =	wrdreg s4  }
0xaa: {  	[dreg:$0x4] =	wrdreg $0xC0  }
0xab: {  	_ =	task [dreg:s6], $0x5FFFF  }
0xac: {  	[dreg:$0x1] =	wrdreg $0xFFFFFFFF  }
0xad: {  	[dreg:$0x0] =	wrdreg $0x60  }
0xae: {  	[dreg:$0x2] =	wrdreg s24  }
0xaf: {  	[dreg:$0x3] =	wrdreg $0x9  }
0xb0: {  	_ =	task.clear_ibuf [dreg:s6], $0x4FFFF;
	_ =	strace $0x90000046  }
0xb1: {  	s29 =	simm.s32 $0x9;
	_ =	strace $0x80000048  }
0xb2: {  	_ =	swait.ge [sflag:s29], $0x1  }
0xb3: {  	[sflag:s29] =	ssyncadd.s32 $0xFFFFFFFF  }
0xb4: {  	_ =	strace $0x90000048  }
0xb5: {  	_ =	sfence  }
0xb6: {  	s30 =	sld [smem:$0x0];
	_ =	sdelay $0x2  }
0xb7: {  	s31 =	sshll.u32 s1, $0xD;
	s1 =	sshrl.u32 s1, $0x2  }
0xb8: {  	s3 =	sand.u32 $0x4000, s31;
	s1 =	sadd.s32 s1, s30  }
0xb9: {  	s0 =	sor.u32 s3, s0;
	s1 =	sshll.u32 s1, $0x11  }
0xba: {  	s0 =	sor.u32 s1, s0  }
0xbb: {  	s0 =	sadd.s32 $0x8F2B, s0  }
0xbc: {  	[sflag:s0] =	ssyncadd.remote.s32 $0x1  }
0xbd: {  	_ =	sfence.sel $0xFFFF  }
0xbe: {  	[dreg:$0x0] =	wrdreg $0xFFFFFFFF;
	(pc) =	sbr.abs _section_cstart, $3  }
0xbf: {  	[dreg:$0x1] =	wrdreg $0xFFFFFFFF  }
0xc0: {  	_ =	task.clear_ibuf [dreg:s6], $0x2FFFF;
	_ =	strace $0x9FFFFFFF  }
0xc1: {  	(tm) =	ssettm $0x7FFFFFFF  }
tec
execute0_lowered:
.L_overlay_start_1:
0x0: {  	(tag) =	ssettag $0x1  }
0x1: {  	s0 =	srdreg.scid  }
0x2: {  	s2 =	stileid.u32;
	v0 =	vlaneseq.u32;
	s1 =	rddreg [dreg:$0x0]  }
0x3: {  	s4 =	simm.s32 $0x0;
	s0 =	sand.u32 $0x1, s0;
	s2 =	sshll.u32 s2, $0x1;
	v1 =	vmul.u32 $0x20, v0  }
0x4: {  	s13 =	simm.s32 $0x1;
	s14 =	simm.s32 $0x2180;
	s3 =	sor.u32 s0, s2  }
0x5: {  	s15 =	simm.s32 $0x2080;
	s16 =	simm.s32 $0x2100;
	vm0 =	vmmov $0xffff;
	[smem:$0x7FF] =	sst s4;
	v4 =	vand.u32 $0x7, v0;
	v3 =	vor.u32 s3, v1  }
0x6: {  	s18 =	simm.s32 $0x2A00;
	s19 =	simm.s32 $0x3200;
	v5 =	vor.u32 $0x8, v0;
	_ =	strace $0x80000047;
	v2 =	vmov s3;
	[tilespmem:$0x1FF90] =	vst v3;
	v3 =	vshll.u32 v3, $0x1  }
0x7: {  	s20 =	simm.s32 $0x3A00;
	s21 =	simm.s32 $0x4200;
	s22 =	simm.s32 $0x4A00;
	v1 =	vor.u32 $0x200, v1;
	v2 =	vand.u32 $0x7, v2;
	v3 =	vand.u32 $0x7FFFFFF0, v3  }
0x8: {  	s23 =	simm.s32 $0x5200;
	s24 =	simm.s32 $0x5A00;
	s25 =	simm.s32 $0x2;
	[tilespmem:$0x1FFA0] =	vst v4;
	v1 =	vor.u32 s3, v1;
	v2 =	vor.u32 v2, v3;
	v3 =	vshrl.u32 v0, $0x3  }
0x9: {  	s26 =	simm.s32 $0x6200;
	s28 =	simm.s32 $0x6280;
	s0 =	ssub.s32 $0x2, s0;
	[tilespmem:$0x1FFB0] =	vst v5;
	v1 =	vmin.u32 v1, $0x383;
	v4 =	vperm.xlane v2, v4;
	v3 =	vmul.u32 $0x8, v3  }
0xa: {  	v9 =	vimm.s32 $0x0;
	s29 =	simm.s32 $0x40;
	s30 =	simm.s32 $0x6300;
	v10 =	vor.u32 $0x10, v0;
	s31 =	sshrl.u32 s0, $0x1;
	[tilespmem:$0x1FFC0] =	vst v1;
	v2 =	vperm.xlane v2, v5  }
0xb: {  	s4 =	sadd.s32 $0x11B200, s1;
	s6 =	sadd.s32 $0x1800, s1;
	v11 =	vor.u32 $0x20, v0;
	v12 =	vor.u32 $0x30, v0;
	s0 =	ssub.s32 s0, s31;
	v1 =	vadd.s32 v3, v4;
	[tilespmem:$0x1FFE0] =	vst v3  }
0xc: {  	s5 =	sadd.s32 $0x4FF000, s1;
	v13 =	vor.u32 $0x40, v0;
	v14 =	vor.u32 $0x50, v0;
	[dreg:$0x2] =	wrdreg s6;
	s0 =	smax.u32 s0, $0x1;
	[tilespmem:$0x1FFD0] =	vst v1;
	v1 =	vadd.s32 v3, v2  }
0xd: {  	s7 =	sadd.s32 $0x8A00, s1;
	v15 =	vor.u32 $0x60, v0;
	v16 =	vor.u32 $0x70, v0;
	v17 =	vor.u32 $0x80, v0;
	s1 =	simm.s32 $0x0;
	[dreg:$0x3] =	wrdreg s0;
	[tilespmem:$0x1FFF0] =	vst v1  }
.LBB2_1:
0xe: {  	v1 =	vld [tilespmem:$0x1FF90];
	_ =	sdelay $0x4  }
0xf: {  	[tilespmem:$0x0] =	vst v1;
	v1 =	vld [tilespmem:$0x1FFC0];
	_ =	sdelay $0x4  }
0x10: {  	[tilespmem:$0x10] =	vst v1;
	v1 =	vld [tilespmem:$0x1FFD0];
	_ =	sdelay $0x6  }
0x11: {  	s0 =	simm.s32 $0x0;
	s11 =	rddreg [dreg:$0x2];
	s2 =	simm.s32 $0x80  }
0x12: {  	[tilespmem:s2], [sflag:$0x1] =	stream.indirect_vreg.gather [hbm4b:s11+s0], $0x80, v1, vm0, $0xb8;
	v1 =	vld [tilespmem:$0x1FFF0]  }
0x13: {  	_ =	sdelay $0x5  }
0x14: {  	s12 =	simm.s32 $0x880  }
0x15: {  	[tilespmem:s12], [sflag:$0x1] =	stream.indirect_vreg.gather [hbm4b:s11+s0], $0x80, v1, vm0, $0xb8;
	[tilespmem:$0x8380] =	vst v63  }
0x16: {  	v1 =	vld [tilespmem:$0x10];
	_ =	sdelay $0x4  }
0x17: {  	v2 =	vshll.u32 v1, $0x1  }
0x18: {  	v1 =	vand.u32 $0x7, v1;
	v2 =	vand.u32 $0xFFFFFFF0, v2  }
0x19: {  	v1 =	vor.u32 v1, v2;
	v2 =	vld [tilespmem:$0x1FFA0]  }
0x1a: {  	v3 =	vld [tilespmem:$0x1FFE0]  }
0x1b: {  	v4 =	vld [tilespmem:$0x1FFB0];
	_ =	sdelay $0x2  }
0x1c: {  	v2 =	vperm.xlane v1, v2;
	_ =	sdelay $0x1  }
0x1d: {  	v1 =	vperm.xlane v1, v4;
	v2 =	vadd.s32 v3, v2;
	_ =	sdelay $0x1  }
0x1e: {  	v1 =	vadd.s32 v3, v1;
	_ =	sdelay $0x1  }
0x1f: {  	s17 =	simm.s32 $0x1080  }
0x20: {  	[tilespmem:s17], [sflag:$0x1] =	stream.indirect_vreg.gather [hbm4b:s11+s0], $0x80, v2, vm0, $0xb8;
	[tilespmem:$0x8380] =	vst v63  }
0x21: {  	[dreg:$0x4] =	wrdreg s1;
	s31 =	simm.s32 $0x1880  }
0x22: {  	[tilespmem:s31], [sflag:$0x1] =	stream.indirect_vreg.gather [hbm4b:s11+s0], $0x80, v1, vm0, $0xb8;
	[tilespmem:$0x8380] =	vst v63  }
0x23: {  	_ =	swait.ge [sflag:s13], $0x2000  }
0x24: {  	[sflag:s13] =	ssyncset.done $0x0  }
0x25: {  	s1 =	simm.s32 $0x0;
	[sflag:s13] =	ssyncadd.s32 $0xFFFFE000  }
.LBB2_2:
0x26: {  	[tilespmem:$0x6280] =	vst v9  }
0x27: {  	[tilespmem:$0x2100] =	vst v9  }
0x28: {  	[tilespmem:$0x6290] =	vst v9  }
0x29: {  	[tilespmem:$0x2110] =	vst v9  }
0x2a: {  	[tilespmem:$0x62A0] =	vst v9  }
0x2b: {  	[tilespmem:$0x2120] =	vst v9  }
0x2c: {  	[tilespmem:$0x62B0] =	vst v9  }
0x2d: {  	v2 =	vimm.f32 $-1.000000020e+30;
	[tilespmem:$0x2130] =	vst v9  }
0x2e: {  	[tilespmem:$0x2180] =	vst v2  }
0x2f: {  	[tilespmem:$0x6200] =	vst v2  }
0x30: {  	[tilespmem:$0x2190] =	vst v2  }
0x31: {  	[tilespmem:$0x6210] =	vst v2  }
0x32: {  	s0 =	sshll.u32 s1, $0x5;
	[tilespmem:$0x21A0] =	vst v2  }
0x33: {  	s9 =	sor.u32 s3, s0;
	[tilespmem:$0x6220] =	vst v2  }
0x34: {  	[tilespmem:$0x21B0] =	vst v2;
	s0 =	smin.u32 s9, $0x383  }
0x35: {  	[tilespmem:$0x6230] =	vst v2;
	v1 =	vmov s0  }
0x36: {  	[tilespmem:$0x2080] =	vst v1  }
0x37: {  	s2 =	sshll.u32 s1, $0x8;
	s6 =	sshll.u32 s1, $0x7;
	[tilespmem:$0x2090] =	vst v1  }
0x38: {  	s2 =	sand.u32 $0x1800, s2;
	s6 =	sand.u32 $0x380, s6;
	[tilespmem:$0x20A0] =	vst v1  }
0x39: {  	s2 =	sor.u32 s6, s2;
	[tilespmem:$0x20B0] =	vst v1  }
0x3a: {  	v8 =	vld [tilespmem:s2+$0x80]  }
0x3b: {  	v18 =	vld [tilespmem:s2+$0x90]  }
0x3c: {  	v19 =	vld [tilespmem:s2+$0xA0]  }
0x3d: {  	v6 =	vld [tilespmem:s2+$0xB0]  }
0x3e: {  	v7 =	vld [tilespmem:s2+$0xC0]  }
0x3f: {  	v3 =	vld [tilespmem:s2+$0xD0]  }
0x40: {  	v4 =	vld [tilespmem:s2+$0xE0];
	v2 =	vmax.f32 v8, v18  }
0x41: {  	v1 =	vld [tilespmem:s2+$0xF0];
	v5 =	vmax.f32 v2, v19  }
0x42: {  	v2 =	vld [tilespmem:s2+$0x480];
	v5 =	vmax.f32 v5, v6  }
0x43: {  	v5 =	vmax.f32 v5, v7  }
0x44: {  	v5 =	vmax.f32 v5, v3  }
0x45: {  	v5 =	vmax.f32 v5, v4  }
0x46: {  	v5 =	vmax.f32 v5, v1  }
0x47: {  	v5 =	vmax.f32 v5, v2  }
0x48: {  	(xrf0) =	vmax.scan.msk.f32 $0xffff, v5;
	_ =	sdelay $0x5  }
0x49: {  	v5, _, _ =	vpop (xrf0)  }
0x4a: {  	v20 =	vbroadcast v5, $0xF;
	_ =	sdelay $0x1  }
0x4b: {  	vm1 =	veq.f32 v8, v20  }
0x4c: {  	v5 =	vnsel vm1, $0x270F, v0  }
0x4d: {  	vm1 =	veq.f32 v18, v20;
	v21 =	vmin.u32 v5, v10  }
0x4e: {  	v5 =	vsel vm1, v21, v5  }
0x4f: {  	vm1 =	veq.f32 v19, v20;
	v21 =	vmin.u32 v5, v11  }
0x50: {  	v5 =	vsel vm1, v21, v5  }
0x51: {  	vm1 =	veq.f32 v6, v20;
	v21 =	vmin.u32 v5, v12  }
0x52: {  	v5 =	vsel vm1, v21, v5  }
0x53: {  	vm1 =	veq.f32 v7, v20;
	v21 =	vmin.u32 v5, v13  }
0x54: {  	v5 =	vsel vm1, v21, v5  }
0x55: {  	vm1 =	veq.f32 v3, v20;
	v21 =	vmin.u32 v5, v14  }
0x56: {  	v5 =	vsel vm1, v21, v5  }
0x57: {  	vm1 =	veq.f32 v4, v20;
	v21 =	vmin.u32 v5, v15  }
0x58: {  	v5 =	vsel vm1, v21, v5  }
0x59: {  	vm1 =	veq.f32 v1, v20;
	v21 =	vmin.u32 v5, v16  }
0x5a: {  	v5 =	vsel vm1, v21, v5  }
0x5b: {  	vm1 =	veq.f32 v2, v20;
	v21 =	vmin.u32 v5, v17  }
0x5c: {  	v5 =	vsel vm1, v21, v5  }
0x5d: {  	v5 =	vxor.u32 $0x80000000, v5  }
0x5e: {  	(xrf0) =	vmin.scan.msk.u32 $0xffff, v5;
	_ =	sdelay $0x5  }
0x5f: {  	v5, _, _ =	vpop (xrf0)  }
0x60: {  	(v2sf) =	vpush v5, $0xF;
	_ =	sdelay $0xa  }
0x61: {  	s17 =	simm.s32 $0x0  }
0x62: {  	v5 =	vmov s17;
	_ =	sdelay $0x2  }
0x63: {  	s31 =	spop (v2sf)  }
0x64: {  	s2 =	sxor.u32 $0x80000000, s31  }
0x65: {  	[tilespmem:v5+s14+$0x0] =	vst.idx.msk $0x1, v20;
	v20 =	vmov s2;
	s6 =	smul.u32 $0x388, s2  }
0x66: {  	s10 =	simm.s32 $0x1;
	s2 =	simm.s32 $0x2;
	vm1 =	veq.s32 v20, v0;
	vm2 =	veq.s32 v20, v10;
	vm3 =	veq.s32 v20, v11  }
.LBB2_3:
0x67: {  	p0 =	sne.s32 s2, $0x31;
	s6 =	sadd.s32 s0, s6;
	v8 =	vsel vm1, $0xF149F2CA, v8;
	v18 =	vsel vm2, $0xF149F2CA, v18;
	v19 =	vsel vm3, $0xF149F2CA, v19  }
0x68: {  	vm1 =	veq.s32 v20, v12;
	vm2 =	veq.s32 v20, v13;
	v21 =	vmax.f32 v8, v18  }
0x69: {  	v6 =	vsel vm1, $0xF149F2CA, v6;
	v7 =	vsel vm2, $0xF149F2CA, v7;
	v21 =	vmax.f32 v21, v19  }
0x6a: {  	vm1 =	veq.s32 v20, v14;
	vm2 =	veq.s32 v20, v15;
	v21 =	vmax.f32 v21, v6  }
0x6b: {  	v3 =	vsel vm1, $0xF149F2CA, v3;
	v4 =	vsel vm2, $0xF149F2CA, v4;
	v21 =	vmax.f32 v21, v7  }
0x6c: {  	vm1 =	veq.s32 v20, v16;
	vm2 =	veq.s32 v20, v17;
	v21 =	vmax.f32 v21, v3  }
0x6d: {  	v1 =	vsel vm1, $0xF149F2CA, v1;
	v2 =	vsel vm2, $0xF149F2CA, v2;
	v21 =	vmax.f32 v21, v4  }
0x6e: {  	v22 =	vmov s6;
	v21 =	vmax.f32 v21, v1  }
0x6f: {  	v21 =	vmax.f32 v21, v2;
	[tilespmem:v5+s15+$0x0] =	vst.idx.msk $0x1, v22  }
0x70: {  	(xrf0) =	vmax.scan.msk.f32 $0xffff, v21;
	[tilespmem:v5+s16+$0x0] =	vst.idx.msk $0x1, v20;
	_ =	sdelay $0x3  }
0x71: {  	v5 =	vmov s10;
	s10 =	smov.u32 s2;
	_ =	sdelay $0x1  }
0x72: {  	v20, _, _ =	vpop (xrf0)  }
0x73: {  	v20 =	vbroadcast v20, $0xF;
	_ =	sdelay $0x1  }
0x74: {  	vm1 =	veq.f32 v8, v20;
	[tilespmem:v5+s14+$0x0] =	vst.idx.msk $0x1, v20  }
0x75: {  	v21 =	vnsel vm1, $0x270F, v0  }
0x76: {  	vm1 =	veq.f32 v18, v20;
	v22 =	vmin.u32 v21, v10  }
0x77: {  	v21 =	vsel vm1, v22, v21  }
0x78: {  	vm1 =	veq.f32 v19, v20;
	v22 =	vmin.u32 v21, v11  }
0x79: {  	v21 =	vsel vm1, v22, v21  }
0x7a: {  	vm1 =	veq.f32 v6, v20;
	v22 =	vmin.u32 v21, v12  }
0x7b: {  	v21 =	vsel vm1, v22, v21  }
0x7c: {  	vm1 =	veq.f32 v7, v20;
	v22 =	vmin.u32 v21, v13  }
0x7d: {  	v21 =	vsel vm1, v22, v21  }
0x7e: {  	vm1 =	veq.f32 v3, v20;
	v22 =	vmin.u32 v21, v14  }
0x7f: {  	v21 =	vsel vm1, v22, v21  }
0x80: {  	vm1 =	veq.f32 v4, v20;
	v22 =	vmin.u32 v21, v15  }
0x81: {  	v21 =	vsel vm1, v22, v21  }
0x82: {  	vm1 =	veq.f32 v1, v20;
	v22 =	vmin.u32 v21, v16  }
0x83: {  	v21 =	vsel vm1, v22, v21  }
0x84: {  	vm1 =	veq.f32 v2, v20;
	v20 =	vmin.u32 v21, v17  }
0x85: {  	v20 =	vsel vm1, v20, v21  }
0x86: {  	v20 =	vxor.u32 $0x80000000, v20  }
0x87: {  	(xrf0) =	vmin.scan.msk.u32 $0xffff, v20;
	_ =	sdelay $0x5  }
0x88: {  	v20, _, _ =	vpop (xrf0)  }
0x89: {  	(v2sf) =	vpush v20, $0xF;
	_ =	sdelay $0xd  }
.Ltmp0:
0x8a: {  	(pc) =	sbr.rel @p0 .LBB2_3-.Ltmp0, $4  }
0x8b: {  	s6 =	spop (v2sf)  }
0x8c: {  	s8 =	sxor.u32 $0x80000000, s6  }
0x8d: {  	s6 =	smul.u32 $0x388, s8;
	v20 =	vmov s8  }
0x8e: {  	s2 =	sadd.s32 $0x1, s2;
	vm1 =	veq.s32 v20, v0;
	vm2 =	veq.s32 v20, v10;
	vm3 =	veq.s32 v20, v11  }
0x8f: {  	v8 =	vsel vm1, $0xF149F2CA, v8;
	v18 =	vsel vm2, $0xF149F2CA, v18  }
0x90: {  	v19 =	vsel vm3, $0xF149F2CA, v19;
	vm1 =	veq.s32 v20, v12;
	v21 =	vmax.f32 v8, v18  }
0x91: {  	vm2 =	veq.s32 v20, v13;
	v6 =	vsel vm1, $0xF149F2CA, v6;
	v21 =	vmax.f32 v21, v19  }
0x92: {  	v7 =	vsel vm2, $0xF149F2CA, v7;
	vm1 =	veq.s32 v20, v14;
	v21 =	vmax.f32 v21, v6  }
0x93: {  	vm2 =	veq.s32 v20, v15;
	v3 =	vsel vm1, $0xF149F2CA, v3;
	v21 =	vmax.f32 v21, v7  }
0x94: {  	v4 =	vsel vm2, $0xF149F2CA, v4;
	vm1 =	veq.s32 v20, v16;
	v21 =	vmax.f32 v21, v3  }
0x95: {  	vm2 =	veq.s32 v20, v17;
	v1 =	vsel vm1, $0xF149F2CA, v1;
	v21 =	vmax.f32 v21, v4  }
0x96: {  	v2 =	vsel vm2, $0xF149F2CA, v2;
	v21 =	vmax.f32 v21, v1  }
0x97: {  	v21 =	vmax.f32 v21, v2  }
0x98: {  	(xrf0) =	vmax.scan.msk.f32 $0xffff, v21;
	_ =	sdelay $0x5  }
0x99: {  	v21, _, _ =	vpop (xrf0)  }
0x9a: {  	v21 =	vbroadcast v21, $0xF;
	_ =	sdelay $0x1  }
0x9b: {  	vm1 =	veq.f32 v8, v21  }
0x9c: {  	v8 =	vnsel vm1, $0x270F, v0  }
0x9d: {  	vm1 =	veq.f32 v18, v21;
	v18 =	vmin.u32 v8, v10  }
0x9e: {  	v8 =	vsel vm1, v18, v8  }
0x9f: {  	vm1 =	veq.f32 v19, v21;
	v18 =	vmin.u32 v8, v11  }
0xa0: {  	v8 =	vsel vm1, v18, v8  }
0xa1: {  	vm1 =	veq.f32 v6, v21;
	v31 =	vmin.u32 v8, v12  }
0xa2: {  	v6 =	vsel vm1, v31, v8  }
0xa3: {  	vm1 =	veq.f32 v7, v21;
	v32 =	vmin.u32 v6, v13  }
0xa4: {  	v6 =	vsel vm1, v32, v6  }
0xa5: {  	vm1 =	veq.f32 v3, v21;
	v3 =	vmin.u32 v6, v14  }
0xa6: {  	v3 =	vsel vm1, v3, v6  }
0xa7: {  	vm1 =	veq.f32 v4, v21;
	v33 =	vmin.u32 v3, v15  }
0xa8: {  	v3 =	vsel vm1, v33, v3  }
0xa9: {  	vm1 =	veq.f32 v1, v21;
	v1 =	vmin.u32 v3, v16  }
0xaa: {  	v1 =	vsel vm1, v1, v3  }
0xab: {  	vm1 =	veq.f32 v2, v21;
	v2 =	vmin.u32 v1, v17  }
0xac: {  	v1 =	vsel vm1, v2, v1  }
0xad: {  	v1 =	vxor.u32 $0x80000000, v1  }
0xae: {  	(xrf0) =	vmin.scan.msk.u32 $0xffff, v1;
	_ =	sdelay $0x5  }
0xaf: {  	v1, _, _ =	vpop (xrf0)  }
0xb0: {  	(v2sf) =	vpush v1, $0xF;
	_ =	sdelay $0xe  }
0xb1: {  	v1 =	vmov s10;
	s2 =	spop (v2sf)  }
0xb2: {  	s6 =	sadd.s32 s0, s6;
	s2 =	sxor.u32 $0x80000000, s2  }
0xb3: {  	v2 =	vmov s6;
	s17 =	smul.u32 $0x388, s2  }
0xb4: {  	[tilespmem:v5+s15+$0x0] =	vst.idx.msk $0x1, v2  }
0xb5: {  	[tilespmem:v5+s16+$0x0] =	vst.idx.msk $0x1, v20;
	s6 =	sadd.s32 s0, s17  }
0xb6: {  	[tilespmem:v1+s14+$0x0] =	vst.idx.msk $0x1, v21;
	v2 =	vmov s6  }
0xb7: {  	v3 =	vmov s2;
	[tilespmem:v1+s15+$0x0] =	vst.idx.msk $0x1, v2  }
0xb8: {  	[tilespmem:v1+s16+$0x0] =	vst.idx.msk $0x1, v3  }
0xb9: {  	v1 =	vld [tilespmem:$0x2080];
	_ =	sdelay $0x2  }
0xba: {  	v3 =	vld [tilespmem:$0x1FFA0]  }
0xbb: {  	v34 =	vld [tilespmem:$0x1FFE0]  }
0xbc: {  	v35 =	vld [tilespmem:$0x1FFB0];
	v2 =	vshll.u32 v1, $0x1  }
0xbd: {  	v1 =	vand.u32 $0x7, v1;
	v2 =	vand.u32 $0xFFFFFFF0, v2  }
0xbe: {  	v1 =	vor.u32 v1, v2  }
0xbf: {  	v2 =	vperm.xlane v1, v3;
	_ =	sdelay $0x1  }
0xc0: {  	v1 =	vperm.xlane v1, v35;
	v2 =	vadd.s32 v34, v2;
	_ =	sdelay $0x1  }
0xc1: {  	v1 =	vadd.s32 v34, v1;
	_ =	sdelay $0x1  }
0xc2: {  	s31 =	simm.s32 $0x0;
	s12 =	simm.s32 $0x2200  }
0xc3: {  	[tilespmem:s12], [sflag:$0x2] =	stream.indirect_vreg.gather [hbm4b:s4+s31], $0x80, v2, vm0, $0xb8;
	[tilespmem:$0x8380] =	vst v63  }
0xc4: {  	_ = 	snop  }
0xc5: {  	[tilespmem:s18], [sflag:$0x2] =	stream.indirect_vreg.gather [hbm4b:s4+s31], $0x80, v1, vm0, $0xb8;
	[tilespmem:$0x8380] =	vst v63  }
0xc6: {  	v1 =	vld [tilespmem:$0x2090];
	_ =	sdelay $0x4  }
0xc7: {  	v2 =	vshll.u32 v1, $0x1  }
0xc8: {  	v1 =	vand.u32 $0x7, v1;
	v2 =	vand.u32 $0xFFFFFFF0, v2  }
0xc9: {  	v1 =	vor.u32 v1, v2  }
0xca: {  	v2 =	vperm.xlane v1, v3;
	_ =	sdelay $0x1  }
0xcb: {  	v1 =	vperm.xlane v1, v35;
	v2 =	vadd.s32 v34, v2;
	_ =	sdelay $0x1  }
0xcc: {  	v1 =	vadd.s32 v34, v1;
	_ =	sdelay $0x2  }
0xcd: {  	[tilespmem:s19], [sflag:$0x2] =	stream.indirect_vreg.gather [hbm4b:s4+s31], $0x80, v2, vm0, $0xb8;
	[tilespmem:$0x8380] =	vst v63  }
0xce: {  	_ = 	snop  }
0xcf: {  	[tilespmem:s20], [sflag:$0x2] =	stream.indirect_vreg.gather [hbm4b:s4+s31], $0x80, v1, vm0, $0xb8;
	[tilespmem:$0x8380] =	vst v63  }
0xd0: {  	v1 =	vld [tilespmem:$0x20A0];
	_ =	sdelay $0x4  }
0xd1: {  	v2 =	vshll.u32 v1, $0x1  }
0xd2: {  	v1 =	vand.u32 $0x7, v1;
	v2 =	vand.u32 $0xFFFFFFF0, v2  }
0xd3: {  	v1 =	vor.u32 v1, v2  }
0xd4: {  	v2 =	vperm.xlane v1, v3;
	_ =	sdelay $0x1  }
0xd5: {  	v1 =	vperm.xlane v1, v35;
	v2 =	vadd.s32 v34, v2;
	_ =	sdelay $0x1  }
0xd6: {  	v1 =	vadd.s32 v34, v1;
	_ =	sdelay $0x2  }
0xd7: {  	[tilespmem:s21], [sflag:$0x2] =	stream.indirect_vreg.gather [hbm4b:s4+s31], $0x80, v2, vm0, $0xb8;
	[tilespmem:$0x8380] =	vst v63  }
0xd8: {  	_ = 	snop  }
0xd9: {  	[tilespmem:s22], [sflag:$0x2] =	stream.indirect_vreg.gather [hbm4b:s4+s31], $0x80, v1, vm0, $0xb8;
	[tilespmem:$0x8380] =	vst v63  }
0xda: {  	v1 =	vld [tilespmem:$0x20B0];
	_ =	sdelay $0x4  }
0xdb: {  	v2 =	vshll.u32 v1, $0x1  }
0xdc: {  	v1 =	vand.u32 $0x7, v1;
	v2 =	vand.u32 $0xFFFFFFF0, v2  }
0xdd: {  	v1 =	vor.u32 v1, v2  }
0xde: {  	v2 =	vperm.xlane v1, v3;
	_ =	sdelay $0x1  }
0xdf: {  	v1 =	vperm.xlane v1, v35;
	v2 =	vadd.s32 v34, v2;
	_ =	sdelay $0x1  }
0xe0: {  	v1 =	vadd.s32 v34, v1;
	_ =	sdelay $0x2  }
0xe1: {  	[tilespmem:s23], [sflag:$0x2] =	stream.indirect_vreg.gather [hbm4b:s4+s31], $0x80, v2, vm0, $0xb8;
	[tilespmem:$0x8380] =	vst v63  }
0xe2: {  	_ = 	snop  }
0xe3: {  	[tilespmem:s24], [sflag:$0x2] =	stream.indirect_vreg.gather [hbm4b:s4+s31], $0x80, v1, vm0, $0xb8;
	[tilespmem:$0x8380] =	vst v63  }
0xe4: {  	_ =	swait.ge [sflag:s25], $0x4000  }
0xe5: {  	[sflag:s25] =	ssyncset.done $0x0  }
0xe6: {  	[sflag:s25] =	ssyncadd.s32 $0xFFFFC000  }
0xe7: {  	v18 =	vld [tilespmem:$0x2180]  }
0xe8: {  	v19 =	vld [tilespmem:$0x2190]  }
0xe9: {  	v20 =	vld [tilespmem:$0x21A0]  }
0xea: {  	v21 =	vld [tilespmem:$0x21B0];
	_ =	sdelay $0x4  }
0xeb: {  	v1 =	vmax.f32 v18, v19;
	v2 =	vmax.f32 v20, v21  }
0xec: {  	v1 =	vmax.f32 v1, v2  }
0xed: {  	(xrf0) =	vmax.scan.msk.f32 $0xffff, v1;
	_ =	sdelay $0x5  }
0xee: {  	v1, _, _ =	vpop (xrf0)  }
0xef: {  	v1 =	vbroadcast v1, $0xF;
	_ =	sdelay $0x1  }
0xf0: {  	vm1 =	veq.f32 v18, v1  }
0xf1: {  	v2 =	vnsel vm1, $0x3E7, v0  }
0xf2: {  	vm1 =	veq.f32 v19, v1;
	v3 =	vmin.u32 v2, v10  }
0xf3: {  	v2 =	vsel vm1, v3, v2  }
0xf4: {  	vm1 =	veq.f32 v20, v1;
	v3 =	vmin.u32 v2, v11  }
0xf5: {  	v2 =	vsel vm1, v3, v2  }
0xf6: {  	vm1 =	veq.f32 v21, v1;
	v3 =	vmin.u32 v2, v12  }
0xf7: {  	v2 =	vsel vm1, v3, v2  }
0xf8: {  	v2 =	vor.u32 $0x80000000, v2  }
0xf9: {  	(xrf0) =	vmin.scan.msk.u32 $0xffff, v2;
	_ =	sdelay $0x5  }
0xfa: {  	v2, _, _ =	vpop (xrf0)  }
0xfb: {  	(v2sf) =	vpush v2, $0xF;
	_ =	sdelay $0xe  }
0xfc: {  	s6 =	spop (v2sf)  }
0xfd: {  	s11 =	sshll.u32 s6, $0x8  }
0xfe: {  	s8 =	sshll.u32 s6, $0x7;
	s12 =	sand.u32 $0xFFFFF800, s11  }
0xff: {  	s10 =	sand.u32 $0x380, s8;
	s12 =	sadd.s32 $0x2200, s12  }
0x100: {  	s8 =	sadd.s32 s10, s12  }
0x101: {  	v2 =	vld [tilespmem:s8+$0x0]  }
0x102: {  	v3 =	vld [tilespmem:s8+$0x10];
	_ =	sdelay $0x1  }
0x103: {  	v36 =	vld [tilespmem:s8+$0x20];
	_ =	sdelay $0x1  }
0x104: {  	vm1 =	vne.f32 v2, v1;
	v2 =	vld [tilespmem:s8+$0x30]  }
0x105: {  	vm2 =	veq.f32 v3, v1;
	v37 =	vsel vm1, $0x3E7, v9;
	v3 =	vsel vm1, $0x1, v9  }
0x106: {  	v38 =	vld [tilespmem:s8+$0x40];
	v3 =	vsel vm2, v3, v37  }
0x107: {  	vm1 =	veq.f32 v36, v1;
	v39 =	vmin.u32 v3, $0x2  }
0x108: {  	v40 =	vld [tilespmem:s8+$0x50];
	v3 =	vsel vm1, v39, v3  }
0x109: {  	vm1 =	veq.f32 v2, v1;
	v2 =	vmin.u32 v3, $0x3  }
0x10a: {  	v2 =	vsel vm1, v2, v3;
	v3 =	vld [tilespmem:s8+$0x60]  }
0x10b: {  	vm1 =	veq.f32 v38, v1;
	v41 =	vmin.u32 v2, $0x4  }
0x10c: {  	v42 =	vld [tilespmem:s8+$0x70];
	v2 =	vsel vm1, v41, v2  }
0x10d: {  	vm1 =	veq.f32 v40, v1;
	v43 =	vmin.u32 v2, $0x5  }
0x10e: {  	v44 =	vld [tilespmem:s8+$0x400];
	v2 =	vsel vm1, v43, v2  }
0x10f: {  	vm1 =	veq.f32 v3, v1;
	v3 =	vmin.u32 v2, $0x6  }
0x110: {  	v2 =	vsel vm1, v3, v2;
	v3 =	vld [tilespmem:s8+$0x410]  }
0x111: {  	vm1 =	veq.f32 v42, v1;
	v45 =	vmin.u32 v2, $0x7  }
0x112: {  	v46 =	vld [tilespmem:s8+$0x420];
	v2 =	vsel vm1, v45, v2  }
0x113: {  	vm1 =	veq.f32 v44, v1;
	v47 =	vmin.u32 v2, $0x8  }
0x114: {  	v48 =	vld [tilespmem:s8+$0x430];
	v2 =	vsel vm1, v47, v2  }
0x115: {  	vm1 =	veq.f32 v3, v1;
	v3 =	vmin.u32 v2, $0x9  }
0x116: {  	v2 =	vsel vm1, v3, v2;
	v3 =	vld [tilespmem:s8+$0x440]  }
0x117: {  	vm1 =	veq.f32 v46, v1;
	v49 =	vmin.u32 v2, $0xA  }
0x118: {  	v50 =	vld [tilespmem:s8+$0x450];
	v2 =	vsel vm1, v49, v2  }
0x119: {  	vm1 =	veq.f32 v48, v1;
	v51 =	vmin.u32 v2, $0xB  }
0x11a: {  	v52 =	vld [tilespmem:s8+$0x460];
	v2 =	vsel vm1, v51, v2  }
0x11b: {  	vm1 =	veq.f32 v3, v1;
	v3 =	vmin.u32 v2, $0xC  }
0x11c: {  	v2 =	vsel vm1, v3, v2;
	v3 =	vld [tilespmem:s8+$0x470]  }
0x11d: {  	vm1 =	veq.f32 v50, v1;
	v53 =	vmin.u32 v2, $0xD  }
0x11e: {  	v2 =	vsel vm1, v53, v2  }
0x11f: {  	vm1 =	veq.f32 v52, v1;
	v54 =	vmin.u32 v2, $0xE  }
0x120: {  	v2 =	vsel vm1, v54, v2  }
0x121: {  	vm1 =	veq.f32 v3, v1;
	v3 =	vmin.u32 v2, $0xF  }
0x122: {  	v2 =	vsel vm1, v3, v2  }
0x123: {  	v22 =	vor.u32 $0x80000000, v0;
	v2 =	vshll.u32 v2, $0x4  }
0x124: {  	v2 =	vor.u32 v22, v2  }
0x125: {  	(xrf0) =	vmin.scan.msk.u32 $0xffff, v2;
	_ =	sdelay $0x5  }
0x126: {  	v2, _, _ =	vpop (xrf0)  }
0x127: {  	(v2sf) =	vpush v2, $0xF;
	_ =	sdelay $0xd  }
0x128: {  	v2 =	vmov s31  }
0x129: {  	s2 =	spop (v2sf)  }
0x12a: {  	s31 =	sshll.u32 s2, $0x3  }
0x12b: {  	s11 =	sadd.s32 s2, s11;
	s31 =	sand.u32 $0xFFFFFC00, s31  }
0x12c: {  	s17 =	sand.u32 $0x70, s2;
	s11 =	sadd.s32 $0x80000000, s11;
	s12 =	sadd.s32 s31, s12  }
0x12d: {  	[tilespmem:v2+s26+$0x0] =	vst.idx.msk $0x1, v1;
	v3 =	vmov s11;
	s17 =	sor.u32 s17, s12  }
0x12e: {  	[tilespmem:v2+s28+$0x0] =	vst.idx.msk $0x1, v3;
	s10 =	sadd.s32 s10, s17  }
0x12f: {  	v1 =	vld [tilespmem:s10+$0x0];
	_ =	sdelay $0x1  }
0x130: {  	s2 =	sand.u32 $0xF, s2  }
0x131: {  	v2 =	vmov s2  }
0x132: {  	vm1 =	veq.s32 v2, v0  }
0x133: {  	v1 =	vsel vm1, $0xF149F2CA, v1  }
0x134: {  	[tilespmem:s10+$0x0] =	vst v1  }
0x135: {  	v1 =	vld [tilespmem:s8+$0x0]  }
0x136: {  	v2 =	vld [tilespmem:s8+$0x10]  }
0x137: {  	v3 =	vld [tilespmem:s8+$0x20]  }
0x138: {  	v55 =	vld [tilespmem:s8+$0x30]  }
0x139: {  	v56 =	vld [tilespmem:s8+$0x40]  }
0x13a: {  	v57 =	vld [tilespmem:s8+$0x50]  }
0x13b: {  	v58 =	vld [tilespmem:s8+$0x60];
	v1 =	vmax.f32 v1, v2  }
0x13c: {  	v2 =	vld [tilespmem:s8+$0x70];
	v1 =	vmax.f32 v1, v3  }
0x13d: {  	v3 =	vld [tilespmem:s8+$0x400];
	v1 =	vmax.f32 v1, v55  }
0x13e: {  	v59 =	vld [tilespmem:s8+$0x410];
	v1 =	vmax.f32 v1, v56  }
0x13f: {  	v60 =	vld [tilespmem:s8+$0x420];
	v1 =	vmax.f32 v1, v57  }
0x140: {  	v61 =	vld [tilespmem:s8+$0x430];
	v1 =	vmax.f32 v1, v58  }
0x141: {  	v62 =	vld [tilespmem:s8+$0x440];
	v1 =	vmax.f32 v1, v2  }
0x142: {  	v2 =	vld [tilespmem:s8+$0x450];
	v1 =	vmax.f32 v1, v3  }
0x143: {  	v3 =	vld [tilespmem:s8+$0x460];
	v1 =	vmax.f32 v1, v59  }
0x144: {  	v63 =	vld [tilespmem:s8+$0x470];
	v1 =	vmax.f32 v1, v60  }
0x145: {  	v1 =	vmax.f32 v1, v61  }
0x146: {  	v1 =	vmax.f32 v1, v62  }
0x147: {  	v1 =	vmax.f32 v1, v2  }
0x148: {  	v1 =	vmax.f32 v1, v3  }
0x149: {  	v1 =	vmax.f32 v1, v63  }
0x14a: {  	(xrf0) =	vmax.scan.msk.f32 $0xffff, v1;
	_ =	sdelay $0x4  }
0x14b: {  	s31 =	sxor.u32 $0x80000000, s6  }
0x14c: {  	s10 =	simm.s32 $0x1;
	v1 =	vmov s31;
	v2, _, _ =	vpop (xrf0)  }
.LBB2_5:
0x14d: {  	p0 =	sne.s32 s10, $0x31;
	v2 =	vbroadcast v2, $0xF;
	vm1 =	veq.s32 v1, v12;
	s11 =	smov.u32 s10;
	s10 =	sadd.s32 $0x1, s10  }
0x14e: {  	vm2 =	veq.s32 v1, v0;
	vm3 =	veq.s32 v1, v10;
	vm4 =	veq.s32 v1, v11  }
0x14f: {  	v18 =	vsel vm2, v2, v18;
	v19 =	vsel vm3, v2, v19;
	v20 =	vsel vm4, v2, v20  }
0x150: {  	v21 =	vsel vm1, v2, v21  }
0x151: {  	v1 =	vmax.f32 v18, v19;
	v2 =	vmax.f32 v20, v21  }
0x152: {  	v1 =	vmax.f32 v1, v2  }
0x153: {  	(xrf0) =	vmax.scan.msk.f32 $0xffff, v1;
	_ =	sdelay $0x5  }
0x154: {  	v1, _, _ =	vpop (xrf0)  }
0x155: {  	v2 =	vbroadcast v1, $0xF;
	_ =	sdelay $0x1  }
0x156: {  	vm1 =	veq.f32 v18, v2  }
0x157: {  	v1 =	vnsel vm1, $0x3E7, v0  }
0x158: {  	vm1 =	veq.f32 v19, v2;
	v3 =	vmin.u32 v1, v10  }
0x159: {  	v1 =	vsel vm1, v3, v1  }
0x15a: {  	vm1 =	veq.f32 v20, v2;
	v3 =	vmin.u32 v1, v11  }
0x15b: {  	v1 =	vsel vm1, v3, v1  }
0x15c: {  	vm1 =	veq.f32 v21, v2;
	v3 =	vmin.u32 v1, v12  }
0x15d: {  	v1 =	vsel vm1, v3, v1  }
0x15e: {  	v1 =	vor.u32 $0x80000000, v1  }
0x15f: {  	(xrf0) =	vmin.scan.msk.u32 $0xffff, v1;
	_ =	sdelay $0x5  }
0x160: {  	v1, _, _ =	vpop (xrf0)  }
0x161: {  	(v2sf) =	vpush v1, $0xF;
	_ =	sdelay $0xe  }
0x162: {  	s2 =	spop (v2sf)  }
0x163: {  	s8 =	sxor.u32 $0x80000000, s2;
	s6 =	sshll.u32 s2, $0x8;
	s2 =	sshll.u32 s2, $0x7  }
0x164: {  	s12 =	sand.u32 $0xFFFFF800, s6;
	v1 =	vmov s8  }
0x165: {  	s8 =	sand.u32 $0x380, s2;
	s2 =	sadd.s32 $0x2200, s12  }
0x166: {  	s12 =	sadd.s32 s8, s2  }
0x167: {  	v3 =	vld [tilespmem:s12+$0x0]  }
0x168: {  	v4 =	vld [tilespmem:s12+$0x10];
	_ =	sdelay $0x1  }
0x169: {  	v5 =	vld [tilespmem:s12+$0x20];
	_ =	sdelay $0x1  }
0x16a: {  	vm1 =	vne.f32 v3, v2;
	v3 =	vld [tilespmem:s12+$0x30]  }
0x16b: {  	v6 =	vsel vm1, $0x3E7, v9;
	vm2 =	veq.f32 v4, v2;
	v4 =	vsel vm1, $0x1, v9  }
0x16c: {  	v4 =	vsel vm2, v4, v6;
	v6 =	vld [tilespmem:s12+$0x40]  }
0x16d: {  	vm1 =	veq.f32 v5, v2;
	v5 =	vmin.u32 v4, $0x2  }
0x16e: {  	v4 =	vsel vm1, v5, v4;
	v5 =	vld [tilespmem:s12+$0x50]  }
0x16f: {  	vm1 =	veq.f32 v3, v2;
	v3 =	vmin.u32 v4, $0x3  }
0x170: {  	v3 =	vsel vm1, v3, v4;
	v4 =	vld [tilespmem:s12+$0x60]  }
0x171: {  	vm1 =	veq.f32 v6, v2;
	v6 =	vmin.u32 v3, $0x4  }
0x172: {  	v3 =	vsel vm1, v6, v3;
	v6 =	vld [tilespmem:s12+$0x70]  }
0x173: {  	vm1 =	veq.f32 v5, v2;
	v5 =	vmin.u32 v3, $0x5  }
0x174: {  	v3 =	vsel vm1, v5, v3;
	v5 =	vld [tilespmem:s12+$0x400]  }
0x175: {  	vm1 =	veq.f32 v4, v2;
	v4 =	vmin.u32 v3, $0x6  }
0x176: {  	v3 =	vsel vm1, v4, v3;
	v4 =	vld [tilespmem:s12+$0x410]  }
0x177: {  	vm1 =	veq.f32 v6, v2;
	v6 =	vmin.u32 v3, $0x7  }
0x178: {  	v3 =	vsel vm1, v6, v3;
	v6 =	vld [tilespmem:s12+$0x420]  }
0x179: {  	vm1 =	veq.f32 v5, v2;
	v5 =	vmin.u32 v3, $0x8  }
0x17a: {  	v3 =	vsel vm1, v5, v3;
	v5 =	vld [tilespmem:s12+$0x430]  }
0x17b: {  	vm1 =	veq.f32 v4, v2;
	v4 =	vmin.u32 v3, $0x9  }
0x17c: {  	v3 =	vsel vm1, v4, v3;
	v4 =	vld [tilespmem:s12+$0x440]  }
0x17d: {  	vm1 =	veq.f32 v6, v2;
	v6 =	vmin.u32 v3, $0xA  }
0x17e: {  	v3 =	vsel vm1, v6, v3;
	v6 =	vld [tilespmem:s12+$0x450]  }
0x17f: {  	vm1 =	veq.f32 v5, v2;
	v5 =	vmin.u32 v3, $0xB  }
0x180: {  	v3 =	vsel vm1, v5, v3;
	v5 =	vld [tilespmem:s12+$0x460]  }
0x181: {  	vm1 =	veq.f32 v4, v2;
	v4 =	vmin.u32 v3, $0xC  }
0x182: {  	v3 =	vsel vm1, v4, v3;
	v4 =	vld [tilespmem:s12+$0x470]  }
0x183: {  	vm1 =	veq.f32 v6, v2;
	v6 =	vmin.u32 v3, $0xD  }
0x184: {  	v3 =	vsel vm1, v6, v3  }
0x185: {  	vm1 =	veq.f32 v5, v2;
	v5 =	vmin.u32 v3, $0xE  }
0x186: {  	v3 =	vsel vm1, v5, v3  }
0x187: {  	vm1 =	veq.f32 v4, v2;
	v4 =	vmin.u32 v3, $0xF  }
0x188: {  	v3 =	vsel vm1, v4, v3  }
0x189: {  	v3 =	vshll.u32 v3, $0x4  }
0x18a: {  	v3 =	vor.u32 v22, v3  }
0x18b: {  	(xrf0) =	vmin.scan.msk.u32 $0xffff, v3;
	_ =	sdelay $0x5  }
0x18c: {  	v3, _, _ =	vpop (xrf0)  }
0x18d: {  	(v2sf) =	vpush v3, $0xF;
	_ =	sdelay $0xd  }
0x18e: {  	v3 =	vmov s11  }
0x18f: {  	s11 =	spop (v2sf)  }
0x190: {  	s17 =	sand.u32 $0xF, s11;
	s6 =	sadd.s32 s11, s6;
	s31 =	sshll.u32 s11, $0x3  }
0x191: {  	s6 =	sadd.s32 $0x80000000, s6;
	s31 =	sand.u32 $0xFFFFFC00, s31;
	v4 =	vmov s17  }
0x192: {  	v5 =	vmov s6;
	s6 =	sand.u32 $0x70, s11;
	s2 =	sadd.s32 s31, s2  }
0x193: {  	[tilespmem:v3+s26+$0x0] =	vst.idx.msk $0x1, v2;
	s2 =	sor.u32 s6, s2  }
0x194: {  	[tilespmem:v3+s28+$0x0] =	vst.idx.msk $0x1, v5;
	s2 =	sadd.s32 s8, s2  }
0x195: {  	v2 =	vld [tilespmem:s2+$0x0];
	_ =	sdelay $0x3  }
0x196: {  	vm1 =	veq.s32 v4, v0  }
0x197: {  	v2 =	vsel vm1, $0xF149F2CA, v2  }
0x198: {  	[tilespmem:s2+$0x0] =	vst v2  }
0x199: {  	v2 =	vld [tilespmem:s12+$0x20]  }
0x19a: {  	v3 =	vld [tilespmem:s12+$0x0]  }
0x19b: {  	v4 =	vld [tilespmem:s12+$0x10]  }
0x19c: {  	v5 =	vld [tilespmem:s12+$0x30]  }
0x19d: {  	v6 =	vld [tilespmem:s12+$0x40]  }
0x19e: {  	v7 =	vld [tilespmem:s12+$0x50]  }
0x19f: {  	v8 =	vld [tilespmem:s12+$0x60]  }
0x1a0: {  	v3 =	vmax.f32 v3, v4;
	v4 =	vld [tilespmem:s12+$0x70]  }
0x1a1: {  	v2 =	vmax.f32 v3, v2;
	v3 =	vld [tilespmem:s12+$0x400]  }
0x1a2: {  	v2 =	vmax.f32 v2, v5;
	v5 =	vld [tilespmem:s12+$0x410]  }
0x1a3: {  	v2 =	vmax.f32 v2, v6;
	v6 =	vld [tilespmem:s12+$0x420]  }
0x1a4: {  	v2 =	vmax.f32 v2, v7;
	v7 =	vld [tilespmem:s12+$0x430]  }
0x1a5: {  	v2 =	vmax.f32 v2, v8;
	v8 =	vld [tilespmem:s12+$0x440]  }
0x1a6: {  	v2 =	vmax.f32 v2, v4;
	v4 =	vld [tilespmem:s12+$0x450]  }
0x1a7: {  	v2 =	vmax.f32 v2, v3;
	v3 =	vld [tilespmem:s12+$0x460]  }
0x1a8: {  	v2 =	vmax.f32 v2, v5;
	v5 =	vld [tilespmem:s12+$0x470]  }
0x1a9: {  	v2 =	vmax.f32 v2, v6  }
0x1aa: {  	v2 =	vmax.f32 v2, v7  }
0x1ab: {  	v2 =	vmax.f32 v2, v8  }
0x1ac: {  	v2 =	vmax.f32 v2, v4  }
0x1ad: {  	v2 =	vmax.f32 v2, v3  }
0x1ae: {  	v2 =	vmax.f32 v2, v5  }
0x1af: {  	(xrf0) =	vmax.scan.msk.f32 $0xffff, v2;
	_ =	sdelay $0x1  }
.Ltmp1:
0x1b0: {  	(pc) =	sbr.rel @p0 .LBB2_5-.Ltmp1, $2  }
0x1b1: {  	_ =	sdelay $0x2  }
0x1b2: {  	v2, _, _ =	vpop (xrf0)  }
0x1b3: {  	v1 =	vld [tilespmem:$0x6200];
	_ =	sdelay $0x3  }
0x1b4: {  	v2 =	vld [tilespmem:$0x6210]  }
0x1b5: {  	v3 =	vbroadcast v1, $0x0  }
0x1b6: {  	v4 =	vld [tilespmem:$0x6220]  }
0x1b7: {  	v1 =	vsub.f32 v1, v3  }
0x1b8: {  	v5 =	vld [tilespmem:$0x6230]  }
0x1b9: {  	v6 =	vld [tilespmem:$0x6280];
	v2 =	vsub.f32 v2, v3;
	v1 =	vmul.f32 $1.442695020e+00, v1;
	_ =	sdelay $0x1  }
0x1ba: {  	(erf) = vpow2.f32 v1;
	v1 =	vmul.f32 $1.442695020e+00, v2;
	v2 =	vsub.f32 v4, v3;
	_ =	sdelay $0x1  }
0x1bb: {  	(erf) = vpow2.f32 v1;
	v1 =	vmul.f32 $1.442695020e+00, v2;
	v2 =	vsub.f32 v5, v3  }
0x1bc: {  	v3 =	vshrl.u32 v6, $0x8  }
0x1bd: {  	(erf) = vpow2.f32 v1;
	v1 =	vmul.f32 $1.442695020e+00, v2;
	_ =	sdelay $0x1  }
0x1be: {  	v61 =	vld [tilespmem:$0x6290];
	(erf) = vpow2.f32 v1;
	_ =	sdelay $0x1  }
0x1bf: {  	v1 =	vld.idx.msk [tilespmem:v3+s16+$0x0], $0xffff  }
0x1c0: {  	v26 =	vpop (erf)  }
0x1c1: {  	v2 =	vadd.f32 $0.0e+00, v26  }
0x1c2: {  	v3 =	vshrl.u32 v61, $0x8;
	v20 =	vpop (erf)  }
0x1c3: {  	v2 =	vadd.f32 v2, v20  }
0x1c4: {  	v62 =	vand.u32 $0xFF, v6;
	v1 =	vshll.u32 v1, $0x8;
	v19 =	vpop (erf)  }
0x1c5: {  	v63 =	vld [tilespmem:$0x62A0];
	v1 =	vor.u32 v62, v1;
	v21 =	vadd.f32 v2, v19  }
0x1c6: {  	[tilespmem:$0x6280] =	vst v1;
	v7 =	vpop (erf)  }
0x1c7: {  	v1 =	vld.idx.msk [tilespmem:v3+s16+$0x0], $0xffff;
	v3 =	vadd.f32 v21, v7;
	_ =	sdelay $0x1  }
0x1c8: {  	(xrf2) =	vadd.scan.msk.f32 $0xffff, v3  }
0x1c9: {  	v3 =	vshrl.u32 v63, $0x8;
	_ =	sdelay $0x1  }
0x1ca: {  	v4 =	vand.u32 $0xFF, v61;
	v1 =	vshll.u32 v1, $0x8  }
0x1cb: {  	v22 =	vld [tilespmem:$0x62B0];
	v1 =	vor.u32 v4, v1  }
0x1cc: {  	[tilespmem:$0x6290] =	vst v1  }
0x1cd: {  	v1 =	vld.idx.msk [tilespmem:v3+s16+$0x0], $0xffff;
	_ =	sdelay $0x2  }
0x1ce: {  	v3 =	vshrl.u32 v22, $0x8  }
0x1cf: {  	v23, _, _ =	vpop (xrf2)  }
0x1d0: {  	v5 =	vand.u32 $0xFF, v63;
	v1 =	vshll.u32 v1, $0x8;
	v6 =	vbroadcast v23, $0xF  }
0x1d1: {  	v1 =	vor.u32 v5, v1  }
0x1d2: {  	[tilespmem:$0x62A0] =	vst v1;
	(erf) = vrcp.f32 v6  }
0x1d3: {  	v1 =	vld.idx.msk [tilespmem:v3+s16+$0x0], $0xffff;
	_ =	sdelay $0x4  }
0x1d4: {  	v3 =	vand.u32 $0xFF, v22;
	v1 =	vshll.u32 v1, $0x8  }
0x1d5: {  	v1 =	vor.u32 v3, v1  }
0x1d6: {  	[tilespmem:$0x62B0] =	vst v1  }
0x1d7: {  	[tilespmem:s30], [sflag:$0x1] =	stream.indirect.gather [hbm4b:s5+s29], $0x80, s28, s29, $0xb8;
	v3 =	vpop (erf);
	[tilespmem:$0x8380] =	vst v63  }
0x1d8: {  	_ =	swait.ge [sflag:s13], $0x2000  }
0x1d9: {  	[sflag:s13] =	ssyncset.done $0x0  }
0x1da: {  	[sflag:s13] =	ssyncadd.s32 $0xFFFFE000  }
0x1db: {  	v1 =	vld [tilespmem:$0x65D0];
	_ =	sdelay $0x4  }
0x1dc: {  	[tilespmem:$0x1F550] =	vst v1;
	v1 =	vld [tilespmem:$0x65E0];
	_ =	sdelay $0x4  }
0x1dd: {  	[tilespmem:$0x1F560] =	vst v1;
	v1 =	vld [tilespmem:$0x65F0];
	_ =	sdelay $0x4  }
0x1de: {  	[tilespmem:$0x1F570] =	vst v1;
	v1 =	vld [tilespmem:$0x6600];
	_ =	sdelay $0x4  }
0x1df: {  	[tilespmem:$0x1F580] =	vst v1;
	v1 =	vld [tilespmem:$0x6610];
	_ =	sdelay $0x4  }
0x1e0: {  	[tilespmem:$0x1F590] =	vst v1;
	v1 =	vld [tilespmem:$0x6620];
	_ =	sdelay $0x4  }
0x1e1: {  	[tilespmem:$0x1F5A0] =	vst v1;
	v1 =	vld [tilespmem:$0x6630];
	_ =	sdelay $0x4  }
0x1e2: {  	[tilespmem:$0x1F5B0] =	vst v1;
	v1 =	vld [tilespmem:$0x6640];
	_ =	sdelay $0x4  }
0x1e3: {  	[tilespmem:$0x1F5C0] =	vst v1;
	v1 =	vld [tilespmem:$0x6650];
	_ =	sdelay $0x4  }
0x1e4: {  	[tilespmem:$0x1F5D0] =	vst v1;
	v1 =	vld [tilespmem:$0x6660];
	_ =	sdelay $0x4  }
0x1e5: {  	[tilespmem:$0x1F5E0] =	vst v1;
	v1 =	vld [tilespmem:$0x6670];
	_ =	sdelay $0x4  }
0x1e6: {  	[tilespmem:$0x1F5F0] =	vst v1;
	v1 =	vld [tilespmem:$0x6680];
	_ =	sdelay $0x4  }
0x1e7: {  	[tilespmem:$0x1F600] =	vst v1;
	v1 =	vld [tilespmem:$0x6690];
	_ =	sdelay $0x4  }
0x1e8: {  	[tilespmem:$0x1F610] =	vst v1;
	v1 =	vld [tilespmem:$0x66A0];
	_ =	sdelay $0x4  }
0x1e9: {  	[tilespmem:$0x1F620] =	vst v1;
	v1 =	vld [tilespmem:$0x66B0];
	_ =	sdelay $0x4  }
0x1ea: {  	[tilespmem:$0x1F630] =	vst v1;
	v1 =	vld [tilespmem:$0x66C0];
	_ =	sdelay $0x4  }
0x1eb: {  	[tilespmem:$0x1F640] =	vst v1;
	v1 =	vld [tilespmem:$0x66D0];
	_ =	sdelay $0x4  }
0x1ec: {  	[tilespmem:$0x1F650] =	vst v1;
	v1 =	vld [tilespmem:$0x66E0];
	_ =	sdelay $0x4  }
0x1ed: {  	[tilespmem:$0x1F660] =	vst v1;
	v1 =	vld [tilespmem:$0x66F0];
	_ =	sdelay $0x4  }
0x1ee: {  	[tilespmem:$0x1F670] =	vst v1;
	v1 =	vld [tilespmem:$0x6700];
	_ =	sdelay $0x4  }
0x1ef: {  	[tilespmem:$0x1F680] =	vst v1;
	v1 =	vld [tilespmem:$0x6710];
	_ =	sdelay $0x4  }
0x1f0: {  	[tilespmem:$0x1F690] =	vst v1;
	v1 =	vld [tilespmem:$0x6720];
	_ =	sdelay $0x4  }
0x1f1: {  	[tilespmem:$0x1F6A0] =	vst v1;
	v1 =	vld [tilespmem:$0x6730];
	_ =	sdelay $0x4  }
0x1f2: {  	[tilespmem:$0x1F6B0] =	vst v1;
	v1 =	vld [tilespmem:$0x6740];
	_ =	sdelay $0x4  }
0x1f3: {  	[tilespmem:$0x1F6C0] =	vst v1;
	v1 =	vld [tilespmem:$0x6750];
	_ =	sdelay $0x4  }
0x1f4: {  	[tilespmem:$0x1F6D0] =	vst v1;
	v1 =	vld [tilespmem:$0x6760];
	_ =	sdelay $0x4  }
0x1f5: {  	[tilespmem:$0x1F6E0] =	vst v1;
	v1 =	vld [tilespmem:$0x6770];
	_ =	sdelay $0x4  }
0x1f6: {  	[tilespmem:$0x1F6F0] =	vst v1;
	v1 =	vld [tilespmem:$0x6780];
	_ =	sdelay $0x4  }
0x1f7: {  	[tilespmem:$0x1F700] =	vst v1;
	v1 =	vld [tilespmem:$0x6790];
	_ =	sdelay $0x4  }
0x1f8: {  	[tilespmem:$0x1F710] =	vst v1;
	v1 =	vld [tilespmem:$0x67A0];
	_ =	sdelay $0x4  }
0x1f9: {  	[tilespmem:$0x1F720] =	vst v1;
	v1 =	vld [tilespmem:$0x67B0];
	_ =	sdelay $0x4  }
0x1fa: {  	[tilespmem:$0x1F730] =	vst v1;
	v1 =	vld [tilespmem:$0x67C0];
	_ =	sdelay $0x4  }
0x1fb: {  	[tilespmem:$0x1F740] =	vst v1;
	v1 =	vld [tilespmem:$0x67D0];
	_ =	sdelay $0x4  }
0x1fc: {  	[tilespmem:$0x1F750] =	vst v1;
	v1 =	vld [tilespmem:$0x67E0];
	_ =	sdelay $0x4  }
0x1fd: {  	[tilespmem:$0x1F760] =	vst v1;
	v1 =	vld [tilespmem:$0x67F0];
	_ =	sdelay $0x4  }
0x1fe: {  	[tilespmem:$0x1F770] =	vst v1;
	v1 =	vld [tilespmem:$0x6800];
	_ =	sdelay $0x4  }
0x1ff: {  	[tilespmem:$0x1F780] =	vst v1;
	v1 =	vld [tilespmem:$0x6810];
	_ =	sdelay $0x4  }
0x200: {  	[tilespmem:$0x1F790] =	vst v1;
	v1 =	vld [tilespmem:$0x6820];
	_ =	sdelay $0x4  }
0x201: {  	[tilespmem:$0x1F7A0] =	vst v1;
	v1 =	vld [tilespmem:$0x6830];
	_ =	sdelay $0x4  }
0x202: {  	[tilespmem:$0x1F7B0] =	vst v1;
	v1 =	vld [tilespmem:$0x6840];
	_ =	sdelay $0x4  }
0x203: {  	[tilespmem:$0x1F7C0] =	vst v1;
	v1 =	vld [tilespmem:$0x6850];
	_ =	sdelay $0x4  }
0x204: {  	[tilespmem:$0x1F7D0] =	vst v1;
	v1 =	vld [tilespmem:$0x6860];
	_ =	sdelay $0x4  }
0x205: {  	[tilespmem:$0x1F7E0] =	vst v1;
	v1 =	vld [tilespmem:$0x6870];
	_ =	sdelay $0x4  }
0x206: {  	[tilespmem:$0x1F7F0] =	vst v1;
	v1 =	vld [tilespmem:$0x6880];
	_ =	sdelay $0x4  }
0x207: {  	[tilespmem:$0x1F800] =	vst v1;
	v1 =	vld [tilespmem:$0x6890];
	_ =	sdelay $0x4  }
0x208: {  	[tilespmem:$0x1F810] =	vst v1;
	v1 =	vld [tilespmem:$0x68A0];
	_ =	sdelay $0x4  }
0x209: {  	[tilespmem:$0x1F820] =	vst v1;
	v1 =	vld [tilespmem:$0x68B0];
	_ =	sdelay $0x4  }
0x20a: {  	[tilespmem:$0x1F830] =	vst v1;
	v1 =	vld [tilespmem:$0x68C0];
	_ =	sdelay $0x4  }
0x20b: {  	[tilespmem:$0x1F840] =	vst v1;
	v1 =	vld [tilespmem:$0x68D0];
	_ =	sdelay $0x4  }
0x20c: {  	[tilespmem:$0x1F850] =	vst v1;
	v1 =	vld [tilespmem:$0x68E0];
	_ =	sdelay $0x4  }
0x20d: {  	[tilespmem:$0x1F860] =	vst v1;
	v1 =	vld [tilespmem:$0x68F0];
	_ =	sdelay $0x4  }
0x20e: {  	[tilespmem:$0x1F870] =	vst v1;
	v1 =	vld [tilespmem:$0x6900];
	_ =	sdelay $0x4  }
0x20f: {  	[tilespmem:$0x1F880] =	vst v1;
	v1 =	vld [tilespmem:$0x6910];
	_ =	sdelay $0x4  }
0x210: {  	[tilespmem:$0x1F890] =	vst v1;
	v1 =	vld [tilespmem:$0x6920];
	_ =	sdelay $0x4  }
0x211: {  	[tilespmem:$0x1F8A0] =	vst v1;
	v1 =	vld [tilespmem:$0x6930];
	_ =	sdelay $0x4  }
0x212: {  	[tilespmem:$0x1F8B0] =	vst v1;
	v1 =	vld [tilespmem:$0x6940];
	_ =	sdelay $0x4  }
0x213: {  	[tilespmem:$0x1F8C0] =	vst v1;
	v1 =	vld [tilespmem:$0x6950];
	_ =	sdelay $0x4  }
0x214: {  	[tilespmem:$0x1F8D0] =	vst v1;
	v1 =	vld [tilespmem:$0x6960];
	_ =	sdelay $0x4  }
0x215: {  	[tilespmem:$0x1F8E0] =	vst v1;
	v1 =	vld [tilespmem:$0x6970];
	_ =	sdelay $0x4  }
0x216: {  	[tilespmem:$0x1F8F0] =	vst v1;
	v1 =	vld [tilespmem:$0x6980];
	_ =	sdelay $0x4  }
0x217: {  	[tilespmem:$0x1F900] =	vst v1;
	v1 =	vld [tilespmem:$0x6990];
	_ =	sdelay $0x4  }
0x218: {  	[tilespmem:$0x1F910] =	vst v1;
	v1 =	vld [tilespmem:$0x69A0];
	_ =	sdelay $0x3  }
0x219: {  	v4 =	vld [tilespmem:$0x6300]  }
0x21a: {  	[tilespmem:$0x1F920] =	vst v1;
	v1 =	vld [tilespmem:$0x69B0]  }
0x21b: {  	v6 =	vld [tilespmem:$0x6310]  }
0x21c: {  	v8 =	vld [tilespmem:$0x6320]  }
0x21d: {  	v18 =	vld [tilespmem:$0x6330]  }
0x21e: {  	v21 =	vld [tilespmem:$0x6340]  }
0x21f: {  	[tilespmem:$0x1F930] =	vst v1;
	v1 =	vld [tilespmem:$0x69C0]  }
0x220: {  	v22 =	vld [tilespmem:$0x6350]  }
0x221: {  	v23 =	vld [tilespmem:$0x6360]  }
0x222: {  	v32 =	vld [tilespmem:$0x6370]  }
0x223: {  	v5 =	vld [tilespmem:$0x6380]  }
0x224: {  	[tilespmem:$0x1F940] =	vst v1;
	v1 =	vld [tilespmem:$0x69D0]  }
0x225: {  	v24 =	vld [tilespmem:$0x6390]  }
0x226: {  	v25 =	vld [tilespmem:$0x63A0]  }
0x227: {  	v30 =	vld [tilespmem:$0x63B0]  }
0x228: {  	v29 =	vld [tilespmem:$0x63C0]  }
0x229: {  	[tilespmem:$0x1F950] =	vst v1;
	v1 =	vld [tilespmem:$0x69E0]  }
0x22a: {  	v31 =	vld [tilespmem:$0x63D0]  }
0x22b: {  	v33 =	vld [tilespmem:$0x63E0]  }
0x22c: {  	v34 =	vld [tilespmem:$0x63F0]  }
0x22d: {  	v36 =	vld [tilespmem:$0x6400]  }
0x22e: {  	[tilespmem:$0x1F960] =	vst v1;
	v1 =	vld [tilespmem:$0x69F0]  }
0x22f: {  	v35 =	vld [tilespmem:$0x6410]  }
0x230: {  	v37 =	vld [tilespmem:$0x6420]  }
0x231: {  	v38 =	vld [tilespmem:$0x6430]  }
0x232: {  	v39 =	vld [tilespmem:$0x6440]  }
0x233: {  	[tilespmem:$0x1F970] =	vst v1;
	v1 =	vld [tilespmem:$0x6A00]  }
0x234: {  	v41 =	vld [tilespmem:$0x6450]  }
0x235: {  	v40 =	vld [tilespmem:$0x6460]  }
0x236: {  	v43 =	vld [tilespmem:$0x6470]  }
0x237: {  	v42 =	vld [tilespmem:$0x6480]  }
0x238: {  	[tilespmem:$0x1F980] =	vst v1;
	v1 =	vld [tilespmem:$0x6A10]  }
0x239: {  	v44 =	vld [tilespmem:$0x6490]  }
0x23a: {  	v45 =	vld [tilespmem:$0x64A0]  }
0x23b: {  	v47 =	vld [tilespmem:$0x64B0]  }
0x23c: {  	v46 =	vld [tilespmem:$0x64C0]  }
0x23d: {  	[tilespmem:$0x1F990] =	vst v1;
	v1 =	vld [tilespmem:$0x6A20]  }
0x23e: {  	v48 =	vld [tilespmem:$0x64D0]  }
0x23f: {  	v49 =	vld [tilespmem:$0x64E0]  }
0x240: {  	v51 =	vld [tilespmem:$0x64F0]  }
0x241: {  	v50 =	vld [tilespmem:$0x6500]  }
0x242: {  	[tilespmem:$0x1F9A0] =	vst v1;
	v1 =	vld [tilespmem:$0x6A30]  }
0x243: {  	v53 =	vld [tilespmem:$0x6510]  }
0x244: {  	v52 =	vld [tilespmem:$0x6520]  }
0x245: {  	v54 =	vld [tilespmem:$0x6530]  }
0x246: {  	v55 =	vld [tilespmem:$0x6540]  }
0x247: {  	[tilespmem:$0x1F9B0] =	vst v1;
	v1 =	vld [tilespmem:$0x6A40]  }
0x248: {  	v56 =	vld [tilespmem:$0x6550]  }
0x249: {  	v2 =	vld [tilespmem:$0x6A60]  }
0x24a: {  	v27 =	vld [tilespmem:$0x6A80]  }
0x24b: {  	v57 =	vld [tilespmem:$0x6560]  }
0x24c: {  	[tilespmem:$0x1F9C0] =	vst v1;
	v1 =	vld [tilespmem:$0x6A50]  }
0x24d: {  	v58 =	vld [tilespmem:$0x6570]  }
0x24e: {  	[tilespmem:$0x1F9E0] =	vst v2;
	v2 =	vld [tilespmem:$0x6A70]  }
0x24f: {  	v26 =	vmul.f32 v3, v26;
	[tilespmem:$0x1FA00] =	vst v27;
	v27 =	vld [tilespmem:$0x6A90]  }
0x250: {  	v28 =	vmul.f32 v3, v19;
	v19 =	vld [tilespmem:$0x6AB0]  }
0x251: {  	v59 =	vld [tilespmem:$0x6580];
	[tilespmem:$0x1F9D0] =	vst v1;
	v1 =	vbroadcast v26, $0x0  }
0x252: {  	v60 =	vld [tilespmem:$0x6590]  }
0x253: {  	v61 =	vld [tilespmem:$0x65A0];
	[tilespmem:$0x1F9F0] =	vst v2;
	v2 =	vbroadcast v26, $0x1;
	v4 =	vmul.f32 v1, v4  }
0x254: {  	v62 =	vld [tilespmem:$0x65B0];
	[tilespmem:$0x1FA10] =	vst v27;
	v27 =	vmul.f32 v3, v20  }
0x255: {  	[tilespmem:$0x1FA20] =	vst v19;
	v19 =	vld [tilespmem:$0x6AE0];
	v3 =	vmul.f32 v3, v7;
	v5 =	vmul.f32 v5, v2;
	v4 =	vadd.f32 $0.0e+00, v4  }
0x256: {  	v63 =	vld [tilespmem:$0x65C0]  }
0x257: {  	[tilespmem:$0x1FF80] =	vst v3;
	v7 =	vmul.f32 v1, v21;
	v3 =	vadd.f32 v5, v4;
	v5 =	vld [tilespmem:$0x6AC0]  }
0x258: {  	v4 =	vmul.f32 v1, v8;
	v8 =	vld [tilespmem:$0x6AD0]  }
0x259: {  	v20 =	vld [tilespmem:$0x6AA0];
	v21 =	vmul.f32 v24, v2;
	v24 =	vmul.f32 v29, v2;
	v7 =	vadd.f32 $0.0e+00, v7  }
0x25a: {  	[tilespmem:$0x1FA50] =	vst v19;
	v19 =	vld [tilespmem:$0x1F560];
	v6 =	vmul.f32 v1, v6  }
0x25b: {  	v29 =	vld [tilespmem:$0x6B00];
	v7 =	vadd.f32 v24, v7  }
0x25c: {  	v24 =	vmul.f32 v31, v2;
	v31 =	vld [tilespmem:$0x6B20];
	[tilespmem:$0x1FA30] =	vst v5;
	v5 =	vadd.f32 $0.0e+00, v6;
	v6 =	vmul.f32 v1, v18  }
0x25d: {  	v4 =	vadd.f32 $0.0e+00, v4;
	[tilespmem:$0x1FA40] =	vst v8;
	v8 =	vmul.f32 v1, v22;
	v22 =	vmul.f32 v25, v2;
	v25 =	vld [tilespmem:$0x6AF0]  }
0x25e: {  	v18 =	vmul.f32 v23, v1;
	v23 =	vmul.f32 v30, v2;
	v30 =	vld [tilespmem:$0x6B10];
	v6 =	vadd.f32 $0.0e+00, v6  }
0x25f: {  	v1 =	vmul.f32 v32, v1;
	v32 =	vld [tilespmem:$0x6B30];
	v4 =	vadd.f32 v22, v4  }
0x260: {  	v22 =	vmul.f32 v33, v2;
	v33 =	vld [tilespmem:$0x6B40];
	v6 =	vadd.f32 v23, v6;
	v23 =	vbroadcast v26, $0x2  }
0x261: {  	v5 =	vadd.f32 v21, v5;
	v2 =	vmul.f32 v34, v2;
	v1 =	vadd.f32 $0.0e+00, v1;
	v34 =	vld [tilespmem:$0x6B50]  }
0x262: {  	v8 =	vadd.f32 $0.0e+00, v8;
	v21 =	vmul.f32 v36, v23;
	v36 =	vmul.f32 v35, v23;
	v35 =	vld [tilespmem:$0x6B60]  }
0x263: {  	v18 =	vadd.f32 $0.0e+00, v18;
	v1 =	vadd.f32 v2, v1;
	v2 =	vmul.f32 v37, v23;
	v37 =	vld [tilespmem:$0x6B80]  }
0x264: {  	v8 =	vadd.f32 v24, v8;
	v24 =	vmul.f32 v38, v23;
	v38 =	vld [tilespmem:$0x6B90]  }
0x265: {  	v18 =	vadd.f32 v22, v18;
	v22 =	vbroadcast v26, $0x3;
	v5 =	vadd.f32 v36, v5;
	v36 =	vld [tilespmem:$0x6B70]  }
0x266: {  	v2 =	vadd.f32 v2, v4;
	v4 =	vmul.f32 v39, v23;
	v39 =	vld [tilespmem:$0x6BA0]  }
0x267: {  	v44 =	vmul.f32 v44, v22;
	v6 =	vadd.f32 v24, v6;
	v24 =	vmul.f32 v40, v23;
	v40 =	vld [tilespmem:$0x6BB0]  }
0x268: {  	v48 =	vmul.f32 v48, v22;
	v3 =	vadd.f32 v21, v3;
	v21 =	vmul.f32 v41, v23;
	v41 =	vld [tilespmem:$0x6BC0]  }
0x269: {  	v4 =	vadd.f32 v4, v7;
	v7 =	vmul.f32 v43, v23;
	v23 =	vmul.f32 v42, v22;
	v42 =	vld [tilespmem:$0x6BD0]  }
0x26a: {  	v8 =	vadd.f32 v21, v8;
	v18 =	vadd.f32 v24, v18;
	v24 =	vmul.f32 v45, v22;
	v43 =	vld [tilespmem:$0x6BE0]  }
0x26b: {  	v5 =	vadd.f32 v44, v5;
	v45 =	vmul.f32 v47, v22;
	v47 =	vmul.f32 v46, v22;
	v44 =	vld [tilespmem:$0x6BF0]  }
0x26c: {  	v46 =	vld [tilespmem:$0x6C10];
	v1 =	vadd.f32 v7, v1;
	v2 =	vadd.f32 v24, v2;
	v24 =	vbroadcast v26, $0x4  }
0x26d: {  	v6 =	vadd.f32 v45, v6;
	v7 =	vadd.f32 v48, v8;
	v8 =	vmul.f32 v51, v22;
	v45 =	vld [tilespmem:$0x6C00]  }
0x26e: {  	v49 =	vmul.f32 v49, v22;
	v3 =	vadd.f32 v23, v3;
	v4 =	vadd.f32 v47, v4;
	v47 =	vld [tilespmem:$0x6C20]  }
0x26f: {  	v48 =	vld [tilespmem:$0x6C30];
	v22 =	vbroadcast v26, $0x5;
	v1 =	vadd.f32 v8, v1;
	v8 =	vmul.f32 v54, v24  }
0x270: {  	v18 =	vadd.f32 v49, v18;
	v49 =	vld [tilespmem:$0x6C40];
	v50 =	vmul.f32 v50, v24;
	v51 =	vmul.f32 v53, v24  }
0x271: {  	v53 =	vmul.f32 v52, v24;
	v52 =	vld [tilespmem:$0x6C70];
	v6 =	vadd.f32 v8, v6;
	v8 =	vmul.f32 v56, v24  }
0x272: {  	v54 =	vld [tilespmem:$0x6C90];
	v3 =	vadd.f32 v50, v3  }
0x273: {  	v5 =	vadd.f32 v51, v5;
	v51 =	vld [tilespmem:$0x6C50];
	v7 =	vadd.f32 v8, v7;
	v8 =	vmul.f32 v59, v22  }
0x274: {  	v55 =	vmul.f32 v55, v24;
	v50 =	vld [tilespmem:$0x6C60]  }
0x275: {  	v2 =	vadd.f32 v53, v2;
	v53 =	vld [tilespmem:$0x6C80];
	v3 =	vadd.f32 v8, v3;
	v8 =	vmul.f32 v62, v22  }
0x276: {  	v4 =	vadd.f32 v55, v4;
	v55 =	vld [tilespmem:$0x6CA0]  }
0x277: {  	v6 =	vadd.f32 v8, v6;
	v8 =	vld [tilespmem:$0x1F550]  }
0x278: {  	v62 =	vmul.f32 v63, v22;
	v63 =	vmul.f32 v19, v22;
	v19 =	vld [tilespmem:$0x1F570];
	_ =	sdelay $0x2  }
0x279: {  	v60 =	vmul.f32 v60, v22;
	_ =	sdelay $0x1  }
0x27a: {  	v5 =	vadd.f32 v60, v5;
	v60 =	vmul.f32 v19, v22;
	v19 =	vld [tilespmem:$0x1F580];
	_ =	sdelay $0x2  }
0x27b: {  	v23 =	vbroadcast v26, $0x6;
	v61 =	vmul.f32 v61, v22;
	_ =	sdelay $0x1  }
0x27c: {  	v2 =	vadd.f32 v61, v2;
	v61 =	vmul.f32 v19, v23;
	v19 =	vld [tilespmem:$0x1F5A0];
	_ =	sdelay $0x4  }
0x27d: {  	v57 =	vmul.f32 v57, v24;
	v4 =	vadd.f32 v62, v4;
	v62 =	vmul.f32 v19, v23;
	v19 =	vld [tilespmem:$0x1F5C0];
	_ =	sdelay $0x1  }
0x27e: {  	v18 =	vadd.f32 v57, v18;
	v8 =	vmul.f32 v8, v22;
	_ =	sdelay $0x1  }
0x27f: {  	v7 =	vadd.f32 v8, v7;
	v8 =	vadd.f32 v63, v18;
	v18 =	vld [tilespmem:$0x1F590]  }
0x280: {  	v22 =	vmul.f32 v19, v23;
	v19 =	vld [tilespmem:$0x1F5D0];
	_ =	sdelay $0x4  }
0x281: {  	v18 =	vmul.f32 v18, v23;
	v21 =	vmul.f32 v19, v23;
	v19 =	vld [tilespmem:$0x1F5F0];
	_ =	sdelay $0x1  }
0x282: {  	v5 =	vadd.f32 v18, v5;
	v18 =	vld [tilespmem:$0x1F5B0];
	_ =	sdelay $0x2  }
0x283: {  	v7 =	vadd.f32 v21, v7;
	v21 =	vmul.f32 v19, v23;
	v19 =	vld [tilespmem:$0x1F600];
	_ =	sdelay $0x1  }
0x284: {  	v18 =	vmul.f32 v18, v23  }
0x285: {  	v58 =	vmul.f32 v58, v24;
	v24 =	vbroadcast v26, $0x7  }
0x286: {  	v6 =	vadd.f32 v18, v6;
	v18 =	vld [tilespmem:$0x1F5E0]  }
0x287: {  	v4 =	vadd.f32 v22, v4;
	v22 =	vmul.f32 v19, v24;
	v19 =	vld [tilespmem:$0x1F620];
	_ =	sdelay $0x4  }
0x288: {  	v18 =	vmul.f32 v18, v23;
	v23 =	vmul.f32 v19, v24;
	v19 =	vld [tilespmem:$0x6D20];
	_ =	sdelay $0x4  }
0x289: {  	[tilespmem:$0x1FA60] =	vst v19;
	v19 =	vld [tilespmem:$0x1F630];
	_ =	sdelay $0x4  }
0x28a: {  	v63 =	vmul.f32 v19, v24;
	v19 =	vld [tilespmem:$0x6D30];
	_ =	sdelay $0x4  }
0x28b: {  	[tilespmem:$0x1FA70] =	vst v19;
	v19 =	vld [tilespmem:$0x6D40];
	_ =	sdelay $0x4  }
0x28c: {  	[tilespmem:$0x1FA80] =	vst v19;
	v19 =	vld [tilespmem:$0x1F650];
	_ =	sdelay $0x4  }
0x28d: {  	v6 =	vadd.f32 v63, v6;
	v63 =	vmul.f32 v19, v24;
	v19 =	vld [tilespmem:$0x6D50];
	_ =	sdelay $0x4  }
0x28e: {  	[tilespmem:$0x1FA90] =	vst v19;
	v19 =	vld [tilespmem:$0x1F670];
	_ =	sdelay $0x2  }
0x28f: {  	v2 =	vadd.f32 v62, v2;
	_ =	sdelay $0x1  }
0x290: {  	v2 =	vadd.f32 v23, v2;
	v23 =	vmul.f32 v19, v24;
	v19 =	vld [tilespmem:$0x6D60];
	_ =	sdelay $0x4  }
0x291: {  	[tilespmem:$0x1FAA0] =	vst v19;
	v19 =	vld [tilespmem:$0x1F680]  }
0x292: {  	v1 =	vadd.f32 v58, v1;
	v3 =	vadd.f32 v61, v3;
	_ =	sdelay $0x1  }
0x293: {  	v1 =	vadd.f32 v60, v1;
	v3 =	vadd.f32 v22, v3;
	v22 =	vbroadcast v26, $0x8  }
0x294: {  	v8 =	vadd.f32 v18, v8;
	v18 =	vld [tilespmem:$0x1F610]  }
0x295: {  	v1 =	vadd.f32 v21, v1;
	v21 =	vmul.f32 v19, v22;
	v19 =	vld [tilespmem:$0x1F690];
	_ =	sdelay $0x4  }
0x296: {  	v18 =	vmul.f32 v18, v24;
	v7 =	vadd.f32 v63, v7;
	v63 =	vmul.f32 v19, v22;
	v19 =	vld [tilespmem:$0x6D70];
	_ =	sdelay $0x1  }
0x297: {  	v5 =	vadd.f32 v18, v5;
	v18 =	vld [tilespmem:$0x1F640];
	_ =	sdelay $0x2  }
0x298: {  	[tilespmem:$0x1FAB0] =	vst v19;
	v19 =	vld [tilespmem:$0x6D80];
	_ =	sdelay $0x1  }
0x299: {  	v18 =	vmul.f32 v18, v24;
	_ =	sdelay $0x1  }
0x29a: {  	v4 =	vadd.f32 v18, v4;
	v18 =	vld [tilespmem:$0x1F660]  }
0x29b: {  	[tilespmem:$0x1FAC0] =	vst v19;
	v19 =	vld [tilespmem:$0x1F6B0];
	_ =	sdelay $0x4  }
0x29c: {  	v18 =	vmul.f32 v18, v24;
	v24 =	vmul.f32 v19, v22;
	v19 =	vld [tilespmem:$0x6D90];
	_ =	sdelay $0x4  }
0x29d: {  	[tilespmem:$0x1FAD0] =	vst v19;
	v19 =	vld [tilespmem:$0x6DA0];
	_ =	sdelay $0x4  }
0x29e: {  	[tilespmem:$0x1FAE0] =	vst v19;
	v19 =	vld [tilespmem:$0x1F6D0];
	_ =	sdelay $0x4  }
0x29f: {  	v3 =	vadd.f32 v21, v3;
	v21 =	vmul.f32 v19, v22;
	v19 =	vld [tilespmem:$0x1F6E0];
	_ =	sdelay $0x4  }
0x2a0: {  	v6 =	vadd.f32 v24, v6;
	v24 =	vmul.f32 v19, v22;
	v19 =	vld [tilespmem:$0x6DB0];
	_ =	sdelay $0x4  }
0x2a1: {  	[tilespmem:$0x1FAF0] =	vst v19;
	v19 =	vld [tilespmem:$0x1F700];
	_ =	sdelay $0x2  }
0x2a2: {  	v1 =	vadd.f32 v23, v1;
	v23 =	vbroadcast v26, $0x9;
	_ =	sdelay $0x1  }
0x2a3: {  	v5 =	vadd.f32 v63, v5;
	v63 =	vmul.f32 v19, v23;
	v19 =	vld [tilespmem:$0x6DC0];
	_ =	sdelay $0x4  }
0x2a4: {  	[tilespmem:$0x1FB00] =	vst v19;
	v19 =	vld [tilespmem:$0x1F710];
	_ =	sdelay $0x2  }
0x2a5: {  	v8 =	vadd.f32 v18, v8;
	_ =	sdelay $0x1  }
0x2a6: {  	v8 =	vadd.f32 v24, v8;
	v24 =	vmul.f32 v19, v23;
	v19 =	vld [tilespmem:$0x6DD0];
	_ =	sdelay $0x4  }
0x2a7: {  	[tilespmem:$0x1FB10] =	vst v19;
	v19 =	vld [tilespmem:$0x6DE0];
	_ =	sdelay $0x4  }
0x2a8: {  	[tilespmem:$0x1FB20] =	vst v19;
	v19 =	vld [tilespmem:$0x1F730];
	_ =	sdelay $0x4  }
0x2a9: {  	v7 =	vadd.f32 v21, v7;
	v21 =	vmul.f32 v19, v23;
	v19 =	vld [tilespmem:$0x1F740];
	_ =	sdelay $0x3  }
0x2aa: {  	v18 =	vld [tilespmem:$0x1F6A0]  }
0x2ab: {  	v3 =	vadd.f32 v63, v3;
	v63 =	vmul.f32 v19, v23;
	v19 =	vld [tilespmem:$0x6DF0];
	_ =	sdelay $0x3  }
0x2ac: {  	v18 =	vmul.f32 v18, v22  }
0x2ad: {  	[tilespmem:$0x1FB30] =	vst v19;
	v19 =	vld [tilespmem:$0x6E00]  }
0x2ae: {  	v2 =	vadd.f32 v18, v2;
	v18 =	vld [tilespmem:$0x1F6C0];
	_ =	sdelay $0x3  }
0x2af: {  	[tilespmem:$0x1FB40] =	vst v19;
	v19 =	vld [tilespmem:$0x1F760]  }
0x2b0: {  	v18 =	vmul.f32 v18, v22;
	_ =	sdelay $0x1  }
0x2b1: {  	v4 =	vadd.f32 v18, v4;
	_ =	sdelay $0x1  }
0x2b2: {  	v4 =	vadd.f32 v63, v4;
	v63 =	vmul.f32 v19, v23;
	v19 =	vld [tilespmem:$0x6E10];
	_ =	sdelay $0x3  }
0x2b3: {  	v18 =	vld [tilespmem:$0x1F6F0]  }
0x2b4: {  	[tilespmem:$0x1FB50] =	vst v19;
	v19 =	vld [tilespmem:$0x1F780];
	_ =	sdelay $0x2  }
0x2b5: {  	v5 =	vadd.f32 v24, v5;
	v24 =	vbroadcast v26, $0xA;
	_ =	sdelay $0x1  }
0x2b6: {  	v18 =	vmul.f32 v18, v22;
	v22 =	vmul.f32 v19, v24;
	v19 =	vld [tilespmem:$0x6E20];
	_ =	sdelay $0x4  }
0x2b7: {  	[tilespmem:$0x1FB60] =	vst v19;
	v19 =	vld [tilespmem:$0x1F790];
	_ =	sdelay $0x4  }
0x2b8: {  	v6 =	vadd.f32 v21, v6;
	v21 =	vmul.f32 v19, v24;
	v19 =	vld [tilespmem:$0x1F7A0];
	_ =	sdelay $0x4  }
0x2b9: {  	v8 =	vadd.f32 v63, v8;
	v63 =	vmul.f32 v19, v24;
	v19 =	vld [tilespmem:$0x6E30];
	_ =	sdelay $0x4  }
0x2ba: {  	[tilespmem:$0x1FB70] =	vst v19;
	v19 =	vld [tilespmem:$0x6E40]  }
0x2bb: {  	v1 =	vadd.f32 v18, v1;
	v18 =	vld [tilespmem:$0x1F720];
	_ =	sdelay $0x3  }
0x2bc: {  	[tilespmem:$0x1FB80] =	vst v19;
	v19 =	vld [tilespmem:$0x1F7C0]  }
0x2bd: {  	v18 =	vmul.f32 v18, v23;
	_ =	sdelay $0x1  }
0x2be: {  	v2 =	vadd.f32 v18, v2;
	_ =	sdelay $0x1  }
0x2bf: {  	v2 =	vadd.f32 v63, v2;
	v63 =	vmul.f32 v19, v24;
	v19 =	vld [tilespmem:$0x6E50];
	_ =	sdelay $0x1  }
0x2c0: {  	v18 =	vld [tilespmem:$0x1F750];
	_ =	sdelay $0x2  }
0x2c1: {  	[tilespmem:$0x1FB90] =	vst v19;
	v19 =	vld [tilespmem:$0x6E60];
	_ =	sdelay $0x1  }
0x2c2: {  	v18 =	vmul.f32 v18, v23;
	_ =	sdelay $0x1  }
0x2c3: {  	v7 =	vadd.f32 v18, v7;
	v18 =	vld [tilespmem:$0x1F770]  }
0x2c4: {  	[tilespmem:$0x1FBA0] =	vst v19;
	v19 =	vld [tilespmem:$0x1F7E0];
	_ =	sdelay $0x4  }
0x2c5: {  	v18 =	vmul.f32 v18, v23;
	v5 =	vadd.f32 v21, v5;
	v21 =	vmul.f32 v19, v24;
	v19 =	vld [tilespmem:$0x1F7F0];
	_ =	sdelay $0x1  }
0x2c6: {  	v1 =	vadd.f32 v18, v1;
	v18 =	vld [tilespmem:$0x1F7B0];
	_ =	sdelay $0x2  }
0x2c7: {  	v4 =	vadd.f32 v63, v4;
	v63 =	vmul.f32 v19, v24;
	v19 =	vld [tilespmem:$0x6E70];
	_ =	sdelay $0x1  }
0x2c8: {  	v18 =	vmul.f32 v18, v24;
	_ =	sdelay $0x1  }
0x2c9: {  	v6 =	vadd.f32 v18, v6;
	v18 =	vld [tilespmem:$0x1F7D0]  }
0x2ca: {  	[tilespmem:$0x1FBB0] =	vst v19;
	v19 =	vld [tilespmem:$0x1F810];
	_ =	sdelay $0x2  }
0x2cb: {  	v3 =	vadd.f32 v22, v3;
	v22 =	vbroadcast v26, $0xB;
	_ =	sdelay $0x1  }
0x2cc: {  	v18 =	vmul.f32 v18, v24;
	v24 =	vmul.f32 v19, v22;
	v19 =	vld [tilespmem:$0x6E80];
	_ =	sdelay $0x4  }
0x2cd: {  	[tilespmem:$0x1FBC0] =	vst v19;
	v19 =	vld [tilespmem:$0x1F820];
	_ =	sdelay $0x4  }
0x2ce: {  	v1 =	vadd.f32 v63, v1;
	v63 =	vmul.f32 v19, v22;
	v19 =	vld [tilespmem:$0x6E90];
	_ =	sdelay $0x4  }
0x2cf: {  	[tilespmem:$0x1FBD0] =	vst v19;
	v19 =	vld [tilespmem:$0x6EA0];
	_ =	sdelay $0x4  }
0x2d0: {  	[tilespmem:$0x1FBE0] =	vst v19;
	v19 =	vld [tilespmem:$0x1F840];
	_ =	sdelay $0x4  }
0x2d1: {  	v2 =	vadd.f32 v63, v2;
	v63 =	vmul.f32 v19, v22;
	v19 =	vld [tilespmem:$0x6EB0];
	_ =	sdelay $0x4  }
0x2d2: {  	[tilespmem:$0x1FBF0] =	vst v19;
	v19 =	vld [tilespmem:$0x1F860];
	_ =	sdelay $0x4  }
0x2d3: {  	v5 =	vadd.f32 v24, v5;
	v24 =	vmul.f32 v19, v22;
	v19 =	vld [tilespmem:$0x6EC0];
	_ =	sdelay $0x4  }
0x2d4: {  	[tilespmem:$0x1FC00] =	vst v19;
	v19 =	vld [tilespmem:$0x1F870];
	_ =	sdelay $0x4  }
0x2d5: {  	v8 =	vadd.f32 v21, v8;
	v21 =	vmul.f32 v19, v22;
	v19 =	vld [tilespmem:$0x1F880];
	_ =	sdelay $0x2  }
0x2d6: {  	v23 =	vbroadcast v26, $0xC;
	_ =	sdelay $0x1  }
0x2d7: {  	v4 =	vadd.f32 v63, v4;
	v63 =	vmul.f32 v19, v23;
	v19 =	vld [tilespmem:$0x6ED0];
	_ =	sdelay $0x3  }
0x2d8: {  	v7 =	vadd.f32 v18, v7;
	v18 =	vld [tilespmem:$0x1F800]  }
0x2d9: {  	[tilespmem:$0x1FC10] =	vst v19;
	v19 =	vld [tilespmem:$0x6EE0];
	_ =	sdelay $0x4  }
0x2da: {  	v18 =	vmul.f32 v18, v22;
	[tilespmem:$0x1FC20] =	vst v19;
	v19 =	vld [tilespmem:$0x1F8A0];
	_ =	sdelay $0x1  }
0x2db: {  	v3 =	vadd.f32 v18, v3;
	v18 =	vld [tilespmem:$0x1F830];
	_ =	sdelay $0x2  }
0x2dc: {  	v8 =	vadd.f32 v24, v8;
	v24 =	vmul.f32 v19, v23;
	v19 =	vld [tilespmem:$0x6EF0];
	_ =	sdelay $0x1  }
0x2dd: {  	v18 =	vmul.f32 v18, v22;
	_ =	sdelay $0x1  }
0x2de: {  	v6 =	vadd.f32 v18, v6;
	v18 =	vld [tilespmem:$0x1F850]  }
0x2df: {  	[tilespmem:$0x1FC30] =	vst v19;
	v19 =	vld [tilespmem:$0x1F8C0];
	_ =	sdelay $0x4  }
0x2e0: {  	v18 =	vmul.f32 v18, v22;
	v22 =	vmul.f32 v19, v23;
	v19 =	vld [tilespmem:$0x6F00];
	_ =	sdelay $0x4  }
0x2e1: {  	[tilespmem:$0x1FC40] =	vst v19;
	v19 =	vld [tilespmem:$0x1F8D0];
	_ =	sdelay $0x4  }
0x2e2: {  	v3 =	vadd.f32 v63, v3;
	v63 =	vmul.f32 v19, v23;
	v19 =	vld [tilespmem:$0x6F10];
	_ =	sdelay $0x4  }
0x2e3: {  	[tilespmem:$0x1FC50] =	vst v19;
	v19 =	vld [tilespmem:$0x6F20];
	_ =	sdelay $0x3  }
0x2e4: {  	v7 =	vadd.f32 v18, v7;
	v18 =	vld [tilespmem:$0x1F890]  }
0x2e5: {  	[tilespmem:$0x1FC60] =	vst v19;
	v19 =	vld [tilespmem:$0x1F8F0];
	_ =	sdelay $0x4  }
0x2e6: {  	v18 =	vmul.f32 v18, v23;
	v1 =	vadd.f32 v21, v1;
	v21 =	vmul.f32 v19, v23;
	v19 =	vld [tilespmem:$0x1F900];
	_ =	sdelay $0x1  }
0x2e7: {  	v5 =	vadd.f32 v18, v5;
	v18 =	vld [tilespmem:$0x1F8B0]  }
0x2e8: {  	v2 =	vadd.f32 v24, v2;
	v24 =	vbroadcast v26, $0xD;
	_ =	sdelay $0x1  }
0x2e9: {  	v7 =	vadd.f32 v63, v7;
	v63 =	vmul.f32 v19, v24;
	v19 =	vld [tilespmem:$0x6F30];
	_ =	sdelay $0x1  }
0x2ea: {  	v18 =	vmul.f32 v18, v23;
	_ =	sdelay $0x1  }
0x2eb: {  	v6 =	vadd.f32 v18, v6;
	v18 =	vld [tilespmem:$0x1F8E0]  }
0x2ec: {  	[tilespmem:$0x1FC70] =	vst v19;
	v19 =	vld [tilespmem:$0x1F920];
	_ =	sdelay $0x4  }
0x2ed: {  	v18 =	vmul.f32 v18, v23;
	v23 =	vmul.f32 v19, v24;
	v19 =	vld [tilespmem:$0x6F40];
	_ =	sdelay $0x4  }
0x2ee: {  	[tilespmem:$0x1FC80] =	vst v19;
	v19 =	vld [tilespmem:$0x1F930];
	_ =	sdelay $0x4  }
0x2ef: {  	v3 =	vadd.f32 v63, v3;
	v63 =	vmul.f32 v19, v24;
	v19 =	vld [tilespmem:$0x6F50];
	_ =	sdelay $0x4  }
0x2f0: {  	[tilespmem:$0x1FC90] =	vst v19;
	v19 =	vld [tilespmem:$0x6F60];
	_ =	sdelay $0x4  }
0x2f1: {  	[tilespmem:$0x1FCA0] =	vst v19;
	v19 =	vld [tilespmem:$0x1F950];
	_ =	sdelay $0x4  }
0x2f2: {  	v6 =	vadd.f32 v63, v6;
	v63 =	vmul.f32 v19, v24;
	v19 =	vld [tilespmem:$0x6F70];
	_ =	sdelay $0x4  }
0x2f3: {  	[tilespmem:$0x1FCB0] =	vst v19;
	v19 =	vld [tilespmem:$0x1F970];
	_ =	sdelay $0x4  }
0x2f4: {  	v2 =	vadd.f32 v23, v2;
	v23 =	vmul.f32 v19, v24;
	v19 =	vld [tilespmem:$0x6F80];
	_ =	sdelay $0x4  }
0x2f5: {  	[tilespmem:$0x1FCC0] =	vst v19;
	v19 =	vld [tilespmem:$0x1F980];
	_ =	sdelay $0x2  }
0x2f6: {  	v4 =	vadd.f32 v22, v4;
	v22 =	vbroadcast v26, $0xE;
	_ =	sdelay $0x1  }
0x2f7: {  	v1 =	vadd.f32 v21, v1;
	v21 =	vmul.f32 v19, v22;
	v19 =	vld [tilespmem:$0x1F990];
	_ =	sdelay $0x4  }
0x2f8: {  	v7 =	vadd.f32 v63, v7;
	v63 =	vmul.f32 v19, v22;
	v19 =	vld [tilespmem:$0x6F90];
	_ =	sdelay $0x4  }
0x2f9: {  	[tilespmem:$0x1FCD0] =	vst v19;
	v19 =	vld [tilespmem:$0x6FA0]  }
0x2fa: {  	v8 =	vadd.f32 v18, v8;
	v18 =	vld [tilespmem:$0x1F910];
	_ =	sdelay $0x3  }
0x2fb: {  	[tilespmem:$0x1FCE0] =	vst v19;
	v19 =	vld [tilespmem:$0x1F9B0]  }
0x2fc: {  	v18 =	vmul.f32 v18, v24;
	_ =	sdelay $0x1  }
0x2fd: {  	v5 =	vadd.f32 v18, v5;
	_ =	sdelay $0x1  }
0x2fe: {  	v5 =	vadd.f32 v63, v5;
	v63 =	vmul.f32 v19, v22;
	v19 =	vld [tilespmem:$0x6FB0];
	_ =	sdelay $0x1  }
0x2ff: {  	v18 =	vld [tilespmem:$0x1F940];
	_ =	sdelay $0x2  }
0x300: {  	[tilespmem:$0x1FCF0] =	vst v19;
	v19 =	vld [tilespmem:$0x1F9D0];
	_ =	sdelay $0x1  }
0x301: {  	v18 =	vmul.f32 v18, v24;
	_ =	sdelay $0x1  }
0x302: {  	v4 =	vadd.f32 v18, v4;
	v18 =	vld [tilespmem:$0x1F960]  }
0x303: {  	v3 =	vadd.f32 v21, v3;
	v21 =	vmul.f32 v19, v22;
	v19 =	vld [tilespmem:$0x1F9E0];
	_ =	sdelay $0x4  }
0x304: {  	v18 =	vmul.f32 v18, v24;
	v24 =	vmul.f32 v19, v22;
	v19 =	vld [tilespmem:$0x6FD0];
	_ =	sdelay $0x4  }
0x305: {  	[tilespmem:$0x1FD00] =	vst v19;
	v19 =	vld [tilespmem:$0x1FA00];
	_ =	sdelay $0x2  }
0x306: {  	v1 =	vadd.f32 v23, v1;
	v23 =	vbroadcast v26, $0xF;
	_ =	sdelay $0x1  }
0x307: {  	v6 =	vadd.f32 v63, v6;
	v63 =	vmul.f32 v19, v23;
	v19 =	vld [tilespmem:$0x6FE0];
	_ =	sdelay $0x4  }
0x308: {  	[tilespmem:$0x1FD10] =	vst v19;
	v19 =	vld [tilespmem:$0x1FA10];
	_ =	sdelay $0x2  }
0x309: {  	v8 =	vadd.f32 v18, v8;
	_ =	sdelay $0x1  }
0x30a: {  	v8 =	vadd.f32 v24, v8;
	v24 =	vmul.f32 v19, v23;
	v19 =	vld [tilespmem:$0x6FF0];
	_ =	sdelay $0x4  }
0x30b: {  	[tilespmem:$0x1FD20] =	vst v19;
	v19 =	vld [tilespmem:$0x1FA20];
	_ =	sdelay $0x4  }
0x30c: {  	v7 =	vadd.f32 v21, v7;
	v21 =	vmul.f32 v19, v23;
	v19 =	vld [tilespmem:$0x1FA30];
	_ =	sdelay $0x3  }
0x30d: {  	v18 =	vld [tilespmem:$0x1F9A0]  }
0x30e: {  	v3 =	vadd.f32 v63, v3;
	v63 =	vmul.f32 v19, v23;
	v19 =	vld [tilespmem:$0x7010];
	_ =	sdelay $0x3  }
0x30f: {  	v18 =	vmul.f32 v18, v22  }
0x310: {  	[tilespmem:$0x1FD30] =	vst v19;
	v19 =	vld [tilespmem:$0x7020]  }
0x311: {  	v2 =	vadd.f32 v18, v2;
	v18 =	vld [tilespmem:$0x1F9C0];
	_ =	sdelay $0x3  }
0x312: {  	[tilespmem:$0x1FD40] =	vst v19;
	v19 =	vld [tilespmem:$0x1FA50]  }
0x313: {  	v18 =	vmul.f32 v18, v22;
	_ =	sdelay $0x1  }
0x314: {  	v4 =	vadd.f32 v18, v4;
	_ =	sdelay $0x1  }
0x315: {  	v4 =	vadd.f32 v63, v4;
	v63 =	vmul.f32 v19, v23;
	v19 =	vld [tilespmem:$0x7030];
	_ =	sdelay $0x4  }
0x316: {  	[tilespmem:$0x1FD50] =	vst v19;
	v19 =	vld [tilespmem:$0x7110];
	_ =	sdelay $0x4  }
0x317: {  	[tilespmem:$0x1FD60] =	vst v19;
	v19 =	vld [tilespmem:$0x7120];
	_ =	sdelay $0x4  }
0x318: {  	[tilespmem:$0x1FD70] =	vst v19;
	v19 =	vld [tilespmem:$0x7130];
	_ =	sdelay $0x3  }
0x319: {  	v18 =	vld [tilespmem:$0x1F9F0]  }
0x31a: {  	[tilespmem:$0x1FD80] =	vst v19;
	v19 =	vld [tilespmem:$0x7140];
	_ =	sdelay $0x4  }
0x31b: {  	v18 =	vmul.f32 v18, v22;
	[tilespmem:$0x1FD90] =	vst v19;
	v19 =	vld [tilespmem:$0x7150];
	_ =	sdelay $0x1  }
0x31c: {  	v1 =	vadd.f32 v18, v1;
	v18 =	vmul.f32 v20, v23;
	_ =	sdelay $0x1  }
0x31d: {  	v2 =	vadd.f32 v18, v2;
	v18 =	vld [tilespmem:$0x1FA40]  }
0x31e: {  	[tilespmem:$0x1FDA0] =	vst v19;
	v19 =	vld [tilespmem:$0x7160];
	_ =	sdelay $0x3  }
0x31f: {  	v18 =	vmul.f32 v18, v23  }
0x320: {  	v5 =	vadd.f32 v24, v5;
	v24 =	vbroadcast v27, $0x0;
	[tilespmem:$0x1FDB0] =	vst v19;
	v19 =	vld [tilespmem:$0x7170]  }
0x321: {  	v7 =	vadd.f32 v18, v7;
	v18 =	vmul.f32 v25, v23  }
0x322: {  	v22 =	vmul.f32 v29, v24  }
0x323: {  	v1 =	vadd.f32 v18, v1;
	v18 =	vmul.f32 v32, v24;
	v6 =	vadd.f32 v21, v6  }
0x324: {  	v3 =	vadd.f32 v22, v3  }
0x325: {  	v22 =	vbroadcast v27, $0x1;
	v6 =	vadd.f32 v18, v6;
	v18 =	vmul.f32 v34, v24;
	[tilespmem:$0x1FDC0] =	vst v19;
	v19 =	vld [tilespmem:$0x7180];
	_ =	sdelay $0x1  }
0x326: {  	v7 =	vadd.f32 v18, v7;
	v18 =	vmul.f32 v37, v22;
	_ =	sdelay $0x1  }
0x327: {  	v25 =	vmul.f32 v30, v24;
	v3 =	vadd.f32 v18, v3;
	v18 =	vmul.f32 v40, v22  }
0x328: {  	v8 =	vadd.f32 v63, v8;
	v63 =	vmul.f32 v31, v24;
	[tilespmem:$0x1FDD0] =	vst v19;
	v19 =	vld [tilespmem:$0x71A0]  }
0x329: {  	v5 =	vadd.f32 v25, v5;
	v6 =	vadd.f32 v18, v6;
	v18 =	vmul.f32 v42, v22  }
0x32a: {  	v23 =	vbroadcast v27, $0x2;
	v2 =	vadd.f32 v63, v2;
	v63 =	vmul.f32 v38, v22  }
0x32b: {  	v21 =	vmul.f32 v35, v24  }
0x32c: {  	v7 =	vadd.f32 v18, v7;
	v18 =	vmul.f32 v46, v23;
	v5 =	vadd.f32 v63, v5  }
0x32d: {  	v8 =	vadd.f32 v21, v8;
	v63 =	vmul.f32 v43, v22;
	[tilespmem:$0x1FDE0] =	vst v19;
	v19 =	vld [tilespmem:$0x71B0]  }
0x32e: {  	v5 =	vadd.f32 v18, v5;
	v18 =	vmul.f32 v48, v23  }
0x32f: {  	v57 =	vld [tilespmem:$0x6CC0];
	v8 =	vadd.f32 v63, v8;
	v48 =	vmul.f32 v49, v23;
	v49 =	vmul.f32 v51, v23  }
0x330: {  	v58 =	vld [tilespmem:$0x6CD0];
	v51 =	vbroadcast v27, $0x3;
	v6 =	vadd.f32 v18, v6;
	v18 =	vmul.f32 v50, v23;
	_ =	sdelay $0x1  }
0x331: {  	v8 =	vadd.f32 v18, v8;
	v18 =	vmul.f32 v54, v51;
	[tilespmem:$0x1FDF0] =	vst v19;
	v19 =	vld [tilespmem:$0x1FA70];
	_ =	sdelay $0x1  }
0x332: {  	v45 =	vmul.f32 v45, v23;
	v5 =	vadd.f32 v18, v5;
	v18 =	vmul.f32 v57, v51  }
0x333: {  	v57 =	vmul.f32 v58, v51;
	v58 =	vbroadcast v27, $0x4;
	_ =	sdelay $0x1  }
0x334: {  	v3 =	vadd.f32 v45, v3;
	v45 =	vmul.f32 v19, v58;
	v19 =	vld [tilespmem:$0x71D0];
	_ =	sdelay $0x3  }
0x335: {  	v25 =	vmul.f32 v33, v24  }
0x336: {  	[tilespmem:$0x1FE00] =	vst v19;
	v19 =	vld [tilespmem:$0x1FA90]  }
0x337: {  	v4 =	vadd.f32 v25, v4;
	v25 =	vmul.f32 v39, v22;
	_ =	sdelay $0x1  }
0x338: {  	v47 =	vmul.f32 v47, v23;
	v2 =	vadd.f32 v25, v2;
	_ =	sdelay $0x1  }
0x339: {  	v2 =	vadd.f32 v47, v2;
	v47 =	vmul.f32 v19, v58;
	v19 =	vld [tilespmem:$0x1FAA0]  }
0x33a: {  	v21 =	vmul.f32 v41, v22;
	_ =	sdelay $0x1  }
0x33b: {  	v4 =	vadd.f32 v21, v4;
	_ =	sdelay $0x1  }
0x33c: {  	v4 =	vadd.f32 v48, v4;
	v48 =	vmul.f32 v19, v58;
	v19 =	vld [tilespmem:$0x71F0];
	_ =	sdelay $0x3  }
0x33d: {  	v59 =	vld [tilespmem:$0x6CE0]  }
0x33e: {  	[tilespmem:$0x1FE10] =	vst v19;
	v19 =	vld [tilespmem:$0x1FAC0];
	_ =	sdelay $0x2  }
0x33f: {  	v46 =	vbroadcast v27, $0x5  }
0x340: {  	v7 =	vadd.f32 v49, v7  }
0x341: {  	v4 =	vadd.f32 v18, v4;
	v18 =	vmul.f32 v59, v51;
	v49 =	vmul.f32 v19, v46;
	v19 =	vld [tilespmem:$0x1FAD0];
	_ =	sdelay $0x1  }
0x342: {  	v8 =	vadd.f32 v18, v8;
	v18 =	vld [tilespmem:$0x1FA60]  }
0x343: {  	v56 =	vld [tilespmem:$0x6CB0]  }
0x344: {  	v60 =	vld [tilespmem:$0x6CF0]  }
0x345: {  	v55 =	vmul.f32 v55, v51;
	v50 =	vmul.f32 v19, v46;
	v19 =	vld [tilespmem:$0x1FAF0];
	_ =	sdelay $0x1  }
0x346: {  	v2 =	vadd.f32 v55, v2;
	v18 =	vmul.f32 v18, v58;
	_ =	sdelay $0x1  }
0x347: {  	v53 =	vmul.f32 v53, v51;
	v56 =	vmul.f32 v56, v51;
	v2 =	vadd.f32 v18, v2;
	v18 =	vld [tilespmem:$0x1FA80]  }
0x348: {  	v40 =	vmul.f32 v60, v51;
	v51 =	vmul.f32 v19, v46;
	v19 =	vld [tilespmem:$0x1FB00];
	_ =	sdelay $0x3  }
0x349: {  	v36 =	vmul.f32 v36, v24  }
0x34a: {  	v18 =	vmul.f32 v18, v58;
	v60 =	vmul.f32 v19, v46;
	v19 =	vld [tilespmem:$0x7230]  }
0x34b: {  	v1 =	vadd.f32 v36, v1;
	v25 =	vmul.f32 v44, v22  }
0x34c: {  	v4 =	vadd.f32 v18, v4;
	v18 =	vld [tilespmem:$0x1FAB0]  }
0x34d: {  	v61 =	vld [tilespmem:$0x6D00];
	v52 =	vmul.f32 v52, v23;
	v1 =	vadd.f32 v25, v1;
	_ =	sdelay $0x1  }
0x34e: {  	v1 =	vadd.f32 v52, v1;
	[tilespmem:$0x1FE20] =	vst v19;
	v19 =	vld [tilespmem:$0x1FB20];
	_ =	sdelay $0x1  }
0x34f: {  	v1 =	vadd.f32 v40, v1;
	v18 =	vmul.f32 v18, v58  }
0x350: {  	v62 =	vld [tilespmem:$0x6D10];
	v3 =	vadd.f32 v53, v3;
	v42 =	vmul.f32 v61, v58  }
0x351: {  	v1 =	vadd.f32 v18, v1;
	v18 =	vld [tilespmem:$0x1FAE0]  }
0x352: {  	v3 =	vadd.f32 v42, v3;
	v42 =	vmul.f32 v19, v46;
	v19 =	vld [tilespmem:$0x1FB40];
	_ =	sdelay $0x2  }
0x353: {  	v40 =	vbroadcast v27, $0x6;
	v44 =	vmul.f32 v62, v58;
	_ =	sdelay $0x1  }
0x354: {  	v5 =	vadd.f32 v44, v5;
	v18 =	vmul.f32 v18, v46;
	v44 =	vmul.f32 v19, v40;
	v19 =	vld [tilespmem:$0x7260];
	_ =	sdelay $0x1  }
0x355: {  	v2 =	vadd.f32 v18, v2;
	v18 =	vld [tilespmem:$0x1FB10];
	_ =	sdelay $0x2  }
0x356: {  	v7 =	vadd.f32 v57, v7;
	[tilespmem:$0x1FE30] =	vst v19;
	v19 =	vld [tilespmem:$0x1FB50];
	_ =	sdelay $0x1  }
0x357: {  	v18 =	vmul.f32 v18, v46;
	v7 =	vadd.f32 v47, v7  }
0x358: {  	v6 =	vadd.f32 v56, v6  }
0x359: {  	v7 =	vadd.f32 v18, v7;
	v18 =	vld [tilespmem:$0x1FB30]  }
0x35a: {  	v6 =	vadd.f32 v45, v6;
	v45 =	vmul.f32 v19, v40;
	v19 =	vld [tilespmem:$0x1FB60];
	_ =	sdelay $0x4  }
0x35b: {  	v18 =	vmul.f32 v18, v46;
	v46 =	vmul.f32 v19, v40;
	v19 =	vld [tilespmem:$0x7270];
	_ =	sdelay $0x4  }
0x35c: {  	[tilespmem:$0x1FE40] =	vst v19;
	v19 =	vld [tilespmem:$0x1FB80];
	_ =	sdelay $0x4  }
0x35d: {  	v47 =	vmul.f32 v19, v40;
	v19 =	vld [tilespmem:$0x7290];
	_ =	sdelay $0x4  }
0x35e: {  	[tilespmem:$0x1FE50] =	vst v19;
	v19 =	vld [tilespmem:$0x1FBA0];
	_ =	sdelay $0x4  }
0x35f: {  	v55 =	vmul.f32 v19, v40;
	v19 =	vld [tilespmem:$0x1FBB0];
	_ =	sdelay $0x4  }
0x360: {  	v56 =	vmul.f32 v19, v40;
	v19 =	vld [tilespmem:$0x1FBD0];
	_ =	sdelay $0x2  }
0x361: {  	v53 =	vbroadcast v27, $0x7  }
0x362: {  	v1 =	vadd.f32 v18, v1;
	v18 =	vld [tilespmem:$0x1FB70]  }
0x363: {  	v4 =	vadd.f32 v60, v4;
	v60 =	vmul.f32 v19, v53;
	v19 =	vld [tilespmem:$0x1FBE0];
	_ =	sdelay $0x4  }
0x364: {  	v18 =	vmul.f32 v18, v40;
	v6 =	vadd.f32 v51, v6;
	v25 =	vmul.f32 v19, v53;
	v19 =	vld [tilespmem:$0x72E0];
	_ =	sdelay $0x1  }
0x365: {  	v6 =	vadd.f32 v18, v6;
	v18 =	vld [tilespmem:$0x1FB90];
	_ =	sdelay $0x2  }
0x366: {  	[tilespmem:$0x1FE60] =	vst v19;
	v19 =	vld [tilespmem:$0x1FC00];
	_ =	sdelay $0x1  }
0x367: {  	v18 =	vmul.f32 v18, v40;
	_ =	sdelay $0x1  }
0x368: {  	v7 =	vadd.f32 v18, v7;
	v18 =	vld [tilespmem:$0x1FBC0]  }
0x369: {  	v40 =	vmul.f32 v19, v53;
	v19 =	vld [tilespmem:$0x1FC20];
	_ =	sdelay $0x2  }
0x36a: {  	v3 =	vadd.f32 v49, v3;
	v5 =	vadd.f32 v50, v5  }
0x36b: {  	v18 =	vmul.f32 v18, v53  }
0x36c: {  	v3 =	vadd.f32 v44, v3;
	v5 =	vadd.f32 v45, v5;
	v45 =	vmul.f32 v19, v53;
	v19 =	vld [tilespmem:$0x7300];
	_ =	sdelay $0x1  }
0x36d: {  	v3 =	vadd.f32 v18, v3;
	v18 =	vld [tilespmem:$0x1FBF0];
	_ =	sdelay $0x2  }
0x36e: {  	[tilespmem:$0x1FE70] =	vst v19;
	v19 =	vld [tilespmem:$0x1FC30];
	_ =	sdelay $0x1  }
0x36f: {  	v18 =	vmul.f32 v18, v53;
	_ =	sdelay $0x1  }
0x370: {  	v6 =	vadd.f32 v18, v6;
	v18 =	vld [tilespmem:$0x1FC10]  }
0x371: {  	v50 =	vmul.f32 v19, v53;
	v19 =	vld [tilespmem:$0x1FC40];
	_ =	sdelay $0x2  }
0x372: {  	v23 =	vbroadcast v27, $0x8;
	_ =	sdelay $0x1  }
0x373: {  	v18 =	vmul.f32 v18, v53;
	v53 =	vmul.f32 v19, v23;
	v19 =	vld [tilespmem:$0x1FC60]  }
0x374: {  	v8 =	vadd.f32 v48, v8;
	_ =	sdelay $0x1  }
0x375: {  	v8 =	vadd.f32 v42, v8;
	_ =	sdelay $0x1  }
0x376: {  	v8 =	vadd.f32 v55, v8;
	v55 =	vmul.f32 v19, v23;
	v19 =	vld [tilespmem:$0x7330];
	_ =	sdelay $0x4  }
0x377: {  	[tilespmem:$0x1FE80] =	vst v19;
	v19 =	vld [tilespmem:$0x1FC80];
	_ =	sdelay $0x4  }
0x378: {  	v1 =	vadd.f32 v56, v1;
	v56 =	vmul.f32 v19, v23;
	v19 =	vld [tilespmem:$0x7340];
	_ =	sdelay $0x4  }
0x379: {  	[tilespmem:$0x1FE90] =	vst v19;
	v19 =	vld [tilespmem:$0x1FC90];
	_ =	sdelay $0x4  }
0x37a: {  	v5 =	vadd.f32 v60, v5;
	v60 =	vmul.f32 v19, v23;
	v19 =	vld [tilespmem:$0x7350];
	_ =	sdelay $0x4  }
0x37b: {  	[tilespmem:$0x1FEA0] =	vst v19;
	v19 =	vld [tilespmem:$0x7360];
	_ =	sdelay $0x4  }
0x37c: {  	[tilespmem:$0x1FEB0] =	vst v19;
	v19 =	vld [tilespmem:$0x1FCB0];
	_ =	sdelay $0x1  }
0x37d: {  	v7 =	vadd.f32 v18, v7;
	v18 =	vld [tilespmem:$0x1FC50];
	_ =	sdelay $0x2  }
0x37e: {  	v8 =	vadd.f32 v45, v8;
	v45 =	vmul.f32 v19, v23;
	v19 =	vld [tilespmem:$0x1FCC0];
	_ =	sdelay $0x1  }
0x37f: {  	v18 =	vmul.f32 v18, v23  }
0x380: {  	v24 =	vbroadcast v27, $0x9  }
0x381: {  	v5 =	vadd.f32 v18, v5;
	v18 =	vld [tilespmem:$0x1FC70]  }
0x382: {  	v1 =	vadd.f32 v50, v1;
	v50 =	vmul.f32 v19, v24;
	v19 =	vld [tilespmem:$0x7370];
	_ =	sdelay $0x4  }
0x383: {  	v18 =	vmul.f32 v18, v23;
	[tilespmem:$0x1FEC0] =	vst v19;
	v19 =	vld [tilespmem:$0x1FCE0];
	_ =	sdelay $0x1  }
0x384: {  	v6 =	vadd.f32 v18, v6;
	v18 =	vld [tilespmem:$0x1FCA0];
	_ =	sdelay $0x2  }
0x385: {  	v3 =	vadd.f32 v53, v3;
	v53 =	vmul.f32 v19, v24;
	v19 =	vld [tilespmem:$0x7380]  }
0x386: {  	v2 =	vadd.f32 v46, v2  }
0x387: {  	v18 =	vmul.f32 v18, v23  }
0x388: {  	v2 =	vadd.f32 v25, v2  }
0x389: {  	v8 =	vadd.f32 v18, v8;
	v18 =	vld [tilespmem:$0x1FCD0]  }
0x38a: {  	v2 =	vadd.f32 v55, v2;
	[tilespmem:$0x1FED0] =	vst v19;
	v19 =	vld [tilespmem:$0x1FCF0]  }
0x38b: {  	v26 =	vld [tilespmem:$0x6FC0]  }
0x38c: {  	v2 =	vadd.f32 v53, v2;
	v53 =	vld [tilespmem:$0x1FD20];
	_ =	sdelay $0x1  }
0x38d: {  	v18 =	vmul.f32 v18, v24  }
0x38e: {  	v4 =	vadd.f32 v47, v4;
	v55 =	vmul.f32 v19, v24  }
0x38f: {  	v5 =	vadd.f32 v18, v5;
	v18 =	vmul.f32 v26, v24;
	v1 =	vadd.f32 v45, v1  }
0x390: {  	v3 =	vadd.f32 v50, v3;
	v50 =	vld [tilespmem:$0x1FD10];
	v26 =	vadd.f32 v55, v6;
	v55 =	vmul.f32 v53, v24  }
0x391: {  	v4 =	vadd.f32 v40, v4  }
0x392: {  	v53 =	vadd.f32 v55, v1;
	v1 =	vld [tilespmem:$0x1FD40]  }
0x393: {  	v4 =	vadd.f32 v56, v4;
	_ =	sdelay $0x1  }
0x394: {  	v22 =	vbroadcast v27, $0xA;
	v25 =	vadd.f32 v18, v4;
	v18 =	vmul.f32 v50, v24;
	_ =	sdelay $0x1  }
0x395: {  	v8 =	vadd.f32 v18, v8;
	v18 =	vmul.f32 v1, v22;
	v1 =	vld [tilespmem:$0x73E0]  }
0x396: {  	v56 =	vld [tilespmem:$0x1FD00];
	_ =	sdelay $0x1  }
0x397: {  	v20 =	vld [tilespmem:$0x7000];
	_ =	sdelay $0x1  }
0x398: {  	[tilespmem:$0x1FF30] =	vst v1;
	v1 =	vld [tilespmem:$0x1FD50]  }
0x399: {  	v29 =	vld [tilespmem:$0x7040];
	v7 =	vadd.f32 v60, v7;
	v60 =	vmul.f32 v56, v24  }
0x39a: {  	v30 =	vld [tilespmem:$0x7050]  }
0x39b: {  	v32 =	vld [tilespmem:$0x7070];
	v7 =	vadd.f32 v60, v7;
	v60 =	vmul.f32 v20, v22  }
0x39c: {  	v33 =	vld [tilespmem:$0x7080]  }
0x39d: {  	v3 =	vadd.f32 v60, v3;
	v60 =	vmul.f32 v1, v22;
	v1 =	vld [tilespmem:$0x73F0]  }
0x39e: {  	v36 =	vld [tilespmem:$0x70B0]  }
0x39f: {  	v45 =	vld [tilespmem:$0x73B0]  }
0x3a0: {  	v50 =	vld [tilespmem:$0x73D0]  }
0x3a1: {  	v19 =	vld [tilespmem:$0x7390]  }
0x3a2: {  	[tilespmem:$0x1FF40] =	vst v1;
	v1 =	vld [tilespmem:$0x7400]  }
0x3a3: {  	v24 =	vld [tilespmem:$0x1FD30]  }
0x3a4: {  	v35 =	vld [tilespmem:$0x70A0]  }
0x3a5: {  	v31 =	vld [tilespmem:$0x7060];
	[tilespmem:$0x1FF00] =	vst v45  }
0x3a6: {  	[tilespmem:$0x1FF20] =	vst v50;
	v50 =	vadd.f32 v18, v2;
	v2 =	vld [tilespmem:$0x7430]  }
0x3a7: {  	[tilespmem:$0x1FF50] =	vst v1;
	v1 =	vld [tilespmem:$0x7410]  }
0x3a8: {  	[tilespmem:$0x1FEE0] =	vst v19;
	v19 =	vld [tilespmem:$0x73A0];
	v45 =	vmul.f32 v24, v22  }
0x3a9: {  	v37 =	vld [tilespmem:$0x70C0]  }
0x3aa: {  	v38 =	vld [tilespmem:$0x70E0];
	v5 =	vadd.f32 v45, v5;
	v45 =	vbroadcast v27, $0xB;
	v18 =	vmul.f32 v29, v22  }
0x3ab: {  	v43 =	vld [tilespmem:$0x7100];
	v29 =	vmul.f32 v31, v22;
	[tilespmem:$0x1FF70] =	vst v2  }
0x3ac: {  	v18 =	vadd.f32 v18, v25;
	v2 =	vbroadcast v27, $0xC;
	[tilespmem:$0x1FF60] =	vst v1;
	v1 =	vmul.f32 v33, v45  }
0x3ad: {  	[tilespmem:$0x1FEF0] =	vst v19;
	v19 =	vadd.f32 v60, v26;
	v26 =	vmul.f32 v30, v22;
	v33 =	vmul.f32 v36, v45  }
0x3ae: {  	v22 =	vmul.f32 v32, v22;
	v32 =	vadd.f32 v1, v3;
	v1 =	vmul.f32 v37, v45  }
0x3af: {  	v34 =	vld [tilespmem:$0x7090];
	v30 =	vadd.f32 v29, v8;
	v3 =	vmul.f32 v35, v45;
	v35 =	vadd.f32 v33, v19  }
0x3b0: {  	v19 =	vmul.f32 v38, v45;
	v18 =	vadd.f32 v1, v18;
	v1 =	vmul.f32 v43, v2  }
0x3b1: {  	v8 =	vadd.f32 v3, v50;
	v3 =	vld [tilespmem:$0x1FD60]  }
0x3b2: {  	v20 =	vadd.f32 v19, v30;
	v19 =	vadd.f32 v1, v32;
	v1 =	vld [tilespmem:$0x1FD80];
	_ =	sdelay $0x1  }
0x3b3: {  	v31 =	vmul.f32 v34, v45;
	_ =	sdelay $0x1  }
0x3b4: {  	v21 =	vadd.f32 v31, v5;
	v3 =	vmul.f32 v3, v2  }
0x3b5: {  	v39 =	vld [tilespmem:$0x70D0];
	v1 =	vmul.f32 v1, v2  }
0x3b6: {  	v21 =	vadd.f32 v3, v21;
	v3 =	vld [tilespmem:$0x1FD90]  }
0x3b7: {  	v6 =	vadd.f32 v1, v35;
	v1 =	vld [tilespmem:$0x1FDA0];
	_ =	sdelay $0x2  }
0x3b8: {  	v34 =	vmul.f32 v39, v45;
	v7 =	vadd.f32 v26, v7;
	_ =	sdelay $0x1  }
0x3b9: {  	v24 =	vadd.f32 v34, v7;
	v25 =	vmul.f32 v3, v2;
	v3 =	vmul.f32 v1, v2;
	_ =	sdelay $0x1  }
0x3ba: {  	v24 =	vadd.f32 v3, v24;
	v3 =	vld [tilespmem:$0x1FDD0]  }
0x3bb: {  	v41 =	vld [tilespmem:$0x70F0]  }
0x3bc: {  	v29 =	vld [tilespmem:$0x1FDC0]  }
0x3bd: {  	v26 =	vld [tilespmem:$0x1FDB0];
	v1 =	vbroadcast v27, $0xD  }
0x3be: {  	v43 =	vld [tilespmem:$0x1FD70]  }
0x3bf: {  	v3 =	vmul.f32 v3, v1  }
0x3c0: {  	v4 =	vmul.f32 v41, v45;
	v22 =	vadd.f32 v22, v53  }
0x3c1: {  	v19 =	vadd.f32 v3, v19;
	v3 =	vld [tilespmem:$0x1FDF0]  }
0x3c2: {  	v63 =	vld [tilespmem:$0x7190];
	v22 =	vadd.f32 v4, v22;
	v4 =	vmul.f32 v26, v2  }
0x3c3: {  	v62 =	vld [tilespmem:$0x71C0];
	v5 =	vmul.f32 v43, v2;
	v2 =	vmul.f32 v29, v2  }
0x3c4: {  	v61 =	vld [tilespmem:$0x71E0]  }
0x3c5: {  	v22 =	vadd.f32 v2, v22;
	v2 =	vld [tilespmem:$0x1FDE0]  }
0x3c6: {  	v31 =	vmul.f32 v3, v1;
	v3 =	vld [tilespmem:$0x1FE00]  }
0x3c7: {  	v7 =	vadd.f32 v5, v8;
	v8 =	vld [tilespmem:$0x1FE10];
	_ =	sdelay $0x2  }
0x3c8: {  	v30 =	vmul.f32 v63, v1;
	v26 =	vmul.f32 v62, v1  }
0x3c9: {  	v2 =	vmul.f32 v2, v1;
	v29 =	vmul.f32 v3, v1  }
0x3ca: {  	v3 =	vmul.f32 v61, v1;
	v1 =	vmul.f32 v8, v1;
	v8 =	vld [tilespmem:$0x1FE20];
	_ =	sdelay $0x2  }
0x3cb: {  	v34 =	vadd.f32 v2, v7;
	v2 =	vbroadcast v27, $0xE  }
0x3cc: {  	v57 =	vld [tilespmem:$0x7200]  }
0x3cd: {  	v6 =	vadd.f32 v31, v6;
	v31 =	vmul.f32 v8, v2;
	v8 =	vld [tilespmem:$0x1FE30]  }
0x3ce: {  	v59 =	vld [tilespmem:$0x7220]  }
0x3cf: {  	v58 =	vld [tilespmem:$0x7210];
	v18 =	vadd.f32 v25, v18  }
0x3d0: {  	v52 =	vld [tilespmem:$0x7250]  }
0x3d1: {  	v54 =	vld [tilespmem:$0x7240];
	v7 =	vadd.f32 v26, v18  }
0x3d2: {  	v18 =	vmul.f32 v57, v2;
	v6 =	vadd.f32 v31, v6;
	v31 =	vmul.f32 v8, v2;
	v8 =	vld [tilespmem:$0x1FE40]  }
0x3d3: {  	v51 =	vld [tilespmem:$0x7280];
	v5 =	vadd.f32 v30, v21  }
0x3d4: {  	v44 =	vld [tilespmem:$0x72F0];
	v30 =	vmul.f32 v58, v2;
	v18 =	vadd.f32 v18, v19;
	v19 =	vmul.f32 v59, v2  }
0x3d5: {  	v49 =	vld [tilespmem:$0x72B0];
	v20 =	vadd.f32 v4, v20;
	v27 =	vbroadcast v27, $0xF  }
0x3d6: {  	v5 =	vadd.f32 v30, v5;
	v30 =	vmul.f32 v54, v2;
	v4 =	vadd.f32 v19, v34  }
0x3d7: {  	v19 =	vmul.f32 v52, v2;
	v3 =	vadd.f32 v3, v20;
	v2 =	vmul.f32 v8, v2;
	v8 =	vld [tilespmem:$0x1FE50]  }
0x3d8: {  	v46 =	vld [tilespmem:$0x72D0];
	v32 =	vmul.f32 v51, v27;
	v1 =	vadd.f32 v1, v22  }
0x3d9: {  	v48 =	vld [tilespmem:$0x72A0];
	v3 =	vadd.f32 v31, v3;
	v31 =	vmul.f32 v44, v27  }
0x3da: {  	v1 =	vadd.f32 v2, v1;
	v2 =	vadd.f32 v32, v18;
	v18 =	vmul.f32 v49, v27;
	v32 =	vld [tilespmem:$0x1FE70]  }
0x3db: {  	v42 =	vld [tilespmem:$0x7310];
	v21 =	vadd.f32 v29, v24  }
0x3dc: {  	v33 =	vmul.f32 v8, v27;
	v8 =	vadd.f32 v18, v6;
	v6 =	vadd.f32 v31, v1;
	v1 =	vld [tilespmem:$0x1FE80]  }
0x3dd: {  	v56 =	vld [tilespmem:$0x73C0];
	v22 =	vbroadcast v28, $0x0;
	v19 =	vadd.f32 v19, v21;
	v18 =	vmul.f32 v46, v27  }
0x3de: {  	v40 =	vld [tilespmem:$0x7320]  }
0x3df: {  	v29 =	vld [tilespmem:$0x1FE60];
	v18 =	vadd.f32 v18, v19;
	v19 =	vmul.f32 v32, v22  }
0x3e0: {  	v47 =	vld [tilespmem:$0x72C0]  }
0x3e1: {  	v2 =	vadd.f32 v19, v2;
	v19 =	vmul.f32 v1, v22;
	v1 =	vld [tilespmem:$0x1FE90]  }
0x3e2: {  	[tilespmem:$0x1FF10] =	vst v56;
	v56 =	vld [tilespmem:$0x7420];
	v23 =	vmul.f32 v48, v27  }
0x3e3: {  	v55 =	vld [tilespmem:$0x7450];
	v7 =	vadd.f32 v30, v7  }
0x3e4: {  	v41 =	vld [tilespmem:$0x7490];
	v4 =	vadd.f32 v23, v4;
	v30 =	vmul.f32 v29, v27;
	v29 =	vmul.f32 v40, v22  }
0x3e5: {  	v39 =	vld [tilespmem:$0x74B0]  }
0x3e6: {  	v20 =	vadd.f32 v29, v4;
	v4 =	vmul.f32 v1, v22;
	v1 =	vld [tilespmem:$0x1FEA0]  }
0x3e7: {  	v60 =	vld [tilespmem:$0x7440]  }
0x3e8: {  	v53 =	vld [tilespmem:$0x7460]  }
0x3e9: {  	v36 =	vld [tilespmem:$0x74F0]  }
0x3ea: {  	v45 =	vld [tilespmem:$0x7480]  }
0x3eb: {  	v8 =	vadd.f32 v19, v8;
	v19 =	vmul.f32 v1, v22;
	v1 =	vld [tilespmem:$0x1FEB0]  }
0x3ec: {  	v37 =	vld [tilespmem:$0x74C0]  }
0x3ed: {  	v38 =	vld [tilespmem:$0x74D0]  }
0x3ee: {  	v50 =	vld [tilespmem:$0x7470];
	v26 =	vmul.f32 v47, v27  }
0x3ef: {  	v43 =	vld [tilespmem:$0x74A0]  }
0x3f0: {  	v35 =	vld [tilespmem:$0x7500];
	v7 =	vadd.f32 v26, v7;
	v3 =	vadd.f32 v30, v3;
	v1 =	vmul.f32 v1, v22  }
0x3f1: {  	v25 =	vld [tilespmem:$0x1FED0]  }
0x3f2: {  	v7 =	vadd.f32 v4, v7;
	v4 =	vadd.f32 v1, v3;
	v1 =	vld [tilespmem:$0x1FEE0]  }
0x3f3: {  	v63 =	vld [tilespmem:$0x74E0]  }
0x3f4: {  	v62 =	vld [tilespmem:$0x7510]  }
0x3f5: {  	v57 =	vld [tilespmem:$0x7530];
	v27 =	vbroadcast v28, $0x1  }
0x3f6: {  	v58 =	vld [tilespmem:$0x7540]  }
0x3f7: {  	v3 =	vmul.f32 v1, v27;
	v1 =	vld [tilespmem:$0x1FEF0]  }
0x3f8: {  	v51 =	vld [tilespmem:$0x7590]  }
0x3f9: {  	v48 =	vld [tilespmem:$0x75A0]  }
0x3fa: {  	v47 =	vld [tilespmem:$0x75C0]  }
0x3fb: {  	v59 =	vld [tilespmem:$0x7550]  }
0x3fc: {  	v21 =	vmul.f32 v1, v27;
	v1 =	vld [tilespmem:$0x1FF00]  }
0x3fd: {  	v54 =	vld [tilespmem:$0x7560];
	v5 =	vadd.f32 v33, v5;
	v33 =	vmul.f32 v42, v22  }
0x3fe: {  	v23 =	vld [tilespmem:$0x1FEC0]  }
0x3ff: {  	v34 =	vld [tilespmem:$0x7570];
	v5 =	vadd.f32 v33, v5  }
0x400: {  	v52 =	vld [tilespmem:$0x7580]  }
0x401: {  	v3 =	vadd.f32 v3, v5;
	v5 =	vmul.f32 v1, v27;
	v1 =	vld [tilespmem:$0x1FF10]  }
0x402: {  	v61 =	vld [tilespmem:$0x7520]  }
0x403: {  	v24 =	vmul.f32 v23, v22;
	v23 =	vld [tilespmem:$0x76A0]  }
0x404: {  	v40 =	vld [tilespmem:$0x7600];
	v26 =	vmul.f32 v25, v27  }
0x405: {  	v29 =	vld [tilespmem:$0x7640]  }
0x406: {  	v18 =	vadd.f32 v19, v18;
	v19 =	vadd.f32 v26, v2;
	v2 =	vmul.f32 v1, v27;
	v1 =	vld [tilespmem:$0x1FF20]  }
0x407: {  	v6 =	vadd.f32 v24, v6;
	v24 =	vld [tilespmem:$0x1FF30]  }
0x408: {  	v5 =	vadd.f32 v5, v8;
	v8 =	vld [tilespmem:$0x1FF40]  }
0x409: {  	v44 =	vld [tilespmem:$0x75E0]  }
0x40a: {  	v30 =	vld [tilespmem:$0x7650]  }
0x40b: {  	v49 =	vld [tilespmem:$0x75B0];
	v20 =	vadd.f32 v21, v20;
	v21 =	vmul.f32 v1, v27  }
0x40c: {  	v46 =	vld [tilespmem:$0x75D0];
	v2 =	vadd.f32 v2, v7  }
0x40d: {  	v7 =	vmul.f32 v24, v27;
	v18 =	vadd.f32 v21, v18;
	v21 =	vmul.f32 v8, v27;
	v8 =	vld [tilespmem:$0x1FF50]  }
0x40e: {  	v31 =	vld [tilespmem:$0x7630]  }
0x40f: {  	v4 =	vadd.f32 v7, v4;
	v7 =	vld [tilespmem:$0x1FF60]  }
0x410: {  	v42 =	vld [tilespmem:$0x75F0];
	v1 =	vbroadcast v28, $0x2  }
0x411: {  	v32 =	vld [tilespmem:$0x7610]  }
0x412: {  	v25 =	vld [tilespmem:$0x7670];
	v27 =	vmul.f32 v8, v1  }
0x413: {  	v33 =	vld [tilespmem:$0x7620]  }
0x414: {  	v56 =	vmul.f32 v56, v1;
	v7 =	vmul.f32 v7, v1;
	v19 =	vadd.f32 v27, v19;
	v27 =	vld [tilespmem:$0x1FF70]  }
0x415: {  	v26 =	vld [tilespmem:$0x7660]  }
0x416: {  	v22 =	vld [tilespmem:$0x7680];
	v3 =	vadd.f32 v7, v3;
	v7 =	vadd.f32 v56, v20;
	v20 =	vmul.f32 v60, v1  }
0x417: {  	v24 =	vld [tilespmem:$0x7690]  }
0x418: {  	v56 =	vld [tilespmem:$0x76D0];
	v2 =	vadd.f32 v20, v2;
	v20 =	vmul.f32 v53, v1  }
0x419: {  	v6 =	vadd.f32 v21, v6;
	v60 =	vld [tilespmem:$0x76E0];
	v21 =	vmul.f32 v27, v1  }
0x41a: {  	v8 =	vld [tilespmem:$0x76B0];
	v4 =	vadd.f32 v20, v4  }
0x41b: {  	v20 =	vld [tilespmem:$0x7710];
	v5 =	vadd.f32 v21, v5;
	v21 =	vmul.f32 v55, v1;
	v55 =	vbroadcast v28, $0x3  }
0x41c: {  	v27 =	vld [tilespmem:$0x76C0];
	v1 =	vmul.f32 v50, v1  }
0x41d: {  	v50 =	vld [tilespmem:$0x76F0];
	v18 =	vadd.f32 v21, v18;
	v53 =	vmul.f32 v45, v55  }
0x41e: {  	v41 =	vmul.f32 v41, v55;
	v45 =	vld [tilespmem:$0x7700];
	v1 =	vadd.f32 v1, v6;
	v43 =	vmul.f32 v43, v55  }
0x41f: {  	v21 =	vmul.f32 v39, v55;
	v39 =	vld [tilespmem:$0x7720];
	v63 =	vmul.f32 v63, v55;
	v19 =	vadd.f32 v53, v19  }
0x420: {  	v3 =	vadd.f32 v41, v3;
	v6 =	vadd.f32 v43, v7;
	v53 =	vmul.f32 v37, v55;
	v41 =	vld [tilespmem:$0x7730]  }
0x421: {  	v37 =	vbroadcast v28, $0x4;
	v5 =	vadd.f32 v21, v5;
	v21 =	vmul.f32 v38, v55;
	v43 =	vld [tilespmem:$0x7740]  }
0x422: {  	v4 =	vadd.f32 v63, v4;
	v38 =	vld [tilespmem:$0x7760];
	v2 =	vadd.f32 v53, v2;
	v53 =	vmul.f32 v36, v55  }
0x423: {  	v35 =	vmul.f32 v35, v37;
	v36 =	vld [tilespmem:$0x7750];
	v18 =	vadd.f32 v21, v18;
	v55 =	vmul.f32 v62, v37  }
0x424: {  	v62 =	vmul.f32 v58, v37;
	v58 =	vld [tilespmem:$0x7790];
	v63 =	vmul.f32 v54, v37;
	v1 =	vadd.f32 v53, v1  }
0x425: {  	v21 =	vld [tilespmem:$0x7A40];
	v7 =	vadd.f32 v35, v19;
	v19 =	vmul.f32 v61, v37;
	v3 =	vadd.f32 v55, v3  }
0x426: {  	v35 =	vld [tilespmem:$0x7770];
	v61 =	vmul.f32 v57, v37;
	v57 =	vbroadcast v28, $0x5;
	v4 =	vadd.f32 v63, v4  }
0x427: {  	v55 =	vld [tilespmem:$0x7780];
	v63 =	vbroadcast v28, $0x6;
	v6 =	vadd.f32 v19, v6;
	v19 =	vmul.f32 v59, v37  }
0x428: {  	v53 =	vld [tilespmem:$0x77A0];
	v5 =	vadd.f32 v61, v5;
	v59 =	vmul.f32 v52, v57;
	v61 =	vmul.f32 v51, v57  }
0x429: {  	v2 =	vadd.f32 v62, v2;
	v48 =	vmul.f32 v48, v57;
	v51 =	vld [tilespmem:$0x77C0];
	v62 =	vmul.f32 v47, v57  }
0x42a: {  	v47 =	vld [tilespmem:$0x77E0];
	v42 =	vmul.f32 v42, v57;
	v32 =	vmul.f32 v32, v63  }
0x42b: {  	v52 =	vmul.f32 v33, v63;
	v33 =	vld [tilespmem:$0x7820];
	v54 =	vmul.f32 v29, v63;
	v18 =	vadd.f32 v19, v18  }
0x42c: {  	v29 =	vld [tilespmem:$0x78E0];
	v19 =	vmul.f32 v34, v37;
	v7 =	vadd.f32 v59, v7;
	v3 =	vadd.f32 v61, v3  }
0x42d: {  	v37 =	vld [tilespmem:$0x77B0];
	v6 =	vadd.f32 v48, v6;
	v2 =	vadd.f32 v62, v2;
	v59 =	vmul.f32 v25, v63  }
0x42e: {  	v34 =	vld [tilespmem:$0x77D0];
	v1 =	vadd.f32 v19, v1;
	v19 =	vmul.f32 v49, v57;
	v3 =	vadd.f32 v32, v3  }
0x42f: {  	v48 =	vld [tilespmem:$0x77F0];
	v49 =	vmul.f32 v44, v57;
	v6 =	vadd.f32 v52, v6;
	v2 =	vadd.f32 v54, v2  }
0x430: {  	v25 =	vld [tilespmem:$0x7860];
	v5 =	vadd.f32 v19, v5;
	v19 =	vmul.f32 v46, v57;
	v57 =	vbroadcast v28, $0x7  }
0x431: {  	v26 =	vmul.f32 v26, v63;
	v44 =	vld [tilespmem:$0x7800];
	v4 =	vadd.f32 v49, v4;
	v1 =	vadd.f32 v42, v1  }
0x432: {  	v32 =	vld [tilespmem:$0x7840];
	v18 =	vadd.f32 v19, v18;
	v19 =	vmul.f32 v40, v63;
	v22 =	vmul.f32 v22, v57  }
0x433: {  	v42 =	vld [tilespmem:$0x78C0];
	v4 =	vadd.f32 v26, v4;
	v61 =	vmul.f32 v23, v57;
	v8 =	vmul.f32 v8, v57  }
0x434: {  	v40 =	vld [tilespmem:$0x7810];
	v62 =	vmul.f32 v56, v57;
	v7 =	vadd.f32 v19, v7;
	v19 =	vmul.f32 v31, v63  }
0x435: {  	v1 =	vadd.f32 v59, v1;
	v23 =	vld [tilespmem:$0x7890];
	v46 =	vmul.f32 v50, v57;
	v56 =	vbroadcast v28, $0x9  }
0x436: {  	v31 =	vld [tilespmem:$0x7830];
	v6 =	vadd.f32 v61, v6;
	v5 =	vadd.f32 v19, v5;
	v19 =	vmul.f32 v30, v63  }
0x437: {  	v1 =	vadd.f32 v46, v1;
	v58 =	vmul.f32 v58, v56;
	v59 =	vmul.f32 v37, v56;
	v37 =	vld [tilespmem:$0x7940]  }
0x438: {  	v61 =	vmul.f32 v34, v56;
	v46 =	vld [tilespmem:$0x7960];
	v63 =	vbroadcast v28, $0x8;
	v18 =	vadd.f32 v19, v18  }
0x439: {  	v30 =	vld [tilespmem:$0x7850];
	v19 =	vmul.f32 v24, v57;
	v5 =	vadd.f32 v8, v5;
	v8 =	vmul.f32 v60, v57  }
0x43a: {  	v7 =	vadd.f32 v22, v7;
	v22 =	vld [tilespmem:$0x7880];
	v49 =	vmul.f32 v45, v63;
	v50 =	vmul.f32 v39, v63  }
0x43b: {  	v24 =	vld [tilespmem:$0x7870];
	v52 =	vmul.f32 v41, v63;
	v54 =	vmul.f32 v36, v63;
	v3 =	vadd.f32 v19, v3  }
0x43c: {  	v39 =	vld [tilespmem:$0x78D0];
	v19 =	vmul.f32 v27, v57;
	v4 =	vadd.f32 v8, v4;
	v8 =	vmul.f32 v20, v63  }
0x43d: {  	v41 =	vld [tilespmem:$0x7900];
	v26 =	vmul.f32 v35, v63;
	v18 =	vadd.f32 v62, v18;
	v7 =	vadd.f32 v49, v7  }
0x43e: {  	v35 =	vld [tilespmem:$0x7910];
	v2 =	vadd.f32 v19, v2;
	v3 =	vadd.f32 v8, v3;
	v8 =	vmul.f32 v43, v63  }
0x43f: {  	v60 =	vbroadcast v28, $0xA;
	v45 =	vld [tilespmem:$0x7950];
	v6 =	vadd.f32 v50, v6;
	v5 =	vadd.f32 v52, v5  }
0x440: {  	v36 =	vld [tilespmem:$0x79B0];
	v57 =	vmul.f32 v55, v56;
	v2 =	vadd.f32 v8, v2;
	v8 =	vmul.f32 v38, v63  }
0x441: {  	v27 =	vld [tilespmem:$0x78A0];
	v1 =	vadd.f32 v26, v1;
	v62 =	vmul.f32 v47, v56;
	v40 =	vmul.f32 v40, v60  }
0x442: {  	v20 =	vld [tilespmem:$0x78F0];
	v50 =	vbroadcast v28, $0xB;
	v4 =	vadd.f32 v8, v4;
	v8 =	vmul.f32 v53, v56  }
0x443: {  	v26 =	vld [tilespmem:$0x7930];
	v49 =	vmul.f32 v32, v60;
	v18 =	vadd.f32 v54, v18;
	v7 =	vadd.f32 v57, v7  }
0x444: {  	v47 =	vld [tilespmem:$0x7980];
	v22 =	vmul.f32 v22, v50;
	v6 =	vadd.f32 v8, v6;
	v8 =	vmul.f32 v51, v56  }
0x445: {  	v32 =	vld [tilespmem:$0x79A0];
	v5 =	vadd.f32 v59, v5;
	v54 =	vmul.f32 v23, v50;
	v57 =	vbroadcast v28, $0xC  }
0x446: {  	v43 =	vld [tilespmem:$0x7920];
	v3 =	vadd.f32 v58, v3;
	v2 =	vadd.f32 v8, v2;
	v8 =	vmul.f32 v48, v56  }
0x447: {  	v52 =	vld [tilespmem:$0x79C0];
	v63 =	vmul.f32 v44, v60;
	v18 =	vadd.f32 v61, v18;
	v58 =	vmul.f32 v29, v50  }
0x448: {  	v19 =	vld [tilespmem:$0x78B0];
	v55 =	vmul.f32 v27, v50;
	v1 =	vadd.f32 v8, v1;
	v8 =	vmul.f32 v33, v60  }
0x449: {  	v59 =	vld [tilespmem:$0x7A20];
	v20 =	vmul.f32 v20, v50;
	v7 =	vadd.f32 v63, v7;
	v3 =	vadd.f32 v40, v3  }
0x44a: {  	v44 =	vld [tilespmem:$0x7970];
	v63 =	vbroadcast v28, $0xD;
	v6 =	vadd.f32 v8, v6;
	v8 =	vmul.f32 v30, v60  }
0x44b: {  	v38 =	vld [tilespmem:$0x7B20];
	v61 =	vmul.f32 v43, v57;
	v43 =	vmul.f32 v46, v57;
	v4 =	vadd.f32 v62, v4  }
0x44c: {  	v27 =	vld [tilespmem:$0x79E0];
	v48 =	vmul.f32 v31, v60;
	v8 =	vadd.f32 v8, v18;
	v18 =	vmul.f32 v24, v60  }
0x44d: {  	v53 =	vld [tilespmem:$0x79D0];
	v51 =	vmul.f32 v25, v60;
	v7 =	vadd.f32 v22, v7;
	v3 =	vadd.f32 v54, v3  }
0x44e: {  	v22 =	vld [tilespmem:$0x7A00];
	v5 =	vadd.f32 v48, v5;
	v1 =	vadd.f32 v18, v1;
	v18 =	vmul.f32 v19, v50  }
0x44f: {  	v62 =	vmul.f32 v37, v57;
	v25 =	vmul.f32 v52, v63;
	v52 =	vld [tilespmem:$0x7AB0];
	v4 =	vadd.f32 v51, v4  }
0x450: {  	v47 =	vmul.f32 v47, v63;
	v31 =	vld [tilespmem:$0x7A10];
	v5 =	vadd.f32 v18, v5;
	v18 =	vmul.f32 v39, v50  }
0x451: {  	v56 =	vmul.f32 v42, v50;
	v42 =	vld [tilespmem:$0x7A60];
	v2 =	vadd.f32 v49, v2;
	v4 =	vadd.f32 v58, v4  }
0x452: {  	v54 =	vbroadcast v28, $0xE;
	v51 =	vld [tilespmem:$0x7AA0];
	v8 =	vadd.f32 v18, v8;
	v18 =	vmul.f32 v41, v57  }
0x453: {  	v46 =	vmul.f32 v44, v57;
	v33 =	vld [tilespmem:$0x7990];
	v2 =	vadd.f32 v56, v2;
	v4 =	vadd.f32 v43, v4  }
0x454: {  	v48 =	vld [tilespmem:$0x7A80];
	v60 =	vmul.f32 v35, v57;
	v7 =	vadd.f32 v18, v7;
	v18 =	vmul.f32 v26, v57  }
0x455: {  	v59 =	vmul.f32 v59, v54;
	v6 =	vadd.f32 v55, v6;
	v2 =	vadd.f32 v62, v2;
	v19 =	vld [tilespmem:$0x79F0]  }
0x456: {  	v49 =	vld [tilespmem:$0x7A90];
	v3 =	vadd.f32 v60, v3;
	v5 =	vadd.f32 v18, v5;
	v18 =	vmul.f32 v45, v57  }
0x457: {  	v35 =	vld [tilespmem:$0x7A30];
	v6 =	vadd.f32 v61, v6;
	v1 =	vadd.f32 v20, v1;
	v50 =	vmul.f32 v32, v63  }
0x458: {  	v2 =	vadd.f32 v25, v2;
	v45 =	vld [tilespmem:$0x7A70];
	v8 =	vadd.f32 v18, v8;
	v18 =	vmul.f32 v33, v63  }
0x459: {  	v53 =	vmul.f32 v53, v63;
	v58 =	vld [tilespmem:$0x7AE0];
	v1 =	vadd.f32 v46, v1;
	v6 =	vadd.f32 v50, v6  }
0x45a: {  	v19 =	vmul.f32 v19, v63;
	v26 =	vld [tilespmem:$0x7A50];
	v3 =	vadd.f32 v18, v3;
	v18 =	vmul.f32 v36, v63  }
0x45b: {  	v56 =	vld [tilespmem:$0x7AD0];
	v6 =	vadd.f32 v59, v6;
	v7 =	vadd.f32 v47, v7;
	v57 =	vmul.f32 v22, v54  }
0x45c: {  	v43 =	vld [tilespmem:$0x7B60];
	v1 =	vadd.f32 v19, v1;
	v5 =	vadd.f32 v18, v5;
	v18 =	vmul.f32 v27, v63  }
0x45d: {  	v19 =	vmul.f32 v35, v54;
	v7 =	vadd.f32 v57, v7;
	v24 =	vmul.f32 v45, v54;
	v45 =	vld [tilespmem:$0x1FF80]  }
0x45e: {  	v55 =	vld [tilespmem:$0x7AC0];
	v8 =	vadd.f32 v53, v8;
	v4 =	vadd.f32 v18, v4;
	v18 =	vmul.f32 v31, v54  }
0x45f: {  	v62 =	vld [tilespmem:$0x7B10];
	v63 =	vbroadcast v28, $0xF;
	v5 =	vadd.f32 v19, v5;
	v19 =	vmul.f32 v26, v54  }
0x460: {  	v60 =	vld [tilespmem:$0x7AF0];
	v1 =	vadd.f32 v24, v1;
	v3 =	vadd.f32 v18, v3;
	v18 =	vmul.f32 v21, v54  }
0x461: {  	v61 =	vld [tilespmem:$0x7B00];
	v40 =	vmul.f32 v49, v63;
	v8 =	vadd.f32 v19, v8;
	v19 =	vmul.f32 v48, v63  }
0x462: {  	v39 =	vld [tilespmem:$0x7B30];
	v25 =	vmul.f32 v56, v63;
	v46 =	vbroadcast v45, $0x0;
	v2 =	vadd.f32 v18, v2  }
0x463: {  	v47 =	vld [tilespmem:$0x7B80];
	v18 =	vmul.f32 v42, v54;
	v7 =	vadd.f32 v19, v7;
	v3 =	vadd.f32 v40, v3  }
0x464: {  	v48 =	vld [tilespmem:$0x7B90];
	v19 =	vmul.f32 v52, v63;
	v8 =	vadd.f32 v25, v8;
	v49 =	vmul.f32 v62, v46  }
0x465: {  	v57 =	vld [tilespmem:$0x7BE0];
	v59 =	vmul.f32 v43, v46;
	v4 =	vadd.f32 v18, v4;
	v18 =	vmul.f32 v51, v63  }
0x466: {  	v44 =	vld [tilespmem:$0x7B70];
	v5 =	vadd.f32 v19, v5;
	v19 =	vmul.f32 v58, v63;
	v51 =	vbroadcast v45, $0x1  }
0x467: {  	v42 =	vld [tilespmem:$0x7B50];
	v3 =	vadd.f32 v49, v3;
	v6 =	vadd.f32 v18, v6;
	v18 =	vmul.f32 v55, v63  }
0x468: {  	v41 =	vld [tilespmem:$0x7B40];
	v4 =	vadd.f32 v19, v4;
	v19 =	vmul.f32 v61, v46;
	v54 =	vmul.f32 v47, v51  }
0x469: {  	v52 =	vld [tilespmem:$0x7BB0];
	v56 =	vmul.f32 v48, v51;
	v2 =	vadd.f32 v18, v2;
	v18 =	vmul.f32 v60, v63  }
0x46a: {  	v58 =	vld [tilespmem:$0x7BF0];
	v61 =	vmul.f32 v57, v51;
	v7 =	vadd.f32 v19, v7;
	v19 =	vmul.f32 v39, v46  }
0x46b: {  	v50 =	vld [tilespmem:$0x7BA0];
	v3 =	vadd.f32 v56, v3;
	v1 =	vadd.f32 v18, v1;
	v18 =	vmul.f32 v38, v46  }
0x46c: {  	v55 =	vld [tilespmem:$0x7BD0];
	v5 =	vadd.f32 v19, v5;
	v19 =	vmul.f32 v42, v46;
	v7 =	vadd.f32 v54, v7  }
0x46d: {  	v53 =	vld [tilespmem:$0x7BC0];
	v60 =	vmul.f32 v44, v46;
	[tilespmem:$0x8310] =	vst v3;
	v3 =	vadd.f32 v59, v4;
	v6 =	vadd.f32 v18, v6  }
0x46e: {  	v18 =	vmul.f32 v41, v46;
	v8 =	vadd.f32 v19, v8;
	v19 =	vmul.f32 v52, v51  }
0x46f: {  	v63 =	vmul.f32 v58, v51;
	v1 =	vadd.f32 v60, v1;
	v3 =	vadd.f32 v61, v3  }
0x470: {  	[tilespmem:$0x8300] =	vst v7;
	v2 =	vadd.f32 v18, v2;
	v18 =	vmul.f32 v50, v51;
	v5 =	vadd.f32 v19, v5  }
0x471: {  	v19 =	vmul.f32 v55, v51;
	v1 =	vadd.f32 v63, v1;
	[tilespmem:$0x8360] =	vst v3  }
0x472: {  	v6 =	vadd.f32 v18, v6;
	v18 =	vmul.f32 v53, v51;
	[tilespmem:$0x8330] =	vst v5  }
0x473: {  	v62 =	vadd.f32 v19, v8;
	[tilespmem:$0x8370] =	vst v1  }
0x474: {  	p0 =	sgt.u32 s9, $0x383;
	v2 =	vadd.f32 v18, v2;
	[tilespmem:$0x8320] =	vst v6  }
0x475: {  	s1 =	sadd.s32 $0x1, s1;
	s0 =	sshll.u32 @!p0 s0, $0x4;
	s2 =	simm.s32 @!p0 $0x0;
	[tilespmem:$0x8350] =	vst v62  }
0x476: {  	s6 =	simm.s32 @!p0 $0x8300;
	p1 =	sne.s32 s1, $0x1D;
	s0 =	sadd.s32 @!p0 s7, s0;
	[tilespmem:$0x8340] =	vst v2  }
0x477: {  	[hbm4b:s0+s2] =	stream.linear.scatter @!p0 [tilespmem:s6], [sflag:$0x3], $0x80, $0x38;
	[tilespmem:$0x8380] =	vst v63  }
.Ltmp2:
0x478: {  	_ = 	snop;
	(pc) =	sbr.rel @p1 .LBB2_2-.Ltmp2, $4  }
0x479: {  	s0 =	simm.s32 @!p0 $0x3  }
0x47a: {  	_ =	swait.ge @!p0 [sflag:s0], $0x80  }
0x47b: {  	[sflag:s0] =	ssyncset.done @!p0 $0x0  }
0x47c: {  	[sflag:s0] =	ssyncadd.s32 @!p0 $0xFFFFFF80  }
0x47d: {  	s1 =	rddreg [dreg:$0x4]  }
0x47e: {  	s0 =	rddreg [dreg:$0x3];
	s1 =	sadd.s32 $0x1, s1  }
0x47f: {  	p0 =	sne.s32 s1, s0  }
.Ltmp3:
0x480: {  	_ = 	snop;
	(pc) =	sbr.rel @p0 .LBB2_1-.Ltmp3, $1  }
0x481: {  	_ =	sdelay $0x3  }
0x482: {  	_ =	sfence.sel $0x180000  }
0x483: {  	[bflag:$0x0] =	sbarrier.arrive $0xFFFF  }
0x484: {  	_ =	strace $0x90000047  }
0x485: {  	s0 =	stileid.u32;
	[bflag:$0x2] =	sbarrier.arrive $0xFFFF  }
0x486: {  	p0 =	sne.s32 s0, $0x0;
	s0 =	rddreg [dreg:$0x1]  }
0x487: {  	s0 =	sadd.s32 @!p0 $0x100000, s0  }
0x488: {  	[sflag:s0] =	ssyncadd.tile.s32 @!p0 $0x1;
	_ =	shalt  }
.Lfunc_end2:
_tile_overlayer_lowered:
.L_overlay_start_2:
0x489: {  	(tag) =	ssettag $0x2  }
0x48a: {  	s0 =	rddreg [dreg:$0x0];
	s2 =	stileid.u32  }
0x48b: {  	s1 =	rddreg [dreg:$0x1];
	p0 =	sne.s32 s2, $0x0  }
0x48c: {  	s3 =	rddreg [dreg:$0x2];
	[bflag:$0x3] =	sbarrier.arrive $0xFFFF;
	s2 =	simm.s32 @!p0 $0x1C03  }
0x48d: {  	[timem:s3], [sflag:s2] =	dma.local @!p0 [hbm:s0], s1  }
0x48e: {  	s0 =	simm.s32 @!p0 $0x3  }
0x48f: {  	_ =	swait.ge @!p0 [sflag:s0], s1  }
0x490: {  	s1 =	ssub.s32 @!p0 $0x0, s1;
	[sflag:s0] =	ssyncset.done @!p0 $0x0  }
0x491: {  	[sflag:s0] =	ssyncadd.s32 @!p0 s1  }
0x492: {  	[bflag:$0x3] =	sbarrier.arrive $0xFFFF  }
0x493: {  	_ =	shalt  }

</sc_bundles>
